<compile_context>
chip_gen: v7x
topology: tpu7x:2x2x1
jax: 0.10.2.dev20260603
libtpu: 0.0.44.dev20260713+nightly
codegen_flags: <defaults>
</compile_context>

<pallas_src>
import functools

import jax
import jax.numpy as jnp
from jax import lax
from jax.experimental import pallas as pl
from jax.experimental.pallas import tpu as pltpu
from jax.experimental.pallas import tpu_sc as plsc

B = 4
NP = 200000
PTS_IN = 4
EMB = 80
BEV_C = 128
BEV_H = 128
BEV_W = 128
HW = BEV_H * BEV_W
X_MIN, Y_MIN = -50.0, -50.0
X_MAX, Y_MAX = 50.0, 50.0
MX = (X_MAX - X_MIN) / BEV_W
MY = (Y_MAX - Y_MIN) / BEV_H

CA = 2000
NA = NP // CA
CB = 2048
NB = HW // CB


def _mlp_body(pts_ref, w1_ref, b1_ref, w2_ref, b2_ref, emb_ref, ind_ref):
    x = pts_ref[0]
    h = jnp.maximum(
        jnp.dot(x, w1_ref[...], preferred_element_type=jnp.float32) + b1_ref[...], 0.0)
    e = jnp.maximum(
        jnp.dot(h, w2_ref[...], preferred_element_type=jnp.float32) + b2_ref[...], 0.0)
    emb_ref[...] = jnp.concatenate(
        [e, jnp.ones((CA, 1), jnp.float32), jnp.zeros((CA, 127 - EMB), jnp.float32)],
        axis=1)
    xt = x.T
    xx = xt[0:1, :]
    yy = xt[1:2, :]
    ix = jnp.floor((xx - X_MIN) / MX).astype(jnp.int32)
    iy = jnp.floor((yy - Y_MIN) / MY).astype(jnp.int32)
    valid = (ix >= 0) & (ix < BEV_W) & (iy >= 0) & (iy < BEV_H)
    ind = jnp.clip(iy * BEV_W + ix, 0, HW - 1)
    ind_ref[0] = jnp.where(valid, ind, HW)


def _mlp_embed(points, W1, b1, W2, b2):
    grid = (B, NA)
    emb, ind = pl.pallas_call(
        _mlp_body,
        grid=grid,
        in_specs=[
            pl.BlockSpec((1, CA, PTS_IN), lambda b, j: (b, j, 0)),
            pl.BlockSpec((PTS_IN, EMB), lambda b, j: (0, 0)),
            pl.BlockSpec((1, EMB), lambda b, j: (0, 0)),
            pl.BlockSpec((EMB, EMB), lambda b, j: (0, 0)),
            pl.BlockSpec((1, EMB), lambda b, j: (0, 0)),
        ],
        out_specs=[
            pl.BlockSpec((CA, 128), lambda b, j: (b * NA + j, 0)),
            pl.BlockSpec((1, 1, CA), lambda b, j: (b * NA + j, 0, 0)),
        ],
        out_shape=[
            jax.ShapeDtypeStruct((B * NP, 128), jnp.float32),
            jax.ShapeDtypeStruct((B * NA, 1, CA), jnp.int32),
        ],
    )(points, W1, b1.reshape(1, EMB), W2, b2.reshape(1, EMB))
    return emb, ind.reshape(B * NP)


K = 128
NCH = NP // K
TAIL = NP - NCH * K
HALF = HW // 2
NROWS = 8320
ZR = NROWS // 16
OR_ = HALF // 16
OB = 128


def _sc_scatter_body(emb_hbm, ind_hbm, z2_hbm, sums_hbm,
                     acc, eb, ib, eb1, ib1, ebt, ibt, sem0, sem1):
    cid = lax.axis_index("c")
    sid = lax.axis_index("s")

    def remap(idx_ref, n, off):
        for i in range(n // 16):
            v = idx_ref[pl.ds(i * 16, 16)] - off
            bad = (v < 0) | (v >= HALF)
            idx_ref[pl.ds(i * 16, 16)] = jnp.where(bad, HALF, v)

    for rep in range(2):
        b = cid * 2 + rep
        for h in range(2):
            off = h * HALF
            pltpu.sync_copy(z2_hbm, eb)
            r0 = sid * ZR
            for j in range(4):
                pltpu.sync_copy(eb, acc.at[pl.ds(r0 + j * OB, OB)])
            pltpu.sync_copy(eb.at[pl.ds(0, 8)], acc.at[pl.ds(r0 + 4 * OB, 8)])
            plsc.subcore_barrier()

            def g_start(i, ebx, ibx, sem):
                c = i * 16 + sid

                @pl.when(c < NCH)
                def _():
                    base = b * NP + c * K
                    pltpu.async_copy(ind_hbm.at[pl.ds(base, K)], ibx, sem)
                    pltpu.async_copy(emb_hbm.at[pl.ds(base, K)], ebx, sem)

            def g_finish(i, ebx, ibx, sem):
                c = i * 16 + sid

                @pl.when(c < NCH)
                def _():
                    base = b * NP + c * K
                    pltpu.make_async_copy(
                        ind_hbm.at[pl.ds(base, K)], ibx, sem).wait()
                    pltpu.make_async_copy(
                        emb_hbm.at[pl.ds(base, K)], ebx, sem).wait()
                    remap(ibx, K, off)
                    pltpu.sync_copy(ebx, acc.at[ibx], add=True)

            def pair_body(t, _):
                g_start(2 * t + 1, eb1, ib1, sem1)
                g_finish(2 * t, eb, ib, sem0)
                g_start(2 * t + 2, eb, ib, sem0)
                g_finish(2 * t + 1, eb1, ib1, sem1)
                return ()

            g_start(0, eb, ib, sem0)
            lax.fori_loop(0, (NCH + 15) // 16 // 2, pair_body, (),
                          unroll=False)

            @pl.when(sid == NCH % 16)
            def _():
                base = b * NP + NCH * K
                pltpu.sync_copy(ind_hbm.at[pl.ds(base, TAIL)], ibt)
                pltpu.sync_copy(emb_hbm.at[pl.ds(base, TAIL)], ebt)
                remap(ibt, TAIL, off)
                pltpu.sync_copy(ebt, acc.at[ibt], add=True)

            plsc.subcore_barrier()

            o0 = sid * OR_
            for j in range(OR_ // OB):
                pltpu.sync_copy(acc.at[pl.ds(o0 + j * OB, OB)], eb)
                pltpu.sync_copy(eb, sums_hbm.at[b, pl.ds(off + o0 + j * OB, OB)])
            plsc.subcore_barrier()


@functools.partial(
    pl.kernel,
    out_type=jax.ShapeDtypeStruct((B, HW, 128), jnp.float32),
    mesh=plsc.VectorSubcoreMesh(core_axis_name="c", subcore_axis_name="s",
                                num_cores=2, num_subcores=16),
    scratch_types=[
        pltpu.VMEM_SHARED((NROWS, 128), jnp.float32),
        pltpu.VMEM((K, 128), jnp.float32),
        pltpu.VMEM((K,), jnp.int32),
        pltpu.VMEM((K, 128), jnp.float32),
        pltpu.VMEM((K,), jnp.int32),
        pltpu.VMEM((TAIL, 128), jnp.float32),
        pltpu.VMEM((TAIL,), jnp.int32),
        pltpu.SemaphoreType.DMA,
        pltpu.SemaphoreType.DMA,
    ],
)
def _sc_scatter(emb_hbm, ind_hbm, z2_hbm, sums_hbm,
                acc, eb, ib, eb1, ib1, ebt, ibt, sem0, sem1):
    _sc_scatter_body(emb_hbm, ind_hbm, z2_hbm, sums_hbm,
                     acc, eb, ib, eb1, ib1, ebt, ibt, sem0, sem1)


def _mean_conv(blk, wpt_ref, bp_ref):
    s = blk[:, :EMB]
    c = blk[:, EMB:EMB + 1]
    recip = 1.0 / jnp.maximum(c, 1.0)
    mean = s * recip
    return jnp.dot(mean, wpt_ref[...],
                   preferred_element_type=jnp.float32) + bp_ref[...]


def _tail1_body(sum_ref, wpt_ref, bp_ref, acc_ref):
    @pl.when((pl.program_id(0) == 0) & (pl.program_id(1) == 0))
    def _():
        acc_ref[...] = jnp.zeros_like(acc_ref)

    conv = _mean_conv(sum_ref[0], wpt_ref, bp_ref)
    acc_ref[0:1, :] += jnp.sum(conv, axis=0, keepdims=True)
    acc_ref[1:2, :] += jnp.sum(conv * conv, axis=0, keepdims=True)


def _tail2_body(sum_ref, wpt_ref, bp_ref, acc_ref, g_ref, bt_ref, out_ref):
    conv = _mean_conv(sum_ref[0], wpt_ref, bp_ref)
    n = float(B * HW)
    m = acc_ref[0:1, :] / n
    v = acc_ref[1:2, :] / n - m * m
    scale = g_ref[...] * jax.lax.rsqrt(v + 1e-5)
    shift = bt_ref[...] - m * scale
    y = jnp.maximum(conv * scale + shift, 0.0)
    out_ref[0] = y.T


def _tail(sums, Wp, bp, gamma, beta):
    wpt = Wp.T
    bp2 = bp.reshape(1, BEV_C)
    g2 = gamma.reshape(1, BEV_C)
    bt2 = beta.reshape(1, BEV_C)
    grid = (B, NB)
    sum_spec = pl.BlockSpec((1, CB, 128), lambda b, j: (b, j, 0))
    wpt_spec = pl.BlockSpec((EMB, BEV_C), lambda b, j: (0, 0))
    v_spec = pl.BlockSpec((1, BEV_C), lambda b, j: (0, 0))
    acc = pl.pallas_call(
        _tail1_body,
        grid=grid,
        in_specs=[sum_spec, wpt_spec, v_spec],
        out_specs=pl.BlockSpec((8, BEV_C), lambda b, j: (0, 0)),
        out_shape=jax.ShapeDtypeStruct((8, BEV_C), jnp.float32),
    )(sums, wpt, bp2)
    out = pl.pallas_call(
        _tail2_body,
        grid=grid,
        in_specs=[sum_spec, wpt_spec, v_spec,
                  pl.BlockSpec((8, BEV_C), lambda b, j: (0, 0)),
                  v_spec, v_spec],
        out_specs=pl.BlockSpec((1, BEV_C, CB), lambda b, j: (b, 0, j)),
        out_shape=jax.ShapeDtypeStruct((B, BEV_C, HW), jnp.float32),
    )(sums, wpt, bp2, acc, g2, bt2)
    return out.reshape(B, BEV_C, BEV_H, BEV_W)


def kernel(points, W1, b1, W2, b2, Wp, bp, gamma, beta):
    emb, ind = _mlp_embed(points, W1, b1, W2, b2)
    z2 = jnp.zeros((OB, 128), jnp.float32)
    sums = _sc_scatter(emb, ind, z2)
    return _tail(sums, Wp, bp, gamma, beta)

# --- scband reference (transcript-rebuilt; emitter-appended) ---
"""Pipeline reference for scband-points-to-bev-18133351923974 (READ-ONLY COPY).

The authoritative reference and input builder live on the scoring server;
editing this copy changes nothing except your own understanding.
"""

import jax, jax.numpy as jnp
import numpy as np

B = 4
NP = 200000
PTS_IN = 4
EMB = 80
BEV_C = 128
BEV_H = 128
BEV_W = 128
HW = BEV_H * BEV_W
X_MIN, Y_MIN = -50.0, -50.0
X_MAX, Y_MAX = 50.0, 50.0
MX = (X_MAX - X_MIN) / BEV_W
MY = (Y_MAX - Y_MIN) / BEV_H


def setup_inputs(seed: int = 0) -> dict:
    key = jax.random.key(seed)
    ks = jax.random.split(key, 10)
    points = jax.random.normal(ks[0], (B, NP, PTS_IN), dtype=jnp.float32)
    W1 = jax.random.normal(ks[1], (PTS_IN, EMB), dtype=jnp.float32) * 0.5
    b1 = jax.random.normal(ks[2], (EMB,), dtype=jnp.float32) * 0.05
    W2 = jax.random.normal(ks[3], (EMB, EMB), dtype=jnp.float32) * (1.0 / np.sqrt(EMB))
    b2 = jax.random.normal(ks[4], (EMB,), dtype=jnp.float32) * 0.05
    Wp = jax.random.normal(ks[5], (BEV_C, EMB), dtype=jnp.float32) * (1.0 / np.sqrt(EMB))
    bp = jax.random.normal(ks[6], (BEV_C,), dtype=jnp.float32) * 0.05
    gamma = jnp.ones((BEV_C,), dtype=jnp.float32)
    beta = jnp.zeros((BEV_C,), dtype=jnp.float32)
    return {"points": points, "W1": W1, "b1": b1, "W2": W2, "b2": b2,
            "Wp": Wp, "bp": bp, "gamma": gamma, "beta": beta}


def reference(points, W1, b1, W2, b2, Wp, bp, gamma, beta):
    x = points[..., 0]
    y = points[..., 1]
    ix = jnp.floor((x - X_MIN) / MX).astype(jnp.int32)
    iy = jnp.floor((y - Y_MIN) / MY).astype(jnp.int32)
    valid = (ix >= 0) & (ix < BEV_W) & (iy >= 0) & (iy < BEV_H)
    ind = jnp.clip(iy * BEV_W + ix, 0, HW - 1)
    b_idx = jnp.arange(B, dtype=jnp.int32)[:, None]
    g = (b_idx * HW + ind).reshape(-1)
    # per-point MLP (computed on all points; invalid ones masked out of the scatter)
    h = jax.nn.relu(points.reshape(-1, PTS_IN) @ W1 + b1)
    emb = jax.nn.relu(h @ W2 + b2)
    w = valid.reshape(-1).astype(emb.dtype)
    bev_sum = jax.ops.segment_sum(emb * w[:, None], g, num_segments=B * HW)
    bev_cnt = jax.ops.segment_sum(w, g, num_segments=B * HW)
    bev_mean = bev_sum / jnp.maximum(bev_cnt, 1.0)[:, None]
    feat = bev_mean.reshape(B, HW, EMB).transpose(0, 2, 1).reshape(B, EMB, BEV_H, BEV_W)
    # 1x1 conv
    conv = jnp.einsum('bchw,oc->bohw', feat, Wp) + bp[None, :, None, None]
    # BatchNorm2d in training mode (batch statistics, biased variance)
    mean = conv.mean(axis=(0, 2, 3))
    var = conv.var(axis=(0, 2, 3))
    bn = (conv - mean[None, :, None, None]) / jnp.sqrt(var[None, :, None, None] + 1e-5)
    out = jax.nn.relu(bn * gamma[None, :, None, None] + beta[None, :, None, None])
    return out

if __name__ == "__main__":
    import jax
    _d = setup_inputs()
    print(jax.jit(kernel)(*tuple(_d.values())))

</pallas_src>

<mosaic_0001>
#map = affine_map<(d0, d1) -> (0, 0)>
#map1 = affine_map<(d0, d1) -> (0)>
#map2 = affine_map<(d0, d1) -> (0, 0, 0)>
module attributes {stable_mosaic.version = 14 : i64} {
  func.func @_sc_scatter(%arg0: i32, %arg1: i32, %arg2: memref<800000x128xf32, #tpu.memory_space<hbm>>, %arg3: memref<800000xi32, #tpu.memory_space<hbm>>, %arg4: memref<128x128xf32, #tpu.memory_space<hbm>>, %arg5: memref<4x16384x128xf32, #tpu.memory_space<hbm>>, %arg6: memref<8320x128xf32, #tpu.memory_space<vmem_shared>>, %arg7: memref<128x128xf32, #tpu.memory_space<vmem>>, %arg8: memref<128xi32, #tpu.memory_space<vmem>>, %arg9: memref<128x128xf32, #tpu.memory_space<vmem>>, %arg10: memref<128xi32, #tpu.memory_space<vmem>>, %arg11: memref<64x128xf32, #tpu.memory_space<vmem>>, %arg12: memref<64xi32, #tpu.memory_space<vmem>>, %arg13: memref<!tpu.dma_semaphore, #tpu.memory_space<semaphore_mem>>, %arg14: memref<!tpu.dma_semaphore, #tpu.memory_space<semaphore_mem>>) attributes {dimension_semantics = [#tpu.dimension_semantics<core_parallel>, #tpu.dimension_semantics<subcore_parallel>], iteration_bounds = array<i64: 2, 16>, scalar_prefetch = 0 : i64, scratch_operands = 9 : i64, tpu.core_type = #tpu.core_type<sc_vector_subcore>, window_params = [{transform_indices = #map}, {transform_indices = #map1}, {transform_indices = #map}, {transform_indices = #map2}]} {
    %mul3A = arith.constant 2 : i32
    %mul3A_0 = arith.muli %arg0, %mul3A : i32
    %add3A = arith.constant 0 : i32
    %add3A_1 = arith.addi %mul3A_0, %add3A : i32
    "tpu.region"() ({
      %run_scoped3A = tpu.sem_alloc : memref<!tpu.dma_semaphore, #tpu.memory_space<semaphore_mem>>
      tpu.enqueue_dma source(%arg4 : memref<128x128xf32, #tpu.memory_space<hbm>>) target(%arg7 : memref<128x128xf32, #tpu.memory_space<vmem>>) target_semaphore(%run_scoped3A : memref<!tpu.dma_semaphore, #tpu.memory_space<semaphore_mem>>)
      tpu.wait_dma2 semaphore(%run_scoped3A : memref<!tpu.dma_semaphore, #tpu.memory_space<semaphore_mem>>) src(%arg4 : memref<128x128xf32, #tpu.memory_space<hbm>>) dst(%arg7 : memref<128x128xf32, #tpu.memory_space<vmem>>)
      tpu.yield
    }) : () -> ()
    %mul3A_2 = arith.constant 520 : i32
    %mul3A_3 = arith.muli %arg1, %mul3A_2 : i32
    %add3A_4 = arith.constant 0 : i32
    %add3A_5 = arith.addi %mul3A_3, %add3A_4 : i32
    "tpu.region"() ({
      %run_scoped3A = tpu.sem_alloc : memref<!tpu.dma_semaphore, #tpu.memory_space<semaphore_mem>>
      %dma_start3A = arith.constant 0 : i32
      %dma_start3A_232 = tpu.memref_slice %arg6[%add3A_5, %dma_start3A] : memref<8320x128xf32, #tpu.memory_space<vmem_shared>> -> memref<128x128xf32, #tpu.memory_space<vmem_shared>>
      %dma_start3A_233 = arith.constant 0 : i32
      %dma_start3A_234 = tpu.memref_slice %arg6[%add3A_5, %dma_start3A_233] : memref<8320x128xf32, #tpu.memory_space<vmem_shared>> -> memref<128x128xf32, #tpu.memory_space<vmem_shared>>
      tpu.enqueue_dma source(%arg7 : memref<128x128xf32, #tpu.memory_space<vmem>>) target(%dma_start3A_234 : memref<128x128xf32, #tpu.memory_space<vmem_shared>>) target_semaphore(%run_scoped3A : memref<!tpu.dma_semaphore, #tpu.memory_space<semaphore_mem>>)
      %dma_wait3A = arith.constant 0 : i32
      %dma_wait3A_235 = tpu.memref_slice %arg6[%add3A_5, %dma_wait3A] : memref<8320x128xf32, #tpu.memory_space<vmem_shared>> -> memref<128x128xf32, #tpu.memory_space<vmem_shared>>
      %dma_wait3A_236 = arith.constant 0 : i32
      %dma_wait3A_237 = tpu.memref_slice %arg6[%add3A_5, %dma_wait3A_236] : memref<8320x128xf32, #tpu.memory_space<vmem_shared>> -> memref<128x128xf32, #tpu.memory_space<vmem_shared>>
      tpu.wait_dma2 semaphore(%run_scoped3A : memref<!tpu.dma_semaphore, #tpu.memory_space<semaphore_mem>>) src(%arg7 : memref<128x128xf32, #tpu.memory_space<vmem>>) dst(%dma_wait3A_237 : memref<128x128xf32, #tpu.memory_space<vmem_shared>>)
      tpu.yield
    }) : () -> ()
    %add3A_6 = arith.constant 128 : i32
    %add3A_7 = arith.addi %mul3A_3, %add3A_6 : i32
    "tpu.region"() ({
      %run_scoped3A = tpu.sem_alloc : memref<!tpu.dma_semaphore, #tpu.memory_space<semaphore_mem>>
      %dma_start3A = arith.constant 0 : i32
      %dma_start3A_232 = tpu.memref_slice %arg6[%add3A_7, %dma_start3A] : memref<8320x128xf32, #tpu.memory_space<vmem_shared>> -> memref<128x128xf32, #tpu.memory_space<vmem_shared>>
      %dma_start3A_233 = arith.constant 0 : i32
      %dma_start3A_234 = tpu.memref_slice %arg6[%add3A_7, %dma_start3A_233] : memref<8320x128xf32, #tpu.memory_space<vmem_shared>> -> memref<128x128xf32, #tpu.memory_space<vmem_shared>>
      tpu.enqueue_dma source(%arg7 : memref<128x128xf32, #tpu.memory_space<vmem>>) target(%dma_start3A_234 : memref<128x128xf32, #tpu.memory_space<vmem_shared>>) target_semaphore(%run_scoped3A : memref<!tpu.dma_semaphore, #tpu.memory_space<semaphore_mem>>)
      %dma_wait3A = arith.constant 0 : i32
      %dma_wait3A_235 = tpu.memref_slice %arg6[%add3A_7, %dma_wait3A] : memref<8320x128xf32, #tpu.memory_space<vmem_shared>> -> memref<128x128xf32, #tpu.memory_space<vmem_shared>>
      %dma_wait3A_236 = arith.constant 0 : i32
      %dma_wait3A_237 = tpu.memref_slice %arg6[%add3A_7, %dma_wait3A_236] : memref<8320x128xf32, #tpu.memory_space<vmem_shared>> -> memref<128x128xf32, #tpu.memory_space<vmem_shared>>
      tpu.wait_dma2 semaphore(%run_scoped3A : memref<!tpu.dma_semaphore, #tpu.memory_space<semaphore_mem>>) src(%arg7 : memref<128x128xf32, #tpu.memory_space<vmem>>) dst(%dma_wait3A_237 : memref<128x128xf32, #tpu.memory_space<vmem_shared>>)
      tpu.yield
    }) : () -> ()
    %add3A_8 = arith.constant 256 : i32
    %add3A_9 = arith.addi %mul3A_3, %add3A_8 : i32
    "tpu.region"() ({
      %run_scoped3A = tpu.sem_alloc : memref<!tpu.dma_semaphore, #tpu.memory_space<semaphore_mem>>
      %dma_start3A = arith.constant 0 : i32
      %dma_start3A_232 = tpu.memref_slice %arg6[%add3A_9, %dma_start3A] : memref<8320x128xf32, #tpu.memory_space<vmem_shared>> -> memref<128x128xf32, #tpu.memory_space<vmem_shared>>
      %dma_start3A_233 = arith.constant 0 : i32
      %dma_start3A_234 = tpu.memref_slice %arg6[%add3A_9, %dma_start3A_233] : memref<8320x128xf32, #tpu.memory_space<vmem_shared>> -> memref<128x128xf32, #tpu.memory_space<vmem_shared>>
      tpu.enqueue_dma source(%arg7 : memref<128x128xf32, #tpu.memory_space<vmem>>) target(%dma_start3A_234 : memref<128x128xf32, #tpu.memory_space<vmem_shared>>) target_semaphore(%run_scoped3A : memref<!tpu.dma_semaphore, #tpu.memory_space<semaphore_mem>>)
      %dma_wait3A = arith.constant 0 : i32
      %dma_wait3A_235 = tpu.memref_slice %arg6[%add3A_9, %dma_wait3A] : memref<8320x128xf32, #tpu.memory_space<vmem_shared>> -> memref<128x128xf32, #tpu.memory_space<vmem_shared>>
      %dma_wait3A_236 = arith.constant 0 : i32
      %dma_wait3A_237 = tpu.memref_slice %arg6[%add3A_9, %dma_wait3A_236] : memref<8320x128xf32, #tpu.memory_space<vmem_shared>> -> memref<128x128xf32, #tpu.memory_space<vmem_shared>>
      tpu.wait_dma2 semaphore(%run_scoped3A : memref<!tpu.dma_semaphore, #tpu.memory_space<semaphore_mem>>) src(%arg7 : memref<128x128xf32, #tpu.memory_space<vmem>>) dst(%dma_wait3A_237 : memref<128x128xf32, #tpu.memory_space<vmem_shared>>)
      tpu.yield
    }) : () -> ()
    %add3A_10 = arith.constant 384 : i32
    %add3A_11 = arith.addi %mul3A_3, %add3A_10 : i32
    "tpu.region"() ({
      %run_scoped3A = tpu.sem_alloc : memref<!tpu.dma_semaphore, #tpu.memory_space<semaphore_mem>>
      %dma_start3A = arith.constant 0 : i32
      %dma_start3A_232 = tpu.memref_slice %arg6[%add3A_11, %dma_start3A] : memref<8320x128xf32, #tpu.memory_space<vmem_shared>> -> memref<128x128xf32, #tpu.memory_space<vmem_shared>>
      %dma_start3A_233 = arith.constant 0 : i32
      %dma_start3A_234 = tpu.memref_slice %arg6[%add3A_11, %dma_start3A_233] : memref<8320x128xf32, #tpu.memory_space<vmem_shared>> -> memref<128x128xf32, #tpu.memory_space<vmem_shared>>
      tpu.enqueue_dma source(%arg7 : memref<128x128xf32, #tpu.memory_space<vmem>>) target(%dma_start3A_234 : memref<128x128xf32, #tpu.memory_space<vmem_shared>>) target_semaphore(%run_scoped3A : memref<!tpu.dma_semaphore, #tpu.memory_space<semaphore_mem>>)
      %dma_wait3A = arith.constant 0 : i32
      %dma_wait3A_235 = tpu.memref_slice %arg6[%add3A_11, %dma_wait3A] : memref<8320x128xf32, #tpu.memory_space<vmem_shared>> -> memref<128x128xf32, #tpu.memory_space<vmem_shared>>
      %dma_wait3A_236 = arith.constant 0 : i32
      %dma_wait3A_237 = tpu.memref_slice %arg6[%add3A_11, %dma_wait3A_236] : memref<8320x128xf32, #tpu.memory_space<vmem_shared>> -> memref<128x128xf32, #tpu.memory_space<vmem_shared>>
      tpu.wait_dma2 semaphore(%run_scoped3A : memref<!tpu.dma_semaphore, #tpu.memory_space<semaphore_mem>>) src(%arg7 : memref<128x128xf32, #tpu.memory_space<vmem>>) dst(%dma_wait3A_237 : memref<128x128xf32, #tpu.memory_space<vmem_shared>>)
      tpu.yield
    }) : () -> ()
    %add3A_12 = arith.constant 512 : i32
    %add3A_13 = arith.addi %mul3A_3, %add3A_12 : i32
    "tpu.region"() ({
      %run_scoped3A = tpu.sem_alloc : memref<!tpu.dma_semaphore, #tpu.memory_space<semaphore_mem>>
      %dma_start3A = arith.constant 0 : i32
      %dma_start3A_232 = arith.constant 0 : i32
      %dma_start3A_233 = tpu.memref_slice %arg7[%dma_start3A, %dma_start3A_232] : memref<128x128xf32, #tpu.memory_space<vmem>> -> memref<8x128xf32, #tpu.memory_space<vmem>>
      %dma_start3A_234 = arith.constant 0 : i32
      %dma_start3A_235 = tpu.memref_slice %arg6[%add3A_13, %dma_start3A_234] : memref<8320x128xf32, #tpu.memory_space<vmem_shared>> -> memref<8x128xf32, #tpu.memory_space<vmem_shared>>
      %dma_start3A_236 = arith.constant 0 : i32
      %dma_start3A_237 = tpu.memref_slice %arg6[%add3A_13, %dma_start3A_236] : memref<8320x128xf32, #tpu.memory_space<vmem_shared>> -> memref<8x128xf32, #tpu.memory_space<vmem_shared>>
      %dma_start3A_238 = arith.constant 0 : i32
      %dma_start3A_239 = arith.constant 0 : i32
      %dma_start3A_240 = tpu.memref_slice %arg7[%dma_start3A_238, %dma_start3A_239] : memref<128x128xf32, #tpu.memory_space<vmem>> -> memref<8x128xf32, #tpu.memory_space<vmem>>
      tpu.enqueue_dma source(%dma_start3A_240 : memref<8x128xf32, #tpu.memory_space<vmem>>) target(%dma_start3A_237 : memref<8x128xf32, #tpu.memory_space<vmem_shared>>) target_semaphore(%run_scoped3A : memref<!tpu.dma_semaphore, #tpu.memory_space<semaphore_mem>>)
      %dma_wait3A = arith.constant 0 : i32
      %dma_wait3A_241 = arith.constant 0 : i32
      %dma_wait3A_242 = tpu.memref_slice %arg7[%dma_wait3A, %dma_wait3A_241] : memref<128x128xf32, #tpu.memory_space<vmem>> -> memref<8x128xf32, #tpu.memory_space<vmem>>
      %dma_wait3A_243 = arith.constant 0 : i32
      %dma_wait3A_244 = tpu.memref_slice %arg6[%add3A_13, %dma_wait3A_243] : memref<8320x128xf32, #tpu.memory_space<vmem_shared>> -> memref<8x128xf32, #tpu.memory_space<vmem_shared>>
      %dma_wait3A_245 = arith.constant 0 : i32
      %dma_wait3A_246 = tpu.memref_slice %arg6[%add3A_13, %dma_wait3A_245] : memref<8320x128xf32, #tpu.memory_space<vmem_shared>> -> memref<8x128xf32, #tpu.memory_space<vmem_shared>>
      %dma_wait3A_247 = arith.constant 0 : i32
      %dma_wait3A_248 = arith.constant 0 : i32
      %dma_wait3A_249 = tpu.memref_slice %arg7[%dma_wait3A_247, %dma_wait3A_248] : memref<128x128xf32, #tpu.memory_space<vmem>> -> memref<8x128xf32, #tpu.memory_space<vmem>>
      tpu.wait_dma2 semaphore(%run_scoped3A : memref<!tpu.dma_semaphore, #tpu.memory_space<semaphore_mem>>) src(%dma_wait3A_249 : memref<8x128xf32, #tpu.memory_space<vmem>>) dst(%dma_wait3A_246 : memref<8x128xf32, #tpu.memory_space<vmem_shared>>)
      tpu.yield
    }) : () -> ()
    %barrier3A = arith.constant 0 : index
    tpu.barrier barrier_id(%barrier3A)
    %add3A_14 = arith.constant 0 : i32
    %add3A_15 = arith.addi %add3A_14, %arg1 : i32
    %lt3A = arith.constant 1562 : i32
    %lt3A_16 = arith.cmpi slt, %add3A_15, %lt3A : i32
    %convert_element_type3A = arith.extui %lt3A_16 : i1 to i32
    %cond3A = arith.constant 0 : i32
    %cond3A_17 = arith.cmpi ne, %convert_element_type3A, %cond3A : i32
    scf.if %cond3A_17 {
      %mul3A_232 = arith.constant 200000 : i32
      %mul3A_233 = arith.muli %add3A_1, %mul3A_232 : i32
      %mul3A_234 = arith.constant 128 : i32
      %mul3A_235 = arith.muli %add3A_15, %mul3A_234 : i32
      %add3A_236 = arith.addi %mul3A_233, %mul3A_235 : i32
      %dma_start3A = tpu.memref_slice %arg3[%add3A_236] : memref<800000xi32, #tpu.memory_space<hbm>> -> memref<128xi32, #tpu.memory_space<hbm>>
      %dma_start3A_237 = tpu.memref_slice %arg3[%add3A_236] : memref<800000xi32, #tpu.memory_space<hbm>> -> memref<128xi32, #tpu.memory_space<hbm>>
      tpu.enqueue_dma source(%dma_start3A_237 : memref<128xi32, #tpu.memory_space<hbm>>) target(%arg8 : memref<128xi32, #tpu.memory_space<vmem>>) target_semaphore(%arg13 : memref<!tpu.dma_semaphore, #tpu.memory_space<semaphore_mem>>)
      %dma_start3A_238 = arith.constant 0 : i32
      %dma_start3A_239 = tpu.memref_slice %arg2[%add3A_236, %dma_start3A_238] : memref<800000x128xf32, #tpu.memory_space<hbm>> -> memref<128x128xf32, #tpu.memory_space<hbm>>
      %dma_start3A_240 = arith.constant 0 : i32
      %dma_start3A_241 = tpu.memref_slice %arg2[%add3A_236, %dma_start3A_240] : memref<800000x128xf32, #tpu.memory_space<hbm>> -> memref<128x128xf32, #tpu.memory_space<hbm>>
      tpu.enqueue_dma source(%dma_start3A_241 : memref<128x128xf32, #tpu.memory_space<hbm>>) target(%arg7 : memref<128x128xf32, #tpu.memory_space<vmem>>) target_semaphore(%arg13 : memref<!tpu.dma_semaphore, #tpu.memory_space<semaphore_mem>>)
    } else {
    }
    %scan3A = arith.constant 0 : i32
    %scan3A_18 = arith.constant 49 : i32
    %scan3A_19 = arith.addi %scan3A, %scan3A_18 : i32
    %scan3A_20 = arith.constant 1 : i32
    scf.for %scan3A_232 = %scan3A to %scan3A_19 step %scan3A_20  : i32 {
      %mul3A_233 = arith.constant 2 : i32
      %mul3A_234 = arith.muli %mul3A_233, %scan3A_232 : i32
      %add3A_235 = arith.constant 1 : i32
      %add3A_236 = arith.addi %mul3A_234, %add3A_235 : i32
      %mul3A_237 = arith.constant 16 : i32
      %mul3A_238 = arith.muli %add3A_236, %mul3A_237 : i32
      %add3A_239 = arith.addi %mul3A_238, %arg1 : i32
      %lt3A_240 = arith.constant 1562 : i32
      %lt3A_241 = arith.cmpi slt, %add3A_239, %lt3A_240 : i32
      %convert_element_type3A_242 = arith.extui %lt3A_241 : i1 to i32
      %cond3A_243 = arith.constant 0 : i32
      %cond3A_244 = arith.cmpi ne, %convert_element_type3A_242, %cond3A_243 : i32
      scf.if %cond3A_244 {
        %mul3A_279 = arith.constant 200000 : i32
        %mul3A_280 = arith.muli %add3A_1, %mul3A_279 : i32
        %mul3A_281 = arith.constant 128 : i32
        %mul3A_282 = arith.muli %add3A_239, %mul3A_281 : i32
        %add3A_283 = arith.addi %mul3A_280, %mul3A_282 : i32
        %dma_start3A = tpu.memref_slice %arg3[%add3A_283] : memref<800000xi32, #tpu.memory_space<hbm>> -> memref<128xi32, #tpu.memory_space<hbm>>
        %dma_start3A_284 = tpu.memref_slice %arg3[%add3A_283] : memref<800000xi32, #tpu.memory_space<hbm>> -> memref<128xi32, #tpu.memory_space<hbm>>
        tpu.enqueue_dma source(%dma_start3A_284 : memref<128xi32, #tpu.memory_space<hbm>>) target(%arg10 : memref<128xi32, #tpu.memory_space<vmem>>) target_semaphore(%arg14 : memref<!tpu.dma_semaphore, #tpu.memory_space<semaphore_mem>>)
        %dma_start3A_285 = arith.constant 0 : i32
        %dma_start3A_286 = tpu.memref_slice %arg2[%add3A_283, %dma_start3A_285] : memref<800000x128xf32, #tpu.memory_space<hbm>> -> memref<128x128xf32, #tpu.memory_space<hbm>>
        %dma_start3A_287 = arith.constant 0 : i32
        %dma_start3A_288 = tpu.memref_slice %arg2[%add3A_283, %dma_start3A_287] : memref<800000x128xf32, #tpu.memory_space<hbm>> -> memref<128x128xf32, #tpu.memory_space<hbm>>
        tpu.enqueue_dma source(%dma_start3A_288 : memref<128x128xf32, #tpu.memory_space<hbm>>) target(%arg9 : memref<128x128xf32, #tpu.memory_space<vmem>>) target_semaphore(%arg14 : memref<!tpu.dma_semaphore, #tpu.memory_space<semaphore_mem>>)
      } else {
      }
      %mul3A_245 = arith.constant 2 : i32
      %mul3A_246 = arith.muli %mul3A_245, %scan3A_232 : i32
      %mul3A_247 = arith.constant 16 : i32
      %mul3A_248 = arith.muli %mul3A_246, %mul3A_247 : i32
      %add3A_249 = arith.addi %mul3A_248, %arg1 : i32
      %lt3A_250 = arith.constant 1562 : i32
      %lt3A_251 = arith.cmpi slt, %add3A_249, %lt3A_250 : i32
      %convert_element_type3A_252 = arith.extui %lt3A_251 : i1 to i32
      %cond3A_253 = arith.constant 0 : i32
      %cond3A_254 = arith.cmpi ne, %convert_element_type3A_252, %cond3A_253 : i32
      scf.if %cond3A_254 {
        %mul3A_279 = arith.constant 200000 : i32
        %mul3A_280 = arith.muli %add3A_1, %mul3A_279 : i32
        %mul3A_281 = arith.constant 128 : i32
        %mul3A_282 = arith.muli %add3A_249, %mul3A_281 : i32
        %add3A_283 = arith.addi %mul3A_280, %mul3A_282 : i32
        %dma_wait3A = tpu.memref_slice %arg3[%add3A_283] : memref<800000xi32, #tpu.memory_space<hbm>> -> memref<128xi32, #tpu.memory_space<hbm>>
        %dma_wait3A_284 = tpu.memref_slice %arg3[%add3A_283] : memref<800000xi32, #tpu.memory_space<hbm>> -> memref<128xi32, #tpu.memory_space<hbm>>
        tpu.wait_dma2 semaphore(%arg13 : memref<!tpu.dma_semaphore, #tpu.memory_space<semaphore_mem>>) src(%dma_wait3A_284 : memref<128xi32, #tpu.memory_space<hbm>>) dst(%arg8 : memref<128xi32, #tpu.memory_space<vmem>>)
        %dma_wait3A_285 = arith.constant 0 : i32
        %dma_wait3A_286 = tpu.memref_slice %arg2[%add3A_283, %dma_wait3A_285] : memref<800000x128xf32, #tpu.memory_space<hbm>> -> memref<128x128xf32, #tpu.memory_space<hbm>>
        %dma_wait3A_287 = arith.constant 0 : i32
        %dma_wait3A_288 = tpu.memref_slice %arg2[%add3A_283, %dma_wait3A_287] : memref<800000x128xf32, #tpu.memory_space<hbm>> -> memref<128x128xf32, #tpu.memory_space<hbm>>
        tpu.wait_dma2 semaphore(%arg13 : memref<!tpu.dma_semaphore, #tpu.memory_space<semaphore_mem>>) src(%dma_wait3A_288 : memref<128x128xf32, #tpu.memory_space<hbm>>) dst(%arg7 : memref<128x128xf32, #tpu.memory_space<vmem>>)
        %get3A = arith.constant 0 : index
        %get3A_289 = tpu.vector_load %arg8[%get3A] {strides = array<i32>} : memref<128xi32, #tpu.memory_space<vmem>>, vector<16xi32>,
        %get3A_290 = vector.shape_cast %get3A_289 : vector<16xi32> to vector<16xi32>
        %sub3A = arith.constant 0 : i32
        %sub3A_291 = vector.broadcast %sub3A : i32 to vector<16xi32>
        %sub3A_292 = arith.subi %get3A_290, %sub3A_291 : vector<16xi32>
        %lt3A_293 = arith.constant 0 : i32
        %lt3A_294 = vector.broadcast %lt3A_293 : i32 to vector<16xi32>
        %lt3A_295 = arith.cmpi slt, %sub3A_292, %lt3A_294 : vector<16xi32>
        %ge3A = arith.constant 8192 : i32
        %ge3A_296 = vector.broadcast %ge3A : i32 to vector<16xi32>
        %ge3A_297 = arith.cmpi sge, %sub3A_292, %ge3A_296 : vector<16xi32>
        %or3A = arith.ori %lt3A_295, %ge3A_297 : vector<16xi1>
        %jit3A = arith.constant 8192 : i32
        %broadcast_in_dim3A = vector.broadcast %jit3A : i32 to vector<16xi32>
        %select_n3A = arith.select %or3A, %broadcast_in_dim3A, %sub3A_292 : vector<16xi1>, vector<16xi32>
        %swap3A = arith.constant 0 : index
        %swap3A_298 = tpu.vector_load %arg8[%swap3A] {strides = array<i32>} : memref<128xi32, #tpu.memory_space<vmem>>, vector<16xi32>,
        %swap3A_299 = vector.shape_cast %swap3A_298 : vector<16xi32> to vector<16xi32>
        %swap3A_300 = vector.shape_cast %select_n3A : vector<16xi32> to vector<16xi32>
        tpu.vector_store %arg8[%swap3A], %swap3A_300 {strides = array<i32>} : memref<128xi32, #tpu.memory_space<vmem>>, vector<16xi32>,
        %get3A_301 = arith.constant 16 : index
        %get3A_302 = tpu.vector_load %arg8[%get3A_301] {strides = array<i32>} : memref<128xi32, #tpu.memory_space<vmem>>, vector<16xi32>,
        %get3A_303 = vector.shape_cast %get3A_302 : vector<16xi32> to vector<16xi32>
        %sub3A_304 = arith.constant 0 : i32
        %sub3A_305 = vector.broadcast %sub3A_304 : i32 to vector<16xi32>
        %sub3A_306 = arith.subi %get3A_303, %sub3A_305 : vector<16xi32>
        %lt3A_307 = arith.constant 0 : i32
        %lt3A_308 = vector.broadcast %lt3A_307 : i32 to vector<16xi32>
        %lt3A_309 = arith.cmpi slt, %sub3A_306, %lt3A_308 : vector<16xi32>
        %ge3A_310 = arith.constant 8192 : i32
        %ge3A_311 = vector.broadcast %ge3A_310 : i32 to vector<16xi32>
        %ge3A_312 = arith.cmpi sge, %sub3A_306, %ge3A_311 : vector<16xi32>
        %or3A_313 = arith.ori %lt3A_309, %ge3A_312 : vector<16xi1>
        %jit3A_314 = arith.constant 8192 : i32
        %broadcast_in_dim3A_315 = vector.broadcast %jit3A_314 : i32 to vector<16xi32>
        %select_n3A_316 = arith.select %or3A_313, %broadcast_in_dim3A_315, %sub3A_306 : vector<16xi1>, vector<16xi32>
        %swap3A_317 = arith.constant 16 : index
        %swap3A_318 = tpu.vector_load %arg8[%swap3A_317] {strides = array<i32>} : memref<128xi32, #tpu.memory_space<vmem>>, vector<16xi32>,
        %swap3A_319 = vector.shape_cast %swap3A_318 : vector<16xi32> to vector<16xi32>
        %swap3A_320 = vector.shape_cast %select_n3A_316 : vector<16xi32> to vector<16xi32>
        tpu.vector_store %arg8[%swap3A_317], %swap3A_320 {strides = array<i32>} : memref<128xi32, #tpu.memory_space<vmem>>, vector<16xi32>,
        %get3A_321 = arith.constant 32 : index
        %get3A_322 = tpu.vector_load %arg8[%get3A_321] {strides = array<i32>} : memref<128xi32, #tpu.memory_space<vmem>>, vector<16xi32>,
        %get3A_323 = vector.shape_cast %get3A_322 : vector<16xi32> to vector<16xi32>
        %sub3A_324 = arith.constant 0 : i32
        %sub3A_325 = vector.broadcast %sub3A_324 : i32 to vector<16xi32>
        %sub3A_326 = arith.subi %get3A_323, %sub3A_325 : vector<16xi32>
        %lt3A_327 = arith.constant 0 : i32
        %lt3A_328 = vector.broadcast %lt3A_327 : i32 to vector<16xi32>
        %lt3A_329 = arith.cmpi slt, %sub3A_326, %lt3A_328 : vector<16xi32>
        %ge3A_330 = arith.constant 8192 : i32
        %ge3A_331 = vector.broadcast %ge3A_330 : i32 to vector<16xi32>
        %ge3A_332 = arith.cmpi sge, %sub3A_326, %ge3A_331 : vector<16xi32>
        %or3A_333 = arith.ori %lt3A_329, %ge3A_332 : vector<16xi1>
        %jit3A_334 = arith.constant 8192 : i32
        %broadcast_in_dim3A_335 = vector.broadcast %jit3A_334 : i32 to vector<16xi32>
        %select_n3A_336 = arith.select %or3A_333, %broadcast_in_dim3A_335, %sub3A_326 : vector<16xi1>, vector<16xi32>
        %swap3A_337 = arith.constant 32 : index
        %swap3A_338 = tpu.vector_load %arg8[%swap3A_337] {strides = array<i32>} : memref<128xi32, #tpu.memory_space<vmem>>, vector<16xi32>,
        %swap3A_339 = vector.shape_cast %swap3A_338 : vector<16xi32> to vector<16xi32>
        %swap3A_340 = vector.shape_cast %select_n3A_336 : vector<16xi32> to vector<16xi32>
        tpu.vector_store %arg8[%swap3A_337], %swap3A_340 {strides = array<i32>} : memref<128xi32, #tpu.memory_space<vmem>>, vector<16xi32>,
        %get3A_341 = arith.constant 48 : index
        %get3A_342 = tpu.vector_load %arg8[%get3A_341] {strides = array<i32>} : memref<128xi32, #tpu.memory_space<vmem>>, vector<16xi32>,
        %get3A_343 = vector.shape_cast %get3A_342 : vector<16xi32> to vector<16xi32>
        %sub3A_344 = arith.constant 0 : i32
        %sub3A_345 = vector.broadcast %sub3A_344 : i32 to vector<16xi32>
        %sub3A_346 = arith.subi %get3A_343, %sub3A_345 : vector<16xi32>
        %lt3A_347 = arith.constant 0 : i32
        %lt3A_348 = vector.broadcast %lt3A_347 : i32 to vector<16xi32>
        %lt3A_349 = arith.cmpi slt, %sub3A_346, %lt3A_348 : vector<16xi32>
        %ge3A_350 = arith.constant 8192 : i32
        %ge3A_351 = vector.broadcast %ge3A_350 : i32 to vector<16xi32>
        %ge3A_352 = arith.cmpi sge, %sub3A_346, %ge3A_351 : vector<16xi32>
        %or3A_353 = arith.ori %lt3A_349, %ge3A_352 : vector<16xi1>
        %jit3A_354 = arith.constant 8192 : i32
        %broadcast_in_dim3A_355 = vector.broadcast %jit3A_354 : i32 to vector<16xi32>
        %select_n3A_356 = arith.select %or3A_353, %broadcast_in_dim3A_355, %sub3A_346 : vector<16xi1>, vector<16xi32>
        %swap3A_357 = arith.constant 48 : index
        %swap3A_358 = tpu.vector_load %arg8[%swap3A_357] {strides = array<i32>} : memref<128xi32, #tpu.memory_space<vmem>>, vector<16xi32>,
        %swap3A_359 = vector.shape_cast %swap3A_358 : vector<16xi32> to vector<16xi32>
        %swap3A_360 = vector.shape_cast %select_n3A_356 : vector<16xi32> to vector<16xi32>
        tpu.vector_store %arg8[%swap3A_357], %swap3A_360 {strides = array<i32>} : memref<128xi32, #tpu.memory_space<vmem>>, vector<16xi32>,
        %get3A_361 = arith.constant 64 : index
        %get3A_362 = tpu.vector_load %arg8[%get3A_361] {strides = array<i32>} : memref<128xi32, #tpu.memory_space<vmem>>, vector<16xi32>,
        %get3A_363 = vector.shape_cast %get3A_362 : vector<16xi32> to vector<16xi32>
        %sub3A_364 = arith.constant 0 : i32
        %sub3A_365 = vector.broadcast %sub3A_364 : i32 to vector<16xi32>
        %sub3A_366 = arith.subi %get3A_363, %sub3A_365 : vector<16xi32>
        %lt3A_367 = arith.constant 0 : i32
        %lt3A_368 = vector.broadcast %lt3A_367 : i32 to vector<16xi32>
        %lt3A_369 = arith.cmpi slt, %sub3A_366, %lt3A_368 : vector<16xi32>
        %ge3A_370 = arith.constant 8192 : i32
        %ge3A_371 = vector.broadcast %ge3A_370 : i32 to vector<16xi32>
        %ge3A_372 = arith.cmpi sge, %sub3A_366, %ge3A_371 : vector<16xi32>
        %or3A_373 = arith.ori %lt3A_369, %ge3A_372 : vector<16xi1>
        %jit3A_374 = arith.constant 8192 : i32
        %broadcast_in_dim3A_375 = vector.broadcast %jit3A_374 : i32 to vector<16xi32>
        %select_n3A_376 = arith.select %or3A_373, %broadcast_in_dim3A_375, %sub3A_366 : vector<16xi1>, vector<16xi32>
        %swap3A_377 = arith.constant 64 : index
        %swap3A_378 = tpu.vector_load %arg8[%swap3A_377] {strides = array<i32>} : memref<128xi32, #tpu.memory_space<vmem>>, vector<16xi32>,
        %swap3A_379 = vector.shape_cast %swap3A_378 : vector<16xi32> to vector<16xi32>
        %swap3A_380 = vector.shape_cast %select_n3A_376 : vector<16xi32> to vector<16xi32>
        tpu.vector_store %arg8[%swap3A_377], %swap3A_380 {strides = array<i32>} : memref<128xi32, #tpu.memory_space<vmem>>, vector<16xi32>,
        %get3A_381 = arith.constant 80 : index
        %get3A_382 = tpu.vector_load %arg8[%get3A_381] {strides = array<i32>} : memref<128xi32, #tpu.memory_space<vmem>>, vector<16xi32>,
        %get3A_383 = vector.shape_cast %get3A_382 : vector<16xi32> to vector<16xi32>
        %sub3A_384 = arith.constant 0 : i32
        %sub3A_385 = vector.broadcast %sub3A_384 : i32 to vector<16xi32>
        %sub3A_386 = arith.subi %get3A_383, %sub3A_385 : vector<16xi32>
        %lt3A_387 = arith.constant 0 : i32
        %lt3A_388 = vector.broadcast %lt3A_387 : i32 to vector<16xi32>
        %lt3A_389 = arith.cmpi slt, %sub3A_386, %lt3A_388 : vector<16xi32>
        %ge3A_390 = arith.constant 8192 : i32
        %ge3A_391 = vector.broadcast %ge3A_390 : i32 to vector<16xi32>
        %ge3A_392 = arith.cmpi sge, %sub3A_386, %ge3A_391 : vector<16xi32>
        %or3A_393 = arith.ori %lt3A_389, %ge3A_392 : vector<16xi1>
        %jit3A_394 = arith.constant 8192 : i32
        %broadcast_in_dim3A_395 = vector.broadcast %jit3A_394 : i32 to vector<16xi32>
        %select_n3A_396 = arith.select %or3A_393, %broadcast_in_dim3A_395, %sub3A_386 : vector<16xi1>, vector<16xi32>
        %swap3A_397 = arith.constant 80 : index
        %swap3A_398 = tpu.vector_load %arg8[%swap3A_397] {strides = array<i32>} : memref<128xi32, #tpu.memory_space<vmem>>, vector<16xi32>,
        %swap3A_399 = vector.shape_cast %swap3A_398 : vector<16xi32> to vector<16xi32>
        %swap3A_400 = vector.shape_cast %select_n3A_396 : vector<16xi32> to vector<16xi32>
        tpu.vector_store %arg8[%swap3A_397], %swap3A_400 {strides = array<i32>} : memref<128xi32, #tpu.memory_space<vmem>>, vector<16xi32>,
        %get3A_401 = arith.constant 96 : index
        %get3A_402 = tpu.vector_load %arg8[%get3A_401] {strides = array<i32>} : memref<128xi32, #tpu.memory_space<vmem>>, vector<16xi32>,
        %get3A_403 = vector.shape_cast %get3A_402 : vector<16xi32> to vector<16xi32>
        %sub3A_404 = arith.constant 0 : i32
        %sub3A_405 = vector.broadcast %sub3A_404 : i32 to vector<16xi32>
        %sub3A_406 = arith.subi %get3A_403, %sub3A_405 : vector<16xi32>
        %lt3A_407 = arith.constant 0 : i32
        %lt3A_408 = vector.broadcast %lt3A_407 : i32 to vector<16xi32>
        %lt3A_409 = arith.cmpi slt, %sub3A_406, %lt3A_408 : vector<16xi32>
        %ge3A_410 = arith.constant 8192 : i32
        %ge3A_411 = vector.broadcast %ge3A_410 : i32 to vector<16xi32>
        %ge3A_412 = arith.cmpi sge, %sub3A_406, %ge3A_411 : vector<16xi32>
        %or3A_413 = arith.ori %lt3A_409, %ge3A_412 : vector<16xi1>
        %jit3A_414 = arith.constant 8192 : i32
        %broadcast_in_dim3A_415 = vector.broadcast %jit3A_414 : i32 to vector<16xi32>
        %select_n3A_416 = arith.select %or3A_413, %broadcast_in_dim3A_415, %sub3A_406 : vector<16xi1>, vector<16xi32>
        %swap3A_417 = arith.constant 96 : index
        %swap3A_418 = tpu.vector_load %arg8[%swap3A_417] {strides = array<i32>} : memref<128xi32, #tpu.memory_space<vmem>>, vector<16xi32>,
        %swap3A_419 = vector.shape_cast %swap3A_418 : vector<16xi32> to vector<16xi32>
        %swap3A_420 = vector.shape_cast %select_n3A_416 : vector<16xi32> to vector<16xi32>
        tpu.vector_store %arg8[%swap3A_417], %swap3A_420 {strides = array<i32>} : memref<128xi32, #tpu.memory_space<vmem>>, vector<16xi32>,
        %get3A_421 = arith.constant 112 : index
        %get3A_422 = tpu.vector_load %arg8[%get3A_421] {strides = array<i32>} : memref<128xi32, #tpu.memory_space<vmem>>, vector<16xi32>,
        %get3A_423 = vector.shape_cast %get3A_422 : vector<16xi32> to vector<16xi32>
        %sub3A_424 = arith.constant 0 : i32
        %sub3A_425 = vector.broadcast %sub3A_424 : i32 to vector<16xi32>
        %sub3A_426 = arith.subi %get3A_423, %sub3A_425 : vector<16xi32>
        %lt3A_427 = arith.constant 0 : i32
        %lt3A_428 = vector.broadcast %lt3A_427 : i32 to vector<16xi32>
        %lt3A_429 = arith.cmpi slt, %sub3A_426, %lt3A_428 : vector<16xi32>
        %ge3A_430 = arith.constant 8192 : i32
        %ge3A_431 = vector.broadcast %ge3A_430 : i32 to vector<16xi32>
        %ge3A_432 = arith.cmpi sge, %sub3A_426, %ge3A_431 : vector<16xi32>
        %or3A_433 = arith.ori %lt3A_429, %ge3A_432 : vector<16xi1>
        %jit3A_434 = arith.constant 8192 : i32
        %broadcast_in_dim3A_435 = vector.broadcast %jit3A_434 : i32 to vector<16xi32>
        %select_n3A_436 = arith.select %or3A_433, %broadcast_in_dim3A_435, %sub3A_426 : vector<16xi1>, vector<16xi32>
        %swap3A_437 = arith.constant 112 : index
        %swap3A_438 = tpu.vector_load %arg8[%swap3A_437] {strides = array<i32>} : memref<128xi32, #tpu.memory_space<vmem>>, vector<16xi32>,
        %swap3A_439 = vector.shape_cast %swap3A_438 : vector<16xi32> to vector<16xi32>
        %swap3A_440 = vector.shape_cast %select_n3A_436 : vector<16xi32> to vector<16xi32>
        tpu.vector_store %arg8[%swap3A_437], %swap3A_440 {strides = array<i32>} : memref<128xi32, #tpu.memory_space<vmem>>, vector<16xi32>,
        "tpu.region"() ({
          %run_scoped3A = tpu.sem_alloc : memref<!tpu.dma_semaphore, #tpu.memory_space<semaphore_mem>>
          %dma_start3A = arith.constant 0 : i32
          %dma_start3A_441 = arith.constant 0 : i32
          %dma_start3A_442 = tpu.memref_slice %arg6[%dma_start3A, %dma_start3A_441] : memref<8320x128xf32, #tpu.memory_space<vmem_shared>> -> memref<8320x128xf32, #tpu.memory_space<vmem_shared>>
          tpu.enqueue_indirect_dma source(%arg7 : memref<128x128xf32, #tpu.memory_space<vmem>>) target(%dma_start3A_442 : memref<8320x128xf32, #tpu.memory_space<vmem_shared>>) offsets(%arg8 : memref<128xi32, #tpu.memory_space<vmem>>) semaphore(%run_scoped3A : memref<!tpu.dma_semaphore, #tpu.memory_space<semaphore_mem>>) {add = true}
          %dma_wait3A_443 = arith.constant 0 : i32
          %dma_wait3A_444 = arith.constant 0 : i32
          %dma_wait3A_445 = tpu.memref_slice %arg6[%dma_wait3A_443, %dma_wait3A_444] : memref<8320x128xf32, #tpu.memory_space<vmem_shared>> -> memref<8320x128xf32, #tpu.memory_space<vmem_shared>>
          tpu.wait_indirect_dma semaphore(%run_scoped3A : memref<!tpu.dma_semaphore, #tpu.memory_space<semaphore_mem>>) src(%arg7 : memref<128x128xf32, #tpu.memory_space<vmem>>) dst(%dma_wait3A_445 : memref<8320x128xf32, #tpu.memory_space<vmem_shared>>)
          tpu.yield
        }) : () -> ()
      } else {
      }
      %mul3A_255 = arith.constant 2 : i32
      %mul3A_256 = arith.muli %mul3A_255, %scan3A_232 : i32
      %add3A_257 = arith.constant 2 : i32
      %add3A_258 = arith.addi %mul3A_256, %add3A_257 : i32
      %mul3A_259 = arith.constant 16 : i32
      %mul3A_260 = arith.muli %add3A_258, %mul3A_259 : i32
      %add3A_261 = arith.addi %mul3A_260, %arg1 : i32
      %lt3A_262 = arith.constant 1562 : i32
      %lt3A_263 = arith.cmpi slt, %add3A_261, %lt3A_262 : i32
      %convert_element_type3A_264 = arith.extui %lt3A_263 : i1 to i32
      %cond3A_265 = arith.constant 0 : i32
      %cond3A_266 = arith.cmpi ne, %convert_element_type3A_264, %cond3A_265 : i32
      scf.if %cond3A_266 {
        %mul3A_279 = arith.constant 200000 : i32
        %mul3A_280 = arith.muli %add3A_1, %mul3A_279 : i32
        %mul3A_281 = arith.constant 128 : i32
        %mul3A_282 = arith.muli %add3A_261, %mul3A_281 : i32
        %add3A_283 = arith.addi %mul3A_280, %mul3A_282 : i32
        %dma_start3A = tpu.memref_slice %arg3[%add3A_283] : memref<800000xi32, #tpu.memory_space<hbm>> -> memref<128xi32, #tpu.memory_space<hbm>>
        %dma_start3A_284 = tpu.memref_slice %arg3[%add3A_283] : memref<800000xi32, #tpu.memory_space<hbm>> -> memref<128xi32, #tpu.memory_space<hbm>>
        tpu.enqueue_dma source(%dma_start3A_284 : memref<128xi32, #tpu.memory_space<hbm>>) target(%arg8 : memref<128xi32, #tpu.memory_space<vmem>>) target_semaphore(%arg13 : memref<!tpu.dma_semaphore, #tpu.memory_space<semaphore_mem>>)
        %dma_start3A_285 = arith.constant 0 : i32
        %dma_start3A_286 = tpu.memref_slice %arg2[%add3A_283, %dma_start3A_285] : memref<800000x128xf32, #tpu.memory_space<hbm>> -> memref<128x128xf32, #tpu.memory_space<hbm>>
        %dma_start3A_287 = arith.constant 0 : i32
        %dma_start3A_288 = tpu.memref_slice %arg2[%add3A_283, %dma_start3A_287] : memref<800000x128xf32, #tpu.memory_space<hbm>> -> memref<128x128xf32, #tpu.memory_space<hbm>>
        tpu.enqueue_dma source(%dma_start3A_288 : memref<128x128xf32, #tpu.memory_space<hbm>>) target(%arg7 : memref<128x128xf32, #tpu.memory_space<vmem>>) target_semaphore(%arg13 : memref<!tpu.dma_semaphore, #tpu.memory_space<semaphore_mem>>)
      } else {
      }
      %mul3A_267 = arith.constant 2 : i32
      %mul3A_268 = arith.muli %mul3A_267, %scan3A_232 : i32
      %add3A_269 = arith.constant 1 : i32
      %add3A_270 = arith.addi %mul3A_268, %add3A_269 : i32
      %mul3A_271 = arith.constant 16 : i32
      %mul3A_272 = arith.muli %add3A_270, %mul3A_271 : i32
      %add3A_273 = arith.addi %mul3A_272, %arg1 : i32
      %lt3A_274 = arith.constant 1562 : i32
      %lt3A_275 = arith.cmpi slt, %add3A_273, %lt3A_274 : i32
      %convert_element_type3A_276 = arith.extui %lt3A_275 : i1 to i32
      %cond3A_277 = arith.constant 0 : i32
      %cond3A_278 = arith.cmpi ne, %convert_element_type3A_276, %cond3A_277 : i32
      scf.if %cond3A_278 {
        %mul3A_279 = arith.constant 200000 : i32
        %mul3A_280 = arith.muli %add3A_1, %mul3A_279 : i32
        %mul3A_281 = arith.constant 128 : i32
        %mul3A_282 = arith.muli %add3A_273, %mul3A_281 : i32
        %add3A_283 = arith.addi %mul3A_280, %mul3A_282 : i32
        %dma_wait3A = tpu.memref_slice %arg3[%add3A_283] : memref<800000xi32, #tpu.memory_space<hbm>> -> memref<128xi32, #tpu.memory_space<hbm>>
        %dma_wait3A_284 = tpu.memref_slice %arg3[%add3A_283] : memref<800000xi32, #tpu.memory_space<hbm>> -> memref<128xi32, #tpu.memory_space<hbm>>
        tpu.wait_dma2 semaphore(%arg14 : memref<!tpu.dma_semaphore, #tpu.memory_space<semaphore_mem>>) src(%dma_wait3A_284 : memref<128xi32, #tpu.memory_space<hbm>>) dst(%arg10 : memref<128xi32, #tpu.memory_space<vmem>>)
        %dma_wait3A_285 = arith.constant 0 : i32
        %dma_wait3A_286 = tpu.memref_slice %arg2[%add3A_283, %dma_wait3A_285] : memref<800000x128xf32, #tpu.memory_space<hbm>> -> memref<128x128xf32, #tpu.memory_space<hbm>>
        %dma_wait3A_287 = arith.constant 0 : i32
        %dma_wait3A_288 = tpu.memref_slice %arg2[%add3A_283, %dma_wait3A_287] : memref<800000x128xf32, #tpu.memory_space<hbm>> -> memref<128x128xf32, #tpu.memory_space<hbm>>
        tpu.wait_dma2 semaphore(%arg14 : memref<!tpu.dma_semaphore, #tpu.memory_space<semaphore_mem>>) src(%dma_wait3A_288 : memref<128x128xf32, #tpu.memory_space<hbm>>) dst(%arg9 : memref<128x128xf32, #tpu.memory_space<vmem>>)
        %get3A = arith.constant 0 : index
        %get3A_289 = tpu.vector_load %arg10[%get3A] {strides = array<i32>} : memref<128xi32, #tpu.memory_space<vmem>>, vector<16xi32>,
        %get3A_290 = vector.shape_cast %get3A_289 : vector<16xi32> to vector<16xi32>
        %sub3A = arith.constant 0 : i32
        %sub3A_291 = vector.broadcast %sub3A : i32 to vector<16xi32>
        %sub3A_292 = arith.subi %get3A_290, %sub3A_291 : vector<16xi32>
        %lt3A_293 = arith.constant 0 : i32
        %lt3A_294 = vector.broadcast %lt3A_293 : i32 to vector<16xi32>
        %lt3A_295 = arith.cmpi slt, %sub3A_292, %lt3A_294 : vector<16xi32>
        %ge3A = arith.constant 8192 : i32
        %ge3A_296 = vector.broadcast %ge3A : i32 to vector<16xi32>
        %ge3A_297 = arith.cmpi sge, %sub3A_292, %ge3A_296 : vector<16xi32>
        %or3A = arith.ori %lt3A_295, %ge3A_297 : vector<16xi1>
        %jit3A = arith.constant 8192 : i32
        %broadcast_in_dim3A = vector.broadcast %jit3A : i32 to vector<16xi32>
        %select_n3A = arith.select %or3A, %broadcast_in_dim3A, %sub3A_292 : vector<16xi1>, vector<16xi32>
        %swap3A = arith.constant 0 : index
        %swap3A_298 = tpu.vector_load %arg10[%swap3A] {strides = array<i32>} : memref<128xi32, #tpu.memory_space<vmem>>, vector<16xi32>,
        %swap3A_299 = vector.shape_cast %swap3A_298 : vector<16xi32> to vector<16xi32>
        %swap3A_300 = vector.shape_cast %select_n3A : vector<16xi32> to vector<16xi32>
        tpu.vector_store %arg10[%swap3A], %swap3A_300 {strides = array<i32>} : memref<128xi32, #tpu.memory_space<vmem>>, vector<16xi32>,
        %get3A_301 = arith.constant 16 : index
        %get3A_302 = tpu.vector_load %arg10[%get3A_301] {strides = array<i32>} : memref<128xi32, #tpu.memory_space<vmem>>, vector<16xi32>,
        %get3A_303 = vector.shape_cast %get3A_302 : vector<16xi32> to vector<16xi32>
        %sub3A_304 = arith.constant 0 : i32
        %sub3A_305 = vector.broadcast %sub3A_304 : i32 to vector<16xi32>
        %sub3A_306 = arith.subi %get3A_303, %sub3A_305 : vector<16xi32>
        %lt3A_307 = arith.constant 0 : i32
        %lt3A_308 = vector.broadcast %lt3A_307 : i32 to vector<16xi32>
        %lt3A_309 = arith.cmpi slt, %sub3A_306, %lt3A_308 : vector<16xi32>
        %ge3A_310 = arith.constant 8192 : i32
        %ge3A_311 = vector.broadcast %ge3A_310 : i32 to vector<16xi32>
        %ge3A_312 = arith.cmpi sge, %sub3A_306, %ge3A_311 : vector<16xi32>
        %or3A_313 = arith.ori %lt3A_309, %ge3A_312 : vector<16xi1>
        %jit3A_314 = arith.constant 8192 : i32
        %broadcast_in_dim3A_315 = vector.broadcast %jit3A_314 : i32 to vector<16xi32>
        %select_n3A_316 = arith.select %or3A_313, %broadcast_in_dim3A_315, %sub3A_306 : vector<16xi1>, vector<16xi32>
        %swap3A_317 = arith.constant 16 : index
        %swap3A_318 = tpu.vector_load %arg10[%swap3A_317] {strides = array<i32>} : memref<128xi32, #tpu.memory_space<vmem>>, vector<16xi32>,
        %swap3A_319 = vector.shape_cast %swap3A_318 : vector<16xi32> to vector<16xi32>
        %swap3A_320 = vector.shape_cast %select_n3A_316 : vector<16xi32> to vector<16xi32>
        tpu.vector_store %arg10[%swap3A_317], %swap3A_320 {strides = array<i32>} : memref<128xi32, #tpu.memory_space<vmem>>, vector<16xi32>,
        %get3A_321 = arith.constant 32 : index
        %get3A_322 = tpu.vector_load %arg10[%get3A_321] {strides = array<i32>} : memref<128xi32, #tpu.memory_space<vmem>>, vector<16xi32>,
        %get3A_323 = vector.shape_cast %get3A_322 : vector<16xi32> to vector<16xi32>
        %sub3A_324 = arith.constant 0 : i32
        %sub3A_325 = vector.broadcast %sub3A_324 : i32 to vector<16xi32>
        %sub3A_326 = arith.subi %get3A_323, %sub3A_325 : vector<16xi32>
        %lt3A_327 = arith.constant 0 : i32
        %lt3A_328 = vector.broadcast %lt3A_327 : i32 to vector<16xi32>
        %lt3A_329 = arith.cmpi slt, %sub3A_326, %lt3A_328 : vector<16xi32>
        %ge3A_330 = arith.constant 8192 : i32
        %ge3A_331 = vector.broadcast %ge3A_330 : i32 to vector<16xi32>
        %ge3A_332 = arith.cmpi sge, %sub3A_326, %ge3A_331 : vector<16xi32>
        %or3A_333 = arith.ori %lt3A_329, %ge3A_332 : vector<16xi1>
        %jit3A_334 = arith.constant 8192 : i32
        %broadcast_in_dim3A_335 = vector.broadcast %jit3A_334 : i32 to vector<16xi32>
        %select_n3A_336 = arith.select %or3A_333, %broadcast_in_dim3A_335, %sub3A_326 : vector<16xi1>, vector<16xi32>
        %swap3A_337 = arith.constant 32 : index
        %swap3A_338 = tpu.vector_load %arg10[%swap3A_337] {strides = array<i32>} : memref<128xi32, #tpu.memory_space<vmem>>, vector<16xi32>,
        %swap3A_339 = vector.shape_cast %swap3A_338 : vector<16xi32> to vector<16xi32>
        %swap3A_340 = vector.shape_cast %select_n3A_336 : vector<16xi32> to vector<16xi32>
        tpu.vector_store %arg10[%swap3A_337], %swap3A_340 {strides = array<i32>} : memref<128xi32, #tpu.memory_space<vmem>>, vector<16xi32>,
        %get3A_341 = arith.constant 48 : index
        %get3A_342 = tpu.vector_load %arg10[%get3A_341] {strides = array<i32>} : memref<128xi32, #tpu.memory_space<vmem>>, vector<16xi32>,
        %get3A_343 = vector.shape_cast %get3A_342 : vector<16xi32> to vector<16xi32>
        %sub3A_344 = arith.constant 0 : i32
        %sub3A_345 = vector.broadcast %sub3A_344 : i32 to vector<16xi32>
        %sub3A_346 = arith.subi %get3A_343, %sub3A_345 : vector<16xi32>
        %lt3A_347 = arith.constant 0 : i32
        %lt3A_348 = vector.broadcast %lt3A_347 : i32 to vector<16xi32>
        %lt3A_349 = arith.cmpi slt, %sub3A_346, %lt3A_348 : vector<16xi32>
        %ge3A_350 = arith.constant 8192 : i32
        %ge3A_351 = vector.broadcast %ge3A_350 : i32 to vector<16xi32>
        %ge3A_352 = arith.cmpi sge, %sub3A_346, %ge3A_351 : vector<16xi32>
        %or3A_353 = arith.ori %lt3A_349, %ge3A_352 : vector<16xi1>
        %jit3A_354 = arith.constant 8192 : i32
        %broadcast_in_dim3A_355 = vector.broadcast %jit3A_354 : i32 to vector<16xi32>
        %select_n3A_356 = arith.select %or3A_353, %broadcast_in_dim3A_355, %sub3A_346 : vector<16xi1>, vector<16xi32>
        %swap3A_357 = arith.constant 48 : index
        %swap3A_358 = tpu.vector_load %arg10[%swap3A_357] {strides = array<i32>} : memref<128xi32, #tpu.memory_space<vmem>>, vector<16xi32>,
        %swap3A_359 = vector.shape_cast %swap3A_358 : vector<16xi32> to vector<16xi32>
        %swap3A_360 = vector.shape_cast %select_n3A_356 : vector<16xi32> to vector<16xi32>
        tpu.vector_store %arg10[%swap3A_357], %swap3A_360 {strides = array<i32>} : memref<128xi32, #tpu.memory_space<vmem>>, vector<16xi32>,
        %get3A_361 = arith.constant 64 : index
        %get3A_362 = tpu.vector_load %arg10[%get3A_361] {strides = array<i32>} : memref<128xi32, #tpu.memory_space<vmem>>, vector<16xi32>,
        %get3A_363 = vector.shape_cast %get3A_362 : vector<16xi32> to vector<16xi32>
        %sub3A_364 = arith.constant 0 : i32
        %sub3A_365 = vector.broadcast %sub3A_364 : i32 to vector<16xi32>
        %sub3A_366 = arith.subi %get3A_363, %sub3A_365 : vector<16xi32>
        %lt3A_367 = arith.constant 0 : i32
        %lt3A_368 = vector.broadcast %lt3A_367 : i32 to vector<16xi32>
        %lt3A_369 = arith.cmpi slt, %sub3A_366, %lt3A_368 : vector<16xi32>
        %ge3A_370 = arith.constant 8192 : i32
        %ge3A_371 = vector.broadcast %ge3A_370 : i32 to vector<16xi32>
        %ge3A_372 = arith.cmpi sge, %sub3A_366, %ge3A_371 : vector<16xi32>
        %or3A_373 = arith.ori %lt3A_369, %ge3A_372 : vector<16xi1>
        %jit3A_374 = arith.constant 8192 : i32
        %broadcast_in_dim3A_375 = vector.broadcast %jit3A_374 : i32 to vector<16xi32>
        %select_n3A_376 = arith.select %or3A_373, %broadcast_in_dim3A_375, %sub3A_366 : vector<16xi1>, vector<16xi32>
        %swap3A_377 = arith.constant 64 : index
        %swap3A_378 = tpu.vector_load %arg10[%swap3A_377] {strides = array<i32>} : memref<128xi32, #tpu.memory_space<vmem>>, vector<16xi32>,
        %swap3A_379 = vector.shape_cast %swap3A_378 : vector<16xi32> to vector<16xi32>
        %swap3A_380 = vector.shape_cast %select_n3A_376 : vector<16xi32> to vector<16xi32>
        tpu.vector_store %arg10[%swap3A_377], %swap3A_380 {strides = array<i32>} : memref<128xi32, #tpu.memory_space<vmem>>, vector<16xi32>,
        %get3A_381 = arith.constant 80 : index
        %get3A_382 = tpu.vector_load %arg10[%get3A_381] {strides = array<i32>} : memref<128xi32, #tpu.memory_space<vmem>>, vector<16xi32>,
        %get3A_383 = vector.shape_cast %get3A_382 : vector<16xi32> to vector<16xi32>
        %sub3A_384 = arith.constant 0 : i32
        %sub3A_385 = vector.broadcast %sub3A_384 : i32 to vector<16xi32>
        %sub3A_386 = arith.subi %get3A_383, %sub3A_385 : vector<16xi32>
        %lt3A_387 = arith.constant 0 : i32
        %lt3A_388 = vector.broadcast %lt3A_387 : i32 to vector<16xi32>
        %lt3A_389 = arith.cmpi slt, %sub3A_386, %lt3A_388 : vector<16xi32>
        %ge3A_390 = arith.constant 8192 : i32
        %ge3A_391 = vector.broadcast %ge3A_390 : i32 to vector<16xi32>
        %ge3A_392 = arith.cmpi sge, %sub3A_386, %ge3A_391 : vector<16xi32>
        %or3A_393 = arith.ori %lt3A_389, %ge3A_392 : vector<16xi1>
        %jit3A_394 = arith.constant 8192 : i32
        %broadcast_in_dim3A_395 = vector.broadcast %jit3A_394 : i32 to vector<16xi32>
        %select_n3A_396 = arith.select %or3A_393, %broadcast_in_dim3A_395, %sub3A_386 : vector<16xi1>, vector<16xi32>
        %swap3A_397 = arith.constant 80 : index
        %swap3A_398 = tpu.vector_load %arg10[%swap3A_397] {strides = array<i32>} : memref<128xi32, #tpu.memory_space<vmem>>, vector<16xi32>,
        %swap3A_399 = vector.shape_cast %swap3A_398 : vector<16xi32> to vector<16xi32>
        %swap3A_400 = vector.shape_cast %select_n3A_396 : vector<16xi32> to vector<16xi32>
        tpu.vector_store %arg10[%swap3A_397], %swap3A_400 {strides = array<i32>} : memref<128xi32, #tpu.memory_space<vmem>>, vector<16xi32>,
        %get3A_401 = arith.constant 96 : index
        %get3A_402 = tpu.vector_load %arg10[%get3A_401] {strides = array<i32>} : memref<128xi32, #tpu.memory_space<vmem>>, vector<16xi32>,
        %get3A_403 = vector.shape_cast %get3A_402 : vector<16xi32> to vector<16xi32>
        %sub3A_404 = arith.constant 0 : i32
        %sub3A_405 = vector.broadcast %sub3A_404 : i32 to vector<16xi32>
        %sub3A_406 = arith.subi %get3A_403, %sub3A_405 : vector<16xi32>
        %lt3A_407 = arith.constant 0 : i32
        %lt3A_408 = vector.broadcast %lt3A_407 : i32 to vector<16xi32>
        %lt3A_409 = arith.cmpi slt, %sub3A_406, %lt3A_408 : vector<16xi32>
        %ge3A_410 = arith.constant 8192 : i32
        %ge3A_411 = vector.broadcast %ge3A_410 : i32 to vector<16xi32>
        %ge3A_412 = arith.cmpi sge, %sub3A_406, %ge3A_411 : vector<16xi32>
        %or3A_413 = arith.ori %lt3A_409, %ge3A_412 : vector<16xi1>
        %jit3A_414 = arith.constant 8192 : i32
        %broadcast_in_dim3A_415 = vector.broadcast %jit3A_414 : i32 to vector<16xi32>
        %select_n3A_416 = arith.select %or3A_413, %broadcast_in_dim3A_415, %sub3A_406 : vector<16xi1>, vector<16xi32>
        %swap3A_417 = arith.constant 96 : index
        %swap3A_418 = tpu.vector_load %arg10[%swap3A_417] {strides = array<i32>} : memref<128xi32, #tpu.memory_space<vmem>>, vector<16xi32>,
        %swap3A_419 = vector.shape_cast %swap3A_418 : vector<16xi32> to vector<16xi32>
        %swap3A_420 = vector.shape_cast %select_n3A_416 : vector<16xi32> to vector<16xi32>
        tpu.vector_store %arg10[%swap3A_417], %swap3A_420 {strides = array<i32>} : memref<128xi32, #tpu.memory_space<vmem>>, vector<16xi32>,
        %get3A_421 = arith.constant 112 : index
        %get3A_422 = tpu.vector_load %arg10[%get3A_421] {strides = array<i32>} : memref<128xi32, #tpu.memory_space<vmem>>, vector<16xi32>,
        %get3A_423 = vector.shape_cast %get3A_422 : vector<16xi32> to vector<16xi32>
        %sub3A_424 = arith.constant 0 : i32
        %sub3A_425 = vector.broadcast %sub3A_424 : i32 to vector<16xi32>
        %sub3A_426 = arith.subi %get3A_423, %sub3A_425 : vector<16xi32>
        %lt3A_427 = arith.constant 0 : i32
        %lt3A_428 = vector.broadcast %lt3A_427 : i32 to vector<16xi32>
        %lt3A_429 = arith.cmpi slt, %sub3A_426, %lt3A_428 : vector<16xi32>
        %ge3A_430 = arith.constant 8192 : i32
        %ge3A_431 = vector.broadcast %ge3A_430 : i32 to vector<16xi32>
        %ge3A_432 = arith.cmpi sge, %sub3A_426, %ge3A_431 : vector<16xi32>
        %or3A_433 = arith.ori %lt3A_429, %ge3A_432 : vector<16xi1>
        %jit3A_434 = arith.constant 8192 : i32
        %broadcast_in_dim3A_435 = vector.broadcast %jit3A_434 : i32 to vector<16xi32>
        %select_n3A_436 = arith.select %or3A_433, %broadcast_in_dim3A_435, %sub3A_426 : vector<16xi1>, vector<16xi32>
        %swap3A_437 = arith.constant 112 : index
        %swap3A_438 = tpu.vector_load %arg10[%swap3A_437] {strides = array<i32>} : memref<128xi32, #tpu.memory_space<vmem>>, vector<16xi32>,
        %swap3A_439 = vector.shape_cast %swap3A_438 : vector<16xi32> to vector<16xi32>
        %swap3A_440 = vector.shape_cast %select_n3A_436 : vector<16xi32> to vector<16xi32>
        tpu.vector_store %arg10[%swap3A_437], %swap3A_440 {strides = array<i32>} : memref<128xi32, #tpu.memory_space<vmem>>, vector<16xi32>,
        "tpu.region"() ({
          %run_scoped3A = tpu.sem_alloc : memref<!tpu.dma_semaphore, #tpu.memory_space<semaphore_mem>>
          %dma_start3A = arith.constant 0 : i32
          %dma_start3A_441 = arith.constant 0 : i32
          %dma_start3A_442 = tpu.memref_slice %arg6[%dma_start3A, %dma_start3A_441] : memref<8320x128xf32, #tpu.memory_space<vmem_shared>> -> memref<8320x128xf32, #tpu.memory_space<vmem_shared>>
          tpu.enqueue_indirect_dma source(%arg9 : memref<128x128xf32, #tpu.memory_space<vmem>>) target(%dma_start3A_442 : memref<8320x128xf32, #tpu.memory_space<vmem_shared>>) offsets(%arg10 : memref<128xi32, #tpu.memory_space<vmem>>) semaphore(%run_scoped3A : memref<!tpu.dma_semaphore, #tpu.memory_space<semaphore_mem>>) {add = true}
          %dma_wait3A_443 = arith.constant 0 : i32
          %dma_wait3A_444 = arith.constant 0 : i32
          %dma_wait3A_445 = tpu.memref_slice %arg6[%dma_wait3A_443, %dma_wait3A_444] : memref<8320x128xf32, #tpu.memory_space<vmem_shared>> -> memref<8320x128xf32, #tpu.memory_space<vmem_shared>>
          tpu.wait_indirect_dma semaphore(%run_scoped3A : memref<!tpu.dma_semaphore, #tpu.memory_space<semaphore_mem>>) src(%arg9 : memref<128x128xf32, #tpu.memory_space<vmem>>) dst(%dma_wait3A_445 : memref<8320x128xf32, #tpu.memory_space<vmem_shared>>)
          tpu.yield
        }) : () -> ()
      } else {
      }
    }
    %scan3A_21 = arith.constant 49 : i32
    %eq3A = arith.constant 10 : i32
    %eq3A_22 = arith.cmpi eq, %arg1, %eq3A : i32
    %convert_element_type3A_23 = arith.extui %eq3A_22 : i1 to i32
    %cond3A_24 = arith.constant 0 : i32
    %cond3A_25 = arith.cmpi ne, %convert_element_type3A_23, %cond3A_24 : i32
    scf.if %cond3A_25 {
      %mul3A_232 = arith.constant 200000 : i32
      %mul3A_233 = arith.muli %add3A_1, %mul3A_232 : i32
      %add3A_234 = arith.constant 199936 : i32
      %add3A_235 = arith.addi %mul3A_233, %add3A_234 : i32
      "tpu.region"() ({
        %run_scoped3A = tpu.sem_alloc : memref<!tpu.dma_semaphore, #tpu.memory_space<semaphore_mem>>
        %dma_start3A = tpu.memref_slice %arg3[%add3A_235] : memref<800000xi32, #tpu.memory_space<hbm>> -> memref<64xi32, #tpu.memory_space<hbm>>
        %dma_start3A_308 = tpu.memref_slice %arg3[%add3A_235] : memref<800000xi32, #tpu.memory_space<hbm>> -> memref<64xi32, #tpu.memory_space<hbm>>
        tpu.enqueue_dma source(%dma_start3A_308 : memref<64xi32, #tpu.memory_space<hbm>>) target(%arg12 : memref<64xi32, #tpu.memory_space<vmem>>) target_semaphore(%run_scoped3A : memref<!tpu.dma_semaphore, #tpu.memory_space<semaphore_mem>>)
        %dma_wait3A = tpu.memref_slice %arg3[%add3A_235] : memref<800000xi32, #tpu.memory_space<hbm>> -> memref<64xi32, #tpu.memory_space<hbm>>
        %dma_wait3A_309 = tpu.memref_slice %arg3[%add3A_235] : memref<800000xi32, #tpu.memory_space<hbm>> -> memref<64xi32, #tpu.memory_space<hbm>>
        tpu.wait_dma2 semaphore(%run_scoped3A : memref<!tpu.dma_semaphore, #tpu.memory_space<semaphore_mem>>) src(%dma_wait3A_309 : memref<64xi32, #tpu.memory_space<hbm>>) dst(%arg12 : memref<64xi32, #tpu.memory_space<vmem>>)
        tpu.yield
      }) : () -> ()
      "tpu.region"() ({
        %run_scoped3A = tpu.sem_alloc : memref<!tpu.dma_semaphore, #tpu.memory_space<semaphore_mem>>
        %dma_start3A = arith.constant 0 : i32
        %dma_start3A_308 = tpu.memref_slice %arg2[%add3A_235, %dma_start3A] : memref<800000x128xf32, #tpu.memory_space<hbm>> -> memref<64x128xf32, #tpu.memory_space<hbm>>
        %dma_start3A_309 = arith.constant 0 : i32
        %dma_start3A_310 = tpu.memref_slice %arg2[%add3A_235, %dma_start3A_309] : memref<800000x128xf32, #tpu.memory_space<hbm>> -> memref<64x128xf32, #tpu.memory_space<hbm>>
        tpu.enqueue_dma source(%dma_start3A_310 : memref<64x128xf32, #tpu.memory_space<hbm>>) target(%arg11 : memref<64x128xf32, #tpu.memory_space<vmem>>) target_semaphore(%run_scoped3A : memref<!tpu.dma_semaphore, #tpu.memory_space<semaphore_mem>>)
        %dma_wait3A = arith.constant 0 : i32
        %dma_wait3A_311 = tpu.memref_slice %arg2[%add3A_235, %dma_wait3A] : memref<800000x128xf32, #tpu.memory_space<hbm>> -> memref<64x128xf32, #tpu.memory_space<hbm>>
        %dma_wait3A_312 = arith.constant 0 : i32
        %dma_wait3A_313 = tpu.memref_slice %arg2[%add3A_235, %dma_wait3A_312] : memref<800000x128xf32, #tpu.memory_space<hbm>> -> memref<64x128xf32, #tpu.memory_space<hbm>>
        tpu.wait_dma2 semaphore(%run_scoped3A : memref<!tpu.dma_semaphore, #tpu.memory_space<semaphore_mem>>) src(%dma_wait3A_313 : memref<64x128xf32, #tpu.memory_space<hbm>>) dst(%arg11 : memref<64x128xf32, #tpu.memory_space<vmem>>)
        tpu.yield
      }) : () -> ()
      %get3A = arith.constant 0 : index
      %get3A_236 = tpu.vector_load %arg12[%get3A] {strides = array<i32>} : memref<64xi32, #tpu.memory_space<vmem>>, vector<16xi32>,
      %get3A_237 = vector.shape_cast %get3A_236 : vector<16xi32> to vector<16xi32>
      %sub3A = arith.constant 0 : i32
      %sub3A_238 = vector.broadcast %sub3A : i32 to vector<16xi32>
      %sub3A_239 = arith.subi %get3A_237, %sub3A_238 : vector<16xi32>
      %lt3A_240 = arith.constant 0 : i32
      %lt3A_241 = vector.broadcast %lt3A_240 : i32 to vector<16xi32>
      %lt3A_242 = arith.cmpi slt, %sub3A_239, %lt3A_241 : vector<16xi32>
      %ge3A = arith.constant 8192 : i32
      %ge3A_243 = vector.broadcast %ge3A : i32 to vector<16xi32>
      %ge3A_244 = arith.cmpi sge, %sub3A_239, %ge3A_243 : vector<16xi32>
      %or3A = arith.ori %lt3A_242, %ge3A_244 : vector<16xi1>
      %jit3A = arith.constant 8192 : i32
      %broadcast_in_dim3A = vector.broadcast %jit3A : i32 to vector<16xi32>
      %select_n3A = arith.select %or3A, %broadcast_in_dim3A, %sub3A_239 : vector<16xi1>, vector<16xi32>
      %swap3A = arith.constant 0 : index
      %swap3A_245 = tpu.vector_load %arg12[%swap3A] {strides = array<i32>} : memref<64xi32, #tpu.memory_space<vmem>>, vector<16xi32>,
      %swap3A_246 = vector.shape_cast %swap3A_245 : vector<16xi32> to vector<16xi32>
      %swap3A_247 = vector.shape_cast %select_n3A : vector<16xi32> to vector<16xi32>
      tpu.vector_store %arg12[%swap3A], %swap3A_247 {strides = array<i32>} : memref<64xi32, #tpu.memory_space<vmem>>, vector<16xi32>,
      %get3A_248 = arith.constant 16 : index
      %get3A_249 = tpu.vector_load %arg12[%get3A_248] {strides = array<i32>} : memref<64xi32, #tpu.memory_space<vmem>>, vector<16xi32>,
      %get3A_250 = vector.shape_cast %get3A_249 : vector<16xi32> to vector<16xi32>
      %sub3A_251 = arith.constant 0 : i32
      %sub3A_252 = vector.broadcast %sub3A_251 : i32 to vector<16xi32>
      %sub3A_253 = arith.subi %get3A_250, %sub3A_252 : vector<16xi32>
      %lt3A_254 = arith.constant 0 : i32
      %lt3A_255 = vector.broadcast %lt3A_254 : i32 to vector<16xi32>
      %lt3A_256 = arith.cmpi slt, %sub3A_253, %lt3A_255 : vector<16xi32>
      %ge3A_257 = arith.constant 8192 : i32
      %ge3A_258 = vector.broadcast %ge3A_257 : i32 to vector<16xi32>
      %ge3A_259 = arith.cmpi sge, %sub3A_253, %ge3A_258 : vector<16xi32>
      %or3A_260 = arith.ori %lt3A_256, %ge3A_259 : vector<16xi1>
      %jit3A_261 = arith.constant 8192 : i32
      %broadcast_in_dim3A_262 = vector.broadcast %jit3A_261 : i32 to vector<16xi32>
      %select_n3A_263 = arith.select %or3A_260, %broadcast_in_dim3A_262, %sub3A_253 : vector<16xi1>, vector<16xi32>
      %swap3A_264 = arith.constant 16 : index
      %swap3A_265 = tpu.vector_load %arg12[%swap3A_264] {strides = array<i32>} : memref<64xi32, #tpu.memory_space<vmem>>, vector<16xi32>,
      %swap3A_266 = vector.shape_cast %swap3A_265 : vector<16xi32> to vector<16xi32>
      %swap3A_267 = vector.shape_cast %select_n3A_263 : vector<16xi32> to vector<16xi32>
      tpu.vector_store %arg12[%swap3A_264], %swap3A_267 {strides = array<i32>} : memref<64xi32, #tpu.memory_space<vmem>>, vector<16xi32>,
      %get3A_268 = arith.constant 32 : index
      %get3A_269 = tpu.vector_load %arg12[%get3A_268] {strides = array<i32>} : memref<64xi32, #tpu.memory_space<vmem>>, vector<16xi32>,
      %get3A_270 = vector.shape_cast %get3A_269 : vector<16xi32> to vector<16xi32>
      %sub3A_271 = arith.constant 0 : i32
      %sub3A_272 = vector.broadcast %sub3A_271 : i32 to vector<16xi32>
      %sub3A_273 = arith.subi %get3A_270, %sub3A_272 : vector<16xi32>
      %lt3A_274 = arith.constant 0 : i32
      %lt3A_275 = vector.broadcast %lt3A_274 : i32 to vector<16xi32>
      %lt3A_276 = arith.cmpi slt, %sub3A_273, %lt3A_275 : vector<16xi32>
      %ge3A_277 = arith.constant 8192 : i32
      %ge3A_278 = vector.broadcast %ge3A_277 : i32 to vector<16xi32>
      %ge3A_279 = arith.cmpi sge, %sub3A_273, %ge3A_278 : vector<16xi32>
      %or3A_280 = arith.ori %lt3A_276, %ge3A_279 : vector<16xi1>
      %jit3A_281 = arith.constant 8192 : i32
      %broadcast_in_dim3A_282 = vector.broadcast %jit3A_281 : i32 to vector<16xi32>
      %select_n3A_283 = arith.select %or3A_280, %broadcast_in_dim3A_282, %sub3A_273 : vector<16xi1>, vector<16xi32>
      %swap3A_284 = arith.constant 32 : index
      %swap3A_285 = tpu.vector_load %arg12[%swap3A_284] {strides = array<i32>} : memref<64xi32, #tpu.memory_space<vmem>>, vector<16xi32>,
      %swap3A_286 = vector.shape_cast %swap3A_285 : vector<16xi32> to vector<16xi32>
      %swap3A_287 = vector.shape_cast %select_n3A_283 : vector<16xi32> to vector<16xi32>
      tpu.vector_store %arg12[%swap3A_284], %swap3A_287 {strides = array<i32>} : memref<64xi32, #tpu.memory_space<vmem>>, vector<16xi32>,
      %get3A_288 = arith.constant 48 : index
      %get3A_289 = tpu.vector_load %arg12[%get3A_288] {strides = array<i32>} : memref<64xi32, #tpu.memory_space<vmem>>, vector<16xi32>,
      %get3A_290 = vector.shape_cast %get3A_289 : vector<16xi32> to vector<16xi32>
      %sub3A_291 = arith.constant 0 : i32
      %sub3A_292 = vector.broadcast %sub3A_291 : i32 to vector<16xi32>
      %sub3A_293 = arith.subi %get3A_290, %sub3A_292 : vector<16xi32>
      %lt3A_294 = arith.constant 0 : i32
      %lt3A_295 = vector.broadcast %lt3A_294 : i32 to vector<16xi32>
      %lt3A_296 = arith.cmpi slt, %sub3A_293, %lt3A_295 : vector<16xi32>
      %ge3A_297 = arith.constant 8192 : i32
      %ge3A_298 = vector.broadcast %ge3A_297 : i32 to vector<16xi32>
      %ge3A_299 = arith.cmpi sge, %sub3A_293, %ge3A_298 : vector<16xi32>
      %or3A_300 = arith.ori %lt3A_296, %ge3A_299 : vector<16xi1>
      %jit3A_301 = arith.constant 8192 : i32
      %broadcast_in_dim3A_302 = vector.broadcast %jit3A_301 : i32 to vector<16xi32>
      %select_n3A_303 = arith.select %or3A_300, %broadcast_in_dim3A_302, %sub3A_293 : vector<16xi1>, vector<16xi32>
      %swap3A_304 = arith.constant 48 : index
      %swap3A_305 = tpu.vector_load %arg12[%swap3A_304] {strides = array<i32>} : memref<64xi32, #tpu.memory_space<vmem>>, vector<16xi32>,
      %swap3A_306 = vector.shape_cast %swap3A_305 : vector<16xi32> to vector<16xi32>
      %swap3A_307 = vector.shape_cast %select_n3A_303 : vector<16xi32> to vector<16xi32>
      tpu.vector_store %arg12[%swap3A_304], %swap3A_307 {strides = array<i32>} : memref<64xi32, #tpu.memory_space<vmem>>, vector<16xi32>,
      "tpu.region"() ({
        %run_scoped3A = tpu.sem_alloc : memref<!tpu.dma_semaphore, #tpu.memory_space<semaphore_mem>>
        %dma_start3A = arith.constant 0 : i32
        %dma_start3A_308 = arith.constant 0 : i32
        %dma_start3A_309 = tpu.memref_slice %arg6[%dma_start3A, %dma_start3A_308] : memref<8320x128xf32, #tpu.memory_space<vmem_shared>> -> memref<8320x128xf32, #tpu.memory_space<vmem_shared>>
        tpu.enqueue_indirect_dma source(%arg11 : memref<64x128xf32, #tpu.memory_space<vmem>>) target(%dma_start3A_309 : memref<8320x128xf32, #tpu.memory_space<vmem_shared>>) offsets(%arg12 : memref<64xi32, #tpu.memory_space<vmem>>) semaphore(%run_scoped3A : memref<!tpu.dma_semaphore, #tpu.memory_space<semaphore_mem>>) {add = true}
        %dma_wait3A = arith.constant 0 : i32
        %dma_wait3A_310 = arith.constant 0 : i32
        %dma_wait3A_311 = tpu.memref_slice %arg6[%dma_wait3A, %dma_wait3A_310] : memref<8320x128xf32, #tpu.memory_space<vmem_shared>> -> memref<8320x128xf32, #tpu.memory_space<vmem_shared>>
        tpu.wait_indirect_dma semaphore(%run_scoped3A : memref<!tpu.dma_semaphore, #tpu.memory_space<semaphore_mem>>) src(%arg11 : memref<64x128xf32, #tpu.memory_space<vmem>>) dst(%dma_wait3A_311 : memref<8320x128xf32, #tpu.memory_space<vmem_shared>>)
        tpu.yield
      }) : () -> ()
    } else {
    }
    %barrier3A_26 = arith.constant 0 : index
    tpu.barrier barrier_id(%barrier3A_26)
    %mul3A_27 = arith.constant 512 : i32
    %mul3A_28 = arith.muli %arg1, %mul3A_27 : i32
    %add3A_29 = arith.constant 0 : i32
    %add3A_30 = arith.addi %mul3A_28, %add3A_29 : i32
    "tpu.region"() ({
      %run_scoped3A = tpu.sem_alloc : memref<!tpu.dma_semaphore, #tpu.memory_space<semaphore_mem>>
      %dma_start3A = arith.constant 0 : i32
      %dma_start3A_232 = tpu.memref_slice %arg6[%add3A_30, %dma_start3A] : memref<8320x128xf32, #tpu.memory_space<vmem_shared>> -> memref<128x128xf32, #tpu.memory_space<vmem_shared>>
      %dma_start3A_233 = arith.constant 0 : i32
      %dma_start3A_234 = tpu.memref_slice %arg6[%add3A_30, %dma_start3A_233] : memref<8320x128xf32, #tpu.memory_space<vmem_shared>> -> memref<128x128xf32, #tpu.memory_space<vmem_shared>>
      tpu.enqueue_dma source(%dma_start3A_234 : memref<128x128xf32, #tpu.memory_space<vmem_shared>>) target(%arg7 : memref<128x128xf32, #tpu.memory_space<vmem>>) target_semaphore(%run_scoped3A : memref<!tpu.dma_semaphore, #tpu.memory_space<semaphore_mem>>)
      %dma_wait3A = arith.constant 0 : i32
      %dma_wait3A_235 = tpu.memref_slice %arg6[%add3A_30, %dma_wait3A] : memref<8320x128xf32, #tpu.memory_space<vmem_shared>> -> memref<128x128xf32, #tpu.memory_space<vmem_shared>>
      %dma_wait3A_236 = arith.constant 0 : i32
      %dma_wait3A_237 = tpu.memref_slice %arg6[%add3A_30, %dma_wait3A_236] : memref<8320x128xf32, #tpu.memory_space<vmem_shared>> -> memref<128x128xf32, #tpu.memory_space<vmem_shared>>
      tpu.wait_dma2 semaphore(%run_scoped3A : memref<!tpu.dma_semaphore, #tpu.memory_space<semaphore_mem>>) src(%dma_wait3A_237 : memref<128x128xf32, #tpu.memory_space<vmem_shared>>) dst(%arg7 : memref<128x128xf32, #tpu.memory_space<vmem>>)
      tpu.yield
    }) : () -> ()
    %add3A_31 = arith.constant 0 : i32
    %add3A_32 = arith.addi %add3A_31, %mul3A_28 : i32
    %add3A_33 = arith.constant 0 : i32
    %add3A_34 = arith.addi %add3A_32, %add3A_33 : i32
    "tpu.region"() ({
      %run_scoped3A = tpu.sem_alloc : memref<!tpu.dma_semaphore, #tpu.memory_space<semaphore_mem>>
      %dma_start3A = arith.constant 0 : i32
      %dma_start3A_232 = tpu.memref_slice %arg5[%add3A_1, %add3A_34, %dma_start3A] : memref<4x16384x128xf32, #tpu.memory_space<hbm>> -> memref<1x128x128xf32, #tpu.memory_space<hbm>>
      %dma_start3A_233 = tpu.memref_squeeze %dma_start3A_232 : memref<1x128x128xf32, #tpu.memory_space<hbm>> -> memref<128x128xf32, #tpu.memory_space<hbm>>
      %dma_start3A_234 = arith.constant 0 : i32
      %dma_start3A_235 = tpu.memref_slice %arg5[%add3A_1, %add3A_34, %dma_start3A_234] : memref<4x16384x128xf32, #tpu.memory_space<hbm>> -> memref<1x128x128xf32, #tpu.memory_space<hbm>>
      %dma_start3A_236 = tpu.memref_squeeze %dma_start3A_235 : memref<1x128x128xf32, #tpu.memory_space<hbm>> -> memref<128x128xf32, #tpu.memory_space<hbm>>
      tpu.enqueue_dma source(%arg7 : memref<128x128xf32, #tpu.memory_space<vmem>>) target(%dma_start3A_236 : memref<128x128xf32, #tpu.memory_space<hbm>>) target_semaphore(%run_scoped3A : memref<!tpu.dma_semaphore, #tpu.memory_space<semaphore_mem>>)
      %dma_wait3A = arith.constant 0 : i32
      %dma_wait3A_237 = tpu.memref_slice %arg5[%add3A_1, %add3A_34, %dma_wait3A] : memref<4x16384x128xf32, #tpu.memory_space<hbm>> -> memref<1x128x128xf32, #tpu.memory_space<hbm>>
      %dma_wait3A_238 = tpu.memref_squeeze %dma_wait3A_237 : memref<1x128x128xf32, #tpu.memory_space<hbm>> -> memref<128x128xf32, #tpu.memory_space<hbm>>
      %dma_wait3A_239 = arith.constant 0 : i32
      %dma_wait3A_240 = tpu.memref_slice %arg5[%add3A_1, %add3A_34, %dma_wait3A_239] : memref<4x16384x128xf32, #tpu.memory_space<hbm>> -> memref<1x128x128xf32, #tpu.memory_space<hbm>>
      %dma_wait3A_241 = tpu.memref_squeeze %dma_wait3A_240 : memref<1x128x128xf32, #tpu.memory_space<hbm>> -> memref<128x128xf32, #tpu.memory_space<hbm>>
      tpu.wait_dma2 semaphore(%run_scoped3A : memref<!tpu.dma_semaphore, #tpu.memory_space<semaphore_mem>>) src(%arg7 : memref<128x128xf32, #tpu.memory_space<vmem>>) dst(%dma_wait3A_241 : memref<128x128xf32, #tpu.memory_space<hbm>>)
      tpu.yield
    }) : () -> ()
    %add3A_35 = arith.constant 128 : i32
    %add3A_36 = arith.addi %mul3A_28, %add3A_35 : i32
    "tpu.region"() ({
      %run_scoped3A = tpu.sem_alloc : memref<!tpu.dma_semaphore, #tpu.memory_space<semaphore_mem>>
      %dma_start3A = arith.constant 0 : i32
      %dma_start3A_232 = tpu.memref_slice %arg6[%add3A_36, %dma_start3A] : memref<8320x128xf32, #tpu.memory_space<vmem_shared>> -> memref<128x128xf32, #tpu.memory_space<vmem_shared>>
      %dma_start3A_233 = arith.constant 0 : i32
      %dma_start3A_234 = tpu.memref_slice %arg6[%add3A_36, %dma_start3A_233] : memref<8320x128xf32, #tpu.memory_space<vmem_shared>> -> memref<128x128xf32, #tpu.memory_space<vmem_shared>>
      tpu.enqueue_dma source(%dma_start3A_234 : memref<128x128xf32, #tpu.memory_space<vmem_shared>>) target(%arg7 : memref<128x128xf32, #tpu.memory_space<vmem>>) target_semaphore(%run_scoped3A : memref<!tpu.dma_semaphore, #tpu.memory_space<semaphore_mem>>)
      %dma_wait3A = arith.constant 0 : i32
      %dma_wait3A_235 = tpu.memref_slice %arg6[%add3A_36, %dma_wait3A] : memref<8320x128xf32, #tpu.memory_space<vmem_shared>> -> memref<128x128xf32, #tpu.memory_space<vmem_shared>>
      %dma_wait3A_236 = arith.constant 0 : i32
      %dma_wait3A_237 = tpu.memref_slice %arg6[%add3A_36, %dma_wait3A_236] : memref<8320x128xf32, #tpu.memory_space<vmem_shared>> -> memref<128x128xf32, #tpu.memory_space<vmem_shared>>
      tpu.wait_dma2 semaphore(%run_scoped3A : memref<!tpu.dma_semaphore, #tpu.memory_space<semaphore_mem>>) src(%dma_wait3A_237 : memref<128x128xf32, #tpu.memory_space<vmem_shared>>) dst(%arg7 : memref<128x128xf32, #tpu.memory_space<vmem>>)
      tpu.yield
    }) : () -> ()
    %add3A_37 = arith.constant 0 : i32
    %add3A_38 = arith.addi %add3A_37, %mul3A_28 : i32
    %add3A_39 = arith.constant 128 : i32
    %add3A_40 = arith.addi %add3A_38, %add3A_39 : i32
    "tpu.region"() ({
      %run_scoped3A = tpu.sem_alloc : memref<!tpu.dma_semaphore, #tpu.memory_space<semaphore_mem>>
      %dma_start3A = arith.constant 0 : i32
      %dma_start3A_232 = tpu.memref_slice %arg5[%add3A_1, %add3A_40, %dma_start3A] : memref<4x16384x128xf32, #tpu.memory_space<hbm>> -> memref<1x128x128xf32, #tpu.memory_space<hbm>>
      %dma_start3A_233 = tpu.memref_squeeze %dma_start3A_232 : memref<1x128x128xf32, #tpu.memory_space<hbm>> -> memref<128x128xf32, #tpu.memory_space<hbm>>
      %dma_start3A_234 = arith.constant 0 : i32
      %dma_start3A_235 = tpu.memref_slice %arg5[%add3A_1, %add3A_40, %dma_start3A_234] : memref<4x16384x128xf32, #tpu.memory_space<hbm>> -> memref<1x128x128xf32, #tpu.memory_space<hbm>>
      %dma_start3A_236 = tpu.memref_squeeze %dma_start3A_235 : memref<1x128x128xf32, #tpu.memory_space<hbm>> -> memref<128x128xf32, #tpu.memory_space<hbm>>
      tpu.enqueue_dma source(%arg7 : memref<128x128xf32, #tpu.memory_space<vmem>>) target(%dma_start3A_236 : memref<128x128xf32, #tpu.memory_space<hbm>>) target_semaphore(%run_scoped3A : memref<!tpu.dma_semaphore, #tpu.memory_space<semaphore_mem>>)
      %dma_wait3A = arith.constant 0 : i32
      %dma_wait3A_237 = tpu.memref_slice %arg5[%add3A_1, %add3A_40, %dma_wait3A] : memref<4x16384x128xf32, #tpu.memory_space<hbm>> -> memref<1x128x128xf32, #tpu.memory_space<hbm>>
      %dma_wait3A_238 = tpu.memref_squeeze %dma_wait3A_237 : memref<1x128x128xf32, #tpu.memory_space<hbm>> -> memref<128x128xf32, #tpu.memory_space<hbm>>
      %dma_wait3A_239 = arith.constant 0 : i32
      %dma_wait3A_240 = tpu.memref_slice %arg5[%add3A_1, %add3A_40, %dma_wait3A_239] : memref<4x16384x128xf32, #tpu.memory_space<hbm>> -> memref<1x128x128xf32, #tpu.memory_space<hbm>>
      %dma_wait3A_241 = tpu.memref_squeeze %dma_wait3A_240 : memref<1x128x128xf32, #tpu.memory_space<hbm>> -> memref<128x128xf32, #tpu.memory_space<hbm>>
      tpu.wait_dma2 semaphore(%run_scoped3A : memref<!tpu.dma_semaphore, #tpu.memory_space<semaphore_mem>>) src(%arg7 : memref<128x128xf32, #tpu.memory_space<vmem>>) dst(%dma_wait3A_241 : memref<128x128xf32, #tpu.memory_space<hbm>>)
      tpu.yield
    }) : () -> ()
    %add3A_41 = arith.constant 256 : i32
    %add3A_42 = arith.addi %mul3A_28, %add3A_41 : i32
    "tpu.region"() ({
      %run_scoped3A = tpu.sem_alloc : memref<!tpu.dma_semaphore, #tpu.memory_space<semaphore_mem>>
      %dma_start3A = arith.constant 0 : i32
      %dma_start3A_232 = tpu.memref_slice %arg6[%add3A_42, %dma_start3A] : memref<8320x128xf32, #tpu.memory_space<vmem_shared>> -> memref<128x128xf32, #tpu.memory_space<vmem_shared>>
      %dma_start3A_233 = arith.constant 0 : i32
      %dma_start3A_234 = tpu.memref_slice %arg6[%add3A_42, %dma_start3A_233] : memref<8320x128xf32, #tpu.memory_space<vmem_shared>> -> memref<128x128xf32, #tpu.memory_space<vmem_shared>>
      tpu.enqueue_dma source(%dma_start3A_234 : memref<128x128xf32, #tpu.memory_space<vmem_shared>>) target(%arg7 : memref<128x128xf32, #tpu.memory_space<vmem>>) target_semaphore(%run_scoped3A : memref<!tpu.dma_semaphore, #tpu.memory_space<semaphore_mem>>)
      %dma_wait3A = arith.constant 0 : i32
      %dma_wait3A_235 = tpu.memref_slice %arg6[%add3A_42, %dma_wait3A] : memref<8320x128xf32, #tpu.memory_space<vmem_shared>> -> memref<128x128xf32, #tpu.memory_space<vmem_shared>>
      %dma_wait3A_236 = arith.constant 0 : i32
      %dma_wait3A_237 = tpu.memref_slice %arg6[%add3A_42, %dma_wait3A_236] : memref<8320x128xf32, #tpu.memory_space<vmem_shared>> -> memref<128x128xf32, #tpu.memory_space<vmem_shared>>
      tpu.wait_dma2 semaphore(%run_scoped3A : memref<!tpu.dma_semaphore, #tpu.memory_space<semaphore_mem>>) src(%dma_wait3A_237 : memref<128x128xf32, #tpu.memory_space<vmem_shared>>) dst(%arg7 : memref<128x128xf32, #tpu.memory_space<vmem>>)
      tpu.yield
    }) : () -> ()
    %add3A_43 = arith.constant 0 : i32
    %add3A_44 = arith.addi %add3A_43, %mul3A_28 : i32
    %add3A_45 = arith.constant 256 : i32
    %add3A_46 = arith.addi %add3A_44, %add3A_45 : i32
    "tpu.region"() ({
      %run_scoped3A = tpu.sem_alloc : memref<!tpu.dma_semaphore, #tpu.memory_space<semaphore_mem>>
      %dma_start3A = arith.constant 0 : i32
      %dma_start3A_232 = tpu.memref_slice %arg5[%add3A_1, %add3A_46, %dma_start3A] : memref<4x16384x128xf32, #tpu.memory_space<hbm>> -> memref<1x128x128xf32, #tpu.memory_space<hbm>>
      %dma_start3A_233 = tpu.memref_squeeze %dma_start3A_232 : memref<1x128x128xf32, #tpu.memory_space<hbm>> -> memref<128x128xf32, #tpu.memory_space<hbm>>
      %dma_start3A_234 = arith.constant 0 : i32
      %dma_start3A_235 = tpu.memref_slice %arg5[%add3A_1, %add3A_46, %dma_start3A_234] : memref<4x16384x128xf32, #tpu.memory_space<hbm>> -> memref<1x128x128xf32, #tpu.memory_space<hbm>>
      %dma_start3A_236 = tpu.memref_squeeze %dma_start3A_235 : memref<1x128x128xf32, #tpu.memory_space<hbm>> -> memref<128x128xf32, #tpu.memory_space<hbm>>
      tpu.enqueue_dma source(%arg7 : memref<128x128xf32, #tpu.memory_space<vmem>>) target(%dma_start3A_236 : memref<128x128xf32, #tpu.memory_space<hbm>>) target_semaphore(%run_scoped3A : memref<!tpu.dma_semaphore, #tpu.memory_space<semaphore_mem>>)
      %dma_wait3A = arith.constant 0 : i32
      %dma_wait3A_237 = tpu.memref_slice %arg5[%add3A_1, %add3A_46, %dma_wait3A] : memref<4x16384x128xf32, #tpu.memory_space<hbm>> -> memref<1x128x128xf32, #tpu.memory_space<hbm>>
      %dma_wait3A_238 = tpu.memref_squeeze %dma_wait3A_237 : memref<1x128x128xf32, #tpu.memory_space<hbm>> -> memref<128x128xf32, #tpu.memory_space<hbm>>
      %dma_wait3A_239 = arith.constant 0 : i32
      %dma_wait3A_240 = tpu.memref_slice %arg5[%add3A_1, %add3A_46, %dma_wait3A_239] : memref<4x16384x128xf32, #tpu.memory_space<hbm>> -> memref<1x128x128xf32, #tpu.memory_space<hbm>>
      %dma_wait3A_241 = tpu.memref_squeeze %dma_wait3A_240 : memref<1x128x128xf32, #tpu.memory_space<hbm>> -> memref<128x128xf32, #tpu.memory_space<hbm>>
      tpu.wait_dma2 semaphore(%run_scoped3A : memref<!tpu.dma_semaphore, #tpu.memory_space<semaphore_mem>>) src(%arg7 : memref<128x128xf32, #tpu.memory_space<vmem>>) dst(%dma_wait3A_241 : memref<128x128xf32, #tpu.memory_space<hbm>>)
      tpu.yield
    }) : () -> ()
    %add3A_47 = arith.constant 384 : i32
    %add3A_48 = arith.addi %mul3A_28, %add3A_47 : i32
    "tpu.region"() ({
      %run_scoped3A = tpu.sem_alloc : memref<!tpu.dma_semaphore, #tpu.memory_space<semaphore_mem>>
      %dma_start3A = arith.constant 0 : i32
      %dma_start3A_232 = tpu.memref_slice %arg6[%add3A_48, %dma_start3A] : memref<8320x128xf32, #tpu.memory_space<vmem_shared>> -> memref<128x128xf32, #tpu.memory_space<vmem_shared>>
      %dma_start3A_233 = arith.constant 0 : i32
      %dma_start3A_234 = tpu.memref_slice %arg6[%add3A_48, %dma_start3A_233] : memref<8320x128xf32, #tpu.memory_space<vmem_shared>> -> memref<128x128xf32, #tpu.memory_space<vmem_shared>>
      tpu.enqueue_dma source(%dma_start3A_234 : memref<128x128xf32, #tpu.memory_space<vmem_shared>>) target(%arg7 : memref<128x128xf32, #tpu.memory_space<vmem>>) target_semaphore(%run_scoped3A : memref<!tpu.dma_semaphore, #tpu.memory_space<semaphore_mem>>)
      %dma_wait3A = arith.constant 0 : i32
      %dma_wait3A_235 = tpu.memref_slice %arg6[%add3A_48, %dma_wait3A] : memref<8320x128xf32, #tpu.memory_space<vmem_shared>> -> memref<128x128xf32, #tpu.memory_space<vmem_shared>>
      %dma_wait3A_236 = arith.constant 0 : i32
      %dma_wait3A_237 = tpu.memref_slice %arg6[%add3A_48, %dma_wait3A_236] : memref<8320x128xf32, #tpu.memory_space<vmem_shared>> -> memref<128x128xf32, #tpu.memory_space<vmem_shared>>
      tpu.wait_dma2 semaphore(%run_scoped3A : memref<!tpu.dma_semaphore, #tpu.memory_space<semaphore_mem>>) src(%dma_wait3A_237 : memref<128x128xf32, #tpu.memory_space<vmem_shared>>) dst(%arg7 : memref<128x128xf32, #tpu.memory_space<vmem>>)
      tpu.yield
    }) : () -> ()
    %add3A_49 = arith.constant 0 : i32
    %add3A_50 = arith.addi %add3A_49, %mul3A_28 : i32
    %add3A_51 = arith.constant 384 : i32
    %add3A_52 = arith.addi %add3A_50, %add3A_51 : i32
    "tpu.region"() ({
      %run_scoped3A = tpu.sem_alloc : memref<!tpu.dma_semaphore, #tpu.memory_space<semaphore_mem>>
      %dma_start3A = arith.constant 0 : i32
      %dma_start3A_232 = tpu.memref_slice %arg5[%add3A_1, %add3A_52, %dma_start3A] : memref<4x16384x128xf32, #tpu.memory_space<hbm>> -> memref<1x128x128xf32, #tpu.memory_space<hbm>>
      %dma_start3A_233 = tpu.memref_squeeze %dma_start3A_232 : memref<1x128x128xf32, #tpu.memory_space<hbm>> -> memref<128x128xf32, #tpu.memory_space<hbm>>
      %dma_start3A_234 = arith.constant 0 : i32
      %dma_start3A_235 = tpu.memref_slice %arg5[%add3A_1, %add3A_52, %dma_start3A_234] : memref<4x16384x128xf32, #tpu.memory_space<hbm>> -> memref<1x128x128xf32, #tpu.memory_space<hbm>>
      %dma_start3A_236 = tpu.memref_squeeze %dma_start3A_235 : memref<1x128x128xf32, #tpu.memory_space<hbm>> -> memref<128x128xf32, #tpu.memory_space<hbm>>
      tpu.enqueue_dma source(%arg7 : memref<128x128xf32, #tpu.memory_space<vmem>>) target(%dma_start3A_236 : memref<128x128xf32, #tpu.memory_space<hbm>>) target_semaphore(%run_scoped3A : memref<!tpu.dma_semaphore, #tpu.memory_space<semaphore_mem>>)
      %dma_wait3A = arith.constant 0 : i32
      %dma_wait3A_237 = tpu.memref_slice %arg5[%add3A_1, %add3A_52, %dma_wait3A] : memref<4x16384x128xf32, #tpu.memory_space<hbm>> -> memref<1x128x128xf32, #tpu.memory_space<hbm>>
      %dma_wait3A_238 = tpu.memref_squeeze %dma_wait3A_237 : memref<1x128x128xf32, #tpu.memory_space<hbm>> -> memref<128x128xf32, #tpu.memory_space<hbm>>
      %dma_wait3A_239 = arith.constant 0 : i32
      %dma_wait3A_240 = tpu.memref_slice %arg5[%add3A_1, %add3A_52, %dma_wait3A_239] : memref<4x16384x128xf32, #tpu.memory_space<hbm>> -> memref<1x128x128xf32, #tpu.memory_space<hbm>>
      %dma_wait3A_241 = tpu.memref_squeeze %dma_wait3A_240 : memref<1x128x128xf32, #tpu.memory_space<hbm>> -> memref<128x128xf32, #tpu.memory_space<hbm>>
      tpu.wait_dma2 semaphore(%run_scoped3A : memref<!tpu.dma_semaphore, #tpu.memory_space<semaphore_mem>>) src(%arg7 : memref<128x128xf32, #tpu.memory_space<vmem>>) dst(%dma_wait3A_241 : memref<128x128xf32, #tpu.memory_space<hbm>>)
      tpu.yield
    }) : () -> ()
    %barrier3A_53 = arith.constant 0 : index
    tpu.barrier barrier_id(%barrier3A_53)
    "tpu.region"() ({
      %run_scoped3A = tpu.sem_alloc : memref<!tpu.dma_semaphore, #tpu.memory_space<semaphore_mem>>
      tpu.enqueue_dma source(%arg4 : memref<128x128xf32, #tpu.memory_space<hbm>>) target(%arg7 : memref<128x128xf32, #tpu.memory_space<vmem>>) target_semaphore(%run_scoped3A : memref<!tpu.dma_semaphore, #tpu.memory_space<semaphore_mem>>)
      tpu.wait_dma2 semaphore(%run_scoped3A : memref<!tpu.dma_semaphore, #tpu.memory_space<semaphore_mem>>) src(%arg4 : memref<128x128xf32, #tpu.memory_space<hbm>>) dst(%arg7 : memref<128x128xf32, #tpu.memory_space<vmem>>)
      tpu.yield
    }) : () -> ()
    %mul3A_54 = arith.constant 520 : i32
    %mul3A_55 = arith.muli %arg1, %mul3A_54 : i32
    %add3A_56 = arith.constant 0 : i32
    %add3A_57 = arith.addi %mul3A_55, %add3A_56 : i32
    "tpu.region"() ({
      %run_scoped3A = tpu.sem_alloc : memref<!tpu.dma_semaphore, #tpu.memory_space<semaphore_mem>>
      %dma_start3A = arith.constant 0 : i32
      %dma_start3A_232 = tpu.memref_slice %arg6[%add3A_57, %dma_start3A] : memref<8320x128xf32, #tpu.memory_space<vmem_shared>> -> memref<128x128xf32, #tpu.memory_space<vmem_shared>>
      %dma_start3A_233 = arith.constant 0 : i32
      %dma_start3A_234 = tpu.memref_slice %arg6[%add3A_57, %dma_start3A_233] : memref<8320x128xf32, #tpu.memory_space<vmem_shared>> -> memref<128x128xf32, #tpu.memory_space<vmem_shared>>
      tpu.enqueue_dma source(%arg7 : memref<128x128xf32, #tpu.memory_space<vmem>>) target(%dma_start3A_234 : memref<128x128xf32, #tpu.memory_space<vmem_shared>>) target_semaphore(%run_scoped3A : memref<!tpu.dma_semaphore, #tpu.memory_space<semaphore_mem>>)
      %dma_wait3A = arith.constant 0 : i32
      %dma_wait3A_235 = tpu.memref_slice %arg6[%add3A_57, %dma_wait3A] : memref<8320x128xf32, #tpu.memory_space<vmem_shared>> -> memref<128x128xf32, #tpu.memory_space<vmem_shared>>
      %dma_wait3A_236 = arith.constant 0 : i32
      %dma_wait3A_237 = tpu.memref_slice %arg6[%add3A_57, %dma_wait3A_236] : memref<8320x128xf32, #tpu.memory_space<vmem_shared>> -> memref<128x128xf32, #tpu.memory_space<vmem_shared>>
      tpu.wait_dma2 semaphore(%run_scoped3A : memref<!tpu.dma_semaphore, #tpu.memory_space<semaphore_mem>>) src(%arg7 : memref<128x128xf32, #tpu.memory_space<vmem>>) dst(%dma_wait3A_237 : memref<128x128xf32, #tpu.memory_space<vmem_shared>>)
      tpu.yield
    }) : () -> ()
    %add3A_58 = arith.constant 128 : i32
    %add3A_59 = arith.addi %mul3A_55, %add3A_58 : i32
    "tpu.region"() ({
      %run_scoped3A = tpu.sem_alloc : memref<!tpu.dma_semaphore, #tpu.memory_space<semaphore_mem>>
      %dma_start3A = arith.constant 0 : i32
      %dma_start3A_232 = tpu.memref_slice %arg6[%add3A_59, %dma_start3A] : memref<8320x128xf32, #tpu.memory_space<vmem_shared>> -> memref<128x128xf32, #tpu.memory_space<vmem_shared>>
      %dma_start3A_233 = arith.constant 0 : i32
      %dma_start3A_234 = tpu.memref_slice %arg6[%add3A_59, %dma_start3A_233] : memref<8320x128xf32, #tpu.memory_space<vmem_shared>> -> memref<128x128xf32, #tpu.memory_space<vmem_shared>>
      tpu.enqueue_dma source(%arg7 : memref<128x128xf32, #tpu.memory_space<vmem>>) target(%dma_start3A_234 : memref<128x128xf32, #tpu.memory_space<vmem_shared>>) target_semaphore(%run_scoped3A : memref<!tpu.dma_semaphore, #tpu.memory_space<semaphore_mem>>)
      %dma_wait3A = arith.constant 0 : i32
      %dma_wait3A_235 = tpu.memref_slice %arg6[%add3A_59, %dma_wait3A] : memref<8320x128xf32, #tpu.memory_space<vmem_shared>> -> memref<128x128xf32, #tpu.memory_space<vmem_shared>>
      %dma_wait3A_236 = arith.constant 0 : i32
      %dma_wait3A_237 = tpu.memref_slice %arg6[%add3A_59, %dma_wait3A_236] : memref<8320x128xf32, #tpu.memory_space<vmem_shared>> -> memref<128x128xf32, #tpu.memory_space<vmem_shared>>
      tpu.wait_dma2 semaphore(%run_scoped3A : memref<!tpu.dma_semaphore, #tpu.memory_space<semaphore_mem>>) src(%arg7 : memref<128x128xf32, #tpu.memory_space<vmem>>) dst(%dma_wait3A_237 : memref<128x128xf32, #tpu.memory_space<vmem_shared>>)
      tpu.yield
    }) : () -> ()
    %add3A_60 = arith.constant 256 : i32
    %add3A_61 = arith.addi %mul3A_55, %add3A_60 : i32
    "tpu.region"() ({
      %run_scoped3A = tpu.sem_alloc : memref<!tpu.dma_semaphore, #tpu.memory_space<semaphore_mem>>
      %dma_start3A = arith.constant 0 : i32
      %dma_start3A_232 = tpu.memref_slice %arg6[%add3A_61, %dma_start3A] : memref<8320x128xf32, #tpu.memory_space<vmem_shared>> -> memref<128x128xf32, #tpu.memory_space<vmem_shared>>
      %dma_start3A_233 = arith.constant 0 : i32
      %dma_start3A_234 = tpu.memref_slice %arg6[%add3A_61, %dma_start3A_233] : memref<8320x128xf32, #tpu.memory_space<vmem_shared>> -> memref<128x128xf32, #tpu.memory_space<vmem_shared>>
      tpu.enqueue_dma source(%arg7 : memref<128x128xf32, #tpu.memory_space<vmem>>) target(%dma_start3A_234 : memref<128x128xf32, #tpu.memory_space<vmem_shared>>) target_semaphore(%run_scoped3A : memref<!tpu.dma_semaphore, #tpu.memory_space<semaphore_mem>>)
      %dma_wait3A = arith.constant 0 : i32
      %dma_wait3A_235 = tpu.memref_slice %arg6[%add3A_61, %dma_wait3A] : memref<8320x128xf32, #tpu.memory_space<vmem_shared>> -> memref<128x128xf32, #tpu.memory_space<vmem_shared>>
      %dma_wait3A_236 = arith.constant 0 : i32
      %dma_wait3A_237 = tpu.memref_slice %arg6[%add3A_61, %dma_wait3A_236] : memref<8320x128xf32, #tpu.memory_space<vmem_shared>> -> memref<128x128xf32, #tpu.memory_space<vmem_shared>>
      tpu.wait_dma2 semaphore(%run_scoped3A : memref<!tpu.dma_semaphore, #tpu.memory_space<semaphore_mem>>) src(%arg7 : memref<128x128xf32, #tpu.memory_space<vmem>>) dst(%dma_wait3A_237 : memref<128x128xf32, #tpu.memory_space<vmem_shared>>)
      tpu.yield
    }) : () -> ()
    %add3A_62 = arith.constant 384 : i32
    %add3A_63 = arith.addi %mul3A_55, %add3A_62 : i32
    "tpu.region"() ({
      %run_scoped3A = tpu.sem_alloc : memref<!tpu.dma_semaphore, #tpu.memory_space<semaphore_mem>>
      %dma_start3A = arith.constant 0 : i32
      %dma_start3A_232 = tpu.memref_slice %arg6[%add3A_63, %dma_start3A] : memref<8320x128xf32, #tpu.memory_space<vmem_shared>> -> memref<128x128xf32, #tpu.memory_space<vmem_shared>>
      %dma_start3A_233 = arith.constant 0 : i32
      %dma_start3A_234 = tpu.memref_slice %arg6[%add3A_63, %dma_start3A_233] : memref<8320x128xf32, #tpu.memory_space<vmem_shared>> -> memref<128x128xf32, #tpu.memory_space<vmem_shared>>
      tpu.enqueue_dma source(%arg7 : memref<128x128xf32, #tpu.memory_space<vmem>>) target(%dma_start3A_234 : memref<128x128xf32, #tpu.memory_space<vmem_shared>>) target_semaphore(%run_scoped3A : memref<!tpu.dma_semaphore, #tpu.memory_space<semaphore_mem>>)
      %dma_wait3A = arith.constant 0 : i32
      %dma_wait3A_235 = tpu.memref_slice %arg6[%add3A_63, %dma_wait3A] : memref<8320x128xf32, #tpu.memory_space<vmem_shared>> -> memref<128x128xf32, #tpu.memory_space<vmem_shared>>
      %dma_wait3A_236 = arith.constant 0 : i32
      %dma_wait3A_237 = tpu.memref_slice %arg6[%add3A_63, %dma_wait3A_236] : memref<8320x128xf32, #tpu.memory_space<vmem_shared>> -> memref<128x128xf32, #tpu.memory_space<vmem_shared>>
      tpu.wait_dma2 semaphore(%run_scoped3A : memref<!tpu.dma_semaphore, #tpu.memory_space<semaphore_mem>>) src(%arg7 : memref<128x128xf32, #tpu.memory_space<vmem>>) dst(%dma_wait3A_237 : memref<128x128xf32, #tpu.memory_space<vmem_shared>>)
      tpu.yield
    }) : () -> ()
    %add3A_64 = arith.constant 512 : i32
    %add3A_65 = arith.addi %mul3A_55, %add3A_64 : i32
    "tpu.region"() ({
      %run_scoped3A = tpu.sem_alloc : memref<!tpu.dma_semaphore, #tpu.memory_space<semaphore_mem>>
      %dma_start3A = arith.constant 0 : i32
      %dma_start3A_232 = arith.constant 0 : i32
      %dma_start3A_233 = tpu.memref_slice %arg7[%dma_start3A, %dma_start3A_232] : memref<128x128xf32, #tpu.memory_space<vmem>> -> memref<8x128xf32, #tpu.memory_space<vmem>>
      %dma_start3A_234 = arith.constant 0 : i32
      %dma_start3A_235 = tpu.memref_slice %arg6[%add3A_65, %dma_start3A_234] : memref<8320x128xf32, #tpu.memory_space<vmem_shared>> -> memref<8x128xf32, #tpu.memory_space<vmem_shared>>
      %dma_start3A_236 = arith.constant 0 : i32
      %dma_start3A_237 = tpu.memref_slice %arg6[%add3A_65, %dma_start3A_236] : memref<8320x128xf32, #tpu.memory_space<vmem_shared>> -> memref<8x128xf32, #tpu.memory_space<vmem_shared>>
      %dma_start3A_238 = arith.constant 0 : i32
      %dma_start3A_239 = arith.constant 0 : i32
      %dma_start3A_240 = tpu.memref_slice %arg7[%dma_start3A_238, %dma_start3A_239] : memref<128x128xf32, #tpu.memory_space<vmem>> -> memref<8x128xf32, #tpu.memory_space<vmem>>
      tpu.enqueue_dma source(%dma_start3A_240 : memref<8x128xf32, #tpu.memory_space<vmem>>) target(%dma_start3A_237 : memref<8x128xf32, #tpu.memory_space<vmem_shared>>) target_semaphore(%run_scoped3A : memref<!tpu.dma_semaphore, #tpu.memory_space<semaphore_mem>>)
      %dma_wait3A = arith.constant 0 : i32
      %dma_wait3A_241 = arith.constant 0 : i32
      %dma_wait3A_242 = tpu.memref_slice %arg7[%dma_wait3A, %dma_wait3A_241] : memref<128x128xf32, #tpu.memory_space<vmem>> -> memref<8x128xf32, #tpu.memory_space<vmem>>
      %dma_wait3A_243 = arith.constant 0 : i32
      %dma_wait3A_244 = tpu.memref_slice %arg6[%add3A_65, %dma_wait3A_243] : memref<8320x128xf32, #tpu.memory_space<vmem_shared>> -> memref<8x128xf32, #tpu.memory_space<vmem_shared>>
      %dma_wait3A_245 = arith.constant 0 : i32
      %dma_wait3A_246 = tpu.memref_slice %arg6[%add3A_65, %dma_wait3A_245] : memref<8320x128xf32, #tpu.memory_space<vmem_shared>> -> memref<8x128xf32, #tpu.memory_space<vmem_shared>>
      %dma_wait3A_247 = arith.constant 0 : i32
      %dma_wait3A_248 = arith.constant 0 : i32
      %dma_wait3A_249 = tpu.memref_slice %arg7[%dma_wait3A_247, %dma_wait3A_248] : memref<128x128xf32, #tpu.memory_space<vmem>> -> memref<8x128xf32, #tpu.memory_space<vmem>>
      tpu.wait_dma2 semaphore(%run_scoped3A : memref<!tpu.dma_semaphore, #tpu.memory_space<semaphore_mem>>) src(%dma_wait3A_249 : memref<8x128xf32, #tpu.memory_space<vmem>>) dst(%dma_wait3A_246 : memref<8x128xf32, #tpu.memory_space<vmem_shared>>)
      tpu.yield
    }) : () -> ()
    %barrier3A_66 = arith.constant 0 : index
    tpu.barrier barrier_id(%barrier3A_66)
    %add3A_67 = arith.constant 0 : i32
    %add3A_68 = arith.addi %add3A_67, %arg1 : i32
    %lt3A_69 = arith.constant 1562 : i32
    %lt3A_70 = arith.cmpi slt, %add3A_68, %lt3A_69 : i32
    %convert_element_type3A_71 = arith.extui %lt3A_70 : i1 to i32
    %cond3A_72 = arith.constant 0 : i32
    %cond3A_73 = arith.cmpi ne, %convert_element_type3A_71, %cond3A_72 : i32
    scf.if %cond3A_73 {
      %mul3A_232 = arith.constant 200000 : i32
      %mul3A_233 = arith.muli %add3A_1, %mul3A_232 : i32
      %mul3A_234 = arith.constant 128 : i32
      %mul3A_235 = arith.muli %add3A_68, %mul3A_234 : i32
      %add3A_236 = arith.addi %mul3A_233, %mul3A_235 : i32
      %dma_start3A = tpu.memref_slice %arg3[%add3A_236] : memref<800000xi32, #tpu.memory_space<hbm>> -> memref<128xi32, #tpu.memory_space<hbm>>
      %dma_start3A_237 = tpu.memref_slice %arg3[%add3A_236] : memref<800000xi32, #tpu.memory_space<hbm>> -> memref<128xi32, #tpu.memory_space<hbm>>
      tpu.enqueue_dma source(%dma_start3A_237 : memref<128xi32, #tpu.memory_space<hbm>>) target(%arg8 : memref<128xi32, #tpu.memory_space<vmem>>) target_semaphore(%arg13 : memref<!tpu.dma_semaphore, #tpu.memory_space<semaphore_mem>>)
      %dma_start3A_238 = arith.constant 0 : i32
      %dma_start3A_239 = tpu.memref_slice %arg2[%add3A_236, %dma_start3A_238] : memref<800000x128xf32, #tpu.memory_space<hbm>> -> memref<128x128xf32, #tpu.memory_space<hbm>>
      %dma_start3A_240 = arith.constant 0 : i32
      %dma_start3A_241 = tpu.memref_slice %arg2[%add3A_236, %dma_start3A_240] : memref<800000x128xf32, #tpu.memory_space<hbm>> -> memref<128x128xf32, #tpu.memory_space<hbm>>
      tpu.enqueue_dma source(%dma_start3A_241 : memref<128x128xf32, #tpu.memory_space<hbm>>) target(%arg7 : memref<128x128xf32, #tpu.memory_space<vmem>>) target_semaphore(%arg13 : memref<!tpu.dma_semaphore, #tpu.memory_space<semaphore_mem>>)
    } else {
    }
    %scan3A_74 = arith.constant 0 : i32
    %scan3A_75 = arith.constant 49 : i32
    %scan3A_76 = arith.addi %scan3A_74, %scan3A_75 : i32
    %scan3A_77 = arith.constant 1 : i32
    scf.for %scan3A_232 = %scan3A_74 to %scan3A_76 step %scan3A_77  : i32 {
      %mul3A_233 = arith.constant 2 : i32
      %mul3A_234 = arith.muli %mul3A_233, %scan3A_232 : i32
      %add3A_235 = arith.constant 1 : i32
      %add3A_236 = arith.addi %mul3A_234, %add3A_235 : i32
      %mul3A_237 = arith.constant 16 : i32
      %mul3A_238 = arith.muli %add3A_236, %mul3A_237 : i32
      %add3A_239 = arith.addi %mul3A_238, %arg1 : i32
      %lt3A_240 = arith.constant 1562 : i32
      %lt3A_241 = arith.cmpi slt, %add3A_239, %lt3A_240 : i32
      %convert_element_type3A_242 = arith.extui %lt3A_241 : i1 to i32
      %cond3A_243 = arith.constant 0 : i32
      %cond3A_244 = arith.cmpi ne, %convert_element_type3A_242, %cond3A_243 : i32
      scf.if %cond3A_244 {
        %mul3A_279 = arith.constant 200000 : i32
        %mul3A_280 = arith.muli %add3A_1, %mul3A_279 : i32
        %mul3A_281 = arith.constant 128 : i32
        %mul3A_282 = arith.muli %add3A_239, %mul3A_281 : i32
        %add3A_283 = arith.addi %mul3A_280, %mul3A_282 : i32
        %dma_start3A = tpu.memref_slice %arg3[%add3A_283] : memref<800000xi32, #tpu.memory_space<hbm>> -> memref<128xi32, #tpu.memory_space<hbm>>
        %dma_start3A_284 = tpu.memref_slice %arg3[%add3A_283] : memref<800000xi32, #tpu.memory_space<hbm>> -> memref<128xi32, #tpu.memory_space<hbm>>
        tpu.enqueue_dma source(%dma_start3A_284 : memref<128xi32, #tpu.memory_space<hbm>>) target(%arg10 : memref<128xi32, #tpu.memory_space<vmem>>) target_semaphore(%arg14 : memref<!tpu.dma_semaphore, #tpu.memory_space<semaphore_mem>>)
        %dma_start3A_285 = arith.constant 0 : i32
        %dma_start3A_286 = tpu.memref_slice %arg2[%add3A_283, %dma_start3A_285] : memref<800000x128xf32, #tpu.memory_space<hbm>> -> memref<128x128xf32, #tpu.memory_space<hbm>>
        %dma_start3A_287 = arith.constant 0 : i32
        %dma_start3A_288 = tpu.memref_slice %arg2[%add3A_283, %dma_start3A_287] : memref<800000x128xf32, #tpu.memory_space<hbm>> -> memref<128x128xf32, #tpu.memory_space<hbm>>
        tpu.enqueue_dma source(%dma_start3A_288 : memref<128x128xf32, #tpu.memory_space<hbm>>) target(%arg9 : memref<128x128xf32, #tpu.memory_space<vmem>>) target_semaphore(%arg14 : memref<!tpu.dma_semaphore, #tpu.memory_space<semaphore_mem>>)
      } else {
      }
      %mul3A_245 = arith.constant 2 : i32
      %mul3A_246 = arith.muli %mul3A_245, %scan3A_232 : i32
      %mul3A_247 = arith.constant 16 : i32
      %mul3A_248 = arith.muli %mul3A_246, %mul3A_247 : i32
      %add3A_249 = arith.addi %mul3A_248, %arg1 : i32
      %lt3A_250 = arith.constant 1562 : i32
      %lt3A_251 = arith.cmpi slt, %add3A_249, %lt3A_250 : i32
      %convert_element_type3A_252 = arith.extui %lt3A_251 : i1 to i32
      %cond3A_253 = arith.constant 0 : i32
      %cond3A_254 = arith.cmpi ne, %convert_element_type3A_252, %cond3A_253 : i32
      scf.if %cond3A_254 {
        %mul3A_279 = arith.constant 200000 : i32
        %mul3A_280 = arith.muli %add3A_1, %mul3A_279 : i32
        %mul3A_281 = arith.constant 128 : i32
        %mul3A_282 = arith.muli %add3A_249, %mul3A_281 : i32
        %add3A_283 = arith.addi %mul3A_280, %mul3A_282 : i32
        %dma_wait3A = tpu.memref_slice %arg3[%add3A_283] : memref<800000xi32, #tpu.memory_space<hbm>> -> memref<128xi32, #tpu.memory_space<hbm>>
        %dma_wait3A_284 = tpu.memref_slice %arg3[%add3A_283] : memref<800000xi32, #tpu.memory_space<hbm>> -> memref<128xi32, #tpu.memory_space<hbm>>
        tpu.wait_dma2 semaphore(%arg13 : memref<!tpu.dma_semaphore, #tpu.memory_space<semaphore_mem>>) src(%dma_wait3A_284 : memref<128xi32, #tpu.memory_space<hbm>>) dst(%arg8 : memref<128xi32, #tpu.memory_space<vmem>>)
        %dma_wait3A_285 = arith.constant 0 : i32
        %dma_wait3A_286 = tpu.memref_slice %arg2[%add3A_283, %dma_wait3A_285] : memref<800000x128xf32, #tpu.memory_space<hbm>> -> memref<128x128xf32, #tpu.memory_space<hbm>>
        %dma_wait3A_287 = arith.constant 0 : i32
        %dma_wait3A_288 = tpu.memref_slice %arg2[%add3A_283, %dma_wait3A_287] : memref<800000x128xf32, #tpu.memory_space<hbm>> -> memref<128x128xf32, #tpu.memory_space<hbm>>
        tpu.wait_dma2 semaphore(%arg13 : memref<!tpu.dma_semaphore, #tpu.memory_space<semaphore_mem>>) src(%dma_wait3A_288 : memref<128x128xf32, #tpu.memory_space<hbm>>) dst(%arg7 : memref<128x128xf32, #tpu.memory_space<vmem>>)
        %get3A = arith.constant 0 : index
        %get3A_289 = tpu.vector_load %arg8[%get3A] {strides = array<i32>} : memref<128xi32, #tpu.memory_space<vmem>>, vector<16xi32>,
        %get3A_290 = vector.shape_cast %get3A_289 : vector<16xi32> to vector<16xi32>
        %sub3A = arith.constant 8192 : i32
        %sub3A_291 = vector.broadcast %sub3A : i32 to vector<16xi32>
        %sub3A_292 = arith.subi %get3A_290, %sub3A_291 : vector<16xi32>
        %lt3A_293 = arith.constant 0 : i32
        %lt3A_294 = vector.broadcast %lt3A_293 : i32 to vector<16xi32>
        %lt3A_295 = arith.cmpi slt, %sub3A_292, %lt3A_294 : vector<16xi32>
        %ge3A = arith.constant 8192 : i32
        %ge3A_296 = vector.broadcast %ge3A : i32 to vector<16xi32>
        %ge3A_297 = arith.cmpi sge, %sub3A_292, %ge3A_296 : vector<16xi32>
        %or3A = arith.ori %lt3A_295, %ge3A_297 : vector<16xi1>
        %jit3A = arith.constant 8192 : i32
        %broadcast_in_dim3A = vector.broadcast %jit3A : i32 to vector<16xi32>
        %select_n3A = arith.select %or3A, %broadcast_in_dim3A, %sub3A_292 : vector<16xi1>, vector<16xi32>
        %swap3A = arith.constant 0 : index
        %swap3A_298 = tpu.vector_load %arg8[%swap3A] {strides = array<i32>} : memref<128xi32, #tpu.memory_space<vmem>>, vector<16xi32>,
        %swap3A_299 = vector.shape_cast %swap3A_298 : vector<16xi32> to vector<16xi32>
        %swap3A_300 = vector.shape_cast %select_n3A : vector<16xi32> to vector<16xi32>
        tpu.vector_store %arg8[%swap3A], %swap3A_300 {strides = array<i32>} : memref<128xi32, #tpu.memory_space<vmem>>, vector<16xi32>,
        %get3A_301 = arith.constant 16 : index
        %get3A_302 = tpu.vector_load %arg8[%get3A_301] {strides = array<i32>} : memref<128xi32, #tpu.memory_space<vmem>>, vector<16xi32>,
        %get3A_303 = vector.shape_cast %get3A_302 : vector<16xi32> to vector<16xi32>
        %sub3A_304 = arith.constant 8192 : i32
        %sub3A_305 = vector.broadcast %sub3A_304 : i32 to vector<16xi32>
        %sub3A_306 = arith.subi %get3A_303, %sub3A_305 : vector<16xi32>
        %lt3A_307 = arith.constant 0 : i32
        %lt3A_308 = vector.broadcast %lt3A_307 : i32 to vector<16xi32>
        %lt3A_309 = arith.cmpi slt, %sub3A_306, %lt3A_308 : vector<16xi32>
        %ge3A_310 = arith.constant 8192 : i32
        %ge3A_311 = vector.broadcast %ge3A_310 : i32 to vector<16xi32>
        %ge3A_312 = arith.cmpi sge, %sub3A_306, %ge3A_311 : vector<16xi32>
        %or3A_313 = arith.ori %lt3A_309, %ge3A_312 : vector<16xi1>
        %jit3A_314 = arith.constant 8192 : i32
        %broadcast_in_dim3A_315 = vector.broadcast %jit3A_314 : i32 to vector<16xi32>
        %select_n3A_316 = arith.select %or3A_313, %broadcast_in_dim3A_315, %sub3A_306 : vector<16xi1>, vector<16xi32>
        %swap3A_317 = arith.constant 16 : index
        %swap3A_318 = tpu.vector_load %arg8[%swap3A_317] {strides = array<i32>} : memref<128xi32, #tpu.memory_space<vmem>>, vector<16xi32>,
        %swap3A_319 = vector.shape_cast %swap3A_318 : vector<16xi32> to vector<16xi32>
        %swap3A_320 = vector.shape_cast %select_n3A_316 : vector<16xi32> to vector<16xi32>
        tpu.vector_store %arg8[%swap3A_317], %swap3A_320 {strides = array<i32>} : memref<128xi32, #tpu.memory_space<vmem>>, vector<16xi32>,
        %get3A_321 = arith.constant 32 : index
        %get3A_322 = tpu.vector_load %arg8[%get3A_321] {strides = array<i32>} : memref<128xi32, #tpu.memory_space<vmem>>, vector<16xi32>,
        %get3A_323 = vector.shape_cast %get3A_322 : vector<16xi32> to vector<16xi32>
        %sub3A_324 = arith.constant 8192 : i32
        %sub3A_325 = vector.broadcast %sub3A_324 : i32 to vector<16xi32>
        %sub3A_326 = arith.subi %get3A_323, %sub3A_325 : vector<16xi32>
        %lt3A_327 = arith.constant 0 : i32
        %lt3A_328 = vector.broadcast %lt3A_327 : i32 to vector<16xi32>
        %lt3A_329 = arith.cmpi slt, %sub3A_326, %lt3A_328 : vector<16xi32>
        %ge3A_330 = arith.constant 8192 : i32
        %ge3A_331 = vector.broadcast %ge3A_330 : i32 to vector<16xi32>
        %ge3A_332 = arith.cmpi sge, %sub3A_326, %ge3A_331 : vector<16xi32>
        %or3A_333 = arith.ori %lt3A_329, %ge3A_332 : vector<16xi1>
        %jit3A_334 = arith.constant 8192 : i32
        %broadcast_in_dim3A_335 = vector.broadcast %jit3A_334 : i32 to vector<16xi32>
        %select_n3A_336 = arith.select %or3A_333, %broadcast_in_dim3A_335, %sub3A_326 : vector<16xi1>, vector<16xi32>
        %swap3A_337 = arith.constant 32 : index
        %swap3A_338 = tpu.vector_load %arg8[%swap3A_337] {strides = array<i32>} : memref<128xi32, #tpu.memory_space<vmem>>, vector<16xi32>,
        %swap3A_339 = vector.shape_cast %swap3A_338 : vector<16xi32> to vector<16xi32>
        %swap3A_340 = vector.shape_cast %select_n3A_336 : vector<16xi32> to vector<16xi32>
        tpu.vector_store %arg8[%swap3A_337], %swap3A_340 {strides = array<i32>} : memref<128xi32, #tpu.memory_space<vmem>>, vector<16xi32>,
        %get3A_341 = arith.constant 48 : index
        %get3A_342 = tpu.vector_load %arg8[%get3A_341] {strides = array<i32>} : memref<128xi32, #tpu.memory_space<vmem>>, vector<16xi32>,
        %get3A_343 = vector.shape_cast %get3A_342 : vector<16xi32> to vector<16xi32>
        %sub3A_344 = arith.constant 8192 : i32
        %sub3A_345 = vector.broadcast %sub3A_344 : i32 to vector<16xi32>
        %sub3A_346 = arith.subi %get3A_343, %sub3A_345 : vector<16xi32>
        %lt3A_347 = arith.constant 0 : i32
        %lt3A_348 = vector.broadcast %lt3A_347 : i32 to vector<16xi32>
        %lt3A_349 = arith.cmpi slt, %sub3A_346, %lt3A_348 : vector<16xi32>
        %ge3A_350 = arith.constant 8192 : i32
        %ge3A_351 = vector.broadcast %ge3A_350 : i32 to vector<16xi32>
        %ge3A_352 = arith.cmpi sge, %sub3A_346, %ge3A_351 : vector<16xi32>
        %or3A_353 = arith.ori %lt3A_349, %ge3A_352 : vector<16xi1>
        %jit3A_354 = arith.constant 8192 : i32
        %broadcast_in_dim3A_355 = vector.broadcast %jit3A_354 : i32 to vector<16xi32>
        %select_n3A_356 = arith.select %or3A_353, %broadcast_in_dim3A_355, %sub3A_346 : vector<16xi1>, vector<16xi32>
        %swap3A_357 = arith.constant 48 : index
        %swap3A_358 = tpu.vector_load %arg8[%swap3A_357] {strides = array<i32>} : memref<128xi32, #tpu.memory_space<vmem>>, vector<16xi32>,
        %swap3A_359 = vector.shape_cast %swap3A_358 : vector<16xi32> to vector<16xi32>
        %swap3A_360 = vector.shape_cast %select_n3A_356 : vector<16xi32> to vector<16xi32>
        tpu.vector_store %arg8[%swap3A_357], %swap3A_360 {strides = array<i32>} : memref<128xi32, #tpu.memory_space<vmem>>, vector<16xi32>,
        %get3A_361 = arith.constant 64 : index
        %get3A_362 = tpu.vector_load %arg8[%get3A_361] {strides = array<i32>} : memref<128xi32, #tpu.memory_space<vmem>>, vector<16xi32>,
        %get3A_363 = vector.shape_cast %get3A_362 : vector<16xi32> to vector<16xi32>
        %sub3A_364 = arith.constant 8192 : i32
        %sub3A_365 = vector.broadcast %sub3A_364 : i32 to vector<16xi32>
        %sub3A_366 = arith.subi %get3A_363, %sub3A_365 : vector<16xi32>
        %lt3A_367 = arith.constant 0 : i32
        %lt3A_368 = vector.broadcast %lt3A_367 : i32 to vector<16xi32>
        %lt3A_369 = arith.cmpi slt, %sub3A_366, %lt3A_368 : vector<16xi32>
        %ge3A_370 = arith.constant 8192 : i32
        %ge3A_371 = vector.broadcast %ge3A_370 : i32 to vector<16xi32>
        %ge3A_372 = arith.cmpi sge, %sub3A_366, %ge3A_371 : vector<16xi32>
        %or3A_373 = arith.ori %lt3A_369, %ge3A_372 : vector<16xi1>
        %jit3A_374 = arith.constant 8192 : i32
        %broadcast_in_dim3A_375 = vector.broadcast %jit3A_374 : i32 to vector<16xi32>
        %select_n3A_376 = arith.select %or3A_373, %broadcast_in_dim3A_375, %sub3A_366 : vector<16xi1>, vector<16xi32>
        %swap3A_377 = arith.constant 64 : index
        %swap3A_378 = tpu.vector_load %arg8[%swap3A_377] {strides = array<i32>} : memref<128xi32, #tpu.memory_space<vmem>>, vector<16xi32>,
        %swap3A_379 = vector.shape_cast %swap3A_378 : vector<16xi32> to vector<16xi32>
        %swap3A_380 = vector.shape_cast %select_n3A_376 : vector<16xi32> to vector<16xi32>
        tpu.vector_store %arg8[%swap3A_377], %swap3A_380 {strides = array<i32>} : memref<128xi32, #tpu.memory_space<vmem>>, vector<16xi32>,
        %get3A_381 = arith.constant 80 : index
        %get3A_382 = tpu.vector_load %arg8[%get3A_381] {strides = array<i32>} : memref<128xi32, #tpu.memory_space<vmem>>, vector<16xi32>,
        %get3A_383 = vector.shape_cast %get3A_382 : vector<16xi32> to vector<16xi32>
        %sub3A_384 = arith.constant 8192 : i32
        %sub3A_385 = vector.broadcast %sub3A_384 : i32 to vector<16xi32>
        %sub3A_386 = arith.subi %get3A_383, %sub3A_385 : vector<16xi32>
        %lt3A_387 = arith.constant 0 : i32
        %lt3A_388 = vector.broadcast %lt3A_387 : i32 to vector<16xi32>
        %lt3A_389 = arith.cmpi slt, %sub3A_386, %lt3A_388 : vector<16xi32>
        %ge3A_390 = arith.constant 8192 : i32
        %ge3A_391 = vector.broadcast %ge3A_390 : i32 to vector<16xi32>
        %ge3A_392 = arith.cmpi sge, %sub3A_386, %ge3A_391 : vector<16xi32>
        %or3A_393 = arith.ori %lt3A_389, %ge3A_392 : vector<16xi1>
        %jit3A_394 = arith.constant 8192 : i32
        %broadcast_in_dim3A_395 = vector.broadcast %jit3A_394 : i32 to vector<16xi32>
        %select_n3A_396 = arith.select %or3A_393, %broadcast_in_dim3A_395, %sub3A_386 : vector<16xi1>, vector<16xi32>
        %swap3A_397 = arith.constant 80 : index
        %swap3A_398 = tpu.vector_load %arg8[%swap3A_397] {strides = array<i32>} : memref<128xi32, #tpu.memory_space<vmem>>, vector<16xi32>,
        %swap3A_399 = vector.shape_cast %swap3A_398 : vector<16xi32> to vector<16xi32>
        %swap3A_400 = vector.shape_cast %select_n3A_396 : vector<16xi32> to vector<16xi32>
        tpu.vector_store %arg8[%swap3A_397], %swap3A_400 {strides = array<i32>} : memref<128xi32, #tpu.memory_space<vmem>>, vector<16xi32>,
        %get3A_401 = arith.constant 96 : index
        %get3A_402 = tpu.vector_load %arg8[%get3A_401] {strides = array<i32>} : memref<128xi32, #tpu.memory_space<vmem>>, vector<16xi32>,
        %get3A_403 = vector.shape_cast %get3A_402 : vector<16xi32> to vector<16xi32>
        %sub3A_404 = arith.constant 8192 : i32
        %sub3A_405 = vector.broadcast %sub3A_404 : i32 to vector<16xi32>
        %sub3A_406 = arith.subi %get3A_403, %sub3A_405 : vector<16xi32>
        %lt3A_407 = arith.constant 0 : i32
        %lt3A_408 = vector.broadcast %lt3A_407 : i32 to vector<16xi32>
        %lt3A_409 = arith.cmpi slt, %sub3A_406, %lt3A_408 : vector<16xi32>
        %ge3A_410 = arith.constant 8192 : i32
        %ge3A_411 = vector.broadcast %ge3A_410 : i32 to vector<16xi32>
        %ge3A_412 = arith.cmpi sge, %sub3A_406, %ge3A_411 : vector<16xi32>
        %or3A_413 = arith.ori %lt3A_409, %ge3A_412 : vector<16xi1>
        %jit3A_414 = arith.constant 8192 : i32
        %broadcast_in_dim3A_415 = vector.broadcast %jit3A_414 : i32 to vector<16xi32>
        %select_n3A_416 = arith.select %or3A_413, %broadcast_in_dim3A_415, %sub3A_406 : vector<16xi1>, vector<16xi32>
        %swap3A_417 = arith.constant 96 : index
        %swap3A_418 = tpu.vector_load %arg8[%swap3A_417] {strides = array<i32>} : memref<128xi32, #tpu.memory_space<vmem>>, vector<16xi32>,
        %swap3A_419 = vector.shape_cast %swap3A_418 : vector<16xi32> to vector<16xi32>
        %swap3A_420 = vector.shape_cast %select_n3A_416 : vector<16xi32> to vector<16xi32>
        tpu.vector_store %arg8[%swap3A_417], %swap3A_420 {strides = array<i32>} : memref<128xi32, #tpu.memory_space<vmem>>, vector<16xi32>,
        %get3A_421 = arith.constant 112 : index
        %get3A_422 = tpu.vector_load %arg8[%get3A_421] {strides = array<i32>} : memref<128xi32, #tpu.memory_space<vmem>>, vector<16xi32>,
        %get3A_423 = vector.shape_cast %get3A_422 : vector<16xi32> to vector<16xi32>
        %sub3A_424 = arith.constant 8192 : i32
        %sub3A_425 = vector.broadcast %sub3A_424 : i32 to vector<16xi32>
        %sub3A_426 = arith.subi %get3A_423, %sub3A_425 : vector<16xi32>
        %lt3A_427 = arith.constant 0 : i32
        %lt3A_428 = vector.broadcast %lt3A_427 : i32 to vector<16xi32>
        %lt3A_429 = arith.cmpi slt, %sub3A_426, %lt3A_428 : vector<16xi32>
        %ge3A_430 = arith.constant 8192 : i32
        %ge3A_431 = vector.broadcast %ge3A_430 : i32 to vector<16xi32>
        %ge3A_432 = arith.cmpi sge, %sub3A_426, %ge3A_431 : vector<16xi32>
        %or3A_433 = arith.ori %lt3A_429, %ge3A_432 : vector<16xi1>
        %jit3A_434 = arith.constant 8192 : i32
        %broadcast_in_dim3A_435 = vector.broadcast %jit3A_434 : i32 to vector<16xi32>
        %select_n3A_436 = arith.select %or3A_433, %broadcast_in_dim3A_435, %sub3A_426 : vector<16xi1>, vector<16xi32>
        %swap3A_437 = arith.constant 112 : index
        %swap3A_438 = tpu.vector_load %arg8[%swap3A_437] {strides = array<i32>} : memref<128xi32, #tpu.memory_space<vmem>>, vector<16xi32>,
        %swap3A_439 = vector.shape_cast %swap3A_438 : vector<16xi32> to vector<16xi32>
        %swap3A_440 = vector.shape_cast %select_n3A_436 : vector<16xi32> to vector<16xi32>
        tpu.vector_store %arg8[%swap3A_437], %swap3A_440 {strides = array<i32>} : memref<128xi32, #tpu.memory_space<vmem>>, vector<16xi32>,
        "tpu.region"() ({
          %run_scoped3A = tpu.sem_alloc : memref<!tpu.dma_semaphore, #tpu.memory_space<semaphore_mem>>
          %dma_start3A = arith.constant 0 : i32
          %dma_start3A_441 = arith.constant 0 : i32
          %dma_start3A_442 = tpu.memref_slice %arg6[%dma_start3A, %dma_start3A_441] : memref<8320x128xf32, #tpu.memory_space<vmem_shared>> -> memref<8320x128xf32, #tpu.memory_space<vmem_shared>>
          tpu.enqueue_indirect_dma source(%arg7 : memref<128x128xf32, #tpu.memory_space<vmem>>) target(%dma_start3A_442 : memref<8320x128xf32, #tpu.memory_space<vmem_shared>>) offsets(%arg8 : memref<128xi32, #tpu.memory_space<vmem>>) semaphore(%run_scoped3A : memref<!tpu.dma_semaphore, #tpu.memory_space<semaphore_mem>>) {add = true}
          %dma_wait3A_443 = arith.constant 0 : i32
          %dma_wait3A_444 = arith.constant 0 : i32
          %dma_wait3A_445 = tpu.memref_slice %arg6[%dma_wait3A_443, %dma_wait3A_444] : memref<8320x128xf32, #tpu.memory_space<vmem_shared>> -> memref<8320x128xf32, #tpu.memory_space<vmem_shared>>
          tpu.wait_indirect_dma semaphore(%run_scoped3A : memref<!tpu.dma_semaphore, #tpu.memory_space<semaphore_mem>>) src(%arg7 : memref<128x128xf32, #tpu.memory_space<vmem>>) dst(%dma_wait3A_445 : memref<8320x128xf32, #tpu.memory_space<vmem_shared>>)
          tpu.yield
        }) : () -> ()
      } else {
      }
      %mul3A_255 = arith.constant 2 : i32
      %mul3A_256 = arith.muli %mul3A_255, %scan3A_232 : i32
      %add3A_257 = arith.constant 2 : i32
      %add3A_258 = arith.addi %mul3A_256, %add3A_257 : i32
      %mul3A_259 = arith.constant 16 : i32
      %mul3A_260 = arith.muli %add3A_258, %mul3A_259 : i32
      %add3A_261 = arith.addi %mul3A_260, %arg1 : i32
      %lt3A_262 = arith.constant 1562 : i32
      %lt3A_263 = arith.cmpi slt, %add3A_261, %lt3A_262 : i32
      %convert_element_type3A_264 = arith.extui %lt3A_263 : i1 to i32
      %cond3A_265 = arith.constant 0 : i32
      %cond3A_266 = arith.cmpi ne, %convert_element_type3A_264, %cond3A_265 : i32
      scf.if %cond3A_266 {
        %mul3A_279 = arith.constant 200000 : i32
        %mul3A_280 = arith.muli %add3A_1, %mul3A_279 : i32
        %mul3A_281 = arith.constant 128 : i32
        %mul3A_282 = arith.muli %add3A_261, %mul3A_281 : i32
        %add3A_283 = arith.addi %mul3A_280, %mul3A_282 : i32
        %dma_start3A = tpu.memref_slice %arg3[%add3A_283] : memref<800000xi32, #tpu.memory_space<hbm>> -> memref<128xi32, #tpu.memory_space<hbm>>
        %dma_start3A_284 = tpu.memref_slice %arg3[%add3A_283] : memref<800000xi32, #tpu.memory_space<hbm>> -> memref<128xi32, #tpu.memory_space<hbm>>
        tpu.enqueue_dma source(%dma_start3A_284 : memref<128xi32, #tpu.memory_space<hbm>>) target(%arg8 : memref<128xi32, #tpu.memory_space<vmem>>) target_semaphore(%arg13 : memref<!tpu.dma_semaphore, #tpu.memory_space<semaphore_mem>>)
        %dma_start3A_285 = arith.constant 0 : i32
        %dma_start3A_286 = tpu.memref_slice %arg2[%add3A_283, %dma_start3A_285] : memref<800000x128xf32, #tpu.memory_space<hbm>> -> memref<128x128xf32, #tpu.memory_space<hbm>>
        %dma_start3A_287 = arith.constant 0 : i32
        %dma_start3A_288 = tpu.memref_slice %arg2[%add3A_283, %dma_start3A_287] : memref<800000x128xf32, #tpu.memory_space<hbm>> -> memref<128x128xf32, #tpu.memory_space<hbm>>
        tpu.enqueue_dma source(%dma_start3A_288 : memref<128x128xf32, #tpu.memory_space<hbm>>) target(%arg7 : memref<128x128xf32, #tpu.memory_space<vmem>>) target_semaphore(%arg13 : memref<!tpu.dma_semaphore, #tpu.memory_space<semaphore_mem>>)
      } else {
      }
      %mul3A_267 = arith.constant 2 : i32
      %mul3A_268 = arith.muli %mul3A_267, %scan3A_232 : i32
      %add3A_269 = arith.constant 1 : i32
      %add3A_270 = arith.addi %mul3A_268, %add3A_269 : i32
      %mul3A_271 = arith.constant 16 : i32
      %mul3A_272 = arith.muli %add3A_270, %mul3A_271 : i32
      %add3A_273 = arith.addi %mul3A_272, %arg1 : i32
      %lt3A_274 = arith.constant 1562 : i32
      %lt3A_275 = arith.cmpi slt, %add3A_273, %lt3A_274 : i32
      %convert_element_type3A_276 = arith.extui %lt3A_275 : i1 to i32
      %cond3A_277 = arith.constant 0 : i32
      %cond3A_278 = arith.cmpi ne, %convert_element_type3A_276, %cond3A_277 : i32
      scf.if %cond3A_278 {
        %mul3A_279 = arith.constant 200000 : i32
        %mul3A_280 = arith.muli %add3A_1, %mul3A_279 : i32
        %mul3A_281 = arith.constant 128 : i32
        %mul3A_282 = arith.muli %add3A_273, %mul3A_281 : i32
        %add3A_283 = arith.addi %mul3A_280, %mul3A_282 : i32
        %dma_wait3A = tpu.memref_slice %arg3[%add3A_283] : memref<800000xi32, #tpu.memory_space<hbm>> -> memref<128xi32, #tpu.memory_space<hbm>>
        %dma_wait3A_284 = tpu.memref_slice %arg3[%add3A_283] : memref<800000xi32, #tpu.memory_space<hbm>> -> memref<128xi32, #tpu.memory_space<hbm>>
        tpu.wait_dma2 semaphore(%arg14 : memref<!tpu.dma_semaphore, #tpu.memory_space<semaphore_mem>>) src(%dma_wait3A_284 : memref<128xi32, #tpu.memory_space<hbm>>) dst(%arg10 : memref<128xi32, #tpu.memory_space<vmem>>)
        %dma_wait3A_285 = arith.constant 0 : i32
        %dma_wait3A_286 = tpu.memref_slice %arg2[%add3A_283, %dma_wait3A_285] : memref<800000x128xf32, #tpu.memory_space<hbm>> -> memref<128x128xf32, #tpu.memory_space<hbm>>
        %dma_wait3A_287 = arith.constant 0 : i32
        %dma_wait3A_288 = tpu.memref_slice %arg2[%add3A_283, %dma_wait3A_287] : memref<800000x128xf32, #tpu.memory_space<hbm>> -> memref<128x128xf32, #tpu.memory_space<hbm>>
        tpu.wait_dma2 semaphore(%arg14 : memref<!tpu.dma_semaphore, #tpu.memory_space<semaphore_mem>>) src(%dma_wait3A_288 : memref<128x128xf32, #tpu.memory_space<hbm>>) dst(%arg9 : memref<128x128xf32, #tpu.memory_space<vmem>>)
        %get3A = arith.constant 0 : index
        %get3A_289 = tpu.vector_load %arg10[%get3A] {strides = array<i32>} : memref<128xi32, #tpu.memory_space<vmem>>, vector<16xi32>,
        %get3A_290 = vector.shape_cast %get3A_289 : vector<16xi32> to vector<16xi32>
        %sub3A = arith.constant 8192 : i32
        %sub3A_291 = vector.broadcast %sub3A : i32 to vector<16xi32>
        %sub3A_292 = arith.subi %get3A_290, %sub3A_291 : vector<16xi32>
        %lt3A_293 = arith.constant 0 : i32
        %lt3A_294 = vector.broadcast %lt3A_293 : i32 to vector<16xi32>
        %lt3A_295 = arith.cmpi slt, %sub3A_292, %lt3A_294 : vector<16xi32>
        %ge3A = arith.constant 8192 : i32
        %ge3A_296 = vector.broadcast %ge3A : i32 to vector<16xi32>
        %ge3A_297 = arith.cmpi sge, %sub3A_292, %ge3A_296 : vector<16xi32>
        %or3A = arith.ori %lt3A_295, %ge3A_297 : vector<16xi1>
        %jit3A = arith.constant 8192 : i32
        %broadcast_in_dim3A = vector.broadcast %jit3A : i32 to vector<16xi32>
        %select_n3A = arith.select %or3A, %broadcast_in_dim3A, %sub3A_292 : vector<16xi1>, vector<16xi32>
        %swap3A = arith.constant 0 : index
        %swap3A_298 = tpu.vector_load %arg10[%swap3A] {strides = array<i32>} : memref<128xi32, #tpu.memory_space<vmem>>, vector<16xi32>,
        %swap3A_299 = vector.shape_cast %swap3A_298 : vector<16xi32> to vector<16xi32>
        %swap3A_300 = vector.shape_cast %select_n3A : vector<16xi32> to vector<16xi32>
        tpu.vector_store %arg10[%swap3A], %swap3A_300 {strides = array<i32>} : memref<128xi32, #tpu.memory_space<vmem>>, vector<16xi32>,
        %get3A_301 = arith.constant 16 : index
        %get3A_302 = tpu.vector_load %arg10[%get3A_301] {strides = array<i32>} : memref<128xi32, #tpu.memory_space<vmem>>, vector<16xi32>,
        %get3A_303 = vector.shape_cast %get3A_302 : vector<16xi32> to vector<16xi32>
        %sub3A_304 = arith.constant 8192 : i32
        %sub3A_305 = vector.broadcast %sub3A_304 : i32 to vector<16xi32>
        %sub3A_306 = arith.subi %get3A_303, %sub3A_305 : vector<16xi32>
        %lt3A_307 = arith.constant 0 : i32
        %lt3A_308 = vector.broadcast %lt3A_307 : i32 to vector<16xi32>
        %lt3A_309 = arith.cmpi slt, %sub3A_306, %lt3A_308 : vector<16xi32>
        %ge3A_310 = arith.constant 8192 : i32
        %ge3A_311 = vector.broadcast %ge3A_310 : i32 to vector<16xi32>
        %ge3A_312 = arith.cmpi sge, %sub3A_306, %ge3A_311 : vector<16xi32>
        %or3A_313 = arith.ori %lt3A_309, %ge3A_312 : vector<16xi1>
        %jit3A_314 = arith.constant 8192 : i32
        %broadcast_in_dim3A_315 = vector.broadcast %jit3A_314 : i32 to vector<16xi32>
        %select_n3A_316 = arith.select %or3A_313, %broadcast_in_dim3A_315, %sub3A_306 : vector<16xi1>, vector<16xi32>
        %swap3A_317 = arith.constant 16 : index
        %swap3A_318 = tpu.vector_load %arg10[%swap3A_317] {strides = array<i32>} : memref<128xi32, #tpu.memory_space<vmem>>, vector<16xi32>,
        %swap3A_319 = vector.shape_cast %swap3A_318 : vector<16xi32> to vector<16xi32>
        %swap3A_320 = vector.shape_cast %select_n3A_316 : vector<16xi32> to vector<16xi32>
        tpu.vector_store %arg10[%swap3A_317], %swap3A_320 {strides = array<i32>} : memref<128xi32, #tpu.memory_space<vmem>>, vector<16xi32>,
        %get3A_321 = arith.constant 32 : index
        %get3A_322 = tpu.vector_load %arg10[%get3A_321] {strides = array<i32>} : memref<128xi32, #tpu.memory_space<vmem>>, vector<16xi32>,
        %get3A_323 = vector.shape_cast %get3A_322 : vector<16xi32> to vector<16xi32>
        %sub3A_324 = arith.constant 8192 : i32
        %sub3A_325 = vector.broadcast %sub3A_324 : i32 to vector<16xi32>
        %sub3A_326 = arith.subi %get3A_323, %sub3A_325 : vector<16xi32>
        %lt3A_327 = arith.constant 0 : i32
        %lt3A_328 = vector.broadcast %lt3A_327 : i32 to vector<16xi32>
        %lt3A_329 = arith.cmpi slt, %sub3A_326, %lt3A_328 : vector<16xi32>
        %ge3A_330 = arith.constant 8192 : i32
        %ge3A_331 = vector.broadcast %ge3A_330 : i32 to vector<16xi32>
        %ge3A_332 = arith.cmpi sge, %sub3A_326, %ge3A_331 : vector<16xi32>
        %or3A_333 = arith.ori %lt3A_329, %ge3A_332 : vector<16xi1>
        %jit3A_334 = arith.constant 8192 : i32
        %broadcast_in_dim3A_335 = vector.broadcast %jit3A_334 : i32 to vector<16xi32>
        %select_n3A_336 = arith.select %or3A_333, %broadcast_in_dim3A_335, %sub3A_326 : vector<16xi1>, vector<16xi32>
        %swap3A_337 = arith.constant 32 : index
        %swap3A_338 = tpu.vector_load %arg10[%swap3A_337] {strides = array<i32>} : memref<128xi32, #tpu.memory_space<vmem>>, vector<16xi32>,
        %swap3A_339 = vector.shape_cast %swap3A_338 : vector<16xi32> to vector<16xi32>
        %swap3A_340 = vector.shape_cast %select_n3A_336 : vector<16xi32> to vector<16xi32>
        tpu.vector_store %arg10[%swap3A_337], %swap3A_340 {strides = array<i32>} : memref<128xi32, #tpu.memory_space<vmem>>, vector<16xi32>,
        %get3A_341 = arith.constant 48 : index
        %get3A_342 = tpu.vector_load %arg10[%get3A_341] {strides = array<i32>} : memref<128xi32, #tpu.memory_space<vmem>>, vector<16xi32>,
        %get3A_343 = vector.shape_cast %get3A_342 : vector<16xi32> to vector<16xi32>
        %sub3A_344 = arith.constant 8192 : i32
        %sub3A_345 = vector.broadcast %sub3A_344 : i32 to vector<16xi32>
        %sub3A_346 = arith.subi %get3A_343, %sub3A_345 : vector<16xi32>
        %lt3A_347 = arith.constant 0 : i32
        %lt3A_348 = vector.broadcast %lt3A_347 : i32 to vector<16xi32>
        %lt3A_349 = arith.cmpi slt, %sub3A_346, %lt3A_348 : vector<16xi32>
        %ge3A_350 = arith.constant 8192 : i32
        %ge3A_351 = vector.broadcast %ge3A_350 : i32 to vector<16xi32>
        %ge3A_352 = arith.cmpi sge, %sub3A_346, %ge3A_351 : vector<16xi32>
        %or3A_353 = arith.ori %lt3A_349, %ge3A_352 : vector<16xi1>
        %jit3A_354 = arith.constant 8192 : i32
        %broadcast_in_dim3A_355 = vector.broadcast %jit3A_354 : i32 to vector<16xi32>
        %select_n3A_356 = arith.select %or3A_353, %broadcast_in_dim3A_355, %sub3A_346 : vector<16xi1>, vector<16xi32>
        %swap3A_357 = arith.constant 48 : index
        %swap3A_358 = tpu.vector_load %arg10[%swap3A_357] {strides = array<i32>} : memref<128xi32, #tpu.memory_space<vmem>>, vector<16xi32>,
        %swap3A_359 = vector.shape_cast %swap3A_358 : vector<16xi32> to vector<16xi32>
        %swap3A_360 = vector.shape_cast %select_n3A_356 : vector<16xi32> to vector<16xi32>
        tpu.vector_store %arg10[%swap3A_357], %swap3A_360 {strides = array<i32>} : memref<128xi32, #tpu.memory_space<vmem>>, vector<16xi32>,
        %get3A_361 = arith.constant 64 : index
        %get3A_362 = tpu.vector_load %arg10[%get3A_361] {strides = array<i32>} : memref<128xi32, #tpu.memory_space<vmem>>, vector<16xi32>,
        %get3A_363 = vector.shape_cast %get3A_362 : vector<16xi32> to vector<16xi32>
        %sub3A_364 = arith.constant 8192 : i32
        %sub3A_365 = vector.broadcast %sub3A_364 : i32 to vector<16xi32>
        %sub3A_366 = arith.subi %get3A_363, %sub3A_365 : vector<16xi32>
        %lt3A_367 = arith.constant 0 : i32
        %lt3A_368 = vector.broadcast %lt3A_367 : i32 to vector<16xi32>
        %lt3A_369 = arith.cmpi slt, %sub3A_366, %lt3A_368 : vector<16xi32>
        %ge3A_370 = arith.constant 8192 : i32
        %ge3A_371 = vector.broadcast %ge3A_370 : i32 to vector<16xi32>
        %ge3A_372 = arith.cmpi sge, %sub3A_366, %ge3A_371 : vector<16xi32>
        %or3A_373 = arith.ori %lt3A_369, %ge3A_372 : vector<16xi1>
        %jit3A_374 = arith.constant 8192 : i32
        %broadcast_in_dim3A_375 = vector.broadcast %jit3A_374 : i32 to vector<16xi32>
        %select_n3A_376 = arith.select %or3A_373, %broadcast_in_dim3A_375, %sub3A_366 : vector<16xi1>, vector<16xi32>
        %swap3A_377 = arith.constant 64 : index
        %swap3A_378 = tpu.vector_load %arg10[%swap3A_377] {strides = array<i32>} : memref<128xi32, #tpu.memory_space<vmem>>, vector<16xi32>,
        %swap3A_379 = vector.shape_cast %swap3A_378 : vector<16xi32> to vector<16xi32>
        %swap3A_380 = vector.shape_cast %select_n3A_376 : vector<16xi32> to vector<16xi32>
        tpu.vector_store %arg10[%swap3A_377], %swap3A_380 {strides = array<i32>} : memref<128xi32, #tpu.memory_space<vmem>>, vector<16xi32>,
        %get3A_381 = arith.constant 80 : index
        %get3A_382 = tpu.vector_load %arg10[%get3A_381] {strides = array<i32>} : memref<128xi32, #tpu.memory_space<vmem>>, vector<16xi32>,
        %get3A_383 = vector.shape_cast %get3A_382 : vector<16xi32> to vector<16xi32>
        %sub3A_384 = arith.constant 8192 : i32
        %sub3A_385 = vector.broadcast %sub3A_384 : i32 to vector<16xi32>
        %sub3A_386 = arith.subi %get3A_383, %sub3A_385 : vector<16xi32>
        %lt3A_387 = arith.constant 0 : i32
        %lt3A_388 = vector.broadcast %lt3A_387 : i32 to vector<16xi32>
        %lt3A_389 = arith.cmpi slt, %sub3A_386, %lt3A_388 : vector<16xi32>
        %ge3A_390 = arith.constant 8192 : i32
        %ge3A_391 = vector.broadcast %ge3A_390 : i32 to vector<16xi32>
        %ge3A_392 = arith.cmpi sge, %sub3A_386, %ge3A_391 : vector<16xi32>
        %or3A_393 = arith.ori %lt3A_389, %ge3A_392 : vector<16xi1>
        %jit3A_394 = arith.constant 8192 : i32
        %broadcast_in_dim3A_395 = vector.broadcast %jit3A_394 : i32 to vector<16xi32>
        %select_n3A_396 = arith.select %or3A_393, %broadcast_in_dim3A_395, %sub3A_386 : vector<16xi1>, vector<16xi32>
        %swap3A_397 = arith.constant 80 : index
        %swap3A_398 = tpu.vector_load %arg10[%swap3A_397] {strides = array<i32>} : memref<128xi32, #tpu.memory_space<vmem>>, vector<16xi32>,
        %swap3A_399 = vector.shape_cast %swap3A_398 : vector<16xi32> to vector<16xi32>
        %swap3A_400 = vector.shape_cast %select_n3A_396 : vector<16xi32> to vector<16xi32>
        tpu.vector_store %arg10[%swap3A_397], %swap3A_400 {strides = array<i32>} : memref<128xi32, #tpu.memory_space<vmem>>, vector<16xi32>,
        %get3A_401 = arith.constant 96 : index
        %get3A_402 = tpu.vector_load %arg10[%get3A_401] {strides = array<i32>} : memref<128xi32, #tpu.memory_space<vmem>>, vector<16xi32>,
        %get3A_403 = vector.shape_cast %get3A_402 : vector<16xi32> to vector<16xi32>
        %sub3A_404 = arith.constant 8192 : i32
        %sub3A_405 = vector.broadcast %sub3A_404 : i32 to vector<16xi32>
        %sub3A_406 = arith.subi %get3A_403, %sub3A_405 : vector<16xi32>
        %lt3A_407 = arith.constant 0 : i32
        %lt3A_408 = vector.broadcast %lt3A_407 : i32 to vector<16xi32>
        %lt3A_409 = arith.cmpi slt, %sub3A_406, %lt3A_408 : vector<16xi32>
        %ge3A_410 = arith.constant 8192 : i32
        %ge3A_411 = vector.broadcast %ge3A_410 : i32 to vector<16xi32>
        %ge3A_412 = arith.cmpi sge, %sub3A_406, %ge3A_411 : vector<16xi32>
        %or3A_413 = arith.ori %lt3A_409, %ge3A_412 : vector<16xi1>
        %jit3A_414 = arith.constant 8192 : i32
        %broadcast_in_dim3A_415 = vector.broadcast %jit3A_414 : i32 to vector<16xi32>
        %select_n3A_416 = arith.select %or3A_413, %broadcast_in_dim3A_415, %sub3A_406 : vector<16xi1>, vector<16xi32>
        %swap3A_417 = arith.constant 96 : index
        %swap3A_418 = tpu.vector_load %arg10[%swap3A_417] {strides = array<i32>} : memref<128xi32, #tpu.memory_space<vmem>>, vector<16xi32>,
        %swap3A_419 = vector.shape_cast %swap3A_418 : vector<16xi32> to vector<16xi32>
        %swap3A_420 = vector.shape_cast %select_n3A_416 : vector<16xi32> to vector<16xi32>
        tpu.vector_store %arg10[%swap3A_417], %swap3A_420 {strides = array<i32>} : memref<128xi32, #tpu.memory_space<vmem>>, vector<16xi32>,
        %get3A_421 = arith.constant 112 : index
        %get3A_422 = tpu.vector_load %arg10[%get3A_421] {strides = array<i32>} : memref<128xi32, #tpu.memory_space<vmem>>, vector<16xi32>,
        %get3A_423 = vector.shape_cast %get3A_422 : vector<16xi32> to vector<16xi32>
        %sub3A_424 = arith.constant 8192 : i32
        %sub3A_425 = vector.broadcast %sub3A_424 : i32 to vector<16xi32>
        %sub3A_426 = arith.subi %get3A_423, %sub3A_425 : vector<16xi32>
        %lt3A_427 = arith.constant 0 : i32
        %lt3A_428 = vector.broadcast %lt3A_427 : i32 to vector<16xi32>
        %lt3A_429 = arith.cmpi slt, %sub3A_426, %lt3A_428 : vector<16xi32>
        %ge3A_430 = arith.constant 8192 : i32
        %ge3A_431 = vector.broadcast %ge3A_430 : i32 to vector<16xi32>
        %ge3A_432 = arith.cmpi sge, %sub3A_426, %ge3A_431 : vector<16xi32>
        %or3A_433 = arith.ori %lt3A_429, %ge3A_432 : vector<16xi1>
        %jit3A_434 = arith.constant 8192 : i32
        %broadcast_in_dim3A_435 = vector.broadcast %jit3A_434 : i32 to vector<16xi32>
        %select_n3A_436 = arith.select %or3A_433, %broadcast_in_dim3A_435, %sub3A_426 : vector<16xi1>, vector<16xi32>
        %swap3A_437 = arith.constant 112 : index
        %swap3A_438 = tpu.vector_load %arg10[%swap3A_437] {strides = array<i32>} : memref<128xi32, #tpu.memory_space<vmem>>, vector<16xi32>,
        %swap3A_439 = vector.shape_cast %swap3A_438 : vector<16xi32> to vector<16xi32>
        %swap3A_440 = vector.shape_cast %select_n3A_436 : vector<16xi32> to vector<16xi32>
        tpu.vector_store %arg10[%swap3A_437], %swap3A_440 {strides = array<i32>} : memref<128xi32, #tpu.memory_space<vmem>>, vector<16xi32>,
        "tpu.region"() ({
          %run_scoped3A = tpu.sem_alloc : memref<!tpu.dma_semaphore, #tpu.memory_space<semaphore_mem>>
          %dma_start3A = arith.constant 0 : i32
          %dma_start3A_441 = arith.constant 0 : i32
          %dma_start3A_442 = tpu.memref_slice %arg6[%dma_start3A, %dma_start3A_441] : memref<8320x128xf32, #tpu.memory_space<vmem_shared>> -> memref<8320x128xf32, #tpu.memory_space<vmem_shared>>
          tpu.enqueue_indirect_dma source(%arg9 : memref<128x128xf32, #tpu.memory_space<vmem>>) target(%dma_start3A_442 : memref<8320x128xf32, #tpu.memory_space<vmem_shared>>) offsets(%arg10 : memref<128xi32, #tpu.memory_space<vmem>>) semaphore(%run_scoped3A : memref<!tpu.dma_semaphore, #tpu.memory_space<semaphore_mem>>) {add = true}
          %dma_wait3A_443 = arith.constant 0 : i32
          %dma_wait3A_444 = arith.constant 0 : i32
          %dma_wait3A_445 = tpu.memref_slice %arg6[%dma_wait3A_443, %dma_wait3A_444] : memref<8320x128xf32, #tpu.memory_space<vmem_shared>> -> memref<8320x128xf32, #tpu.memory_space<vmem_shared>>
          tpu.wait_indirect_dma semaphore(%run_scoped3A : memref<!tpu.dma_semaphore, #tpu.memory_space<semaphore_mem>>) src(%arg9 : memref<128x128xf32, #tpu.memory_space<vmem>>) dst(%dma_wait3A_445 : memref<8320x128xf32, #tpu.memory_space<vmem_shared>>)
          tpu.yield
        }) : () -> ()
      } else {
      }
    }
    %scan3A_78 = arith.constant 49 : i32
    %eq3A_79 = arith.constant 10 : i32
    %eq3A_80 = arith.cmpi eq, %arg1, %eq3A_79 : i32
    %convert_element_type3A_81 = arith.extui %eq3A_80 : i1 to i32
    %cond3A_82 = arith.constant 0 : i32
    %cond3A_83 = arith.cmpi ne, %convert_element_type3A_81, %cond3A_82 : i32
    scf.if %cond3A_83 {
      %mul3A_232 = arith.constant 200000 : i32
      %mul3A_233 = arith.muli %add3A_1, %mul3A_232 : i32
      %add3A_234 = arith.constant 199936 : i32
      %add3A_235 = arith.addi %mul3A_233, %add3A_234 : i32
      "tpu.region"() ({
        %run_scoped3A = tpu.sem_alloc : memref<!tpu.dma_semaphore, #tpu.memory_space<semaphore_mem>>
        %dma_start3A = tpu.memref_slice %arg3[%add3A_235] : memref<800000xi32, #tpu.memory_space<hbm>> -> memref<64xi32, #tpu.memory_space<hbm>>
        %dma_start3A_308 = tpu.memref_slice %arg3[%add3A_235] : memref<800000xi32, #tpu.memory_space<hbm>> -> memref<64xi32, #tpu.memory_space<hbm>>
        tpu.enqueue_dma source(%dma_start3A_308 : memref<64xi32, #tpu.memory_space<hbm>>) target(%arg12 : memref<64xi32, #tpu.memory_space<vmem>>) target_semaphore(%run_scoped3A : memref<!tpu.dma_semaphore, #tpu.memory_space<semaphore_mem>>)
        %dma_wait3A = tpu.memref_slice %arg3[%add3A_235] : memref<800000xi32, #tpu.memory_space<hbm>> -> memref<64xi32, #tpu.memory_space<hbm>>
        %dma_wait3A_309 = tpu.memref_slice %arg3[%add3A_235] : memref<800000xi32, #tpu.memory_space<hbm>> -> memref<64xi32, #tpu.memory_space<hbm>>
        tpu.wait_dma2 semaphore(%run_scoped3A : memref<!tpu.dma_semaphore, #tpu.memory_space<semaphore_mem>>) src(%dma_wait3A_309 : memref<64xi32, #tpu.memory_space<hbm>>) dst(%arg12 : memref<64xi32, #tpu.memory_space<vmem>>)
        tpu.yield
      }) : () -> ()
      "tpu.region"() ({
        %run_scoped3A = tpu.sem_alloc : memref<!tpu.dma_semaphore, #tpu.memory_space<semaphore_mem>>
        %dma_start3A = arith.constant 0 : i32
        %dma_start3A_308 = tpu.memref_slice %arg2[%add3A_235, %dma_start3A] : memref<800000x128xf32, #tpu.memory_space<hbm>> -> memref<64x128xf32, #tpu.memory_space<hbm>>
        %dma_start3A_309 = arith.constant 0 : i32
        %dma_start3A_310 = tpu.memref_slice %arg2[%add3A_235, %dma_start3A_309] : memref<800000x128xf32, #tpu.memory_space<hbm>> -> memref<64x128xf32, #tpu.memory_space<hbm>>
        tpu.enqueue_dma source(%dma_start3A_310 : memref<64x128xf32, #tpu.memory_space<hbm>>) target(%arg11 : memref<64x128xf32, #tpu.memory_space<vmem>>) target_semaphore(%run_scoped3A : memref<!tpu.dma_semaphore, #tpu.memory_space<semaphore_mem>>)
        %dma_wait3A = arith.constant 0 : i32
        %dma_wait3A_311 = tpu.memref_slice %arg2[%add3A_235, %dma_wait3A] : memref<800000x128xf32, #tpu.memory_space<hbm>> -> memref<64x128xf32, #tpu.memory_space<hbm>>
        %dma_wait3A_312 = arith.constant 0 : i32
        %dma_wait3A_313 = tpu.memref_slice %arg2[%add3A_235, %dma_wait3A_312] : memref<800000x128xf32, #tpu.memory_space<hbm>> -> memref<64x128xf32, #tpu.memory_space<hbm>>
        tpu.wait_dma2 semaphore(%run_scoped3A : memref<!tpu.dma_semaphore, #tpu.memory_space<semaphore_mem>>) src(%dma_wait3A_313 : memref<64x128xf32, #tpu.memory_space<hbm>>) dst(%arg11 : memref<64x128xf32, #tpu.memory_space<vmem>>)
        tpu.yield
      }) : () -> ()
      %get3A = arith.constant 0 : index
      %get3A_236 = tpu.vector_load %arg12[%get3A] {strides = array<i32>} : memref<64xi32, #tpu.memory_space<vmem>>, vector<16xi32>,
      %get3A_237 = vector.shape_cast %get3A_236 : vector<16xi32> to vector<16xi32>
      %sub3A = arith.constant 8192 : i32
      %sub3A_238 = vector.broadcast %sub3A : i32 to vector<16xi32>
      %sub3A_239 = arith.subi %get3A_237, %sub3A_238 : vector<16xi32>
      %lt3A_240 = arith.constant 0 : i32
      %lt3A_241 = vector.broadcast %lt3A_240 : i32 to vector<16xi32>
      %lt3A_242 = arith.cmpi slt, %sub3A_239, %lt3A_241 : vector<16xi32>
      %ge3A = arith.constant 8192 : i32
      %ge3A_243 = vector.broadcast %ge3A : i32 to vector<16xi32>
      %ge3A_244 = arith.cmpi sge, %sub3A_239, %ge3A_243 : vector<16xi32>
      %or3A = arith.ori %lt3A_242, %ge3A_244 : vector<16xi1>
      %jit3A = arith.constant 8192 : i32
      %broadcast_in_dim3A = vector.broadcast %jit3A : i32 to vector<16xi32>
      %select_n3A = arith.select %or3A, %broadcast_in_dim3A, %sub3A_239 : vector<16xi1>, vector<16xi32>
      %swap3A = arith.constant 0 : index
      %swap3A_245 = tpu.vector_load %arg12[%swap3A] {strides = array<i32>} : memref<64xi32, #tpu.memory_space<vmem>>, vector<16xi32>,
      %swap3A_246 = vector.shape_cast %swap3A_245 : vector<16xi32> to vector<16xi32>
      %swap3A_247 = vector.shape_cast %select_n3A : vector<16xi32> to vector<16xi32>
      tpu.vector_store %arg12[%swap3A], %swap3A_247 {strides = array<i32>} : memref<64xi32, #tpu.memory_space<vmem>>, vector<16xi32>,
      %get3A_248 = arith.constant 16 : index
      %get3A_249 = tpu.vector_load %arg12[%get3A_248] {strides = array<i32>} : memref<64xi32, #tpu.memory_space<vmem>>, vector<16xi32>,
      %get3A_250 = vector.shape_cast %get3A_249 : vector<16xi32> to vector<16xi32>
      %sub3A_251 = arith.constant 8192 : i32
      %sub3A_252 = vector.broadcast %sub3A_251 : i32 to vector<16xi32>
      %sub3A_253 = arith.subi %get3A_250, %sub3A_252 : vector<16xi32>
      %lt3A_254 = arith.constant 0 : i32
      %lt3A_255 = vector.broadcast %lt3A_254 : i32 to vector<16xi32>
      %lt3A_256 = arith.cmpi slt, %sub3A_253, %lt3A_255 : vector<16xi32>
      %ge3A_257 = arith.constant 8192 : i32
      %ge3A_258 = vector.broadcast %ge3A_257 : i32 to vector<16xi32>
      %ge3A_259 = arith.cmpi sge, %sub3A_253, %ge3A_258 : vector<16xi32>
      %or3A_260 = arith.ori %lt3A_256, %ge3A_259 : vector<16xi1>
      %jit3A_261 = arith.constant 8192 : i32
      %broadcast_in_dim3A_262 = vector.broadcast %jit3A_261 : i32 to vector<16xi32>
      %select_n3A_263 = arith.select %or3A_260, %broadcast_in_dim3A_262, %sub3A_253 : vector<16xi1>, vector<16xi32>
      %swap3A_264 = arith.constant 16 : index
      %swap3A_265 = tpu.vector_load %arg12[%swap3A_264] {strides = array<i32>} : memref<64xi32, #tpu.memory_space<vmem>>, vector<16xi32>,
      %swap3A_266 = vector.shape_cast %swap3A_265 : vector<16xi32> to vector<16xi32>
      %swap3A_267 = vector.shape_cast %select_n3A_263 : vector<16xi32> to vector<16xi32>
      tpu.vector_store %arg12[%swap3A_264], %swap3A_267 {strides = array<i32>} : memref<64xi32, #tpu.memory_space<vmem>>, vector<16xi32>,
      %get3A_268 = arith.constant 32 : index
      %get3A_269 = tpu.vector_load %arg12[%get3A_268] {strides = array<i32>} : memref<64xi32, #tpu.memory_space<vmem>>, vector<16xi32>,
      %get3A_270 = vector.shape_cast %get3A_269 : vector<16xi32> to vector<16xi32>
      %sub3A_271 = arith.constant 8192 : i32
      %sub3A_272 = vector.broadcast %sub3A_271 : i32 to vector<16xi32>
      %sub3A_273 = arith.subi %get3A_270, %sub3A_272 : vector<16xi32>
      %lt3A_274 = arith.constant 0 : i32
      %lt3A_275 = vector.broadcast %lt3A_274 : i32 to vector<16xi32>
      %lt3A_276 = arith.cmpi slt, %sub3A_273, %lt3A_275 : vector<16xi32>
      %ge3A_277 = arith.constant 8192 : i32
      %ge3A_278 = vector.broadcast %ge3A_277 : i32 to vector<16xi32>
      %ge3A_279 = arith.cmpi sge, %sub3A_273, %ge3A_278 : vector<16xi32>
      %or3A_280 = arith.ori %lt3A_276, %ge3A_279 : vector<16xi1>
      %jit3A_281 = arith.constant 8192 : i32
      %broadcast_in_dim3A_282 = vector.broadcast %jit3A_281 : i32 to vector<16xi32>
      %select_n3A_283 = arith.select %or3A_280, %broadcast_in_dim3A_282, %sub3A_273 : vector<16xi1>, vector<16xi32>
      %swap3A_284 = arith.constant 32 : index
      %swap3A_285 = tpu.vector_load %arg12[%swap3A_284] {strides = array<i32>} : memref<64xi32, #tpu.memory_space<vmem>>, vector<16xi32>,
      %swap3A_286 = vector.shape_cast %swap3A_285 : vector<16xi32> to vector<16xi32>
      %swap3A_287 = vector.shape_cast %select_n3A_283 : vector<16xi32> to vector<16xi32>
      tpu.vector_store %arg12[%swap3A_284], %swap3A_287 {strides = array<i32>} : memref<64xi32, #tpu.memory_space<vmem>>, vector<16xi32>,
      %get3A_288 = arith.constant 48 : index
      %get3A_289 = tpu.vector_load %arg12[%get3A_288] {strides = array<i32>} : memref<64xi32, #tpu.memory_space<vmem>>, vector<16xi32>,
      %get3A_290 = vector.shape_cast %get3A_289 : vector<16xi32> to vector<16xi32>
      %sub3A_291 = arith.constant 8192 : i32
      %sub3A_292 = vector.broadcast %sub3A_291 : i32 to vector<16xi32>
      %sub3A_293 = arith.subi %get3A_290, %sub3A_292 : vector<16xi32>
      %lt3A_294 = arith.constant 0 : i32
      %lt3A_295 = vector.broadcast %lt3A_294 : i32 to vector<16xi32>
      %lt3A_296 = arith.cmpi slt, %sub3A_293, %lt3A_295 : vector<16xi32>
      %ge3A_297 = arith.constant 8192 : i32
      %ge3A_298 = vector.broadcast %ge3A_297 : i32 to vector<16xi32>
      %ge3A_299 = arith.cmpi sge, %sub3A_293, %ge3A_298 : vector<16xi32>
      %or3A_300 = arith.ori %lt3A_296, %ge3A_299 : vector<16xi1>
      %jit3A_301 = arith.constant 8192 : i32
      %broadcast_in_dim3A_302 = vector.broadcast %jit3A_301 : i32 to vector<16xi32>
      %select_n3A_303 = arith.select %or3A_300, %broadcast_in_dim3A_302, %sub3A_293 : vector<16xi1>, vector<16xi32>
      %swap3A_304 = arith.constant 48 : index
      %swap3A_305 = tpu.vector_load %arg12[%swap3A_304] {strides = array<i32>} : memref<64xi32, #tpu.memory_space<vmem>>, vector<16xi32>,
      %swap3A_306 = vector.shape_cast %swap3A_305 : vector<16xi32> to vector<16xi32>
      %swap3A_307 = vector.shape_cast %select_n3A_303 : vector<16xi32> to vector<16xi32>
      tpu.vector_store %arg12[%swap3A_304], %swap3A_307 {strides = array<i32>} : memref<64xi32, #tpu.memory_space<vmem>>, vector<16xi32>,
      "tpu.region"() ({
        %run_scoped3A = tpu.sem_alloc : memref<!tpu.dma_semaphore, #tpu.memory_space<semaphore_mem>>
        %dma_start3A = arith.constant 0 : i32
        %dma_start3A_308 = arith.constant 0 : i32
        %dma_start3A_309 = tpu.memref_slice %arg6[%dma_start3A, %dma_start3A_308] : memref<8320x128xf32, #tpu.memory_space<vmem_shared>> -> memref<8320x128xf32, #tpu.memory_space<vmem_shared>>
        tpu.enqueue_indirect_dma source(%arg11 : memref<64x128xf32, #tpu.memory_space<vmem>>) target(%dma_start3A_309 : memref<8320x128xf32, #tpu.memory_space<vmem_shared>>) offsets(%arg12 : memref<64xi32, #tpu.memory_space<vmem>>) semaphore(%run_scoped3A : memref<!tpu.dma_semaphore, #tpu.memory_space<semaphore_mem>>) {add = true}
        %dma_wait3A = arith.constant 0 : i32
        %dma_wait3A_310 = arith.constant 0 : i32
        %dma_wait3A_311 = tpu.memref_slice %arg6[%dma_wait3A, %dma_wait3A_310] : memref<8320x128xf32, #tpu.memory_space<vmem_shared>> -> memref<8320x128xf32, #tpu.memory_space<vmem_shared>>
        tpu.wait_indirect_dma semaphore(%run_scoped3A : memref<!tpu.dma_semaphore, #tpu.memory_space<semaphore_mem>>) src(%arg11 : memref<64x128xf32, #tpu.memory_space<vmem>>) dst(%dma_wait3A_311 : memref<8320x128xf32, #tpu.memory_space<vmem_shared>>)
        tpu.yield
      }) : () -> ()
    } else {
    }
    %barrier3A_84 = arith.constant 0 : index
    tpu.barrier barrier_id(%barrier3A_84)
    %mul3A_85 = arith.constant 512 : i32
    %mul3A_86 = arith.muli %arg1, %mul3A_85 : i32
    %add3A_87 = arith.constant 0 : i32
    %add3A_88 = arith.addi %mul3A_86, %add3A_87 : i32
    "tpu.region"() ({
      %run_scoped3A = tpu.sem_alloc : memref<!tpu.dma_semaphore, #tpu.memory_space<semaphore_mem>>
      %dma_start3A = arith.constant 0 : i32
      %dma_start3A_232 = tpu.memref_slice %arg6[%add3A_88, %dma_start3A] : memref<8320x128xf32, #tpu.memory_space<vmem_shared>> -> memref<128x128xf32, #tpu.memory_space<vmem_shared>>
      %dma_start3A_233 = arith.constant 0 : i32
      %dma_start3A_234 = tpu.memref_slice %arg6[%add3A_88, %dma_start3A_233] : memref<8320x128xf32, #tpu.memory_space<vmem_shared>> -> memref<128x128xf32, #tpu.memory_space<vmem_shared>>
      tpu.enqueue_dma source(%dma_start3A_234 : memref<128x128xf32, #tpu.memory_space<vmem_shared>>) target(%arg7 : memref<128x128xf32, #tpu.memory_space<vmem>>) target_semaphore(%run_scoped3A : memref<!tpu.dma_semaphore, #tpu.memory_space<semaphore_mem>>)
      %dma_wait3A = arith.constant 0 : i32
      %dma_wait3A_235 = tpu.memref_slice %arg6[%add3A_88, %dma_wait3A] : memref<8320x128xf32, #tpu.memory_space<vmem_shared>> -> memref<128x128xf32, #tpu.memory_space<vmem_shared>>
      %dma_wait3A_236 = arith.constant 0 : i32
      %dma_wait3A_237 = tpu.memref_slice %arg6[%add3A_88, %dma_wait3A_236] : memref<8320x128xf32, #tpu.memory_space<vmem_shared>> -> memref<128x128xf32, #tpu.memory_space<vmem_shared>>
      tpu.wait_dma2 semaphore(%run_scoped3A : memref<!tpu.dma_semaphore, #tpu.memory_space<semaphore_mem>>) src(%dma_wait3A_237 : memref<128x128xf32, #tpu.memory_space<vmem_shared>>) dst(%arg7 : memref<128x128xf32, #tpu.memory_space<vmem>>)
      tpu.yield
    }) : () -> ()
    %add3A_89 = arith.constant 8192 : i32
    %add3A_90 = arith.addi %add3A_89, %mul3A_86 : i32
    %add3A_91 = arith.constant 0 : i32
    %add3A_92 = arith.addi %add3A_90, %add3A_91 : i32
    "tpu.region"() ({
      %run_scoped3A = tpu.sem_alloc : memref<!tpu.dma_semaphore, #tpu.memory_space<semaphore_mem>>
      %dma_start3A = arith.constant 0 : i32
      %dma_start3A_232 = tpu.memref_slice %arg5[%add3A_1, %add3A_92, %dma_start3A] : memref<4x16384x128xf32, #tpu.memory_space<hbm>> -> memref<1x128x128xf32, #tpu.memory_space<hbm>>
      %dma_start3A_233 = tpu.memref_squeeze %dma_start3A_232 : memref<1x128x128xf32, #tpu.memory_space<hbm>> -> memref<128x128xf32, #tpu.memory_space<hbm>>
      %dma_start3A_234 = arith.constant 0 : i32
      %dma_start3A_235 = tpu.memref_slice %arg5[%add3A_1, %add3A_92, %dma_start3A_234] : memref<4x16384x128xf32, #tpu.memory_space<hbm>> -> memref<1x128x128xf32, #tpu.memory_space<hbm>>
      %dma_start3A_236 = tpu.memref_squeeze %dma_start3A_235 : memref<1x128x128xf32, #tpu.memory_space<hbm>> -> memref<128x128xf32, #tpu.memory_space<hbm>>
      tpu.enqueue_dma source(%arg7 : memref<128x128xf32, #tpu.memory_space<vmem>>) target(%dma_start3A_236 : memref<128x128xf32, #tpu.memory_space<hbm>>) target_semaphore(%run_scoped3A : memref<!tpu.dma_semaphore, #tpu.memory_space<semaphore_mem>>)
      %dma_wait3A = arith.constant 0 : i32
      %dma_wait3A_237 = tpu.memref_slice %arg5[%add3A_1, %add3A_92, %dma_wait3A] : memref<4x16384x128xf32, #tpu.memory_space<hbm>> -> memref<1x128x128xf32, #tpu.memory_space<hbm>>
      %dma_wait3A_238 = tpu.memref_squeeze %dma_wait3A_237 : memref<1x128x128xf32, #tpu.memory_space<hbm>> -> memref<128x128xf32, #tpu.memory_space<hbm>>
      %dma_wait3A_239 = arith.constant 0 : i32
      %dma_wait3A_240 = tpu.memref_slice %arg5[%add3A_1, %add3A_92, %dma_wait3A_239] : memref<4x16384x128xf32, #tpu.memory_space<hbm>> -> memref<1x128x128xf32, #tpu.memory_space<hbm>>
      %dma_wait3A_241 = tpu.memref_squeeze %dma_wait3A_240 : memref<1x128x128xf32, #tpu.memory_space<hbm>> -> memref<128x128xf32, #tpu.memory_space<hbm>>
      tpu.wait_dma2 semaphore(%run_scoped3A : memref<!tpu.dma_semaphore, #tpu.memory_space<semaphore_mem>>) src(%arg7 : memref<128x128xf32, #tpu.memory_space<vmem>>) dst(%dma_wait3A_241 : memref<128x128xf32, #tpu.memory_space<hbm>>)
      tpu.yield
    }) : () -> ()
    %add3A_93 = arith.constant 128 : i32
    %add3A_94 = arith.addi %mul3A_86, %add3A_93 : i32
    "tpu.region"() ({
      %run_scoped3A = tpu.sem_alloc : memref<!tpu.dma_semaphore, #tpu.memory_space<semaphore_mem>>
      %dma_start3A = arith.constant 0 : i32
      %dma_start3A_232 = tpu.memref_slice %arg6[%add3A_94, %dma_start3A] : memref<8320x128xf32, #tpu.memory_space<vmem_shared>> -> memref<128x128xf32, #tpu.memory_space<vmem_shared>>
      %dma_start3A_233 = arith.constant 0 : i32
      %dma_start3A_234 = tpu.memref_slice %arg6[%add3A_94, %dma_start3A_233] : memref<8320x128xf32, #tpu.memory_space<vmem_shared>> -> memref<128x128xf32, #tpu.memory_space<vmem_shared>>
      tpu.enqueue_dma source(%dma_start3A_234 : memref<128x128xf32, #tpu.memory_space<vmem_shared>>) target(%arg7 : memref<128x128xf32, #tpu.memory_space<vmem>>) target_semaphore(%run_scoped3A : memref<!tpu.dma_semaphore, #tpu.memory_space<semaphore_mem>>)
      %dma_wait3A = arith.constant 0 : i32
      %dma_wait3A_235 = tpu.memref_slice %arg6[%add3A_94, %dma_wait3A] : memref<8320x128xf32, #tpu.memory_space<vmem_shared>> -> memref<128x128xf32, #tpu.memory_space<vmem_shared>>
      %dma_wait3A_236 = arith.constant 0 : i32
      %dma_wait3A_237 = tpu.memref_slice %arg6[%add3A_94, %dma_wait3A_236] : memref<8320x128xf32, #tpu.memory_space<vmem_shared>> -> memref<128x128xf32, #tpu.memory_space<vmem_shared>>
      tpu.wait_dma2 semaphore(%run_scoped3A : memref<!tpu.dma_semaphore, #tpu.memory_space<semaphore_mem>>) src(%dma_wait3A_237 : memref<128x128xf32, #tpu.memory_space<vmem_shared>>) dst(%arg7 : memref<128x128xf32, #tpu.memory_space<vmem>>)
      tpu.yield
    }) : () -> ()
    %add3A_95 = arith.constant 8192 : i32
    %add3A_96 = arith.addi %add3A_95, %mul3A_86 : i32
    %add3A_97 = arith.constant 128 : i32
    %add3A_98 = arith.addi %add3A_96, %add3A_97 : i32
    "tpu.region"() ({
      %run_scoped3A = tpu.sem_alloc : memref<!tpu.dma_semaphore, #tpu.memory_space<semaphore_mem>>
      %dma_start3A = arith.constant 0 : i32
      %dma_start3A_232 = tpu.memref_slice %arg5[%add3A_1, %add3A_98, %dma_start3A] : memref<4x16384x128xf32, #tpu.memory_space<hbm>> -> memref<1x128x128xf32, #tpu.memory_space<hbm>>
      %dma_start3A_233 = tpu.memref_squeeze %dma_start3A_232 : memref<1x128x128xf32, #tpu.memory_space<hbm>> -> memref<128x128xf32, #tpu.memory_space<hbm>>
      %dma_start3A_234 = arith.constant 0 : i32
      %dma_start3A_235 = tpu.memref_slice %arg5[%add3A_1, %add3A_98, %dma_start3A_234] : memref<4x16384x128xf32, #tpu.memory_space<hbm>> -> memref<1x128x128xf32, #tpu.memory_space<hbm>>
      %dma_start3A_236 = tpu.memref_squeeze %dma_start3A_235 : memref<1x128x128xf32, #tpu.memory_space<hbm>> -> memref<128x128xf32, #tpu.memory_space<hbm>>
      tpu.enqueue_dma source(%arg7 : memref<128x128xf32, #tpu.memory_space<vmem>>) target(%dma_start3A_236 : memref<128x128xf32, #tpu.memory_space<hbm>>) target_semaphore(%run_scoped3A : memref<!tpu.dma_semaphore, #tpu.memory_space<semaphore_mem>>)
      %dma_wait3A = arith.constant 0 : i32
      %dma_wait3A_237 = tpu.memref_slice %arg5[%add3A_1, %add3A_98, %dma_wait3A] : memref<4x16384x128xf32, #tpu.memory_space<hbm>> -> memref<1x128x128xf32, #tpu.memory_space<hbm>>
      %dma_wait3A_238 = tpu.memref_squeeze %dma_wait3A_237 : memref<1x128x128xf32, #tpu.memory_space<hbm>> -> memref<128x128xf32, #tpu.memory_space<hbm>>
      %dma_wait3A_239 = arith.constant 0 : i32
      %dma_wait3A_240 = tpu.memref_slice %arg5[%add3A_1, %add3A_98, %dma_wait3A_239] : memref<4x16384x128xf32, #tpu.memory_space<hbm>> -> memref<1x128x128xf32, #tpu.memory_space<hbm>>
      %dma_wait3A_241 = tpu.memref_squeeze %dma_wait3A_240 : memref<1x128x128xf32, #tpu.memory_space<hbm>> -> memref<128x128xf32, #tpu.memory_space<hbm>>
      tpu.wait_dma2 semaphore(%run_scoped3A : memref<!tpu.dma_semaphore, #tpu.memory_space<semaphore_mem>>) src(%arg7 : memref<128x128xf32, #tpu.memory_space<vmem>>) dst(%dma_wait3A_241 : memref<128x128xf32, #tpu.memory_space<hbm>>)
      tpu.yield
    }) : () -> ()
    %add3A_99 = arith.constant 256 : i32
    %add3A_100 = arith.addi %mul3A_86, %add3A_99 : i32
    "tpu.region"() ({
      %run_scoped3A = tpu.sem_alloc : memref<!tpu.dma_semaphore, #tpu.memory_space<semaphore_mem>>
      %dma_start3A = arith.constant 0 : i32
      %dma_start3A_232 = tpu.memref_slice %arg6[%add3A_100, %dma_start3A] : memref<8320x128xf32, #tpu.memory_space<vmem_shared>> -> memref<128x128xf32, #tpu.memory_space<vmem_shared>>
      %dma_start3A_233 = arith.constant 0 : i32
      %dma_start3A_234 = tpu.memref_slice %arg6[%add3A_100, %dma_start3A_233] : memref<8320x128xf32, #tpu.memory_space<vmem_shared>> -> memref<128x128xf32, #tpu.memory_space<vmem_shared>>
      tpu.enqueue_dma source(%dma_start3A_234 : memref<128x128xf32, #tpu.memory_space<vmem_shared>>) target(%arg7 : memref<128x128xf32, #tpu.memory_space<vmem>>) target_semaphore(%run_scoped3A : memref<!tpu.dma_semaphore, #tpu.memory_space<semaphore_mem>>)
      %dma_wait3A = arith.constant 0 : i32
      %dma_wait3A_235 = tpu.memref_slice %arg6[%add3A_100, %dma_wait3A] : memref<8320x128xf32, #tpu.memory_space<vmem_shared>> -> memref<128x128xf32, #tpu.memory_space<vmem_shared>>
      %dma_wait3A_236 = arith.constant 0 : i32
      %dma_wait3A_237 = tpu.memref_slice %arg6[%add3A_100, %dma_wait3A_236] : memref<8320x128xf32, #tpu.memory_space<vmem_shared>> -> memref<128x128xf32, #tpu.memory_space<vmem_shared>>
      tpu.wait_dma2 semaphore(%run_scoped3A : memref<!tpu.dma_semaphore, #tpu.memory_space<semaphore_mem>>) src(%dma_wait3A_237 : memref<128x128xf32, #tpu.memory_space<vmem_shared>>) dst(%arg7 : memref<128x128xf32, #tpu.memory_space<vmem>>)
      tpu.yield
    }) : () -> ()
    %add3A_101 = arith.constant 8192 : i32
    %add3A_102 = arith.addi %add3A_101, %mul3A_86 : i32
    %add3A_103 = arith.constant 256 : i32
    %add3A_104 = arith.addi %add3A_102, %add3A_103 : i32
    "tpu.region"() ({
      %run_scoped3A = tpu.sem_alloc : memref<!tpu.dma_semaphore, #tpu.memory_space<semaphore_mem>>
      %dma_start3A = arith.constant 0 : i32
      %dma_start3A_232 = tpu.memref_slice %arg5[%add3A_1, %add3A_104, %dma_start3A] : memref<4x16384x128xf32, #tpu.memory_space<hbm>> -> memref<1x128x128xf32, #tpu.memory_space<hbm>>
      %dma_start3A_233 = tpu.memref_squeeze %dma_start3A_232 : memref<1x128x128xf32, #tpu.memory_space<hbm>> -> memref<128x128xf32, #tpu.memory_space<hbm>>
      %dma_start3A_234 = arith.constant 0 : i32
      %dma_start3A_235 = tpu.memref_slice %arg5[%add3A_1, %add3A_104, %dma_start3A_234] : memref<4x16384x128xf32, #tpu.memory_space<hbm>> -> memref<1x128x128xf32, #tpu.memory_space<hbm>>
      %dma_start3A_236 = tpu.memref_squeeze %dma_start3A_235 : memref<1x128x128xf32, #tpu.memory_space<hbm>> -> memref<128x128xf32, #tpu.memory_space<hbm>>
      tpu.enqueue_dma source(%arg7 : memref<128x128xf32, #tpu.memory_space<vmem>>) target(%dma_start3A_236 : memref<128x128xf32, #tpu.memory_space<hbm>>) target_semaphore(%run_scoped3A : memref<!tpu.dma_semaphore, #tpu.memory_space<semaphore_mem>>)
      %dma_wait3A = arith.constant 0 : i32
      %dma_wait3A_237 = tpu.memref_slice %arg5[%add3A_1, %add3A_104, %dma_wait3A] : memref<4x16384x128xf32, #tpu.memory_space<hbm>> -> memref<1x128x128xf32, #tpu.memory_space<hbm>>
      %dma_wait3A_238 = tpu.memref_squeeze %dma_wait3A_237 : memref<1x128x128xf32, #tpu.memory_space<hbm>> -> memref<128x128xf32, #tpu.memory_space<hbm>>
      %dma_wait3A_239 = arith.constant 0 : i32
      %dma_wait3A_240 = tpu.memref_slice %arg5[%add3A_1, %add3A_104, %dma_wait3A_239] : memref<4x16384x128xf32, #tpu.memory_space<hbm>> -> memref<1x128x128xf32, #tpu.memory_space<hbm>>
      %dma_wait3A_241 = tpu.memref_squeeze %dma_wait3A_240 : memref<1x128x128xf32, #tpu.memory_space<hbm>> -> memref<128x128xf32, #tpu.memory_space<hbm>>
      tpu.wait_dma2 semaphore(%run_scoped3A : memref<!tpu.dma_semaphore, #tpu.memory_space<semaphore_mem>>) src(%arg7 : memref<128x128xf32, #tpu.memory_space<vmem>>) dst(%dma_wait3A_241 : memref<128x128xf32, #tpu.memory_space<hbm>>)
      tpu.yield
    }) : () -> ()
    %add3A_105 = arith.constant 384 : i32
    %add3A_106 = arith.addi %mul3A_86, %add3A_105 : i32
    "tpu.region"() ({
      %run_scoped3A = tpu.sem_alloc : memref<!tpu.dma_semaphore, #tpu.memory_space<semaphore_mem>>
      %dma_start3A = arith.constant 0 : i32
      %dma_start3A_232 = tpu.memref_slice %arg6[%add3A_106, %dma_start3A] : memref<8320x128xf32, #tpu.memory_space<vmem_shared>> -> memref<128x128xf32, #tpu.memory_space<vmem_shared>>
      %dma_start3A_233 = arith.constant 0 : i32
      %dma_start3A_234 = tpu.memref_slice %arg6[%add3A_106, %dma_start3A_233] : memref<8320x128xf32, #tpu.memory_space<vmem_shared>> -> memref<128x128xf32, #tpu.memory_space<vmem_shared>>
      tpu.enqueue_dma source(%dma_start3A_234 : memref<128x128xf32, #tpu.memory_space<vmem_shared>>) target(%arg7 : memref<128x128xf32, #tpu.memory_space<vmem>>) target_semaphore(%run_scoped3A : memref<!tpu.dma_semaphore, #tpu.memory_space<semaphore_mem>>)
      %dma_wait3A = arith.constant 0 : i32
      %dma_wait3A_235 = tpu.memref_slice %arg6[%add3A_106, %dma_wait3A] : memref<8320x128xf32, #tpu.memory_space<vmem_shared>> -> memref<128x128xf32, #tpu.memory_space<vmem_shared>>
      %dma_wait3A_236 = arith.constant 0 : i32
      %dma_wait3A_237 = tpu.memref_slice %arg6[%add3A_106, %dma_wait3A_236] : memref<8320x128xf32, #tpu.memory_space<vmem_shared>> -> memref<128x128xf32, #tpu.memory_space<vmem_shared>>
      tpu.wait_dma2 semaphore(%run_scoped3A : memref<!tpu.dma_semaphore, #tpu.memory_space<semaphore_mem>>) src(%dma_wait3A_237 : memref<128x128xf32, #tpu.memory_space<vmem_shared>>) dst(%arg7 : memref<128x128xf32, #tpu.memory_space<vmem>>)
      tpu.yield
    }) : () -> ()
    %add3A_107 = arith.constant 8192 : i32
    %add3A_108 = arith.addi %add3A_107, %mul3A_86 : i32
    %add3A_109 = arith.constant 384 : i32
    %add3A_110 = arith.addi %add3A_108, %add3A_109 : i32
    "tpu.region"() ({
      %run_scoped3A = tpu.sem_alloc : memref<!tpu.dma_semaphore, #tpu.memory_space<semaphore_mem>>
      %dma_start3A = arith.constant 0 : i32
      %dma_start3A_232 = tpu.memref_slice %arg5[%add3A_1, %add3A_110, %dma_start3A] : memref<4x16384x128xf32, #tpu.memory_space<hbm>> -> memref<1x128x128xf32, #tpu.memory_space<hbm>>
      %dma_start3A_233 = tpu.memref_squeeze %dma_start3A_232 : memref<1x128x128xf32, #tpu.memory_space<hbm>> -> memref<128x128xf32, #tpu.memory_space<hbm>>
      %dma_start3A_234 = arith.constant 0 : i32
      %dma_start3A_235 = tpu.memref_slice %arg5[%add3A_1, %add3A_110, %dma_start3A_234] : memref<4x16384x128xf32, #tpu.memory_space<hbm>> -> memref<1x128x128xf32, #tpu.memory_space<hbm>>
      %dma_start3A_236 = tpu.memref_squeeze %dma_start3A_235 : memref<1x128x128xf32, #tpu.memory_space<hbm>> -> memref<128x128xf32, #tpu.memory_space<hbm>>
      tpu.enqueue_dma source(%arg7 : memref<128x128xf32, #tpu.memory_space<vmem>>) target(%dma_start3A_236 : memref<128x128xf32, #tpu.memory_space<hbm>>) target_semaphore(%run_scoped3A : memref<!tpu.dma_semaphore, #tpu.memory_space<semaphore_mem>>)
      %dma_wait3A = arith.constant 0 : i32
      %dma_wait3A_237 = tpu.memref_slice %arg5[%add3A_1, %add3A_110, %dma_wait3A] : memref<4x16384x128xf32, #tpu.memory_space<hbm>> -> memref<1x128x128xf32, #tpu.memory_space<hbm>>
      %dma_wait3A_238 = tpu.memref_squeeze %dma_wait3A_237 : memref<1x128x128xf32, #tpu.memory_space<hbm>> -> memref<128x128xf32, #tpu.memory_space<hbm>>
      %dma_wait3A_239 = arith.constant 0 : i32
      %dma_wait3A_240 = tpu.memref_slice %arg5[%add3A_1, %add3A_110, %dma_wait3A_239] : memref<4x16384x128xf32, #tpu.memory_space<hbm>> -> memref<1x128x128xf32, #tpu.memory_space<hbm>>
      %dma_wait3A_241 = tpu.memref_squeeze %dma_wait3A_240 : memref<1x128x128xf32, #tpu.memory_space<hbm>> -> memref<128x128xf32, #tpu.memory_space<hbm>>
      tpu.wait_dma2 semaphore(%run_scoped3A : memref<!tpu.dma_semaphore, #tpu.memory_space<semaphore_mem>>) src(%arg7 : memref<128x128xf32, #tpu.memory_space<vmem>>) dst(%dma_wait3A_241 : memref<128x128xf32, #tpu.memory_space<hbm>>)
      tpu.yield
    }) : () -> ()
    %barrier3A_111 = arith.constant 0 : index
    tpu.barrier barrier_id(%barrier3A_111)
    %mul3A_112 = arith.constant 2 : i32
    %mul3A_113 = arith.muli %arg0, %mul3A_112 : i32
    %add3A_114 = arith.constant 1 : i32
    %add3A_115 = arith.addi %mul3A_113, %add3A_114 : i32
    "tpu.region"() ({
      %run_scoped3A = tpu.sem_alloc : memref<!tpu.dma_semaphore, #tpu.memory_space<semaphore_mem>>
      tpu.enqueue_dma source(%arg4 : memref<128x128xf32, #tpu.memory_space<hbm>>) target(%arg7 : memref<128x128xf32, #tpu.memory_space<vmem>>) target_semaphore(%run_scoped3A : memref<!tpu.dma_semaphore, #tpu.memory_space<semaphore_mem>>)
      tpu.wait_dma2 semaphore(%run_scoped3A : memref<!tpu.dma_semaphore, #tpu.memory_space<semaphore_mem>>) src(%arg4 : memref<128x128xf32, #tpu.memory_space<hbm>>) dst(%arg7 : memref<128x128xf32, #tpu.memory_space<vmem>>)
      tpu.yield
    }) : () -> ()
    %mul3A_116 = arith.constant 520 : i32
    %mul3A_117 = arith.muli %arg1, %mul3A_116 : i32
    %add3A_118 = arith.constant 0 : i32
    %add3A_119 = arith.addi %mul3A_117, %add3A_118 : i32
    "tpu.region"() ({
      %run_scoped3A = tpu.sem_alloc : memref<!tpu.dma_semaphore, #tpu.memory_space<semaphore_mem>>
      %dma_start3A = arith.constant 0 : i32
      %dma_start3A_232 = tpu.memref_slice %arg6[%add3A_119, %dma_start3A] : memref<8320x128xf32, #tpu.memory_space<vmem_shared>> -> memref<128x128xf32, #tpu.memory_space<vmem_shared>>
      %dma_start3A_233 = arith.constant 0 : i32
      %dma_start3A_234 = tpu.memref_slice %arg6[%add3A_119, %dma_start3A_233] : memref<8320x128xf32, #tpu.memory_space<vmem_shared>> -> memref<128x128xf32, #tpu.memory_space<vmem_shared>>
      tpu.enqueue_dma source(%arg7 : memref<128x128xf32, #tpu.memory_space<vmem>>) target(%dma_start3A_234 : memref<128x128xf32, #tpu.memory_space<vmem_shared>>) target_semaphore(%run_scoped3A : memref<!tpu.dma_semaphore, #tpu.memory_space<semaphore_mem>>)
      %dma_wait3A = arith.constant 0 : i32
      %dma_wait3A_235 = tpu.memref_slice %arg6[%add3A_119, %dma_wait3A] : memref<8320x128xf32, #tpu.memory_space<vmem_shared>> -> memref<128x128xf32, #tpu.memory_space<vmem_shared>>
      %dma_wait3A_236 = arith.constant 0 : i32
      %dma_wait3A_237 = tpu.memref_slice %arg6[%add3A_119, %dma_wait3A_236] : memref<8320x128xf32, #tpu.memory_space<vmem_shared>> -> memref<128x128xf32, #tpu.memory_space<vmem_shared>>
      tpu.wait_dma2 semaphore(%run_scoped3A : memref<!tpu.dma_semaphore, #tpu.memory_space<semaphore_mem>>) src(%arg7 : memref<128x128xf32, #tpu.memory_space<vmem>>) dst(%dma_wait3A_237 : memref<128x128xf32, #tpu.memory_space<vmem_shared>>)
      tpu.yield
    }) : () -> ()
    %add3A_120 = arith.constant 128 : i32
    %add3A_121 = arith.addi %mul3A_117, %add3A_120 : i32
    "tpu.region"() ({
      %run_scoped3A = tpu.sem_alloc : memref<!tpu.dma_semaphore, #tpu.memory_space<semaphore_mem>>
      %dma_start3A = arith.constant 0 : i32
      %dma_start3A_232 = tpu.memref_slice %arg6[%add3A_121, %dma_start3A] : memref<8320x128xf32, #tpu.memory_space<vmem_shared>> -> memref<128x128xf32, #tpu.memory_space<vmem_shared>>
      %dma_start3A_233 = arith.constant 0 : i32
      %dma_start3A_234 = tpu.memref_slice %arg6[%add3A_121, %dma_start3A_233] : memref<8320x128xf32, #tpu.memory_space<vmem_shared>> -> memref<128x128xf32, #tpu.memory_space<vmem_shared>>
      tpu.enqueue_dma source(%arg7 : memref<128x128xf32, #tpu.memory_space<vmem>>) target(%dma_start3A_234 : memref<128x128xf32, #tpu.memory_space<vmem_shared>>) target_semaphore(%run_scoped3A : memref<!tpu.dma_semaphore, #tpu.memory_space<semaphore_mem>>)
      %dma_wait3A = arith.constant 0 : i32
      %dma_wait3A_235 = tpu.memref_slice %arg6[%add3A_121, %dma_wait3A] : memref<8320x128xf32, #tpu.memory_space<vmem_shared>> -> memref<128x128xf32, #tpu.memory_space<vmem_shared>>
      %dma_wait3A_236 = arith.constant 0 : i32
      %dma_wait3A_237 = tpu.memref_slice %arg6[%add3A_121, %dma_wait3A_236] : memref<8320x128xf32, #tpu.memory_space<vmem_shared>> -> memref<128x128xf32, #tpu.memory_space<vmem_shared>>
      tpu.wait_dma2 semaphore(%run_scoped3A : memref<!tpu.dma_semaphore, #tpu.memory_space<semaphore_mem>>) src(%arg7 : memref<128x128xf32, #tpu.memory_space<vmem>>) dst(%dma_wait3A_237 : memref<128x128xf32, #tpu.memory_space<vmem_shared>>)
      tpu.yield
    }) : () -> ()
    %add3A_122 = arith.constant 256 : i32
    %add3A_123 = arith.addi %mul3A_117, %add3A_122 : i32
    "tpu.region"() ({
      %run_scoped3A = tpu.sem_alloc : memref<!tpu.dma_semaphore, #tpu.memory_space<semaphore_mem>>
      %dma_start3A = arith.constant 0 : i32
      %dma_start3A_232 = tpu.memref_slice %arg6[%add3A_123, %dma_start3A] : memref<8320x128xf32, #tpu.memory_space<vmem_shared>> -> memref<128x128xf32, #tpu.memory_space<vmem_shared>>
      %dma_start3A_233 = arith.constant 0 : i32
      %dma_start3A_234 = tpu.memref_slice %arg6[%add3A_123, %dma_start3A_233] : memref<8320x128xf32, #tpu.memory_space<vmem_shared>> -> memref<128x128xf32, #tpu.memory_space<vmem_shared>>
      tpu.enqueue_dma source(%arg7 : memref<128x128xf32, #tpu.memory_space<vmem>>) target(%dma_start3A_234 : memref<128x128xf32, #tpu.memory_space<vmem_shared>>) target_semaphore(%run_scoped3A : memref<!tpu.dma_semaphore, #tpu.memory_space<semaphore_mem>>)
      %dma_wait3A = arith.constant 0 : i32
      %dma_wait3A_235 = tpu.memref_slice %arg6[%add3A_123, %dma_wait3A] : memref<8320x128xf32, #tpu.memory_space<vmem_shared>> -> memref<128x128xf32, #tpu.memory_space<vmem_shared>>
      %dma_wait3A_236 = arith.constant 0 : i32
      %dma_wait3A_237 = tpu.memref_slice %arg6[%add3A_123, %dma_wait3A_236] : memref<8320x128xf32, #tpu.memory_space<vmem_shared>> -> memref<128x128xf32, #tpu.memory_space<vmem_shared>>
      tpu.wait_dma2 semaphore(%run_scoped3A : memref<!tpu.dma_semaphore, #tpu.memory_space<semaphore_mem>>) src(%arg7 : memref<128x128xf32, #tpu.memory_space<vmem>>) dst(%dma_wait3A_237 : memref<128x128xf32, #tpu.memory_space<vmem_shared>>)
      tpu.yield
    }) : () -> ()
    %add3A_124 = arith.constant 384 : i32
    %add3A_125 = arith.addi %mul3A_117, %add3A_124 : i32
    "tpu.region"() ({
      %run_scoped3A = tpu.sem_alloc : memref<!tpu.dma_semaphore, #tpu.memory_space<semaphore_mem>>
      %dma_start3A = arith.constant 0 : i32
      %dma_start3A_232 = tpu.memref_slice %arg6[%add3A_125, %dma_start3A] : memref<8320x128xf32, #tpu.memory_space<vmem_shared>> -> memref<128x128xf32, #tpu.memory_space<vmem_shared>>
      %dma_start3A_233 = arith.constant 0 : i32
      %dma_start3A_234 = tpu.memref_slice %arg6[%add3A_125, %dma_start3A_233] : memref<8320x128xf32, #tpu.memory_space<vmem_shared>> -> memref<128x128xf32, #tpu.memory_space<vmem_shared>>
      tpu.enqueue_dma source(%arg7 : memref<128x128xf32, #tpu.memory_space<vmem>>) target(%dma_start3A_234 : memref<128x128xf32, #tpu.memory_space<vmem_shared>>) target_semaphore(%run_scoped3A : memref<!tpu.dma_semaphore, #tpu.memory_space<semaphore_mem>>)
      %dma_wait3A = arith.constant 0 : i32
      %dma_wait3A_235 = tpu.memref_slice %arg6[%add3A_125, %dma_wait3A] : memref<8320x128xf32, #tpu.memory_space<vmem_shared>> -> memref<128x128xf32, #tpu.memory_space<vmem_shared>>
      %dma_wait3A_236 = arith.constant 0 : i32
      %dma_wait3A_237 = tpu.memref_slice %arg6[%add3A_125, %dma_wait3A_236] : memref<8320x128xf32, #tpu.memory_space<vmem_shared>> -> memref<128x128xf32, #tpu.memory_space<vmem_shared>>
      tpu.wait_dma2 semaphore(%run_scoped3A : memref<!tpu.dma_semaphore, #tpu.memory_space<semaphore_mem>>) src(%arg7 : memref<128x128xf32, #tpu.memory_space<vmem>>) dst(%dma_wait3A_237 : memref<128x128xf32, #tpu.memory_space<vmem_shared>>)
      tpu.yield
    }) : () -> ()
    %add3A_126 = arith.constant 512 : i32
    %add3A_127 = arith.addi %mul3A_117, %add3A_126 : i32
    "tpu.region"() ({
      %run_scoped3A = tpu.sem_alloc : memref<!tpu.dma_semaphore, #tpu.memory_space<semaphore_mem>>
      %dma_start3A = arith.constant 0 : i32
      %dma_start3A_232 = arith.constant 0 : i32
      %dma_start3A_233 = tpu.memref_slice %arg7[%dma_start3A, %dma_start3A_232] : memref<128x128xf32, #tpu.memory_space<vmem>> -> memref<8x128xf32, #tpu.memory_space<vmem>>
      %dma_start3A_234 = arith.constant 0 : i32
      %dma_start3A_235 = tpu.memref_slice %arg6[%add3A_127, %dma_start3A_234] : memref<8320x128xf32, #tpu.memory_space<vmem_shared>> -> memref<8x128xf32, #tpu.memory_space<vmem_shared>>
      %dma_start3A_236 = arith.constant 0 : i32
      %dma_start3A_237 = tpu.memref_slice %arg6[%add3A_127, %dma_start3A_236] : memref<8320x128xf32, #tpu.memory_space<vmem_shared>> -> memref<8x128xf32, #tpu.memory_space<vmem_shared>>
      %dma_start3A_238 = arith.constant 0 : i32
      %dma_start3A_239 = arith.constant 0 : i32
      %dma_start3A_240 = tpu.memref_slice %arg7[%dma_start3A_238, %dma_start3A_239] : memref<128x128xf32, #tpu.memory_space<vmem>> -> memref<8x128xf32, #tpu.memory_space<vmem>>
      tpu.enqueue_dma source(%dma_start3A_240 : memref<8x128xf32, #tpu.memory_space<vmem>>) target(%dma_start3A_237 : memref<8x128xf32, #tpu.memory_space<vmem_shared>>) target_semaphore(%run_scoped3A : memref<!tpu.dma_semaphore, #tpu.memory_space<semaphore_mem>>)
      %dma_wait3A = arith.constant 0 : i32
      %dma_wait3A_241 = arith.constant 0 : i32
      %dma_wait3A_242 = tpu.memref_slice %arg7[%dma_wait3A, %dma_wait3A_241] : memref<128x128xf32, #tpu.memory_space<vmem>> -> memref<8x128xf32, #tpu.memory_space<vmem>>
      %dma_wait3A_243 = arith.constant 0 : i32
      %dma_wait3A_244 = tpu.memref_slice %arg6[%add3A_127, %dma_wait3A_243] : memref<8320x128xf32, #tpu.memory_space<vmem_shared>> -> memref<8x128xf32, #tpu.memory_space<vmem_shared>>
      %dma_wait3A_245 = arith.constant 0 : i32
      %dma_wait3A_246 = tpu.memref_slice %arg6[%add3A_127, %dma_wait3A_245] : memref<8320x128xf32, #tpu.memory_space<vmem_shared>> -> memref<8x128xf32, #tpu.memory_space<vmem_shared>>
      %dma_wait3A_247 = arith.constant 0 : i32
      %dma_wait3A_248 = arith.constant 0 : i32
      %dma_wait3A_249 = tpu.memref_slice %arg7[%dma_wait3A_247, %dma_wait3A_248] : memref<128x128xf32, #tpu.memory_space<vmem>> -> memref<8x128xf32, #tpu.memory_space<vmem>>
      tpu.wait_dma2 semaphore(%run_scoped3A : memref<!tpu.dma_semaphore, #tpu.memory_space<semaphore_mem>>) src(%dma_wait3A_249 : memref<8x128xf32, #tpu.memory_space<vmem>>) dst(%dma_wait3A_246 : memref<8x128xf32, #tpu.memory_space<vmem_shared>>)
      tpu.yield
    }) : () -> ()
    %barrier3A_128 = arith.constant 0 : index
    tpu.barrier barrier_id(%barrier3A_128)
    %add3A_129 = arith.constant 0 : i32
    %add3A_130 = arith.addi %add3A_129, %arg1 : i32
    %lt3A_131 = arith.constant 1562 : i32
    %lt3A_132 = arith.cmpi slt, %add3A_130, %lt3A_131 : i32
    %convert_element_type3A_133 = arith.extui %lt3A_132 : i1 to i32
    %cond3A_134 = arith.constant 0 : i32
    %cond3A_135 = arith.cmpi ne, %convert_element_type3A_133, %cond3A_134 : i32
    scf.if %cond3A_135 {
      %mul3A_232 = arith.constant 200000 : i32
      %mul3A_233 = arith.muli %add3A_115, %mul3A_232 : i32
      %mul3A_234 = arith.constant 128 : i32
      %mul3A_235 = arith.muli %add3A_130, %mul3A_234 : i32
      %add3A_236 = arith.addi %mul3A_233, %mul3A_235 : i32
      %dma_start3A = tpu.memref_slice %arg3[%add3A_236] : memref<800000xi32, #tpu.memory_space<hbm>> -> memref<128xi32, #tpu.memory_space<hbm>>
      %dma_start3A_237 = tpu.memref_slice %arg3[%add3A_236] : memref<800000xi32, #tpu.memory_space<hbm>> -> memref<128xi32, #tpu.memory_space<hbm>>
      tpu.enqueue_dma source(%dma_start3A_237 : memref<128xi32, #tpu.memory_space<hbm>>) target(%arg8 : memref<128xi32, #tpu.memory_space<vmem>>) target_semaphore(%arg13 : memref<!tpu.dma_semaphore, #tpu.memory_space<semaphore_mem>>)
      %dma_start3A_238 = arith.constant 0 : i32
      %dma_start3A_239 = tpu.memref_slice %arg2[%add3A_236, %dma_start3A_238] : memref<800000x128xf32, #tpu.memory_space<hbm>> -> memref<128x128xf32, #tpu.memory_space<hbm>>
      %dma_start3A_240 = arith.constant 0 : i32
      %dma_start3A_241 = tpu.memref_slice %arg2[%add3A_236, %dma_start3A_240] : memref<800000x128xf32, #tpu.memory_space<hbm>> -> memref<128x128xf32, #tpu.memory_space<hbm>>
      tpu.enqueue_dma source(%dma_start3A_241 : memref<128x128xf32, #tpu.memory_space<hbm>>) target(%arg7 : memref<128x128xf32, #tpu.memory_space<vmem>>) target_semaphore(%arg13 : memref<!tpu.dma_semaphore, #tpu.memory_space<semaphore_mem>>)
    } else {
    }
    %scan3A_136 = arith.constant 0 : i32
    %scan3A_137 = arith.constant 49 : i32
    %scan3A_138 = arith.addi %scan3A_136, %scan3A_137 : i32
    %scan3A_139 = arith.constant 1 : i32
    scf.for %scan3A_232 = %scan3A_136 to %scan3A_138 step %scan3A_139  : i32 {
      %mul3A_233 = arith.constant 2 : i32
      %mul3A_234 = arith.muli %mul3A_233, %scan3A_232 : i32
      %add3A_235 = arith.constant 1 : i32
      %add3A_236 = arith.addi %mul3A_234, %add3A_235 : i32
      %mul3A_237 = arith.constant 16 : i32
      %mul3A_238 = arith.muli %add3A_236, %mul3A_237 : i32
      %add3A_239 = arith.addi %mul3A_238, %arg1 : i32
      %lt3A_240 = arith.constant 1562 : i32
      %lt3A_241 = arith.cmpi slt, %add3A_239, %lt3A_240 : i32
      %convert_element_type3A_242 = arith.extui %lt3A_241 : i1 to i32
      %cond3A_243 = arith.constant 0 : i32
      %cond3A_244 = arith.cmpi ne, %convert_element_type3A_242, %cond3A_243 : i32
      scf.if %cond3A_244 {
        %mul3A_279 = arith.constant 200000 : i32
        %mul3A_280 = arith.muli %add3A_115, %mul3A_279 : i32
        %mul3A_281 = arith.constant 128 : i32
        %mul3A_282 = arith.muli %add3A_239, %mul3A_281 : i32
        %add3A_283 = arith.addi %mul3A_280, %mul3A_282 : i32
        %dma_start3A = tpu.memref_slice %arg3[%add3A_283] : memref<800000xi32, #tpu.memory_space<hbm>> -> memref<128xi32, #tpu.memory_space<hbm>>
        %dma_start3A_284 = tpu.memref_slice %arg3[%add3A_283] : memref<800000xi32, #tpu.memory_space<hbm>> -> memref<128xi32, #tpu.memory_space<hbm>>
        tpu.enqueue_dma source(%dma_start3A_284 : memref<128xi32, #tpu.memory_space<hbm>>) target(%arg10 : memref<128xi32, #tpu.memory_space<vmem>>) target_semaphore(%arg14 : memref<!tpu.dma_semaphore, #tpu.memory_space<semaphore_mem>>)
        %dma_start3A_285 = arith.constant 0 : i32
        %dma_start3A_286 = tpu.memref_slice %arg2[%add3A_283, %dma_start3A_285] : memref<800000x128xf32, #tpu.memory_space<hbm>> -> memref<128x128xf32, #tpu.memory_space<hbm>>
        %dma_start3A_287 = arith.constant 0 : i32
        %dma_start3A_288 = tpu.memref_slice %arg2[%add3A_283, %dma_start3A_287] : memref<800000x128xf32, #tpu.memory_space<hbm>> -> memref<128x128xf32, #tpu.memory_space<hbm>>
        tpu.enqueue_dma source(%dma_start3A_288 : memref<128x128xf32, #tpu.memory_space<hbm>>) target(%arg9 : memref<128x128xf32, #tpu.memory_space<vmem>>) target_semaphore(%arg14 : memref<!tpu.dma_semaphore, #tpu.memory_space<semaphore_mem>>)
      } else {
      }
      %mul3A_245 = arith.constant 2 : i32
      %mul3A_246 = arith.muli %mul3A_245, %scan3A_232 : i32
      %mul3A_247 = arith.constant 16 : i32
      %mul3A_248 = arith.muli %mul3A_246, %mul3A_247 : i32
      %add3A_249 = arith.addi %mul3A_248, %arg1 : i32
      %lt3A_250 = arith.constant 1562 : i32
      %lt3A_251 = arith.cmpi slt, %add3A_249, %lt3A_250 : i32
      %convert_element_type3A_252 = arith.extui %lt3A_251 : i1 to i32
      %cond3A_253 = arith.constant 0 : i32
      %cond3A_254 = arith.cmpi ne, %convert_element_type3A_252, %cond3A_253 : i32
      scf.if %cond3A_254 {
        %mul3A_279 = arith.constant 200000 : i32
        %mul3A_280 = arith.muli %add3A_115, %mul3A_279 : i32
        %mul3A_281 = arith.constant 128 : i32
        %mul3A_282 = arith.muli %add3A_249, %mul3A_281 : i32
        %add3A_283 = arith.addi %mul3A_280, %mul3A_282 : i32
        %dma_wait3A = tpu.memref_slice %arg3[%add3A_283] : memref<800000xi32, #tpu.memory_space<hbm>> -> memref<128xi32, #tpu.memory_space<hbm>>
        %dma_wait3A_284 = tpu.memref_slice %arg3[%add3A_283] : memref<800000xi32, #tpu.memory_space<hbm>> -> memref<128xi32, #tpu.memory_space<hbm>>
        tpu.wait_dma2 semaphore(%arg13 : memref<!tpu.dma_semaphore, #tpu.memory_space<semaphore_mem>>) src(%dma_wait3A_284 : memref<128xi32, #tpu.memory_space<hbm>>) dst(%arg8 : memref<128xi32, #tpu.memory_space<vmem>>)
        %dma_wait3A_285 = arith.constant 0 : i32
        %dma_wait3A_286 = tpu.memref_slice %arg2[%add3A_283, %dma_wait3A_285] : memref<800000x128xf32, #tpu.memory_space<hbm>> -> memref<128x128xf32, #tpu.memory_space<hbm>>
        %dma_wait3A_287 = arith.constant 0 : i32
        %dma_wait3A_288 = tpu.memref_slice %arg2[%add3A_283, %dma_wait3A_287] : memref<800000x128xf32, #tpu.memory_space<hbm>> -> memref<128x128xf32, #tpu.memory_space<hbm>>
        tpu.wait_dma2 semaphore(%arg13 : memref<!tpu.dma_semaphore, #tpu.memory_space<semaphore_mem>>) src(%dma_wait3A_288 : memref<128x128xf32, #tpu.memory_space<hbm>>) dst(%arg7 : memref<128x128xf32, #tpu.memory_space<vmem>>)
        %get3A = arith.constant 0 : index
        %get3A_289 = tpu.vector_load %arg8[%get3A] {strides = array<i32>} : memref<128xi32, #tpu.memory_space<vmem>>, vector<16xi32>,
        %get3A_290 = vector.shape_cast %get3A_289 : vector<16xi32> to vector<16xi32>
        %sub3A = arith.constant 0 : i32
        %sub3A_291 = vector.broadcast %sub3A : i32 to vector<16xi32>
        %sub3A_292 = arith.subi %get3A_290, %sub3A_291 : vector<16xi32>
        %lt3A_293 = arith.constant 0 : i32
        %lt3A_294 = vector.broadcast %lt3A_293 : i32 to vector<16xi32>
        %lt3A_295 = arith.cmpi slt, %sub3A_292, %lt3A_294 : vector<16xi32>
        %ge3A = arith.constant 8192 : i32
        %ge3A_296 = vector.broadcast %ge3A : i32 to vector<16xi32>
        %ge3A_297 = arith.cmpi sge, %sub3A_292, %ge3A_296 : vector<16xi32>
        %or3A = arith.ori %lt3A_295, %ge3A_297 : vector<16xi1>
        %jit3A = arith.constant 8192 : i32
        %broadcast_in_dim3A = vector.broadcast %jit3A : i32 to vector<16xi32>
        %select_n3A = arith.select %or3A, %broadcast_in_dim3A, %sub3A_292 : vector<16xi1>, vector<16xi32>
        %swap3A = arith.constant 0 : index
        %swap3A_298 = tpu.vector_load %arg8[%swap3A] {strides = array<i32>} : memref<128xi32, #tpu.memory_space<vmem>>, vector<16xi32>,
        %swap3A_299 = vector.shape_cast %swap3A_298 : vector<16xi32> to vector<16xi32>
        %swap3A_300 = vector.shape_cast %select_n3A : vector<16xi32> to vector<16xi32>
        tpu.vector_store %arg8[%swap3A], %swap3A_300 {strides = array<i32>} : memref<128xi32, #tpu.memory_space<vmem>>, vector<16xi32>,
        %get3A_301 = arith.constant 16 : index
        %get3A_302 = tpu.vector_load %arg8[%get3A_301] {strides = array<i32>} : memref<128xi32, #tpu.memory_space<vmem>>, vector<16xi32>,
        %get3A_303 = vector.shape_cast %get3A_302 : vector<16xi32> to vector<16xi32>
        %sub3A_304 = arith.constant 0 : i32
        %sub3A_305 = vector.broadcast %sub3A_304 : i32 to vector<16xi32>
        %sub3A_306 = arith.subi %get3A_303, %sub3A_305 : vector<16xi32>
        %lt3A_307 = arith.constant 0 : i32
        %lt3A_308 = vector.broadcast %lt3A_307 : i32 to vector<16xi32>
        %lt3A_309 = arith.cmpi slt, %sub3A_306, %lt3A_308 : vector<16xi32>
        %ge3A_310 = arith.constant 8192 : i32
        %ge3A_311 = vector.broadcast %ge3A_310 : i32 to vector<16xi32>
        %ge3A_312 = arith.cmpi sge, %sub3A_306, %ge3A_311 : vector<16xi32>
        %or3A_313 = arith.ori %lt3A_309, %ge3A_312 : vector<16xi1>
        %jit3A_314 = arith.constant 8192 : i32
        %broadcast_in_dim3A_315 = vector.broadcast %jit3A_314 : i32 to vector<16xi32>
        %select_n3A_316 = arith.select %or3A_313, %broadcast_in_dim3A_315, %sub3A_306 : vector<16xi1>, vector<16xi32>
        %swap3A_317 = arith.constant 16 : index
        %swap3A_318 = tpu.vector_load %arg8[%swap3A_317] {strides = array<i32>} : memref<128xi32, #tpu.memory_space<vmem>>, vector<16xi32>,
        %swap3A_319 = vector.shape_cast %swap3A_318 : vector<16xi32> to vector<16xi32>
        %swap3A_320 = vector.shape_cast %select_n3A_316 : vector<16xi32> to vector<16xi32>
        tpu.vector_store %arg8[%swap3A_317], %swap3A_320 {strides = array<i32>} : memref<128xi32, #tpu.memory_space<vmem>>, vector<16xi32>,
        %get3A_321 = arith.constant 32 : index
        %get3A_322 = tpu.vector_load %arg8[%get3A_321] {strides = array<i32>} : memref<128xi32, #tpu.memory_space<vmem>>, vector<16xi32>,
        %get3A_323 = vector.shape_cast %get3A_322 : vector<16xi32> to vector<16xi32>
        %sub3A_324 = arith.constant 0 : i32
        %sub3A_325 = vector.broadcast %sub3A_324 : i32 to vector<16xi32>
        %sub3A_326 = arith.subi %get3A_323, %sub3A_325 : vector<16xi32>
        %lt3A_327 = arith.constant 0 : i32
        %lt3A_328 = vector.broadcast %lt3A_327 : i32 to vector<16xi32>
        %lt3A_329 = arith.cmpi slt, %sub3A_326, %lt3A_328 : vector<16xi32>
        %ge3A_330 = arith.constant 8192 : i32
        %ge3A_331 = vector.broadcast %ge3A_330 : i32 to vector<16xi32>
        %ge3A_332 = arith.cmpi sge, %sub3A_326, %ge3A_331 : vector<16xi32>
        %or3A_333 = arith.ori %lt3A_329, %ge3A_332 : vector<16xi1>
        %jit3A_334 = arith.constant 8192 : i32
        %broadcast_in_dim3A_335 = vector.broadcast %jit3A_334 : i32 to vector<16xi32>
        %select_n3A_336 = arith.select %or3A_333, %broadcast_in_dim3A_335, %sub3A_326 : vector<16xi1>, vector<16xi32>
        %swap3A_337 = arith.constant 32 : index
        %swap3A_338 = tpu.vector_load %arg8[%swap3A_337] {strides = array<i32>} : memref<128xi32, #tpu.memory_space<vmem>>, vector<16xi32>,
        %swap3A_339 = vector.shape_cast %swap3A_338 : vector<16xi32> to vector<16xi32>
        %swap3A_340 = vector.shape_cast %select_n3A_336 : vector<16xi32> to vector<16xi32>
        tpu.vector_store %arg8[%swap3A_337], %swap3A_340 {strides = array<i32>} : memref<128xi32, #tpu.memory_space<vmem>>, vector<16xi32>,
        %get3A_341 = arith.constant 48 : index
        %get3A_342 = tpu.vector_load %arg8[%get3A_341] {strides = array<i32>} : memref<128xi32, #tpu.memory_space<vmem>>, vector<16xi32>,
        %get3A_343 = vector.shape_cast %get3A_342 : vector<16xi32> to vector<16xi32>
        %sub3A_344 = arith.constant 0 : i32
        %sub3A_345 = vector.broadcast %sub3A_344 : i32 to vector<16xi32>
        %sub3A_346 = arith.subi %get3A_343, %sub3A_345 : vector<16xi32>
        %lt3A_347 = arith.constant 0 : i32
        %lt3A_348 = vector.broadcast %lt3A_347 : i32 to vector<16xi32>
        %lt3A_349 = arith.cmpi slt, %sub3A_346, %lt3A_348 : vector<16xi32>
        %ge3A_350 = arith.constant 8192 : i32
        %ge3A_351 = vector.broadcast %ge3A_350 : i32 to vector<16xi32>
        %ge3A_352 = arith.cmpi sge, %sub3A_346, %ge3A_351 : vector<16xi32>
        %or3A_353 = arith.ori %lt3A_349, %ge3A_352 : vector<16xi1>
        %jit3A_354 = arith.constant 8192 : i32
        %broadcast_in_dim3A_355 = vector.broadcast %jit3A_354 : i32 to vector<16xi32>
        %select_n3A_356 = arith.select %or3A_353, %broadcast_in_dim3A_355, %sub3A_346 : vector<16xi1>, vector<16xi32>
        %swap3A_357 = arith.constant 48 : index
        %swap3A_358 = tpu.vector_load %arg8[%swap3A_357] {strides = array<i32>} : memref<128xi32, #tpu.memory_space<vmem>>, vector<16xi32>,
        %swap3A_359 = vector.shape_cast %swap3A_358 : vector<16xi32> to vector<16xi32>
        %swap3A_360 = vector.shape_cast %select_n3A_356 : vector<16xi32> to vector<16xi32>
        tpu.vector_store %arg8[%swap3A_357], %swap3A_360 {strides = array<i32>} : memref<128xi32, #tpu.memory_space<vmem>>, vector<16xi32>,
        %get3A_361 = arith.constant 64 : index
        %get3A_362 = tpu.vector_load %arg8[%get3A_361] {strides = array<i32>} : memref<128xi32, #tpu.memory_space<vmem>>, vector<16xi32>,
        %get3A_363 = vector.shape_cast %get3A_362 : vector<16xi32> to vector<16xi32>
        %sub3A_364 = arith.constant 0 : i32
        %sub3A_365 = vector.broadcast %sub3A_364 : i32 to vector<16xi32>
        %sub3A_366 = arith.subi %get3A_363, %sub3A_365 : vector<16xi32>
        %lt3A_367 = arith.constant 0 : i32
        %lt3A_368 = vector.broadcast %lt3A_367 : i32 to vector<16xi32>
        %lt3A_369 = arith.cmpi slt, %sub3A_366, %lt3A_368 : vector<16xi32>
        %ge3A_370 = arith.constant 8192 : i32
        %ge3A_371 = vector.broadcast %ge3A_370 : i32 to vector<16xi32>
        %ge3A_372 = arith.cmpi sge, %sub3A_366, %ge3A_371 : vector<16xi32>
        %or3A_373 = arith.ori %lt3A_369, %ge3A_372 : vector<16xi1>
        %jit3A_374 = arith.constant 8192 : i32
        %broadcast_in_dim3A_375 = vector.broadcast %jit3A_374 : i32 to vector<16xi32>
        %select_n3A_376 = arith.select %or3A_373, %broadcast_in_dim3A_375, %sub3A_366 : vector<16xi1>, vector<16xi32>
        %swap3A_377 = arith.constant 64 : index
        %swap3A_378 = tpu.vector_load %arg8[%swap3A_377] {strides = array<i32>} : memref<128xi32, #tpu.memory_space<vmem>>, vector<16xi32>,
        %swap3A_379 = vector.shape_cast %swap3A_378 : vector<16xi32> to vector<16xi32>
        %swap3A_380 = vector.shape_cast %select_n3A_376 : vector<16xi32> to vector<16xi32>
        tpu.vector_store %arg8[%swap3A_377], %swap3A_380 {strides = array<i32>} : memref<128xi32, #tpu.memory_space<vmem>>, vector<16xi32>,
        %get3A_381 = arith.constant 80 : index
        %get3A_382 = tpu.vector_load %arg8[%get3A_381] {strides = array<i32>} : memref<128xi32, #tpu.memory_space<vmem>>, vector<16xi32>,
        %get3A_383 = vector.shape_cast %get3A_382 : vector<16xi32> to vector<16xi32>
        %sub3A_384 = arith.constant 0 : i32
        %sub3A_385 = vector.broadcast %sub3A_384 : i32 to vector<16xi32>
        %sub3A_386 = arith.subi %get3A_383, %sub3A_385 : vector<16xi32>
        %lt3A_387 = arith.constant 0 : i32
        %lt3A_388 = vector.broadcast %lt3A_387 : i32 to vector<16xi32>
        %lt3A_389 = arith.cmpi slt, %sub3A_386, %lt3A_388 : vector<16xi32>
        %ge3A_390 = arith.constant 8192 : i32
        %ge3A_391 = vector.broadcast %ge3A_390 : i32 to vector<16xi32>
        %ge3A_392 = arith.cmpi sge, %sub3A_386, %ge3A_391 : vector<16xi32>
        %or3A_393 = arith.ori %lt3A_389, %ge3A_392 : vector<16xi1>
        %jit3A_394 = arith.constant 8192 : i32
        %broadcast_in_dim3A_395 = vector.broadcast %jit3A_394 : i32 to vector<16xi32>
        %select_n3A_396 = arith.select %or3A_393, %broadcast_in_dim3A_395, %sub3A_386 : vector<16xi1>, vector<16xi32>
        %swap3A_397 = arith.constant 80 : index
        %swap3A_398 = tpu.vector_load %arg8[%swap3A_397] {strides = array<i32>} : memref<128xi32, #tpu.memory_space<vmem>>, vector<16xi32>,
        %swap3A_399 = vector.shape_cast %swap3A_398 : vector<16xi32> to vector<16xi32>
        %swap3A_400 = vector.shape_cast %select_n3A_396 : vector<16xi32> to vector<16xi32>
        tpu.vector_store %arg8[%swap3A_397], %swap3A_400 {strides = array<i32>} : memref<128xi32, #tpu.memory_space<vmem>>, vector<16xi32>,
        %get3A_401 = arith.constant 96 : index
        %get3A_402 = tpu.vector_load %arg8[%get3A_401] {strides = array<i32>} : memref<128xi32, #tpu.memory_space<vmem>>, vector<16xi32>,
        %get3A_403 = vector.shape_cast %get3A_402 : vector<16xi32> to vector<16xi32>
        %sub3A_404 = arith.constant 0 : i32
        %sub3A_405 = vector.broadcast %sub3A_404 : i32 to vector<16xi32>
        %sub3A_406 = arith.subi %get3A_403, %sub3A_405 : vector<16xi32>
        %lt3A_407 = arith.constant 0 : i32
        %lt3A_408 = vector.broadcast %lt3A_407 : i32 to vector<16xi32>
        %lt3A_409 = arith.cmpi slt, %sub3A_406, %lt3A_408 : vector<16xi32>
        %ge3A_410 = arith.constant 8192 : i32
        %ge3A_411 = vector.broadcast %ge3A_410 : i32 to vector<16xi32>
        %ge3A_412 = arith.cmpi sge, %sub3A_406, %ge3A_411 : vector<16xi32>
        %or3A_413 = arith.ori %lt3A_409, %ge3A_412 : vector<16xi1>
        %jit3A_414 = arith.constant 8192 : i32
        %broadcast_in_dim3A_415 = vector.broadcast %jit3A_414 : i32 to vector<16xi32>
        %select_n3A_416 = arith.select %or3A_413, %broadcast_in_dim3A_415, %sub3A_406 : vector<16xi1>, vector<16xi32>
        %swap3A_417 = arith.constant 96 : index
        %swap3A_418 = tpu.vector_load %arg8[%swap3A_417] {strides = array<i32>} : memref<128xi32, #tpu.memory_space<vmem>>, vector<16xi32>,
        %swap3A_419 = vector.shape_cast %swap3A_418 : vector<16xi32> to vector<16xi32>
        %swap3A_420 = vector.shape_cast %select_n3A_416 : vector<16xi32> to vector<16xi32>
        tpu.vector_store %arg8[%swap3A_417], %swap3A_420 {strides = array<i32>} : memref<128xi32, #tpu.memory_space<vmem>>, vector<16xi32>,
        %get3A_421 = arith.constant 112 : index
        %get3A_422 = tpu.vector_load %arg8[%get3A_421] {strides = array<i32>} : memref<128xi32, #tpu.memory_space<vmem>>, vector<16xi32>,
        %get3A_423 = vector.shape_cast %get3A_422 : vector<16xi32> to vector<16xi32>
        %sub3A_424 = arith.constant 0 : i32
        %sub3A_425 = vector.broadcast %sub3A_424 : i32 to vector<16xi32>
        %sub3A_426 = arith.subi %get3A_423, %sub3A_425 : vector<16xi32>
        %lt3A_427 = arith.constant 0 : i32
        %lt3A_428 = vector.broadcast %lt3A_427 : i32 to vector<16xi32>
        %lt3A_429 = arith.cmpi slt, %sub3A_426, %lt3A_428 : vector<16xi32>
        %ge3A_430 = arith.constant 8192 : i32
        %ge3A_431 = vector.broadcast %ge3A_430 : i32 to vector<16xi32>
        %ge3A_432 = arith.cmpi sge, %sub3A_426, %ge3A_431 : vector<16xi32>
        %or3A_433 = arith.ori %lt3A_429, %ge3A_432 : vector<16xi1>
        %jit3A_434 = arith.constant 8192 : i32
        %broadcast_in_dim3A_435 = vector.broadcast %jit3A_434 : i32 to vector<16xi32>
        %select_n3A_436 = arith.select %or3A_433, %broadcast_in_dim3A_435, %sub3A_426 : vector<16xi1>, vector<16xi32>
        %swap3A_437 = arith.constant 112 : index
        %swap3A_438 = tpu.vector_load %arg8[%swap3A_437] {strides = array<i32>} : memref<128xi32, #tpu.memory_space<vmem>>, vector<16xi32>,
        %swap3A_439 = vector.shape_cast %swap3A_438 : vector<16xi32> to vector<16xi32>
        %swap3A_440 = vector.shape_cast %select_n3A_436 : vector<16xi32> to vector<16xi32>
        tpu.vector_store %arg8[%swap3A_437], %swap3A_440 {strides = array<i32>} : memref<128xi32, #tpu.memory_space<vmem>>, vector<16xi32>,
        "tpu.region"() ({
          %run_scoped3A = tpu.sem_alloc : memref<!tpu.dma_semaphore, #tpu.memory_space<semaphore_mem>>
          %dma_start3A = arith.constant 0 : i32
          %dma_start3A_441 = arith.constant 0 : i32
          %dma_start3A_442 = tpu.memref_slice %arg6[%dma_start3A, %dma_start3A_441] : memref<8320x128xf32, #tpu.memory_space<vmem_shared>> -> memref<8320x128xf32, #tpu.memory_space<vmem_shared>>
          tpu.enqueue_indirect_dma source(%arg7 : memref<128x128xf32, #tpu.memory_space<vmem>>) target(%dma_start3A_442 : memref<8320x128xf32, #tpu.memory_space<vmem_shared>>) offsets(%arg8 : memref<128xi32, #tpu.memory_space<vmem>>) semaphore(%run_scoped3A : memref<!tpu.dma_semaphore, #tpu.memory_space<semaphore_mem>>) {add = true}
          %dma_wait3A_443 = arith.constant 0 : i32
          %dma_wait3A_444 = arith.constant 0 : i32
          %dma_wait3A_445 = tpu.memref_slice %arg6[%dma_wait3A_443, %dma_wait3A_444] : memref<8320x128xf32, #tpu.memory_space<vmem_shared>> -> memref<8320x128xf32, #tpu.memory_space<vmem_shared>>
          tpu.wait_indirect_dma semaphore(%run_scoped3A : memref<!tpu.dma_semaphore, #tpu.memory_space<semaphore_mem>>) src(%arg7 : memref<128x128xf32, #tpu.memory_space<vmem>>) dst(%dma_wait3A_445 : memref<8320x128xf32, #tpu.memory_space<vmem_shared>>)
          tpu.yield
        }) : () -> ()
      } else {
      }
      %mul3A_255 = arith.constant 2 : i32
      %mul3A_256 = arith.muli %mul3A_255, %scan3A_232 : i32
      %add3A_257 = arith.constant 2 : i32
      %add3A_258 = arith.addi %mul3A_256, %add3A_257 : i32
      %mul3A_259 = arith.constant 16 : i32
      %mul3A_260 = arith.muli %add3A_258, %mul3A_259 : i32
      %add3A_261 = arith.addi %mul3A_260, %arg1 : i32
      %lt3A_262 = arith.constant 1562 : i32
      %lt3A_263 = arith.cmpi slt, %add3A_261, %lt3A_262 : i32
      %convert_element_type3A_264 = arith.extui %lt3A_263 : i1 to i32
      %cond3A_265 = arith.constant 0 : i32
      %cond3A_266 = arith.cmpi ne, %convert_element_type3A_264, %cond3A_265 : i32
      scf.if %cond3A_266 {
        %mul3A_279 = arith.constant 200000 : i32
        %mul3A_280 = arith.muli %add3A_115, %mul3A_279 : i32
        %mul3A_281 = arith.constant 128 : i32
        %mul3A_282 = arith.muli %add3A_261, %mul3A_281 : i32
        %add3A_283 = arith.addi %mul3A_280, %mul3A_282 : i32
        %dma_start3A = tpu.memref_slice %arg3[%add3A_283] : memref<800000xi32, #tpu.memory_space<hbm>> -> memref<128xi32, #tpu.memory_space<hbm>>
        %dma_start3A_284 = tpu.memref_slice %arg3[%add3A_283] : memref<800000xi32, #tpu.memory_space<hbm>> -> memref<128xi32, #tpu.memory_space<hbm>>
        tpu.enqueue_dma source(%dma_start3A_284 : memref<128xi32, #tpu.memory_space<hbm>>) target(%arg8 : memref<128xi32, #tpu.memory_space<vmem>>) target_semaphore(%arg13 : memref<!tpu.dma_semaphore, #tpu.memory_space<semaphore_mem>>)
        %dma_start3A_285 = arith.constant 0 : i32
        %dma_start3A_286 = tpu.memref_slice %arg2[%add3A_283, %dma_start3A_285] : memref<800000x128xf32, #tpu.memory_space<hbm>> -> memref<128x128xf32, #tpu.memory_space<hbm>>
        %dma_start3A_287 = arith.constant 0 : i32
        %dma_start3A_288 = tpu.memref_slice %arg2[%add3A_283, %dma_start3A_287] : memref<800000x128xf32, #tpu.memory_space<hbm>> -> memref<128x128xf32, #tpu.memory_space<hbm>>
        tpu.enqueue_dma source(%dma_start3A_288 : memref<128x128xf32, #tpu.memory_space<hbm>>) target(%arg7 : memref<128x128xf32, #tpu.memory_space<vmem>>) target_semaphore(%arg13 : memref<!tpu.dma_semaphore, #tpu.memory_space<semaphore_mem>>)
      } else {
      }
      %mul3A_267 = arith.constant 2 : i32
      %mul3A_268 = arith.muli %mul3A_267, %scan3A_232 : i32
      %add3A_269 = arith.constant 1 : i32
      %add3A_270 = arith.addi %mul3A_268, %add3A_269 : i32
      %mul3A_271 = arith.constant 16 : i32
      %mul3A_272 = arith.muli %add3A_270, %mul3A_271 : i32
      %add3A_273 = arith.addi %mul3A_272, %arg1 : i32
      %lt3A_274 = arith.constant 1562 : i32
      %lt3A_275 = arith.cmpi slt, %add3A_273, %lt3A_274 : i32
      %convert_element_type3A_276 = arith.extui %lt3A_275 : i1 to i32
      %cond3A_277 = arith.constant 0 : i32
      %cond3A_278 = arith.cmpi ne, %convert_element_type3A_276, %cond3A_277 : i32
      scf.if %cond3A_278 {
        %mul3A_279 = arith.constant 200000 : i32
        %mul3A_280 = arith.muli %add3A_115, %mul3A_279 : i32
        %mul3A_281 = arith.constant 128 : i32
        %mul3A_282 = arith.muli %add3A_273, %mul3A_281 : i32
        %add3A_283 = arith.addi %mul3A_280, %mul3A_282 : i32
        %dma_wait3A = tpu.memref_slice %arg3[%add3A_283] : memref<800000xi32, #tpu.memory_space<hbm>> -> memref<128xi32, #tpu.memory_space<hbm>>
        %dma_wait3A_284 = tpu.memref_slice %arg3[%add3A_283] : memref<800000xi32, #tpu.memory_space<hbm>> -> memref<128xi32, #tpu.memory_space<hbm>>
        tpu.wait_dma2 semaphore(%arg14 : memref<!tpu.dma_semaphore, #tpu.memory_space<semaphore_mem>>) src(%dma_wait3A_284 : memref<128xi32, #tpu.memory_space<hbm>>) dst(%arg10 : memref<128xi32, #tpu.memory_space<vmem>>)
        %dma_wait3A_285 = arith.constant 0 : i32
        %dma_wait3A_286 = tpu.memref_slice %arg2[%add3A_283, %dma_wait3A_285] : memref<800000x128xf32, #tpu.memory_space<hbm>> -> memref<128x128xf32, #tpu.memory_space<hbm>>
        %dma_wait3A_287 = arith.constant 0 : i32
        %dma_wait3A_288 = tpu.memref_slice %arg2[%add3A_283, %dma_wait3A_287] : memref<800000x128xf32, #tpu.memory_space<hbm>> -> memref<128x128xf32, #tpu.memory_space<hbm>>
        tpu.wait_dma2 semaphore(%arg14 : memref<!tpu.dma_semaphore, #tpu.memory_space<semaphore_mem>>) src(%dma_wait3A_288 : memref<128x128xf32, #tpu.memory_space<hbm>>) dst(%arg9 : memref<128x128xf32, #tpu.memory_space<vmem>>)
        %get3A = arith.constant 0 : index
        %get3A_289 = tpu.vector_load %arg10[%get3A] {strides = array<i32>} : memref<128xi32, #tpu.memory_space<vmem>>, vector<16xi32>,
        %get3A_290 = vector.shape_cast %get3A_289 : vector<16xi32> to vector<16xi32>
        %sub3A = arith.constant 0 : i32
        %sub3A_291 = vector.broadcast %sub3A : i32 to vector<16xi32>
        %sub3A_292 = arith.subi %get3A_290, %sub3A_291 : vector<16xi32>
        %lt3A_293 = arith.constant 0 : i32
        %lt3A_294 = vector.broadcast %lt3A_293 : i32 to vector<16xi32>
        %lt3A_295 = arith.cmpi slt, %sub3A_292, %lt3A_294 : vector<16xi32>
        %ge3A = arith.constant 8192 : i32
        %ge3A_296 = vector.broadcast %ge3A : i32 to vector<16xi32>
        %ge3A_297 = arith.cmpi sge, %sub3A_292, %ge3A_296 : vector<16xi32>
        %or3A = arith.ori %lt3A_295, %ge3A_297 : vector<16xi1>
        %jit3A = arith.constant 8192 : i32
        %broadcast_in_dim3A = vector.broadcast %jit3A : i32 to vector<16xi32>
        %select_n3A = arith.select %or3A, %broadcast_in_dim3A, %sub3A_292 : vector<16xi1>, vector<16xi32>
        %swap3A = arith.constant 0 : index
        %swap3A_298 = tpu.vector_load %arg10[%swap3A] {strides = array<i32>} : memref<128xi32, #tpu.memory_space<vmem>>, vector<16xi32>,
        %swap3A_299 = vector.shape_cast %swap3A_298 : vector<16xi32> to vector<16xi32>
        %swap3A_300 = vector.shape_cast %select_n3A : vector<16xi32> to vector<16xi32>
        tpu.vector_store %arg10[%swap3A], %swap3A_300 {strides = array<i32>} : memref<128xi32, #tpu.memory_space<vmem>>, vector<16xi32>,
        %get3A_301 = arith.constant 16 : index
        %get3A_302 = tpu.vector_load %arg10[%get3A_301] {strides = array<i32>} : memref<128xi32, #tpu.memory_space<vmem>>, vector<16xi32>,
        %get3A_303 = vector.shape_cast %get3A_302 : vector<16xi32> to vector<16xi32>
        %sub3A_304 = arith.constant 0 : i32
        %sub3A_305 = vector.broadcast %sub3A_304 : i32 to vector<16xi32>
        %sub3A_306 = arith.subi %get3A_303, %sub3A_305 : vector<16xi32>
        %lt3A_307 = arith.constant 0 : i32
        %lt3A_308 = vector.broadcast %lt3A_307 : i32 to vector<16xi32>
        %lt3A_309 = arith.cmpi slt, %sub3A_306, %lt3A_308 : vector<16xi32>
        %ge3A_310 = arith.constant 8192 : i32
        %ge3A_311 = vector.broadcast %ge3A_310 : i32 to vector<16xi32>
        %ge3A_312 = arith.cmpi sge, %sub3A_306, %ge3A_311 : vector<16xi32>
        %or3A_313 = arith.ori %lt3A_309, %ge3A_312 : vector<16xi1>
        %jit3A_314 = arith.constant 8192 : i32
        %broadcast_in_dim3A_315 = vector.broadcast %jit3A_314 : i32 to vector<16xi32>
        %select_n3A_316 = arith.select %or3A_313, %broadcast_in_dim3A_315, %sub3A_306 : vector<16xi1>, vector<16xi32>
        %swap3A_317 = arith.constant 16 : index
        %swap3A_318 = tpu.vector_load %arg10[%swap3A_317] {strides = array<i32>} : memref<128xi32, #tpu.memory_space<vmem>>, vector<16xi32>,
        %swap3A_319 = vector.shape_cast %swap3A_318 : vector<16xi32> to vector<16xi32>
        %swap3A_320 = vector.shape_cast %select_n3A_316 : vector<16xi32> to vector<16xi32>
        tpu.vector_store %arg10[%swap3A_317], %swap3A_320 {strides = array<i32>} : memref<128xi32, #tpu.memory_space<vmem>>, vector<16xi32>,
        %get3A_321 = arith.constant 32 : index
        %get3A_322 = tpu.vector_load %arg10[%get3A_321] {strides = array<i32>} : memref<128xi32, #tpu.memory_space<vmem>>, vector<16xi32>,
        %get3A_323 = vector.shape_cast %get3A_322 : vector<16xi32> to vector<16xi32>
        %sub3A_324 = arith.constant 0 : i32
        %sub3A_325 = vector.broadcast %sub3A_324 : i32 to vector<16xi32>
        %sub3A_326 = arith.subi %get3A_323, %sub3A_325 : vector<16xi32>
        %lt3A_327 = arith.constant 0 : i32
        %lt3A_328 = vector.broadcast %lt3A_327 : i32 to vector<16xi32>
        %lt3A_329 = arith.cmpi slt, %sub3A_326, %lt3A_328 : vector<16xi32>
        %ge3A_330 = arith.constant 8192 : i32
        %ge3A_331 = vector.broadcast %ge3A_330 : i32 to vector<16xi32>
        %ge3A_332 = arith.cmpi sge, %sub3A_326, %ge3A_331 : vector<16xi32>
        %or3A_333 = arith.ori %lt3A_329, %ge3A_332 : vector<16xi1>
        %jit3A_334 = arith.constant 8192 : i32
        %broadcast_in_dim3A_335 = vector.broadcast %jit3A_334 : i32 to vector<16xi32>
        %select_n3A_336 = arith.select %or3A_333, %broadcast_in_dim3A_335, %sub3A_326 : vector<16xi1>, vector<16xi32>
        %swap3A_337 = arith.constant 32 : index
        %swap3A_338 = tpu.vector_load %arg10[%swap3A_337] {strides = array<i32>} : memref<128xi32, #tpu.memory_space<vmem>>, vector<16xi32>,
        %swap3A_339 = vector.shape_cast %swap3A_338 : vector<16xi32> to vector<16xi32>
        %swap3A_340 = vector.shape_cast %select_n3A_336 : vector<16xi32> to vector<16xi32>
        tpu.vector_store %arg10[%swap3A_337], %swap3A_340 {strides = array<i32>} : memref<128xi32, #tpu.memory_space<vmem>>, vector<16xi32>,
        %get3A_341 = arith.constant 48 : index
        %get3A_342 = tpu.vector_load %arg10[%get3A_341] {strides = array<i32>} : memref<128xi32, #tpu.memory_space<vmem>>, vector<16xi32>,
        %get3A_343 = vector.shape_cast %get3A_342 : vector<16xi32> to vector<16xi32>
        %sub3A_344 = arith.constant 0 : i32
        %sub3A_345 = vector.broadcast %sub3A_344 : i32 to vector<16xi32>
        %sub3A_346 = arith.subi %get3A_343, %sub3A_345 : vector<16xi32>
        %lt3A_347 = arith.constant 0 : i32
        %lt3A_348 = vector.broadcast %lt3A_347 : i32 to vector<16xi32>
        %lt3A_349 = arith.cmpi slt, %sub3A_346, %lt3A_348 : vector<16xi32>
        %ge3A_350 = arith.constant 8192 : i32
        %ge3A_351 = vector.broadcast %ge3A_350 : i32 to vector<16xi32>
        %ge3A_352 = arith.cmpi sge, %sub3A_346, %ge3A_351 : vector<16xi32>
        %or3A_353 = arith.ori %lt3A_349, %ge3A_352 : vector<16xi1>
        %jit3A_354 = arith.constant 8192 : i32
        %broadcast_in_dim3A_355 = vector.broadcast %jit3A_354 : i32 to vector<16xi32>
        %select_n3A_356 = arith.select %or3A_353, %broadcast_in_dim3A_355, %sub3A_346 : vector<16xi1>, vector<16xi32>
        %swap3A_357 = arith.constant 48 : index
        %swap3A_358 = tpu.vector_load %arg10[%swap3A_357] {strides = array<i32>} : memref<128xi32, #tpu.memory_space<vmem>>, vector<16xi32>,
        %swap3A_359 = vector.shape_cast %swap3A_358 : vector<16xi32> to vector<16xi32>
        %swap3A_360 = vector.shape_cast %select_n3A_356 : vector<16xi32> to vector<16xi32>
        tpu.vector_store %arg10[%swap3A_357], %swap3A_360 {strides = array<i32>} : memref<128xi32, #tpu.memory_space<vmem>>, vector<16xi32>,
        %get3A_361 = arith.constant 64 : index
        %get3A_362 = tpu.vector_load %arg10[%get3A_361] {strides = array<i32>} : memref<128xi32, #tpu.memory_space<vmem>>, vector<16xi32>,
        %get3A_363 = vector.shape_cast %get3A_362 : vector<16xi32> to vector<16xi32>
        %sub3A_364 = arith.constant 0 : i32
        %sub3A_365 = vector.broadcast %sub3A_364 : i32 to vector<16xi32>
        %sub3A_366 = arith.subi %get3A_363, %sub3A_365 : vector<16xi32>
        %lt3A_367 = arith.constant 0 : i32
        %lt3A_368 = vector.broadcast %lt3A_367 : i32 to vector<16xi32>
        %lt3A_369 = arith.cmpi slt, %sub3A_366, %lt3A_368 : vector<16xi32>
        %ge3A_370 = arith.constant 8192 : i32
        %ge3A_371 = vector.broadcast %ge3A_370 : i32 to vector<16xi32>
        %ge3A_372 = arith.cmpi sge, %sub3A_366, %ge3A_371 : vector<16xi32>
        %or3A_373 = arith.ori %lt3A_369, %ge3A_372 : vector<16xi1>
        %jit3A_374 = arith.constant 8192 : i32
        %broadcast_in_dim3A_375 = vector.broadcast %jit3A_374 : i32 to vector<16xi32>
        %select_n3A_376 = arith.select %or3A_373, %broadcast_in_dim3A_375, %sub3A_366 : vector<16xi1>, vector<16xi32>
        %swap3A_377 = arith.constant 64 : index
        %swap3A_378 = tpu.vector_load %arg10[%swap3A_377] {strides = array<i32>} : memref<128xi32, #tpu.memory_space<vmem>>, vector<16xi32>,
        %swap3A_379 = vector.shape_cast %swap3A_378 : vector<16xi32> to vector<16xi32>
        %swap3A_380 = vector.shape_cast %select_n3A_376 : vector<16xi32> to vector<16xi32>
        tpu.vector_store %arg10[%swap3A_377], %swap3A_380 {strides = array<i32>} : memref<128xi32, #tpu.memory_space<vmem>>, vector<16xi32>,
        %get3A_381 = arith.constant 80 : index
        %get3A_382 = tpu.vector_load %arg10[%get3A_381] {strides = array<i32>} : memref<128xi32, #tpu.memory_space<vmem>>, vector<16xi32>,
        %get3A_383 = vector.shape_cast %get3A_382 : vector<16xi32> to vector<16xi32>
        %sub3A_384 = arith.constant 0 : i32
        %sub3A_385 = vector.broadcast %sub3A_384 : i32 to vector<16xi32>
        %sub3A_386 = arith.subi %get3A_383, %sub3A_385 : vector<16xi32>
        %lt3A_387 = arith.constant 0 : i32
        %lt3A_388 = vector.broadcast %lt3A_387 : i32 to vector<16xi32>
        %lt3A_389 = arith.cmpi slt, %sub3A_386, %lt3A_388 : vector<16xi32>
        %ge3A_390 = arith.constant 8192 : i32
        %ge3A_391 = vector.broadcast %ge3A_390 : i32 to vector<16xi32>
        %ge3A_392 = arith.cmpi sge, %sub3A_386, %ge3A_391 : vector<16xi32>
        %or3A_393 = arith.ori %lt3A_389, %ge3A_392 : vector<16xi1>
        %jit3A_394 = arith.constant 8192 : i32
        %broadcast_in_dim3A_395 = vector.broadcast %jit3A_394 : i32 to vector<16xi32>
        %select_n3A_396 = arith.select %or3A_393, %broadcast_in_dim3A_395, %sub3A_386 : vector<16xi1>, vector<16xi32>
        %swap3A_397 = arith.constant 80 : index
        %swap3A_398 = tpu.vector_load %arg10[%swap3A_397] {strides = array<i32>} : memref<128xi32, #tpu.memory_space<vmem>>, vector<16xi32>,
        %swap3A_399 = vector.shape_cast %swap3A_398 : vector<16xi32> to vector<16xi32>
        %swap3A_400 = vector.shape_cast %select_n3A_396 : vector<16xi32> to vector<16xi32>
        tpu.vector_store %arg10[%swap3A_397], %swap3A_400 {strides = array<i32>} : memref<128xi32, #tpu.memory_space<vmem>>, vector<16xi32>,
        %get3A_401 = arith.constant 96 : index
        %get3A_402 = tpu.vector_load %arg10[%get3A_401] {strides = array<i32>} : memref<128xi32, #tpu.memory_space<vmem>>, vector<16xi32>,
        %get3A_403 = vector.shape_cast %get3A_402 : vector<16xi32> to vector<16xi32>
        %sub3A_404 = arith.constant 0 : i32
        %sub3A_405 = vector.broadcast %sub3A_404 : i32 to vector<16xi32>
        %sub3A_406 = arith.subi %get3A_403, %sub3A_405 : vector<16xi32>
        %lt3A_407 = arith.constant 0 : i32
        %lt3A_408 = vector.broadcast %lt3A_407 : i32 to vector<16xi32>
        %lt3A_409 = arith.cmpi slt, %sub3A_406, %lt3A_408 : vector<16xi32>
        %ge3A_410 = arith.constant 8192 : i32
        %ge3A_411 = vector.broadcast %ge3A_410 : i32 to vector<16xi32>
        %ge3A_412 = arith.cmpi sge, %sub3A_406, %ge3A_411 : vector<16xi32>
        %or3A_413 = arith.ori %lt3A_409, %ge3A_412 : vector<16xi1>
        %jit3A_414 = arith.constant 8192 : i32
        %broadcast_in_dim3A_415 = vector.broadcast %jit3A_414 : i32 to vector<16xi32>
        %select_n3A_416 = arith.select %or3A_413, %broadcast_in_dim3A_415, %sub3A_406 : vector<16xi1>, vector<16xi32>
        %swap3A_417 = arith.constant 96 : index
        %swap3A_418 = tpu.vector_load %arg10[%swap3A_417] {strides = array<i32>} : memref<128xi32, #tpu.memory_space<vmem>>, vector<16xi32>,
        %swap3A_419 = vector.shape_cast %swap3A_418 : vector<16xi32> to vector<16xi32>
        %swap3A_420 = vector.shape_cast %select_n3A_416 : vector<16xi32> to vector<16xi32>
        tpu.vector_store %arg10[%swap3A_417], %swap3A_420 {strides = array<i32>} : memref<128xi32, #tpu.memory_space<vmem>>, vector<16xi32>,
        %get3A_421 = arith.constant 112 : index
        %get3A_422 = tpu.vector_load %arg10[%get3A_421] {strides = array<i32>} : memref<128xi32, #tpu.memory_space<vmem>>, vector<16xi32>,
        %get3A_423 = vector.shape_cast %get3A_422 : vector<16xi32> to vector<16xi32>
        %sub3A_424 = arith.constant 0 : i32
        %sub3A_425 = vector.broadcast %sub3A_424 : i32 to vector<16xi32>
        %sub3A_426 = arith.subi %get3A_423, %sub3A_425 : vector<16xi32>
        %lt3A_427 = arith.constant 0 : i32
        %lt3A_428 = vector.broadcast %lt3A_427 : i32 to vector<16xi32>
        %lt3A_429 = arith.cmpi slt, %sub3A_426, %lt3A_428 : vector<16xi32>
        %ge3A_430 = arith.constant 8192 : i32
        %ge3A_431 = vector.broadcast %ge3A_430 : i32 to vector<16xi32>
        %ge3A_432 = arith.cmpi sge, %sub3A_426, %ge3A_431 : vector<16xi32>
        %or3A_433 = arith.ori %lt3A_429, %ge3A_432 : vector<16xi1>
        %jit3A_434 = arith.constant 8192 : i32
        %broadcast_in_dim3A_435 = vector.broadcast %jit3A_434 : i32 to vector<16xi32>
        %select_n3A_436 = arith.select %or3A_433, %broadcast_in_dim3A_435, %sub3A_426 : vector<16xi1>, vector<16xi32>
        %swap3A_437 = arith.constant 112 : index
        %swap3A_438 = tpu.vector_load %arg10[%swap3A_437] {strides = array<i32>} : memref<128xi32, #tpu.memory_space<vmem>>, vector<16xi32>,
        %swap3A_439 = vector.shape_cast %swap3A_438 : vector<16xi32> to vector<16xi32>
        %swap3A_440 = vector.shape_cast %select_n3A_436 : vector<16xi32> to vector<16xi32>
        tpu.vector_store %arg10[%swap3A_437], %swap3A_440 {strides = array<i32>} : memref<128xi32, #tpu.memory_space<vmem>>, vector<16xi32>,
        "tpu.region"() ({
          %run_scoped3A = tpu.sem_alloc : memref<!tpu.dma_semaphore, #tpu.memory_space<semaphore_mem>>
          %dma_start3A = arith.constant 0 : i32
          %dma_start3A_441 = arith.constant 0 : i32
          %dma_start3A_442 = tpu.memref_slice %arg6[%dma_start3A, %dma_start3A_441] : memref<8320x128xf32, #tpu.memory_space<vmem_shared>> -> memref<8320x128xf32, #tpu.memory_space<vmem_shared>>
          tpu.enqueue_indirect_dma source(%arg9 : memref<128x128xf32, #tpu.memory_space<vmem>>) target(%dma_start3A_442 : memref<8320x128xf32, #tpu.memory_space<vmem_shared>>) offsets(%arg10 : memref<128xi32, #tpu.memory_space<vmem>>) semaphore(%run_scoped3A : memref<!tpu.dma_semaphore, #tpu.memory_space<semaphore_mem>>) {add = true}
          %dma_wait3A_443 = arith.constant 0 : i32
          %dma_wait3A_444 = arith.constant 0 : i32
          %dma_wait3A_445 = tpu.memref_slice %arg6[%dma_wait3A_443, %dma_wait3A_444] : memref<8320x128xf32, #tpu.memory_space<vmem_shared>> -> memref<8320x128xf32, #tpu.memory_space<vmem_shared>>
          tpu.wait_indirect_dma semaphore(%run_scoped3A : memref<!tpu.dma_semaphore, #tpu.memory_space<semaphore_mem>>) src(%arg9 : memref<128x128xf32, #tpu.memory_space<vmem>>) dst(%dma_wait3A_445 : memref<8320x128xf32, #tpu.memory_space<vmem_shared>>)
          tpu.yield
        }) : () -> ()
      } else {
      }
    }
    %scan3A_140 = arith.constant 49 : i32
    %eq3A_141 = arith.constant 10 : i32
    %eq3A_142 = arith.cmpi eq, %arg1, %eq3A_141 : i32
    %convert_element_type3A_143 = arith.extui %eq3A_142 : i1 to i32
    %cond3A_144 = arith.constant 0 : i32
    %cond3A_145 = arith.cmpi ne, %convert_element_type3A_143, %cond3A_144 : i32
    scf.if %cond3A_145 {
      %mul3A_232 = arith.constant 200000 : i32
      %mul3A_233 = arith.muli %add3A_115, %mul3A_232 : i32
      %add3A_234 = arith.constant 199936 : i32
      %add3A_235 = arith.addi %mul3A_233, %add3A_234 : i32
      "tpu.region"() ({
        %run_scoped3A = tpu.sem_alloc : memref<!tpu.dma_semaphore, #tpu.memory_space<semaphore_mem>>
        %dma_start3A = tpu.memref_slice %arg3[%add3A_235] : memref<800000xi32, #tpu.memory_space<hbm>> -> memref<64xi32, #tpu.memory_space<hbm>>
        %dma_start3A_308 = tpu.memref_slice %arg3[%add3A_235] : memref<800000xi32, #tpu.memory_space<hbm>> -> memref<64xi32, #tpu.memory_space<hbm>>
        tpu.enqueue_dma source(%dma_start3A_308 : memref<64xi32, #tpu.memory_space<hbm>>) target(%arg12 : memref<64xi32, #tpu.memory_space<vmem>>) target_semaphore(%run_scoped3A : memref<!tpu.dma_semaphore, #tpu.memory_space<semaphore_mem>>)
        %dma_wait3A = tpu.memref_slice %arg3[%add3A_235] : memref<800000xi32, #tpu.memory_space<hbm>> -> memref<64xi32, #tpu.memory_space<hbm>>
        %dma_wait3A_309 = tpu.memref_slice %arg3[%add3A_235] : memref<800000xi32, #tpu.memory_space<hbm>> -> memref<64xi32, #tpu.memory_space<hbm>>
        tpu.wait_dma2 semaphore(%run_scoped3A : memref<!tpu.dma_semaphore, #tpu.memory_space<semaphore_mem>>) src(%dma_wait3A_309 : memref<64xi32, #tpu.memory_space<hbm>>) dst(%arg12 : memref<64xi32, #tpu.memory_space<vmem>>)
        tpu.yield
      }) : () -> ()
      "tpu.region"() ({
        %run_scoped3A = tpu.sem_alloc : memref<!tpu.dma_semaphore, #tpu.memory_space<semaphore_mem>>
        %dma_start3A = arith.constant 0 : i32
        %dma_start3A_308 = tpu.memref_slice %arg2[%add3A_235, %dma_start3A] : memref<800000x128xf32, #tpu.memory_space<hbm>> -> memref<64x128xf32, #tpu.memory_space<hbm>>
        %dma_start3A_309 = arith.constant 0 : i32
        %dma_start3A_310 = tpu.memref_slice %arg2[%add3A_235, %dma_start3A_309] : memref<800000x128xf32, #tpu.memory_space<hbm>> -> memref<64x128xf32, #tpu.memory_space<hbm>>
        tpu.enqueue_dma source(%dma_start3A_310 : memref<64x128xf32, #tpu.memory_space<hbm>>) target(%arg11 : memref<64x128xf32, #tpu.memory_space<vmem>>) target_semaphore(%run_scoped3A : memref<!tpu.dma_semaphore, #tpu.memory_space<semaphore_mem>>)
        %dma_wait3A = arith.constant 0 : i32
        %dma_wait3A_311 = tpu.memref_slice %arg2[%add3A_235, %dma_wait3A] : memref<800000x128xf32, #tpu.memory_space<hbm>> -> memref<64x128xf32, #tpu.memory_space<hbm>>
        %dma_wait3A_312 = arith.constant 0 : i32
        %dma_wait3A_313 = tpu.memref_slice %arg2[%add3A_235, %dma_wait3A_312] : memref<800000x128xf32, #tpu.memory_space<hbm>> -> memref<64x128xf32, #tpu.memory_space<hbm>>
        tpu.wait_dma2 semaphore(%run_scoped3A : memref<!tpu.dma_semaphore, #tpu.memory_space<semaphore_mem>>) src(%dma_wait3A_313 : memref<64x128xf32, #tpu.memory_space<hbm>>) dst(%arg11 : memref<64x128xf32, #tpu.memory_space<vmem>>)
        tpu.yield
      }) : () -> ()
      %get3A = arith.constant 0 : index
      %get3A_236 = tpu.vector_load %arg12[%get3A] {strides = array<i32>} : memref<64xi32, #tpu.memory_space<vmem>>, vector<16xi32>,
      %get3A_237 = vector.shape_cast %get3A_236 : vector<16xi32> to vector<16xi32>
      %sub3A = arith.constant 0 : i32
      %sub3A_238 = vector.broadcast %sub3A : i32 to vector<16xi32>
      %sub3A_239 = arith.subi %get3A_237, %sub3A_238 : vector<16xi32>
      %lt3A_240 = arith.constant 0 : i32
      %lt3A_241 = vector.broadcast %lt3A_240 : i32 to vector<16xi32>
      %lt3A_242 = arith.cmpi slt, %sub3A_239, %lt3A_241 : vector<16xi32>
      %ge3A = arith.constant 8192 : i32
      %ge3A_243 = vector.broadcast %ge3A : i32 to vector<16xi32>
      %ge3A_244 = arith.cmpi sge, %sub3A_239, %ge3A_243 : vector<16xi32>
      %or3A = arith.ori %lt3A_242, %ge3A_244 : vector<16xi1>
      %jit3A = arith.constant 8192 : i32
      %broadcast_in_dim3A = vector.broadcast %jit3A : i32 to vector<16xi32>
      %select_n3A = arith.select %or3A, %broadcast_in_dim3A, %sub3A_239 : vector<16xi1>, vector<16xi32>
      %swap3A = arith.constant 0 : index
      %swap3A_245 = tpu.vector_load %arg12[%swap3A] {strides = array<i32>} : memref<64xi32, #tpu.memory_space<vmem>>, vector<16xi32>,
      %swap3A_246 = vector.shape_cast %swap3A_245 : vector<16xi32> to vector<16xi32>
      %swap3A_247 = vector.shape_cast %select_n3A : vector<16xi32> to vector<16xi32>
      tpu.vector_store %arg12[%swap3A], %swap3A_247 {strides = array<i32>} : memref<64xi32, #tpu.memory_space<vmem>>, vector<16xi32>,
      %get3A_248 = arith.constant 16 : index
      %get3A_249 = tpu.vector_load %arg12[%get3A_248] {strides = array<i32>} : memref<64xi32, #tpu.memory_space<vmem>>, vector<16xi32>,
      %get3A_250 = vector.shape_cast %get3A_249 : vector<16xi32> to vector<16xi32>
      %sub3A_251 = arith.constant 0 : i32
      %sub3A_252 = vector.broadcast %sub3A_251 : i32 to vector<16xi32>
      %sub3A_253 = arith.subi %get3A_250, %sub3A_252 : vector<16xi32>
      %lt3A_254 = arith.constant 0 : i32
      %lt3A_255 = vector.broadcast %lt3A_254 : i32 to vector<16xi32>
      %lt3A_256 = arith.cmpi slt, %sub3A_253, %lt3A_255 : vector<16xi32>
      %ge3A_257 = arith.constant 8192 : i32
      %ge3A_258 = vector.broadcast %ge3A_257 : i32 to vector<16xi32>
      %ge3A_259 = arith.cmpi sge, %sub3A_253, %ge3A_258 : vector<16xi32>
      %or3A_260 = arith.ori %lt3A_256, %ge3A_259 : vector<16xi1>
      %jit3A_261 = arith.constant 8192 : i32
      %broadcast_in_dim3A_262 = vector.broadcast %jit3A_261 : i32 to vector<16xi32>
      %select_n3A_263 = arith.select %or3A_260, %broadcast_in_dim3A_262, %sub3A_253 : vector<16xi1>, vector<16xi32>
      %swap3A_264 = arith.constant 16 : index
      %swap3A_265 = tpu.vector_load %arg12[%swap3A_264] {strides = array<i32>} : memref<64xi32, #tpu.memory_space<vmem>>, vector<16xi32>,
      %swap3A_266 = vector.shape_cast %swap3A_265 : vector<16xi32> to vector<16xi32>
      %swap3A_267 = vector.shape_cast %select_n3A_263 : vector<16xi32> to vector<16xi32>
      tpu.vector_store %arg12[%swap3A_264], %swap3A_267 {strides = array<i32>} : memref<64xi32, #tpu.memory_space<vmem>>, vector<16xi32>,
      %get3A_268 = arith.constant 32 : index
      %get3A_269 = tpu.vector_load %arg12[%get3A_268] {strides = array<i32>} : memref<64xi32, #tpu.memory_space<vmem>>, vector<16xi32>,
      %get3A_270 = vector.shape_cast %get3A_269 : vector<16xi32> to vector<16xi32>
      %sub3A_271 = arith.constant 0 : i32
      %sub3A_272 = vector.broadcast %sub3A_271 : i32 to vector<16xi32>
      %sub3A_273 = arith.subi %get3A_270, %sub3A_272 : vector<16xi32>
      %lt3A_274 = arith.constant 0 : i32
      %lt3A_275 = vector.broadcast %lt3A_274 : i32 to vector<16xi32>
      %lt3A_276 = arith.cmpi slt, %sub3A_273, %lt3A_275 : vector<16xi32>
      %ge3A_277 = arith.constant 8192 : i32
      %ge3A_278 = vector.broadcast %ge3A_277 : i32 to vector<16xi32>
      %ge3A_279 = arith.cmpi sge, %sub3A_273, %ge3A_278 : vector<16xi32>
      %or3A_280 = arith.ori %lt3A_276, %ge3A_279 : vector<16xi1>
      %jit3A_281 = arith.constant 8192 : i32
      %broadcast_in_dim3A_282 = vector.broadcast %jit3A_281 : i32 to vector<16xi32>
      %select_n3A_283 = arith.select %or3A_280, %broadcast_in_dim3A_282, %sub3A_273 : vector<16xi1>, vector<16xi32>
      %swap3A_284 = arith.constant 32 : index
      %swap3A_285 = tpu.vector_load %arg12[%swap3A_284] {strides = array<i32>} : memref<64xi32, #tpu.memory_space<vmem>>, vector<16xi32>,
      %swap3A_286 = vector.shape_cast %swap3A_285 : vector<16xi32> to vector<16xi32>
      %swap3A_287 = vector.shape_cast %select_n3A_283 : vector<16xi32> to vector<16xi32>
      tpu.vector_store %arg12[%swap3A_284], %swap3A_287 {strides = array<i32>} : memref<64xi32, #tpu.memory_space<vmem>>, vector<16xi32>,
      %get3A_288 = arith.constant 48 : index
      %get3A_289 = tpu.vector_load %arg12[%get3A_288] {strides = array<i32>} : memref<64xi32, #tpu.memory_space<vmem>>, vector<16xi32>,
      %get3A_290 = vector.shape_cast %get3A_289 : vector<16xi32> to vector<16xi32>
      %sub3A_291 = arith.constant 0 : i32
      %sub3A_292 = vector.broadcast %sub3A_291 : i32 to vector<16xi32>
      %sub3A_293 = arith.subi %get3A_290, %sub3A_292 : vector<16xi32>
      %lt3A_294 = arith.constant 0 : i32
      %lt3A_295 = vector.broadcast %lt3A_294 : i32 to vector<16xi32>
      %lt3A_296 = arith.cmpi slt, %sub3A_293, %lt3A_295 : vector<16xi32>
      %ge3A_297 = arith.constant 8192 : i32
      %ge3A_298 = vector.broadcast %ge3A_297 : i32 to vector<16xi32>
      %ge3A_299 = arith.cmpi sge, %sub3A_293, %ge3A_298 : vector<16xi32>
      %or3A_300 = arith.ori %lt3A_296, %ge3A_299 : vector<16xi1>
      %jit3A_301 = arith.constant 8192 : i32
      %broadcast_in_dim3A_302 = vector.broadcast %jit3A_301 : i32 to vector<16xi32>
      %select_n3A_303 = arith.select %or3A_300, %broadcast_in_dim3A_302, %sub3A_293 : vector<16xi1>, vector<16xi32>
      %swap3A_304 = arith.constant 48 : index
      %swap3A_305 = tpu.vector_load %arg12[%swap3A_304] {strides = array<i32>} : memref<64xi32, #tpu.memory_space<vmem>>, vector<16xi32>,
      %swap3A_306 = vector.shape_cast %swap3A_305 : vector<16xi32> to vector<16xi32>
      %swap3A_307 = vector.shape_cast %select_n3A_303 : vector<16xi32> to vector<16xi32>
      tpu.vector_store %arg12[%swap3A_304], %swap3A_307 {strides = array<i32>} : memref<64xi32, #tpu.memory_space<vmem>>, vector<16xi32>,
      "tpu.region"() ({
        %run_scoped3A = tpu.sem_alloc : memref<!tpu.dma_semaphore, #tpu.memory_space<semaphore_mem>>
        %dma_start3A = arith.constant 0 : i32
        %dma_start3A_308 = arith.constant 0 : i32
        %dma_start3A_309 = tpu.memref_slice %arg6[%dma_start3A, %dma_start3A_308] : memref<8320x128xf32, #tpu.memory_space<vmem_shared>> -> memref<8320x128xf32, #tpu.memory_space<vmem_shared>>
        tpu.enqueue_indirect_dma source(%arg11 : memref<64x128xf32, #tpu.memory_space<vmem>>) target(%dma_start3A_309 : memref<8320x128xf32, #tpu.memory_space<vmem_shared>>) offsets(%arg12 : memref<64xi32, #tpu.memory_space<vmem>>) semaphore(%run_scoped3A : memref<!tpu.dma_semaphore, #tpu.memory_space<semaphore_mem>>) {add = true}
        %dma_wait3A = arith.constant 0 : i32
        %dma_wait3A_310 = arith.constant 0 : i32
        %dma_wait3A_311 = tpu.memref_slice %arg6[%dma_wait3A, %dma_wait3A_310] : memref<8320x128xf32, #tpu.memory_space<vmem_shared>> -> memref<8320x128xf32, #tpu.memory_space<vmem_shared>>
        tpu.wait_indirect_dma semaphore(%run_scoped3A : memref<!tpu.dma_semaphore, #tpu.memory_space<semaphore_mem>>) src(%arg11 : memref<64x128xf32, #tpu.memory_space<vmem>>) dst(%dma_wait3A_311 : memref<8320x128xf32, #tpu.memory_space<vmem_shared>>)
        tpu.yield
      }) : () -> ()
    } else {
    }
    %barrier3A_146 = arith.constant 0 : index
    tpu.barrier barrier_id(%barrier3A_146)
    %mul3A_147 = arith.constant 512 : i32
    %mul3A_148 = arith.muli %arg1, %mul3A_147 : i32
    %add3A_149 = arith.constant 0 : i32
    %add3A_150 = arith.addi %mul3A_148, %add3A_149 : i32
    "tpu.region"() ({
      %run_scoped3A = tpu.sem_alloc : memref<!tpu.dma_semaphore, #tpu.memory_space<semaphore_mem>>
      %dma_start3A = arith.constant 0 : i32
      %dma_start3A_232 = tpu.memref_slice %arg6[%add3A_150, %dma_start3A] : memref<8320x128xf32, #tpu.memory_space<vmem_shared>> -> memref<128x128xf32, #tpu.memory_space<vmem_shared>>
      %dma_start3A_233 = arith.constant 0 : i32
      %dma_start3A_234 = tpu.memref_slice %arg6[%add3A_150, %dma_start3A_233] : memref<8320x128xf32, #tpu.memory_space<vmem_shared>> -> memref<128x128xf32, #tpu.memory_space<vmem_shared>>
      tpu.enqueue_dma source(%dma_start3A_234 : memref<128x128xf32, #tpu.memory_space<vmem_shared>>) target(%arg7 : memref<128x128xf32, #tpu.memory_space<vmem>>) target_semaphore(%run_scoped3A : memref<!tpu.dma_semaphore, #tpu.memory_space<semaphore_mem>>)
      %dma_wait3A = arith.constant 0 : i32
      %dma_wait3A_235 = tpu.memref_slice %arg6[%add3A_150, %dma_wait3A] : memref<8320x128xf32, #tpu.memory_space<vmem_shared>> -> memref<128x128xf32, #tpu.memory_space<vmem_shared>>
      %dma_wait3A_236 = arith.constant 0 : i32
      %dma_wait3A_237 = tpu.memref_slice %arg6[%add3A_150, %dma_wait3A_236] : memref<8320x128xf32, #tpu.memory_space<vmem_shared>> -> memref<128x128xf32, #tpu.memory_space<vmem_shared>>
      tpu.wait_dma2 semaphore(%run_scoped3A : memref<!tpu.dma_semaphore, #tpu.memory_space<semaphore_mem>>) src(%dma_wait3A_237 : memref<128x128xf32, #tpu.memory_space<vmem_shared>>) dst(%arg7 : memref<128x128xf32, #tpu.memory_space<vmem>>)
      tpu.yield
    }) : () -> ()
    %add3A_151 = arith.constant 0 : i32
    %add3A_152 = arith.addi %add3A_151, %mul3A_148 : i32
    %add3A_153 = arith.constant 0 : i32
    %add3A_154 = arith.addi %add3A_152, %add3A_153 : i32
    "tpu.region"() ({
      %run_scoped3A = tpu.sem_alloc : memref<!tpu.dma_semaphore, #tpu.memory_space<semaphore_mem>>
      %dma_start3A = arith.constant 0 : i32
      %dma_start3A_232 = tpu.memref_slice %arg5[%add3A_115, %add3A_154, %dma_start3A] : memref<4x16384x128xf32, #tpu.memory_space<hbm>> -> memref<1x128x128xf32, #tpu.memory_space<hbm>>
      %dma_start3A_233 = tpu.memref_squeeze %dma_start3A_232 : memref<1x128x128xf32, #tpu.memory_space<hbm>> -> memref<128x128xf32, #tpu.memory_space<hbm>>
      %dma_start3A_234 = arith.constant 0 : i32
      %dma_start3A_235 = tpu.memref_slice %arg5[%add3A_115, %add3A_154, %dma_start3A_234] : memref<4x16384x128xf32, #tpu.memory_space<hbm>> -> memref<1x128x128xf32, #tpu.memory_space<hbm>>
      %dma_start3A_236 = tpu.memref_squeeze %dma_start3A_235 : memref<1x128x128xf32, #tpu.memory_space<hbm>> -> memref<128x128xf32, #tpu.memory_space<hbm>>
      tpu.enqueue_dma source(%arg7 : memref<128x128xf32, #tpu.memory_space<vmem>>) target(%dma_start3A_236 : memref<128x128xf32, #tpu.memory_space<hbm>>) target_semaphore(%run_scoped3A : memref<!tpu.dma_semaphore, #tpu.memory_space<semaphore_mem>>)
      %dma_wait3A = arith.constant 0 : i32
      %dma_wait3A_237 = tpu.memref_slice %arg5[%add3A_115, %add3A_154, %dma_wait3A] : memref<4x16384x128xf32, #tpu.memory_space<hbm>> -> memref<1x128x128xf32, #tpu.memory_space<hbm>>
      %dma_wait3A_238 = tpu.memref_squeeze %dma_wait3A_237 : memref<1x128x128xf32, #tpu.memory_space<hbm>> -> memref<128x128xf32, #tpu.memory_space<hbm>>
      %dma_wait3A_239 = arith.constant 0 : i32
      %dma_wait3A_240 = tpu.memref_slice %arg5[%add3A_115, %add3A_154, %dma_wait3A_239] : memref<4x16384x128xf32, #tpu.memory_space<hbm>> -> memref<1x128x128xf32, #tpu.memory_space<hbm>>
      %dma_wait3A_241 = tpu.memref_squeeze %dma_wait3A_240 : memref<1x128x128xf32, #tpu.memory_space<hbm>> -> memref<128x128xf32, #tpu.memory_space<hbm>>
      tpu.wait_dma2 semaphore(%run_scoped3A : memref<!tpu.dma_semaphore, #tpu.memory_space<semaphore_mem>>) src(%arg7 : memref<128x128xf32, #tpu.memory_space<vmem>>) dst(%dma_wait3A_241 : memref<128x128xf32, #tpu.memory_space<hbm>>)
      tpu.yield
    }) : () -> ()
    %add3A_155 = arith.constant 128 : i32
    %add3A_156 = arith.addi %mul3A_148, %add3A_155 : i32
    "tpu.region"() ({
      %run_scoped3A = tpu.sem_alloc : memref<!tpu.dma_semaphore, #tpu.memory_space<semaphore_mem>>
      %dma_start3A = arith.constant 0 : i32
      %dma_start3A_232 = tpu.memref_slice %arg6[%add3A_156, %dma_start3A] : memref<8320x128xf32, #tpu.memory_space<vmem_shared>> -> memref<128x128xf32, #tpu.memory_space<vmem_shared>>
      %dma_start3A_233 = arith.constant 0 : i32
      %dma_start3A_234 = tpu.memref_slice %arg6[%add3A_156, %dma_start3A_233] : memref<8320x128xf32, #tpu.memory_space<vmem_shared>> -> memref<128x128xf32, #tpu.memory_space<vmem_shared>>
      tpu.enqueue_dma source(%dma_start3A_234 : memref<128x128xf32, #tpu.memory_space<vmem_shared>>) target(%arg7 : memref<128x128xf32, #tpu.memory_space<vmem>>) target_semaphore(%run_scoped3A : memref<!tpu.dma_semaphore, #tpu.memory_space<semaphore_mem>>)
      %dma_wait3A = arith.constant 0 : i32
      %dma_wait3A_235 = tpu.memref_slice %arg6[%add3A_156, %dma_wait3A] : memref<8320x128xf32, #tpu.memory_space<vmem_shared>> -> memref<128x128xf32, #tpu.memory_space<vmem_shared>>
      %dma_wait3A_236 = arith.constant 0 : i32
      %dma_wait3A_237 = tpu.memref_slice %arg6[%add3A_156, %dma_wait3A_236] : memref<8320x128xf32, #tpu.memory_space<vmem_shared>> -> memref<128x128xf32, #tpu.memory_space<vmem_shared>>
      tpu.wait_dma2 semaphore(%run_scoped3A : memref<!tpu.dma_semaphore, #tpu.memory_space<semaphore_mem>>) src(%dma_wait3A_237 : memref<128x128xf32, #tpu.memory_space<vmem_shared>>) dst(%arg7 : memref<128x128xf32, #tpu.memory_space<vmem>>)
      tpu.yield
    }) : () -> ()
    %add3A_157 = arith.constant 0 : i32
    %add3A_158 = arith.addi %add3A_157, %mul3A_148 : i32
    %add3A_159 = arith.constant 128 : i32
    %add3A_160 = arith.addi %add3A_158, %add3A_159 : i32
    "tpu.region"() ({
      %run_scoped3A = tpu.sem_alloc : memref<!tpu.dma_semaphore, #tpu.memory_space<semaphore_mem>>
      %dma_start3A = arith.constant 0 : i32
      %dma_start3A_232 = tpu.memref_slice %arg5[%add3A_115, %add3A_160, %dma_start3A] : memref<4x16384x128xf32, #tpu.memory_space<hbm>> -> memref<1x128x128xf32, #tpu.memory_space<hbm>>
      %dma_start3A_233 = tpu.memref_squeeze %dma_start3A_232 : memref<1x128x128xf32, #tpu.memory_space<hbm>> -> memref<128x128xf32, #tpu.memory_space<hbm>>
      %dma_start3A_234 = arith.constant 0 : i32
      %dma_start3A_235 = tpu.memref_slice %arg5[%add3A_115, %add3A_160, %dma_start3A_234] : memref<4x16384x128xf32, #tpu.memory_space<hbm>> -> memref<1x128x128xf32, #tpu.memory_space<hbm>>
      %dma_start3A_236 = tpu.memref_squeeze %dma_start3A_235 : memref<1x128x128xf32, #tpu.memory_space<hbm>> -> memref<128x128xf32, #tpu.memory_space<hbm>>
      tpu.enqueue_dma source(%arg7 : memref<128x128xf32, #tpu.memory_space<vmem>>) target(%dma_start3A_236 : memref<128x128xf32, #tpu.memory_space<hbm>>) target_semaphore(%run_scoped3A : memref<!tpu.dma_semaphore, #tpu.memory_space<semaphore_mem>>)
      %dma_wait3A = arith.constant 0 : i32
      %dma_wait3A_237 = tpu.memref_slice %arg5[%add3A_115, %add3A_160, %dma_wait3A] : memref<4x16384x128xf32, #tpu.memory_space<hbm>> -> memref<1x128x128xf32, #tpu.memory_space<hbm>>
      %dma_wait3A_238 = tpu.memref_squeeze %dma_wait3A_237 : memref<1x128x128xf32, #tpu.memory_space<hbm>> -> memref<128x128xf32, #tpu.memory_space<hbm>>
      %dma_wait3A_239 = arith.constant 0 : i32
      %dma_wait3A_240 = tpu.memref_slice %arg5[%add3A_115, %add3A_160, %dma_wait3A_239] : memref<4x16384x128xf32, #tpu.memory_space<hbm>> -> memref<1x128x128xf32, #tpu.memory_space<hbm>>
      %dma_wait3A_241 = tpu.memref_squeeze %dma_wait3A_240 : memref<1x128x128xf32, #tpu.memory_space<hbm>> -> memref<128x128xf32, #tpu.memory_space<hbm>>
      tpu.wait_dma2 semaphore(%run_scoped3A : memref<!tpu.dma_semaphore, #tpu.memory_space<semaphore_mem>>) src(%arg7 : memref<128x128xf32, #tpu.memory_space<vmem>>) dst(%dma_wait3A_241 : memref<128x128xf32, #tpu.memory_space<hbm>>)
      tpu.yield
    }) : () -> ()
    %add3A_161 = arith.constant 256 : i32
    %add3A_162 = arith.addi %mul3A_148, %add3A_161 : i32
    "tpu.region"() ({
      %run_scoped3A = tpu.sem_alloc : memref<!tpu.dma_semaphore, #tpu.memory_space<semaphore_mem>>
      %dma_start3A = arith.constant 0 : i32
      %dma_start3A_232 = tpu.memref_slice %arg6[%add3A_162, %dma_start3A] : memref<8320x128xf32, #tpu.memory_space<vmem_shared>> -> memref<128x128xf32, #tpu.memory_space<vmem_shared>>
      %dma_start3A_233 = arith.constant 0 : i32
      %dma_start3A_234 = tpu.memref_slice %arg6[%add3A_162, %dma_start3A_233] : memref<8320x128xf32, #tpu.memory_space<vmem_shared>> -> memref<128x128xf32, #tpu.memory_space<vmem_shared>>
      tpu.enqueue_dma source(%dma_start3A_234 : memref<128x128xf32, #tpu.memory_space<vmem_shared>>) target(%arg7 : memref<128x128xf32, #tpu.memory_space<vmem>>) target_semaphore(%run_scoped3A : memref<!tpu.dma_semaphore, #tpu.memory_space<semaphore_mem>>)
      %dma_wait3A = arith.constant 0 : i32
      %dma_wait3A_235 = tpu.memref_slice %arg6[%add3A_162, %dma_wait3A] : memref<8320x128xf32, #tpu.memory_space<vmem_shared>> -> memref<128x128xf32, #tpu.memory_space<vmem_shared>>
      %dma_wait3A_236 = arith.constant 0 : i32
      %dma_wait3A_237 = tpu.memref_slice %arg6[%add3A_162, %dma_wait3A_236] : memref<8320x128xf32, #tpu.memory_space<vmem_shared>> -> memref<128x128xf32, #tpu.memory_space<vmem_shared>>
      tpu.wait_dma2 semaphore(%run_scoped3A : memref<!tpu.dma_semaphore, #tpu.memory_space<semaphore_mem>>) src(%dma_wait3A_237 : memref<128x128xf32, #tpu.memory_space<vmem_shared>>) dst(%arg7 : memref<128x128xf32, #tpu.memory_space<vmem>>)
      tpu.yield
    }) : () -> ()
    %add3A_163 = arith.constant 0 : i32
    %add3A_164 = arith.addi %add3A_163, %mul3A_148 : i32
    %add3A_165 = arith.constant 256 : i32
    %add3A_166 = arith.addi %add3A_164, %add3A_165 : i32
    "tpu.region"() ({
      %run_scoped3A = tpu.sem_alloc : memref<!tpu.dma_semaphore, #tpu.memory_space<semaphore_mem>>
      %dma_start3A = arith.constant 0 : i32
      %dma_start3A_232 = tpu.memref_slice %arg5[%add3A_115, %add3A_166, %dma_start3A] : memref<4x16384x128xf32, #tpu.memory_space<hbm>> -> memref<1x128x128xf32, #tpu.memory_space<hbm>>
      %dma_start3A_233 = tpu.memref_squeeze %dma_start3A_232 : memref<1x128x128xf32, #tpu.memory_space<hbm>> -> memref<128x128xf32, #tpu.memory_space<hbm>>
      %dma_start3A_234 = arith.constant 0 : i32
      %dma_start3A_235 = tpu.memref_slice %arg5[%add3A_115, %add3A_166, %dma_start3A_234] : memref<4x16384x128xf32, #tpu.memory_space<hbm>> -> memref<1x128x128xf32, #tpu.memory_space<hbm>>
      %dma_start3A_236 = tpu.memref_squeeze %dma_start3A_235 : memref<1x128x128xf32, #tpu.memory_space<hbm>> -> memref<128x128xf32, #tpu.memory_space<hbm>>
      tpu.enqueue_dma source(%arg7 : memref<128x128xf32, #tpu.memory_space<vmem>>) target(%dma_start3A_236 : memref<128x128xf32, #tpu.memory_space<hbm>>) target_semaphore(%run_scoped3A : memref<!tpu.dma_semaphore, #tpu.memory_space<semaphore_mem>>)
      %dma_wait3A = arith.constant 0 : i32
      %dma_wait3A_237 = tpu.memref_slice %arg5[%add3A_115, %add3A_166, %dma_wait3A] : memref<4x16384x128xf32, #tpu.memory_space<hbm>> -> memref<1x128x128xf32, #tpu.memory_space<hbm>>
      %dma_wait3A_238 = tpu.memref_squeeze %dma_wait3A_237 : memref<1x128x128xf32, #tpu.memory_space<hbm>> -> memref<128x128xf32, #tpu.memory_space<hbm>>
      %dma_wait3A_239 = arith.constant 0 : i32
      %dma_wait3A_240 = tpu.memref_slice %arg5[%add3A_115, %add3A_166, %dma_wait3A_239] : memref<4x16384x128xf32, #tpu.memory_space<hbm>> -> memref<1x128x128xf32, #tpu.memory_space<hbm>>
      %dma_wait3A_241 = tpu.memref_squeeze %dma_wait3A_240 : memref<1x128x128xf32, #tpu.memory_space<hbm>> -> memref<128x128xf32, #tpu.memory_space<hbm>>
      tpu.wait_dma2 semaphore(%run_scoped3A : memref<!tpu.dma_semaphore, #tpu.memory_space<semaphore_mem>>) src(%arg7 : memref<128x128xf32, #tpu.memory_space<vmem>>) dst(%dma_wait3A_241 : memref<128x128xf32, #tpu.memory_space<hbm>>)
      tpu.yield
    }) : () -> ()
    %add3A_167 = arith.constant 384 : i32
    %add3A_168 = arith.addi %mul3A_148, %add3A_167 : i32
    "tpu.region"() ({
      %run_scoped3A = tpu.sem_alloc : memref<!tpu.dma_semaphore, #tpu.memory_space<semaphore_mem>>
      %dma_start3A = arith.constant 0 : i32
      %dma_start3A_232 = tpu.memref_slice %arg6[%add3A_168, %dma_start3A] : memref<8320x128xf32, #tpu.memory_space<vmem_shared>> -> memref<128x128xf32, #tpu.memory_space<vmem_shared>>
      %dma_start3A_233 = arith.constant 0 : i32
      %dma_start3A_234 = tpu.memref_slice %arg6[%add3A_168, %dma_start3A_233] : memref<8320x128xf32, #tpu.memory_space<vmem_shared>> -> memref<128x128xf32, #tpu.memory_space<vmem_shared>>
      tpu.enqueue_dma source(%dma_start3A_234 : memref<128x128xf32, #tpu.memory_space<vmem_shared>>) target(%arg7 : memref<128x128xf32, #tpu.memory_space<vmem>>) target_semaphore(%run_scoped3A : memref<!tpu.dma_semaphore, #tpu.memory_space<semaphore_mem>>)
      %dma_wait3A = arith.constant 0 : i32
      %dma_wait3A_235 = tpu.memref_slice %arg6[%add3A_168, %dma_wait3A] : memref<8320x128xf32, #tpu.memory_space<vmem_shared>> -> memref<128x128xf32, #tpu.memory_space<vmem_shared>>
      %dma_wait3A_236 = arith.constant 0 : i32
      %dma_wait3A_237 = tpu.memref_slice %arg6[%add3A_168, %dma_wait3A_236] : memref<8320x128xf32, #tpu.memory_space<vmem_shared>> -> memref<128x128xf32, #tpu.memory_space<vmem_shared>>
      tpu.wait_dma2 semaphore(%run_scoped3A : memref<!tpu.dma_semaphore, #tpu.memory_space<semaphore_mem>>) src(%dma_wait3A_237 : memref<128x128xf32, #tpu.memory_space<vmem_shared>>) dst(%arg7 : memref<128x128xf32, #tpu.memory_space<vmem>>)
      tpu.yield
    }) : () -> ()
    %add3A_169 = arith.constant 0 : i32
    %add3A_170 = arith.addi %add3A_169, %mul3A_148 : i32
    %add3A_171 = arith.constant 384 : i32
    %add3A_172 = arith.addi %add3A_170, %add3A_171 : i32
    "tpu.region"() ({
      %run_scoped3A = tpu.sem_alloc : memref<!tpu.dma_semaphore, #tpu.memory_space<semaphore_mem>>
      %dma_start3A = arith.constant 0 : i32
      %dma_start3A_232 = tpu.memref_slice %arg5[%add3A_115, %add3A_172, %dma_start3A] : memref<4x16384x128xf32, #tpu.memory_space<hbm>> -> memref<1x128x128xf32, #tpu.memory_space<hbm>>
      %dma_start3A_233 = tpu.memref_squeeze %dma_start3A_232 : memref<1x128x128xf32, #tpu.memory_space<hbm>> -> memref<128x128xf32, #tpu.memory_space<hbm>>
      %dma_start3A_234 = arith.constant 0 : i32
      %dma_start3A_235 = tpu.memref_slice %arg5[%add3A_115, %add3A_172, %dma_start3A_234] : memref<4x16384x128xf32, #tpu.memory_space<hbm>> -> memref<1x128x128xf32, #tpu.memory_space<hbm>>
      %dma_start3A_236 = tpu.memref_squeeze %dma_start3A_235 : memref<1x128x128xf32, #tpu.memory_space<hbm>> -> memref<128x128xf32, #tpu.memory_space<hbm>>
      tpu.enqueue_dma source(%arg7 : memref<128x128xf32, #tpu.memory_space<vmem>>) target(%dma_start3A_236 : memref<128x128xf32, #tpu.memory_space<hbm>>) target_semaphore(%run_scoped3A : memref<!tpu.dma_semaphore, #tpu.memory_space<semaphore_mem>>)
      %dma_wait3A = arith.constant 0 : i32
      %dma_wait3A_237 = tpu.memref_slice %arg5[%add3A_115, %add3A_172, %dma_wait3A] : memref<4x16384x128xf32, #tpu.memory_space<hbm>> -> memref<1x128x128xf32, #tpu.memory_space<hbm>>
      %dma_wait3A_238 = tpu.memref_squeeze %dma_wait3A_237 : memref<1x128x128xf32, #tpu.memory_space<hbm>> -> memref<128x128xf32, #tpu.memory_space<hbm>>
      %dma_wait3A_239 = arith.constant 0 : i32
      %dma_wait3A_240 = tpu.memref_slice %arg5[%add3A_115, %add3A_172, %dma_wait3A_239] : memref<4x16384x128xf32, #tpu.memory_space<hbm>> -> memref<1x128x128xf32, #tpu.memory_space<hbm>>
      %dma_wait3A_241 = tpu.memref_squeeze %dma_wait3A_240 : memref<1x128x128xf32, #tpu.memory_space<hbm>> -> memref<128x128xf32, #tpu.memory_space<hbm>>
      tpu.wait_dma2 semaphore(%run_scoped3A : memref<!tpu.dma_semaphore, #tpu.memory_space<semaphore_mem>>) src(%arg7 : memref<128x128xf32, #tpu.memory_space<vmem>>) dst(%dma_wait3A_241 : memref<128x128xf32, #tpu.memory_space<hbm>>)
      tpu.yield
    }) : () -> ()
    %barrier3A_173 = arith.constant 0 : index
    tpu.barrier barrier_id(%barrier3A_173)
    "tpu.region"() ({
      %run_scoped3A = tpu.sem_alloc : memref<!tpu.dma_semaphore, #tpu.memory_space<semaphore_mem>>
      tpu.enqueue_dma source(%arg4 : memref<128x128xf32, #tpu.memory_space<hbm>>) target(%arg7 : memref<128x128xf32, #tpu.memory_space<vmem>>) target_semaphore(%run_scoped3A : memref<!tpu.dma_semaphore, #tpu.memory_space<semaphore_mem>>)
      tpu.wait_dma2 semaphore(%run_scoped3A : memref<!tpu.dma_semaphore, #tpu.memory_space<semaphore_mem>>) src(%arg4 : memref<128x128xf32, #tpu.memory_space<hbm>>) dst(%arg7 : memref<128x128xf32, #tpu.memory_space<vmem>>)
      tpu.yield
    }) : () -> ()
    %mul3A_174 = arith.constant 520 : i32
    %mul3A_175 = arith.muli %arg1, %mul3A_174 : i32
    %add3A_176 = arith.constant 0 : i32
    %add3A_177 = arith.addi %mul3A_175, %add3A_176 : i32
    "tpu.region"() ({
      %run_scoped3A = tpu.sem_alloc : memref<!tpu.dma_semaphore, #tpu.memory_space<semaphore_mem>>
      %dma_start3A = arith.constant 0 : i32
      %dma_start3A_232 = tpu.memref_slice %arg6[%add3A_177, %dma_start3A] : memref<8320x128xf32, #tpu.memory_space<vmem_shared>> -> memref<128x128xf32, #tpu.memory_space<vmem_shared>>
      %dma_start3A_233 = arith.constant 0 : i32
      %dma_start3A_234 = tpu.memref_slice %arg6[%add3A_177, %dma_start3A_233] : memref<8320x128xf32, #tpu.memory_space<vmem_shared>> -> memref<128x128xf32, #tpu.memory_space<vmem_shared>>
      tpu.enqueue_dma source(%arg7 : memref<128x128xf32, #tpu.memory_space<vmem>>) target(%dma_start3A_234 : memref<128x128xf32, #tpu.memory_space<vmem_shared>>) target_semaphore(%run_scoped3A : memref<!tpu.dma_semaphore, #tpu.memory_space<semaphore_mem>>)
      %dma_wait3A = arith.constant 0 : i32
      %dma_wait3A_235 = tpu.memref_slice %arg6[%add3A_177, %dma_wait3A] : memref<8320x128xf32, #tpu.memory_space<vmem_shared>> -> memref<128x128xf32, #tpu.memory_space<vmem_shared>>
      %dma_wait3A_236 = arith.constant 0 : i32
      %dma_wait3A_237 = tpu.memref_slice %arg6[%add3A_177, %dma_wait3A_236] : memref<8320x128xf32, #tpu.memory_space<vmem_shared>> -> memref<128x128xf32, #tpu.memory_space<vmem_shared>>
      tpu.wait_dma2 semaphore(%run_scoped3A : memref<!tpu.dma_semaphore, #tpu.memory_space<semaphore_mem>>) src(%arg7 : memref<128x128xf32, #tpu.memory_space<vmem>>) dst(%dma_wait3A_237 : memref<128x128xf32, #tpu.memory_space<vmem_shared>>)
      tpu.yield
    }) : () -> ()
    %add3A_178 = arith.constant 128 : i32
    %add3A_179 = arith.addi %mul3A_175, %add3A_178 : i32
    "tpu.region"() ({
      %run_scoped3A = tpu.sem_alloc : memref<!tpu.dma_semaphore, #tpu.memory_space<semaphore_mem>>
      %dma_start3A = arith.constant 0 : i32
      %dma_start3A_232 = tpu.memref_slice %arg6[%add3A_179, %dma_start3A] : memref<8320x128xf32, #tpu.memory_space<vmem_shared>> -> memref<128x128xf32, #tpu.memory_space<vmem_shared>>
      %dma_start3A_233 = arith.constant 0 : i32
      %dma_start3A_234 = tpu.memref_slice %arg6[%add3A_179, %dma_start3A_233] : memref<8320x128xf32, #tpu.memory_space<vmem_shared>> -> memref<128x128xf32, #tpu.memory_space<vmem_shared>>
      tpu.enqueue_dma source(%arg7 : memref<128x128xf32, #tpu.memory_space<vmem>>) target(%dma_start3A_234 : memref<128x128xf32, #tpu.memory_space<vmem_shared>>) target_semaphore(%run_scoped3A : memref<!tpu.dma_semaphore, #tpu.memory_space<semaphore_mem>>)
      %dma_wait3A = arith.constant 0 : i32
      %dma_wait3A_235 = tpu.memref_slice %arg6[%add3A_179, %dma_wait3A] : memref<8320x128xf32, #tpu.memory_space<vmem_shared>> -> memref<128x128xf32, #tpu.memory_space<vmem_shared>>
      %dma_wait3A_236 = arith.constant 0 : i32
      %dma_wait3A_237 = tpu.memref_slice %arg6[%add3A_179, %dma_wait3A_236] : memref<8320x128xf32, #tpu.memory_space<vmem_shared>> -> memref<128x128xf32, #tpu.memory_space<vmem_shared>>
      tpu.wait_dma2 semaphore(%run_scoped3A : memref<!tpu.dma_semaphore, #tpu.memory_space<semaphore_mem>>) src(%arg7 : memref<128x128xf32, #tpu.memory_space<vmem>>) dst(%dma_wait3A_237 : memref<128x128xf32, #tpu.memory_space<vmem_shared>>)
      tpu.yield
    }) : () -> ()
    %add3A_180 = arith.constant 256 : i32
    %add3A_181 = arith.addi %mul3A_175, %add3A_180 : i32
    "tpu.region"() ({
      %run_scoped3A = tpu.sem_alloc : memref<!tpu.dma_semaphore, #tpu.memory_space<semaphore_mem>>
      %dma_start3A = arith.constant 0 : i32
      %dma_start3A_232 = tpu.memref_slice %arg6[%add3A_181, %dma_start3A] : memref<8320x128xf32, #tpu.memory_space<vmem_shared>> -> memref<128x128xf32, #tpu.memory_space<vmem_shared>>
      %dma_start3A_233 = arith.constant 0 : i32
      %dma_start3A_234 = tpu.memref_slice %arg6[%add3A_181, %dma_start3A_233] : memref<8320x128xf32, #tpu.memory_space<vmem_shared>> -> memref<128x128xf32, #tpu.memory_space<vmem_shared>>
      tpu.enqueue_dma source(%arg7 : memref<128x128xf32, #tpu.memory_space<vmem>>) target(%dma_start3A_234 : memref<128x128xf32, #tpu.memory_space<vmem_shared>>) target_semaphore(%run_scoped3A : memref<!tpu.dma_semaphore, #tpu.memory_space<semaphore_mem>>)
      %dma_wait3A = arith.constant 0 : i32
      %dma_wait3A_235 = tpu.memref_slice %arg6[%add3A_181, %dma_wait3A] : memref<8320x128xf32, #tpu.memory_space<vmem_shared>> -> memref<128x128xf32, #tpu.memory_space<vmem_shared>>
      %dma_wait3A_236 = arith.constant 0 : i32
      %dma_wait3A_237 = tpu.memref_slice %arg6[%add3A_181, %dma_wait3A_236] : memref<8320x128xf32, #tpu.memory_space<vmem_shared>> -> memref<128x128xf32, #tpu.memory_space<vmem_shared>>
      tpu.wait_dma2 semaphore(%run_scoped3A : memref<!tpu.dma_semaphore, #tpu.memory_space<semaphore_mem>>) src(%arg7 : memref<128x128xf32, #tpu.memory_space<vmem>>) dst(%dma_wait3A_237 : memref<128x128xf32, #tpu.memory_space<vmem_shared>>)
      tpu.yield
    }) : () -> ()
    %add3A_182 = arith.constant 384 : i32
    %add3A_183 = arith.addi %mul3A_175, %add3A_182 : i32
    "tpu.region"() ({
      %run_scoped3A = tpu.sem_alloc : memref<!tpu.dma_semaphore, #tpu.memory_space<semaphore_mem>>
      %dma_start3A = arith.constant 0 : i32
      %dma_start3A_232 = tpu.memref_slice %arg6[%add3A_183, %dma_start3A] : memref<8320x128xf32, #tpu.memory_space<vmem_shared>> -> memref<128x128xf32, #tpu.memory_space<vmem_shared>>
      %dma_start3A_233 = arith.constant 0 : i32
      %dma_start3A_234 = tpu.memref_slice %arg6[%add3A_183, %dma_start3A_233] : memref<8320x128xf32, #tpu.memory_space<vmem_shared>> -> memref<128x128xf32, #tpu.memory_space<vmem_shared>>
      tpu.enqueue_dma source(%arg7 : memref<128x128xf32, #tpu.memory_space<vmem>>) target(%dma_start3A_234 : memref<128x128xf32, #tpu.memory_space<vmem_shared>>) target_semaphore(%run_scoped3A : memref<!tpu.dma_semaphore, #tpu.memory_space<semaphore_mem>>)
      %dma_wait3A = arith.constant 0 : i32
      %dma_wait3A_235 = tpu.memref_slice %arg6[%add3A_183, %dma_wait3A] : memref<8320x128xf32, #tpu.memory_space<vmem_shared>> -> memref<128x128xf32, #tpu.memory_space<vmem_shared>>
      %dma_wait3A_236 = arith.constant 0 : i32
      %dma_wait3A_237 = tpu.memref_slice %arg6[%add3A_183, %dma_wait3A_236] : memref<8320x128xf32, #tpu.memory_space<vmem_shared>> -> memref<128x128xf32, #tpu.memory_space<vmem_shared>>
      tpu.wait_dma2 semaphore(%run_scoped3A : memref<!tpu.dma_semaphore, #tpu.memory_space<semaphore_mem>>) src(%arg7 : memref<128x128xf32, #tpu.memory_space<vmem>>) dst(%dma_wait3A_237 : memref<128x128xf32, #tpu.memory_space<vmem_shared>>)
      tpu.yield
    }) : () -> ()
    %add3A_184 = arith.constant 512 : i32
    %add3A_185 = arith.addi %mul3A_175, %add3A_184 : i32
    "tpu.region"() ({
      %run_scoped3A = tpu.sem_alloc : memref<!tpu.dma_semaphore, #tpu.memory_space<semaphore_mem>>
      %dma_start3A = arith.constant 0 : i32
      %dma_start3A_232 = arith.constant 0 : i32
      %dma_start3A_233 = tpu.memref_slice %arg7[%dma_start3A, %dma_start3A_232] : memref<128x128xf32, #tpu.memory_space<vmem>> -> memref<8x128xf32, #tpu.memory_space<vmem>>
      %dma_start3A_234 = arith.constant 0 : i32
      %dma_start3A_235 = tpu.memref_slice %arg6[%add3A_185, %dma_start3A_234] : memref<8320x128xf32, #tpu.memory_space<vmem_shared>> -> memref<8x128xf32, #tpu.memory_space<vmem_shared>>
      %dma_start3A_236 = arith.constant 0 : i32
      %dma_start3A_237 = tpu.memref_slice %arg6[%add3A_185, %dma_start3A_236] : memref<8320x128xf32, #tpu.memory_space<vmem_shared>> -> memref<8x128xf32, #tpu.memory_space<vmem_shared>>
      %dma_start3A_238 = arith.constant 0 : i32
      %dma_start3A_239 = arith.constant 0 : i32
      %dma_start3A_240 = tpu.memref_slice %arg7[%dma_start3A_238, %dma_start3A_239] : memref<128x128xf32, #tpu.memory_space<vmem>> -> memref<8x128xf32, #tpu.memory_space<vmem>>
      tpu.enqueue_dma source(%dma_start3A_240 : memref<8x128xf32, #tpu.memory_space<vmem>>) target(%dma_start3A_237 : memref<8x128xf32, #tpu.memory_space<vmem_shared>>) target_semaphore(%run_scoped3A : memref<!tpu.dma_semaphore, #tpu.memory_space<semaphore_mem>>)
      %dma_wait3A = arith.constant 0 : i32
      %dma_wait3A_241 = arith.constant 0 : i32
      %dma_wait3A_242 = tpu.memref_slice %arg7[%dma_wait3A, %dma_wait3A_241] : memref<128x128xf32, #tpu.memory_space<vmem>> -> memref<8x128xf32, #tpu.memory_space<vmem>>
      %dma_wait3A_243 = arith.constant 0 : i32
      %dma_wait3A_244 = tpu.memref_slice %arg6[%add3A_185, %dma_wait3A_243] : memref<8320x128xf32, #tpu.memory_space<vmem_shared>> -> memref<8x128xf32, #tpu.memory_space<vmem_shared>>
      %dma_wait3A_245 = arith.constant 0 : i32
      %dma_wait3A_246 = tpu.memref_slice %arg6[%add3A_185, %dma_wait3A_245] : memref<8320x128xf32, #tpu.memory_space<vmem_shared>> -> memref<8x128xf32, #tpu.memory_space<vmem_shared>>
      %dma_wait3A_247 = arith.constant 0 : i32
      %dma_wait3A_248 = arith.constant 0 : i32
      %dma_wait3A_249 = tpu.memref_slice %arg7[%dma_wait3A_247, %dma_wait3A_248] : memref<128x128xf32, #tpu.memory_space<vmem>> -> memref<8x128xf32, #tpu.memory_space<vmem>>
      tpu.wait_dma2 semaphore(%run_scoped3A : memref<!tpu.dma_semaphore, #tpu.memory_space<semaphore_mem>>) src(%dma_wait3A_249 : memref<8x128xf32, #tpu.memory_space<vmem>>) dst(%dma_wait3A_246 : memref<8x128xf32, #tpu.memory_space<vmem_shared>>)
      tpu.yield
    }) : () -> ()
    %barrier3A_186 = arith.constant 0 : index
    tpu.barrier barrier_id(%barrier3A_186)
    %add3A_187 = arith.constant 0 : i32
    %add3A_188 = arith.addi %add3A_187, %arg1 : i32
    %lt3A_189 = arith.constant 1562 : i32
    %lt3A_190 = arith.cmpi slt, %add3A_188, %lt3A_189 : i32
    %convert_element_type3A_191 = arith.extui %lt3A_190 : i1 to i32
    %cond3A_192 = arith.constant 0 : i32
    %cond3A_193 = arith.cmpi ne, %convert_element_type3A_191, %cond3A_192 : i32
    scf.if %cond3A_193 {
      %mul3A_232 = arith.constant 200000 : i32
      %mul3A_233 = arith.muli %add3A_115, %mul3A_232 : i32
      %mul3A_234 = arith.constant 128 : i32
      %mul3A_235 = arith.muli %add3A_188, %mul3A_234 : i32
      %add3A_236 = arith.addi %mul3A_233, %mul3A_235 : i32
      %dma_start3A = tpu.memref_slice %arg3[%add3A_236] : memref<800000xi32, #tpu.memory_space<hbm>> -> memref<128xi32, #tpu.memory_space<hbm>>
      %dma_start3A_237 = tpu.memref_slice %arg3[%add3A_236] : memref<800000xi32, #tpu.memory_space<hbm>> -> memref<128xi32, #tpu.memory_space<hbm>>
      tpu.enqueue_dma source(%dma_start3A_237 : memref<128xi32, #tpu.memory_space<hbm>>) target(%arg8 : memref<128xi32, #tpu.memory_space<vmem>>) target_semaphore(%arg13 : memref<!tpu.dma_semaphore, #tpu.memory_space<semaphore_mem>>)
      %dma_start3A_238 = arith.constant 0 : i32
      %dma_start3A_239 = tpu.memref_slice %arg2[%add3A_236, %dma_start3A_238] : memref<800000x128xf32, #tpu.memory_space<hbm>> -> memref<128x128xf32, #tpu.memory_space<hbm>>
      %dma_start3A_240 = arith.constant 0 : i32
      %dma_start3A_241 = tpu.memref_slice %arg2[%add3A_236, %dma_start3A_240] : memref<800000x128xf32, #tpu.memory_space<hbm>> -> memref<128x128xf32, #tpu.memory_space<hbm>>
      tpu.enqueue_dma source(%dma_start3A_241 : memref<128x128xf32, #tpu.memory_space<hbm>>) target(%arg7 : memref<128x128xf32, #tpu.memory_space<vmem>>) target_semaphore(%arg13 : memref<!tpu.dma_semaphore, #tpu.memory_space<semaphore_mem>>)
    } else {
    }
    %scan3A_194 = arith.constant 0 : i32
    %scan3A_195 = arith.constant 49 : i32
    %scan3A_196 = arith.addi %scan3A_194, %scan3A_195 : i32
    %scan3A_197 = arith.constant 1 : i32
    scf.for %scan3A_232 = %scan3A_194 to %scan3A_196 step %scan3A_197  : i32 {
      %mul3A_233 = arith.constant 2 : i32
      %mul3A_234 = arith.muli %mul3A_233, %scan3A_232 : i32
      %add3A_235 = arith.constant 1 : i32
      %add3A_236 = arith.addi %mul3A_234, %add3A_235 : i32
      %mul3A_237 = arith.constant 16 : i32
      %mul3A_238 = arith.muli %add3A_236, %mul3A_237 : i32
      %add3A_239 = arith.addi %mul3A_238, %arg1 : i32
      %lt3A_240 = arith.constant 1562 : i32
      %lt3A_241 = arith.cmpi slt, %add3A_239, %lt3A_240 : i32
      %convert_element_type3A_242 = arith.extui %lt3A_241 : i1 to i32
      %cond3A_243 = arith.constant 0 : i32
      %cond3A_244 = arith.cmpi ne, %convert_element_type3A_242, %cond3A_243 : i32
      scf.if %cond3A_244 {
        %mul3A_279 = arith.constant 200000 : i32
        %mul3A_280 = arith.muli %add3A_115, %mul3A_279 : i32
        %mul3A_281 = arith.constant 128 : i32
        %mul3A_282 = arith.muli %add3A_239, %mul3A_281 : i32
        %add3A_283 = arith.addi %mul3A_280, %mul3A_282 : i32
        %dma_start3A = tpu.memref_slice %arg3[%add3A_283] : memref<800000xi32, #tpu.memory_space<hbm>> -> memref<128xi32, #tpu.memory_space<hbm>>
        %dma_start3A_284 = tpu.memref_slice %arg3[%add3A_283] : memref<800000xi32, #tpu.memory_space<hbm>> -> memref<128xi32, #tpu.memory_space<hbm>>
        tpu.enqueue_dma source(%dma_start3A_284 : memref<128xi32, #tpu.memory_space<hbm>>) target(%arg10 : memref<128xi32, #tpu.memory_space<vmem>>) target_semaphore(%arg14 : memref<!tpu.dma_semaphore, #tpu.memory_space<semaphore_mem>>)
        %dma_start3A_285 = arith.constant 0 : i32
        %dma_start3A_286 = tpu.memref_slice %arg2[%add3A_283, %dma_start3A_285] : memref<800000x128xf32, #tpu.memory_space<hbm>> -> memref<128x128xf32, #tpu.memory_space<hbm>>
        %dma_start3A_287 = arith.constant 0 : i32
        %dma_start3A_288 = tpu.memref_slice %arg2[%add3A_283, %dma_start3A_287] : memref<800000x128xf32, #tpu.memory_space<hbm>> -> memref<128x128xf32, #tpu.memory_space<hbm>>
        tpu.enqueue_dma source(%dma_start3A_288 : memref<128x128xf32, #tpu.memory_space<hbm>>) target(%arg9 : memref<128x128xf32, #tpu.memory_space<vmem>>) target_semaphore(%arg14 : memref<!tpu.dma_semaphore, #tpu.memory_space<semaphore_mem>>)
      } else {
      }
      %mul3A_245 = arith.constant 2 : i32
      %mul3A_246 = arith.muli %mul3A_245, %scan3A_232 : i32
      %mul3A_247 = arith.constant 16 : i32
      %mul3A_248 = arith.muli %mul3A_246, %mul3A_247 : i32
      %add3A_249 = arith.addi %mul3A_248, %arg1 : i32
      %lt3A_250 = arith.constant 1562 : i32
      %lt3A_251 = arith.cmpi slt, %add3A_249, %lt3A_250 : i32
      %convert_element_type3A_252 = arith.extui %lt3A_251 : i1 to i32
      %cond3A_253 = arith.constant 0 : i32
      %cond3A_254 = arith.cmpi ne, %convert_element_type3A_252, %cond3A_253 : i32
      scf.if %cond3A_254 {
        %mul3A_279 = arith.constant 200000 : i32
        %mul3A_280 = arith.muli %add3A_115, %mul3A_279 : i32
        %mul3A_281 = arith.constant 128 : i32
        %mul3A_282 = arith.muli %add3A_249, %mul3A_281 : i32
        %add3A_283 = arith.addi %mul3A_280, %mul3A_282 : i32
        %dma_wait3A = tpu.memref_slice %arg3[%add3A_283] : memref<800000xi32, #tpu.memory_space<hbm>> -> memref<128xi32, #tpu.memory_space<hbm>>
        %dma_wait3A_284 = tpu.memref_slice %arg3[%add3A_283] : memref<800000xi32, #tpu.memory_space<hbm>> -> memref<128xi32, #tpu.memory_space<hbm>>
        tpu.wait_dma2 semaphore(%arg13 : memref<!tpu.dma_semaphore, #tpu.memory_space<semaphore_mem>>) src(%dma_wait3A_284 : memref<128xi32, #tpu.memory_space<hbm>>) dst(%arg8 : memref<128xi32, #tpu.memory_space<vmem>>)
        %dma_wait3A_285 = arith.constant 0 : i32
        %dma_wait3A_286 = tpu.memref_slice %arg2[%add3A_283, %dma_wait3A_285] : memref<800000x128xf32, #tpu.memory_space<hbm>> -> memref<128x128xf32, #tpu.memory_space<hbm>>
        %dma_wait3A_287 = arith.constant 0 : i32
        %dma_wait3A_288 = tpu.memref_slice %arg2[%add3A_283, %dma_wait3A_287] : memref<800000x128xf32, #tpu.memory_space<hbm>> -> memref<128x128xf32, #tpu.memory_space<hbm>>
        tpu.wait_dma2 semaphore(%arg13 : memref<!tpu.dma_semaphore, #tpu.memory_space<semaphore_mem>>) src(%dma_wait3A_288 : memref<128x128xf32, #tpu.memory_space<hbm>>) dst(%arg7 : memref<128x128xf32, #tpu.memory_space<vmem>>)
        %get3A = arith.constant 0 : index
        %get3A_289 = tpu.vector_load %arg8[%get3A] {strides = array<i32>} : memref<128xi32, #tpu.memory_space<vmem>>, vector<16xi32>,
        %get3A_290 = vector.shape_cast %get3A_289 : vector<16xi32> to vector<16xi32>
        %sub3A = arith.constant 8192 : i32
        %sub3A_291 = vector.broadcast %sub3A : i32 to vector<16xi32>
        %sub3A_292 = arith.subi %get3A_290, %sub3A_291 : vector<16xi32>
        %lt3A_293 = arith.constant 0 : i32
        %lt3A_294 = vector.broadcast %lt3A_293 : i32 to vector<16xi32>
        %lt3A_295 = arith.cmpi slt, %sub3A_292, %lt3A_294 : vector<16xi32>
        %ge3A = arith.constant 8192 : i32
        %ge3A_296 = vector.broadcast %ge3A : i32 to vector<16xi32>
        %ge3A_297 = arith.cmpi sge, %sub3A_292, %ge3A_296 : vector<16xi32>
        %or3A = arith.ori %lt3A_295, %ge3A_297 : vector<16xi1>
        %jit3A = arith.constant 8192 : i32
        %broadcast_in_dim3A = vector.broadcast %jit3A : i32 to vector<16xi32>
        %select_n3A = arith.select %or3A, %broadcast_in_dim3A, %sub3A_292 : vector<16xi1>, vector<16xi32>
        %swap3A = arith.constant 0 : index
        %swap3A_298 = tpu.vector_load %arg8[%swap3A] {strides = array<i32>} : memref<128xi32, #tpu.memory_space<vmem>>, vector<16xi32>,
        %swap3A_299 = vector.shape_cast %swap3A_298 : vector<16xi32> to vector<16xi32>
        %swap3A_300 = vector.shape_cast %select_n3A : vector<16xi32> to vector<16xi32>
        tpu.vector_store %arg8[%swap3A], %swap3A_300 {strides = array<i32>} : memref<128xi32, #tpu.memory_space<vmem>>, vector<16xi32>,
        %get3A_301 = arith.constant 16 : index
        %get3A_302 = tpu.vector_load %arg8[%get3A_301] {strides = array<i32>} : memref<128xi32, #tpu.memory_space<vmem>>, vector<16xi32>,
        %get3A_303 = vector.shape_cast %get3A_302 : vector<16xi32> to vector<16xi32>
        %sub3A_304 = arith.constant 8192 : i32
        %sub3A_305 = vector.broadcast %sub3A_304 : i32 to vector<16xi32>
        %sub3A_306 = arith.subi %get3A_303, %sub3A_305 : vector<16xi32>
        %lt3A_307 = arith.constant 0 : i32
        %lt3A_308 = vector.broadcast %lt3A_307 : i32 to vector<16xi32>
        %lt3A_309 = arith.cmpi slt, %sub3A_306, %lt3A_308 : vector<16xi32>
        %ge3A_310 = arith.constant 8192 : i32
        %ge3A_311 = vector.broadcast %ge3A_310 : i32 to vector<16xi32>
        %ge3A_312 = arith.cmpi sge, %sub3A_306, %ge3A_311 : vector<16xi32>
        %or3A_313 = arith.ori %lt3A_309, %ge3A_312 : vector<16xi1>
        %jit3A_314 = arith.constant 8192 : i32
        %broadcast_in_dim3A_315 = vector.broadcast %jit3A_314 : i32 to vector<16xi32>
        %select_n3A_316 = arith.select %or3A_313, %broadcast_in_dim3A_315, %sub3A_306 : vector<16xi1>, vector<16xi32>
        %swap3A_317 = arith.constant 16 : index
        %swap3A_318 = tpu.vector_load %arg8[%swap3A_317] {strides = array<i32>} : memref<128xi32, #tpu.memory_space<vmem>>, vector<16xi32>,
        %swap3A_319 = vector.shape_cast %swap3A_318 : vector<16xi32> to vector<16xi32>
        %swap3A_320 = vector.shape_cast %select_n3A_316 : vector<16xi32> to vector<16xi32>
        tpu.vector_store %arg8[%swap3A_317], %swap3A_320 {strides = array<i32>} : memref<128xi32, #tpu.memory_space<vmem>>, vector<16xi32>,
        %get3A_321 = arith.constant 32 : index
        %get3A_322 = tpu.vector_load %arg8[%get3A_321] {strides = array<i32>} : memref<128xi32, #tpu.memory_space<vmem>>, vector<16xi32>,
        %get3A_323 = vector.shape_cast %get3A_322 : vector<16xi32> to vector<16xi32>
        %sub3A_324 = arith.constant 8192 : i32
        %sub3A_325 = vector.broadcast %sub3A_324 : i32 to vector<16xi32>
        %sub3A_326 = arith.subi %get3A_323, %sub3A_325 : vector<16xi32>
        %lt3A_327 = arith.constant 0 : i32
        %lt3A_328 = vector.broadcast %lt3A_327 : i32 to vector<16xi32>
        %lt3A_329 = arith.cmpi slt, %sub3A_326, %lt3A_328 : vector<16xi32>
        %ge3A_330 = arith.constant 8192 : i32
        %ge3A_331 = vector.broadcast %ge3A_330 : i32 to vector<16xi32>
        %ge3A_332 = arith.cmpi sge, %sub3A_326, %ge3A_331 : vector<16xi32>
        %or3A_333 = arith.ori %lt3A_329, %ge3A_332 : vector<16xi1>
        %jit3A_334 = arith.constant 8192 : i32
        %broadcast_in_dim3A_335 = vector.broadcast %jit3A_334 : i32 to vector<16xi32>
        %select_n3A_336 = arith.select %or3A_333, %broadcast_in_dim3A_335, %sub3A_326 : vector<16xi1>, vector<16xi32>
        %swap3A_337 = arith.constant 32 : index
        %swap3A_338 = tpu.vector_load %arg8[%swap3A_337] {strides = array<i32>} : memref<128xi32, #tpu.memory_space<vmem>>, vector<16xi32>,
        %swap3A_339 = vector.shape_cast %swap3A_338 : vector<16xi32> to vector<16xi32>
        %swap3A_340 = vector.shape_cast %select_n3A_336 : vector<16xi32> to vector<16xi32>
        tpu.vector_store %arg8[%swap3A_337], %swap3A_340 {strides = array<i32>} : memref<128xi32, #tpu.memory_space<vmem>>, vector<16xi32>,
        %get3A_341 = arith.constant 48 : index
        %get3A_342 = tpu.vector_load %arg8[%get3A_341] {strides = array<i32>} : memref<128xi32, #tpu.memory_space<vmem>>, vector<16xi32>,
        %get3A_343 = vector.shape_cast %get3A_342 : vector<16xi32> to vector<16xi32>
        %sub3A_344 = arith.constant 8192 : i32
        %sub3A_345 = vector.broadcast %sub3A_344 : i32 to vector<16xi32>
        %sub3A_346 = arith.subi %get3A_343, %sub3A_345 : vector<16xi32>
        %lt3A_347 = arith.constant 0 : i32
        %lt3A_348 = vector.broadcast %lt3A_347 : i32 to vector<16xi32>
        %lt3A_349 = arith.cmpi slt, %sub3A_346, %lt3A_348 : vector<16xi32>
        %ge3A_350 = arith.constant 8192 : i32
        %ge3A_351 = vector.broadcast %ge3A_350 : i32 to vector<16xi32>
        %ge3A_352 = arith.cmpi sge, %sub3A_346, %ge3A_351 : vector<16xi32>
        %or3A_353 = arith.ori %lt3A_349, %ge3A_352 : vector<16xi1>
        %jit3A_354 = arith.constant 8192 : i32
        %broadcast_in_dim3A_355 = vector.broadcast %jit3A_354 : i32 to vector<16xi32>
        %select_n3A_356 = arith.select %or3A_353, %broadcast_in_dim3A_355, %sub3A_346 : vector<16xi1>, vector<16xi32>
        %swap3A_357 = arith.constant 48 : index
        %swap3A_358 = tpu.vector_load %arg8[%swap3A_357] {strides = array<i32>} : memref<128xi32, #tpu.memory_space<vmem>>, vector<16xi32>,
        %swap3A_359 = vector.shape_cast %swap3A_358 : vector<16xi32> to vector<16xi32>
        %swap3A_360 = vector.shape_cast %select_n3A_356 : vector<16xi32> to vector<16xi32>
        tpu.vector_store %arg8[%swap3A_357], %swap3A_360 {strides = array<i32>} : memref<128xi32, #tpu.memory_space<vmem>>, vector<16xi32>,
        %get3A_361 = arith.constant 64 : index
        %get3A_362 = tpu.vector_load %arg8[%get3A_361] {strides = array<i32>} : memref<128xi32, #tpu.memory_space<vmem>>, vector<16xi32>,
        %get3A_363 = vector.shape_cast %get3A_362 : vector<16xi32> to vector<16xi32>
        %sub3A_364 = arith.constant 8192 : i32
        %sub3A_365 = vector.broadcast %sub3A_364 : i32 to vector<16xi32>
        %sub3A_366 = arith.subi %get3A_363, %sub3A_365 : vector<16xi32>
        %lt3A_367 = arith.constant 0 : i32
        %lt3A_368 = vector.broadcast %lt3A_367 : i32 to vector<16xi32>
        %lt3A_369 = arith.cmpi slt, %sub3A_366, %lt3A_368 : vector<16xi32>
        %ge3A_370 = arith.constant 8192 : i32
        %ge3A_371 = vector.broadcast %ge3A_370 : i32 to vector<16xi32>
        %ge3A_372 = arith.cmpi sge, %sub3A_366, %ge3A_371 : vector<16xi32>
        %or3A_373 = arith.ori %lt3A_369, %ge3A_372 : vector<16xi1>
        %jit3A_374 = arith.constant 8192 : i32
        %broadcast_in_dim3A_375 = vector.broadcast %jit3A_374 : i32 to vector<16xi32>
        %select_n3A_376 = arith.select %or3A_373, %broadcast_in_dim3A_375, %sub3A_366 : vector<16xi1>, vector<16xi32>
        %swap3A_377 = arith.constant 64 : index
        %swap3A_378 = tpu.vector_load %arg8[%swap3A_377] {strides = array<i32>} : memref<128xi32, #tpu.memory_space<vmem>>, vector<16xi32>,
        %swap3A_379 = vector.shape_cast %swap3A_378 : vector<16xi32> to vector<16xi32>
        %swap3A_380 = vector.shape_cast %select_n3A_376 : vector<16xi32> to vector<16xi32>
        tpu.vector_store %arg8[%swap3A_377], %swap3A_380 {strides = array<i32>} : memref<128xi32, #tpu.memory_space<vmem>>, vector<16xi32>,
        %get3A_381 = arith.constant 80 : index
        %get3A_382 = tpu.vector_load %arg8[%get3A_381] {strides = array<i32>} : memref<128xi32, #tpu.memory_space<vmem>>, vector<16xi32>,
        %get3A_383 = vector.shape_cast %get3A_382 : vector<16xi32> to vector<16xi32>
        %sub3A_384 = arith.constant 8192 : i32
        %sub3A_385 = vector.broadcast %sub3A_384 : i32 to vector<16xi32>
        %sub3A_386 = arith.subi %get3A_383, %sub3A_385 : vector<16xi32>
        %lt3A_387 = arith.constant 0 : i32
        %lt3A_388 = vector.broadcast %lt3A_387 : i32 to vector<16xi32>
        %lt3A_389 = arith.cmpi slt, %sub3A_386, %lt3A_388 : vector<16xi32>
        %ge3A_390 = arith.constant 8192 : i32
        %ge3A_391 = vector.broadcast %ge3A_390 : i32 to vector<16xi32>
        %ge3A_392 = arith.cmpi sge, %sub3A_386, %ge3A_391 : vector<16xi32>
        %or3A_393 = arith.ori %lt3A_389, %ge3A_392 : vector<16xi1>
        %jit3A_394 = arith.constant 8192 : i32
        %broadcast_in_dim3A_395 = vector.broadcast %jit3A_394 : i32 to vector<16xi32>
        %select_n3A_396 = arith.select %or3A_393, %broadcast_in_dim3A_395, %sub3A_386 : vector<16xi1>, vector<16xi32>
        %swap3A_397 = arith.constant 80 : index
        %swap3A_398 = tpu.vector_load %arg8[%swap3A_397] {strides = array<i32>} : memref<128xi32, #tpu.memory_space<vmem>>, vector<16xi32>,
        %swap3A_399 = vector.shape_cast %swap3A_398 : vector<16xi32> to vector<16xi32>
        %swap3A_400 = vector.shape_cast %select_n3A_396 : vector<16xi32> to vector<16xi32>
        tpu.vector_store %arg8[%swap3A_397], %swap3A_400 {strides = array<i32>} : memref<128xi32, #tpu.memory_space<vmem>>, vector<16xi32>,
        %get3A_401 = arith.constant 96 : index
        %get3A_402 = tpu.vector_load %arg8[%get3A_401] {strides = array<i32>} : memref<128xi32, #tpu.memory_space<vmem>>, vector<16xi32>,
        %get3A_403 = vector.shape_cast %get3A_402 : vector<16xi32> to vector<16xi32>
        %sub3A_404 = arith.constant 8192 : i32
        %sub3A_405 = vector.broadcast %sub3A_404 : i32 to vector<16xi32>
        %sub3A_406 = arith.subi %get3A_403, %sub3A_405 : vector<16xi32>
        %lt3A_407 = arith.constant 0 : i32
        %lt3A_408 = vector.broadcast %lt3A_407 : i32 to vector<16xi32>
        %lt3A_409 = arith.cmpi slt, %sub3A_406, %lt3A_408 : vector<16xi32>
        %ge3A_410 = arith.constant 8192 : i32
        %ge3A_411 = vector.broadcast %ge3A_410 : i32 to vector<16xi32>
        %ge3A_412 = arith.cmpi sge, %sub3A_406, %ge3A_411 : vector<16xi32>
        %or3A_413 = arith.ori %lt3A_409, %ge3A_412 : vector<16xi1>
        %jit3A_414 = arith.constant 8192 : i32
        %broadcast_in_dim3A_415 = vector.broadcast %jit3A_414 : i32 to vector<16xi32>
        %select_n3A_416 = arith.select %or3A_413, %broadcast_in_dim3A_415, %sub3A_406 : vector<16xi1>, vector<16xi32>
        %swap3A_417 = arith.constant 96 : index
        %swap3A_418 = tpu.vector_load %arg8[%swap3A_417] {strides = array<i32>} : memref<128xi32, #tpu.memory_space<vmem>>, vector<16xi32>,
        %swap3A_419 = vector.shape_cast %swap3A_418 : vector<16xi32> to vector<16xi32>
        %swap3A_420 = vector.shape_cast %select_n3A_416 : vector<16xi32> to vector<16xi32>
        tpu.vector_store %arg8[%swap3A_417], %swap3A_420 {strides = array<i32>} : memref<128xi32, #tpu.memory_space<vmem>>, vector<16xi32>,
        %get3A_421 = arith.constant 112 : index
        %get3A_422 = tpu.vector_load %arg8[%get3A_421] {strides = array<i32>} : memref<128xi32, #tpu.memory_space<vmem>>, vector<16xi32>,
        %get3A_423 = vector.shape_cast %get3A_422 : vector<16xi32> to vector<16xi32>
        %sub3A_424 = arith.constant 8192 : i32
        %sub3A_425 = vector.broadcast %sub3A_424 : i32 to vector<16xi32>
        %sub3A_426 = arith.subi %get3A_423, %sub3A_425 : vector<16xi32>
        %lt3A_427 = arith.constant 0 : i32
        %lt3A_428 = vector.broadcast %lt3A_427 : i32 to vector<16xi32>
        %lt3A_429 = arith.cmpi slt, %sub3A_426, %lt3A_428 : vector<16xi32>
        %ge3A_430 = arith.constant 8192 : i32
        %ge3A_431 = vector.broadcast %ge3A_430 : i32 to vector<16xi32>
        %ge3A_432 = arith.cmpi sge, %sub3A_426, %ge3A_431 : vector<16xi32>
        %or3A_433 = arith.ori %lt3A_429, %ge3A_432 : vector<16xi1>
        %jit3A_434 = arith.constant 8192 : i32
        %broadcast_in_dim3A_435 = vector.broadcast %jit3A_434 : i32 to vector<16xi32>
        %select_n3A_436 = arith.select %or3A_433, %broadcast_in_dim3A_435, %sub3A_426 : vector<16xi1>, vector<16xi32>
        %swap3A_437 = arith.constant 112 : index
        %swap3A_438 = tpu.vector_load %arg8[%swap3A_437] {strides = array<i32>} : memref<128xi32, #tpu.memory_space<vmem>>, vector<16xi32>,
        %swap3A_439 = vector.shape_cast %swap3A_438 : vector<16xi32> to vector<16xi32>
        %swap3A_440 = vector.shape_cast %select_n3A_436 : vector<16xi32> to vector<16xi32>
        tpu.vector_store %arg8[%swap3A_437], %swap3A_440 {strides = array<i32>} : memref<128xi32, #tpu.memory_space<vmem>>, vector<16xi32>,
        "tpu.region"() ({
          %run_scoped3A = tpu.sem_alloc : memref<!tpu.dma_semaphore, #tpu.memory_space<semaphore_mem>>
          %dma_start3A = arith.constant 0 : i32
          %dma_start3A_441 = arith.constant 0 : i32
          %dma_start3A_442 = tpu.memref_slice %arg6[%dma_start3A, %dma_start3A_441] : memref<8320x128xf32, #tpu.memory_space<vmem_shared>> -> memref<8320x128xf32, #tpu.memory_space<vmem_shared>>
          tpu.enqueue_indirect_dma source(%arg7 : memref<128x128xf32, #tpu.memory_space<vmem>>) target(%dma_start3A_442 : memref<8320x128xf32, #tpu.memory_space<vmem_shared>>) offsets(%arg8 : memref<128xi32, #tpu.memory_space<vmem>>) semaphore(%run_scoped3A : memref<!tpu.dma_semaphore, #tpu.memory_space<semaphore_mem>>) {add = true}
          %dma_wait3A_443 = arith.constant 0 : i32
          %dma_wait3A_444 = arith.constant 0 : i32
          %dma_wait3A_445 = tpu.memref_slice %arg6[%dma_wait3A_443, %dma_wait3A_444] : memref<8320x128xf32, #tpu.memory_space<vmem_shared>> -> memref<8320x128xf32, #tpu.memory_space<vmem_shared>>
          tpu.wait_indirect_dma semaphore(%run_scoped3A : memref<!tpu.dma_semaphore, #tpu.memory_space<semaphore_mem>>) src(%arg7 : memref<128x128xf32, #tpu.memory_space<vmem>>) dst(%dma_wait3A_445 : memref<8320x128xf32, #tpu.memory_space<vmem_shared>>)
          tpu.yield
        }) : () -> ()
      } else {
      }
      %mul3A_255 = arith.constant 2 : i32
      %mul3A_256 = arith.muli %mul3A_255, %scan3A_232 : i32
      %add3A_257 = arith.constant 2 : i32
      %add3A_258 = arith.addi %mul3A_256, %add3A_257 : i32
      %mul3A_259 = arith.constant 16 : i32
      %mul3A_260 = arith.muli %add3A_258, %mul3A_259 : i32
      %add3A_261 = arith.addi %mul3A_260, %arg1 : i32
      %lt3A_262 = arith.constant 1562 : i32
      %lt3A_263 = arith.cmpi slt, %add3A_261, %lt3A_262 : i32
      %convert_element_type3A_264 = arith.extui %lt3A_263 : i1 to i32
      %cond3A_265 = arith.constant 0 : i32
      %cond3A_266 = arith.cmpi ne, %convert_element_type3A_264, %cond3A_265 : i32
      scf.if %cond3A_266 {
        %mul3A_279 = arith.constant 200000 : i32
        %mul3A_280 = arith.muli %add3A_115, %mul3A_279 : i32
        %mul3A_281 = arith.constant 128 : i32
        %mul3A_282 = arith.muli %add3A_261, %mul3A_281 : i32
        %add3A_283 = arith.addi %mul3A_280, %mul3A_282 : i32
        %dma_start3A = tpu.memref_slice %arg3[%add3A_283] : memref<800000xi32, #tpu.memory_space<hbm>> -> memref<128xi32, #tpu.memory_space<hbm>>
        %dma_start3A_284 = tpu.memref_slice %arg3[%add3A_283] : memref<800000xi32, #tpu.memory_space<hbm>> -> memref<128xi32, #tpu.memory_space<hbm>>
        tpu.enqueue_dma source(%dma_start3A_284 : memref<128xi32, #tpu.memory_space<hbm>>) target(%arg8 : memref<128xi32, #tpu.memory_space<vmem>>) target_semaphore(%arg13 : memref<!tpu.dma_semaphore, #tpu.memory_space<semaphore_mem>>)
        %dma_start3A_285 = arith.constant 0 : i32
        %dma_start3A_286 = tpu.memref_slice %arg2[%add3A_283, %dma_start3A_285] : memref<800000x128xf32, #tpu.memory_space<hbm>> -> memref<128x128xf32, #tpu.memory_space<hbm>>
        %dma_start3A_287 = arith.constant 0 : i32
        %dma_start3A_288 = tpu.memref_slice %arg2[%add3A_283, %dma_start3A_287] : memref<800000x128xf32, #tpu.memory_space<hbm>> -> memref<128x128xf32, #tpu.memory_space<hbm>>
        tpu.enqueue_dma source(%dma_start3A_288 : memref<128x128xf32, #tpu.memory_space<hbm>>) target(%arg7 : memref<128x128xf32, #tpu.memory_space<vmem>>) target_semaphore(%arg13 : memref<!tpu.dma_semaphore, #tpu.memory_space<semaphore_mem>>)
      } else {
      }
      %mul3A_267 = arith.constant 2 : i32
      %mul3A_268 = arith.muli %mul3A_267, %scan3A_232 : i32
      %add3A_269 = arith.constant 1 : i32
      %add3A_270 = arith.addi %mul3A_268, %add3A_269 : i32
      %mul3A_271 = arith.constant 16 : i32
      %mul3A_272 = arith.muli %add3A_270, %mul3A_271 : i32
      %add3A_273 = arith.addi %mul3A_272, %arg1 : i32
      %lt3A_274 = arith.constant 1562 : i32
      %lt3A_275 = arith.cmpi slt, %add3A_273, %lt3A_274 : i32
      %convert_element_type3A_276 = arith.extui %lt3A_275 : i1 to i32
      %cond3A_277 = arith.constant 0 : i32
      %cond3A_278 = arith.cmpi ne, %convert_element_type3A_276, %cond3A_277 : i32
      scf.if %cond3A_278 {
        %mul3A_279 = arith.constant 200000 : i32
        %mul3A_280 = arith.muli %add3A_115, %mul3A_279 : i32
        %mul3A_281 = arith.constant 128 : i32
        %mul3A_282 = arith.muli %add3A_273, %mul3A_281 : i32
        %add3A_283 = arith.addi %mul3A_280, %mul3A_282 : i32
        %dma_wait3A = tpu.memref_slice %arg3[%add3A_283] : memref<800000xi32, #tpu.memory_space<hbm>> -> memref<128xi32, #tpu.memory_space<hbm>>
        %dma_wait3A_284 = tpu.memref_slice %arg3[%add3A_283] : memref<800000xi32, #tpu.memory_space<hbm>> -> memref<128xi32, #tpu.memory_space<hbm>>
        tpu.wait_dma2 semaphore(%arg14 : memref<!tpu.dma_semaphore, #tpu.memory_space<semaphore_mem>>) src(%dma_wait3A_284 : memref<128xi32, #tpu.memory_space<hbm>>) dst(%arg10 : memref<128xi32, #tpu.memory_space<vmem>>)
        %dma_wait3A_285 = arith.constant 0 : i32
        %dma_wait3A_286 = tpu.memref_slice %arg2[%add3A_283, %dma_wait3A_285] : memref<800000x128xf32, #tpu.memory_space<hbm>> -> memref<128x128xf32, #tpu.memory_space<hbm>>
        %dma_wait3A_287 = arith.constant 0 : i32
        %dma_wait3A_288 = tpu.memref_slice %arg2[%add3A_283, %dma_wait3A_287] : memref<800000x128xf32, #tpu.memory_space<hbm>> -> memref<128x128xf32, #tpu.memory_space<hbm>>
        tpu.wait_dma2 semaphore(%arg14 : memref<!tpu.dma_semaphore, #tpu.memory_space<semaphore_mem>>) src(%dma_wait3A_288 : memref<128x128xf32, #tpu.memory_space<hbm>>) dst(%arg9 : memref<128x128xf32, #tpu.memory_space<vmem>>)
        %get3A = arith.constant 0 : index
        %get3A_289 = tpu.vector_load %arg10[%get3A] {strides = array<i32>} : memref<128xi32, #tpu.memory_space<vmem>>, vector<16xi32>,
        %get3A_290 = vector.shape_cast %get3A_289 : vector<16xi32> to vector<16xi32>
        %sub3A = arith.constant 8192 : i32
        %sub3A_291 = vector.broadcast %sub3A : i32 to vector<16xi32>
        %sub3A_292 = arith.subi %get3A_290, %sub3A_291 : vector<16xi32>
        %lt3A_293 = arith.constant 0 : i32
        %lt3A_294 = vector.broadcast %lt3A_293 : i32 to vector<16xi32>
        %lt3A_295 = arith.cmpi slt, %sub3A_292, %lt3A_294 : vector<16xi32>
        %ge3A = arith.constant 8192 : i32
        %ge3A_296 = vector.broadcast %ge3A : i32 to vector<16xi32>
        %ge3A_297 = arith.cmpi sge, %sub3A_292, %ge3A_296 : vector<16xi32>
        %or3A = arith.ori %lt3A_295, %ge3A_297 : vector<16xi1>
        %jit3A = arith.constant 8192 : i32
        %broadcast_in_dim3A = vector.broadcast %jit3A : i32 to vector<16xi32>
        %select_n3A = arith.select %or3A, %broadcast_in_dim3A, %sub3A_292 : vector<16xi1>, vector<16xi32>
        %swap3A = arith.constant 0 : index
        %swap3A_298 = tpu.vector_load %arg10[%swap3A] {strides = array<i32>} : memref<128xi32, #tpu.memory_space<vmem>>, vector<16xi32>,
        %swap3A_299 = vector.shape_cast %swap3A_298 : vector<16xi32> to vector<16xi32>
        %swap3A_300 = vector.shape_cast %select_n3A : vector<16xi32> to vector<16xi32>
        tpu.vector_store %arg10[%swap3A], %swap3A_300 {strides = array<i32>} : memref<128xi32, #tpu.memory_space<vmem>>, vector<16xi32>,
        %get3A_301 = arith.constant 16 : index
        %get3A_302 = tpu.vector_load %arg10[%get3A_301] {strides = array<i32>} : memref<128xi32, #tpu.memory_space<vmem>>, vector<16xi32>,
        %get3A_303 = vector.shape_cast %get3A_302 : vector<16xi32> to vector<16xi32>
        %sub3A_304 = arith.constant 8192 : i32
        %sub3A_305 = vector.broadcast %sub3A_304 : i32 to vector<16xi32>
        %sub3A_306 = arith.subi %get3A_303, %sub3A_305 : vector<16xi32>
        %lt3A_307 = arith.constant 0 : i32
        %lt3A_308 = vector.broadcast %lt3A_307 : i32 to vector<16xi32>
        %lt3A_309 = arith.cmpi slt, %sub3A_306, %lt3A_308 : vector<16xi32>
        %ge3A_310 = arith.constant 8192 : i32
        %ge3A_311 = vector.broadcast %ge3A_310 : i32 to vector<16xi32>
        %ge3A_312 = arith.cmpi sge, %sub3A_306, %ge3A_311 : vector<16xi32>
        %or3A_313 = arith.ori %lt3A_309, %ge3A_312 : vector<16xi1>
        %jit3A_314 = arith.constant 8192 : i32
        %broadcast_in_dim3A_315 = vector.broadcast %jit3A_314 : i32 to vector<16xi32>
        %select_n3A_316 = arith.select %or3A_313, %broadcast_in_dim3A_315, %sub3A_306 : vector<16xi1>, vector<16xi32>
        %swap3A_317 = arith.constant 16 : index
        %swap3A_318 = tpu.vector_load %arg10[%swap3A_317] {strides = array<i32>} : memref<128xi32, #tpu.memory_space<vmem>>, vector<16xi32>,
        %swap3A_319 = vector.shape_cast %swap3A_318 : vector<16xi32> to vector<16xi32>
        %swap3A_320 = vector.shape_cast %select_n3A_316 : vector<16xi32> to vector<16xi32>
        tpu.vector_store %arg10[%swap3A_317], %swap3A_320 {strides = array<i32>} : memref<128xi32, #tpu.memory_space<vmem>>, vector<16xi32>,
        %get3A_321 = arith.constant 32 : index
        %get3A_322 = tpu.vector_load %arg10[%get3A_321] {strides = array<i32>} : memref<128xi32, #tpu.memory_space<vmem>>, vector<16xi32>,
        %get3A_323 = vector.shape_cast %get3A_322 : vector<16xi32> to vector<16xi32>
        %sub3A_324 = arith.constant 8192 : i32
        %sub3A_325 = vector.broadcast %sub3A_324 : i32 to vector<16xi32>
        %sub3A_326 = arith.subi %get3A_323, %sub3A_325 : vector<16xi32>
        %lt3A_327 = arith.constant 0 : i32
        %lt3A_328 = vector.broadcast %lt3A_327 : i32 to vector<16xi32>
        %lt3A_329 = arith.cmpi slt, %sub3A_326, %lt3A_328 : vector<16xi32>
        %ge3A_330 = arith.constant 8192 : i32
        %ge3A_331 = vector.broadcast %ge3A_330 : i32 to vector<16xi32>
        %ge3A_332 = arith.cmpi sge, %sub3A_326, %ge3A_331 : vector<16xi32>
        %or3A_333 = arith.ori %lt3A_329, %ge3A_332 : vector<16xi1>
        %jit3A_334 = arith.constant 8192 : i32
        %broadcast_in_dim3A_335 = vector.broadcast %jit3A_334 : i32 to vector<16xi32>
        %select_n3A_336 = arith.select %or3A_333, %broadcast_in_dim3A_335, %sub3A_326 : vector<16xi1>, vector<16xi32>
        %swap3A_337 = arith.constant 32 : index
        %swap3A_338 = tpu.vector_load %arg10[%swap3A_337] {strides = array<i32>} : memref<128xi32, #tpu.memory_space<vmem>>, vector<16xi32>,
        %swap3A_339 = vector.shape_cast %swap3A_338 : vector<16xi32> to vector<16xi32>
        %swap3A_340 = vector.shape_cast %select_n3A_336 : vector<16xi32> to vector<16xi32>
        tpu.vector_store %arg10[%swap3A_337], %swap3A_340 {strides = array<i32>} : memref<128xi32, #tpu.memory_space<vmem>>, vector<16xi32>,
        %get3A_341 = arith.constant 48 : index
        %get3A_342 = tpu.vector_load %arg10[%get3A_341] {strides = array<i32>} : memref<128xi32, #tpu.memory_space<vmem>>, vector<16xi32>,
        %get3A_343 = vector.shape_cast %get3A_342 : vector<16xi32> to vector<16xi32>
        %sub3A_344 = arith.constant 8192 : i32
        %sub3A_345 = vector.broadcast %sub3A_344 : i32 to vector<16xi32>
        %sub3A_346 = arith.subi %get3A_343, %sub3A_345 : vector<16xi32>
        %lt3A_347 = arith.constant 0 : i32
        %lt3A_348 = vector.broadcast %lt3A_347 : i32 to vector<16xi32>
        %lt3A_349 = arith.cmpi slt, %sub3A_346, %lt3A_348 : vector<16xi32>
        %ge3A_350 = arith.constant 8192 : i32
        %ge3A_351 = vector.broadcast %ge3A_350 : i32 to vector<16xi32>
        %ge3A_352 = arith.cmpi sge, %sub3A_346, %ge3A_351 : vector<16xi32>
        %or3A_353 = arith.ori %lt3A_349, %ge3A_352 : vector<16xi1>
        %jit3A_354 = arith.constant 8192 : i32
        %broadcast_in_dim3A_355 = vector.broadcast %jit3A_354 : i32 to vector<16xi32>
        %select_n3A_356 = arith.select %or3A_353, %broadcast_in_dim3A_355, %sub3A_346 : vector<16xi1>, vector<16xi32>
        %swap3A_357 = arith.constant 48 : index
        %swap3A_358 = tpu.vector_load %arg10[%swap3A_357] {strides = array<i32>} : memref<128xi32, #tpu.memory_space<vmem>>, vector<16xi32>,
        %swap3A_359 = vector.shape_cast %swap3A_358 : vector<16xi32> to vector<16xi32>
        %swap3A_360 = vector.shape_cast %select_n3A_356 : vector<16xi32> to vector<16xi32>
        tpu.vector_store %arg10[%swap3A_357], %swap3A_360 {strides = array<i32>} : memref<128xi32, #tpu.memory_space<vmem>>, vector<16xi32>,
        %get3A_361 = arith.constant 64 : index
        %get3A_362 = tpu.vector_load %arg10[%get3A_361] {strides = array<i32>} : memref<128xi32, #tpu.memory_space<vmem>>, vector<16xi32>,
        %get3A_363 = vector.shape_cast %get3A_362 : vector<16xi32> to vector<16xi32>
        %sub3A_364 = arith.constant 8192 : i32
        %sub3A_365 = vector.broadcast %sub3A_364 : i32 to vector<16xi32>
        %sub3A_366 = arith.subi %get3A_363, %sub3A_365 : vector<16xi32>
        %lt3A_367 = arith.constant 0 : i32
        %lt3A_368 = vector.broadcast %lt3A_367 : i32 to vector<16xi32>
        %lt3A_369 = arith.cmpi slt, %sub3A_366, %lt3A_368 : vector<16xi32>
        %ge3A_370 = arith.constant 8192 : i32
        %ge3A_371 = vector.broadcast %ge3A_370 : i32 to vector<16xi32>
        %ge3A_372 = arith.cmpi sge, %sub3A_366, %ge3A_371 : vector<16xi32>
        %or3A_373 = arith.ori %lt3A_369, %ge3A_372 : vector<16xi1>
        %jit3A_374 = arith.constant 8192 : i32
        %broadcast_in_dim3A_375 = vector.broadcast %jit3A_374 : i32 to vector<16xi32>
        %select_n3A_376 = arith.select %or3A_373, %broadcast_in_dim3A_375, %sub3A_366 : vector<16xi1>, vector<16xi32>
        %swap3A_377 = arith.constant 64 : index
        %swap3A_378 = tpu.vector_load %arg10[%swap3A_377] {strides = array<i32>} : memref<128xi32, #tpu.memory_space<vmem>>, vector<16xi32>,
        %swap3A_379 = vector.shape_cast %swap3A_378 : vector<16xi32> to vector<16xi32>
        %swap3A_380 = vector.shape_cast %select_n3A_376 : vector<16xi32> to vector<16xi32>
        tpu.vector_store %arg10[%swap3A_377], %swap3A_380 {strides = array<i32>} : memref<128xi32, #tpu.memory_space<vmem>>, vector<16xi32>,
        %get3A_381 = arith.constant 80 : index
        %get3A_382 = tpu.vector_load %arg10[%get3A_381] {strides = array<i32>} : memref<128xi32, #tpu.memory_space<vmem>>, vector<16xi32>,
        %get3A_383 = vector.shape_cast %get3A_382 : vector<16xi32> to vector<16xi32>
        %sub3A_384 = arith.constant 8192 : i32
        %sub3A_385 = vector.broadcast %sub3A_384 : i32 to vector<16xi32>
        %sub3A_386 = arith.subi %get3A_383, %sub3A_385 : vector<16xi32>
        %lt3A_387 = arith.constant 0 : i32
        %lt3A_388 = vector.broadcast %lt3A_387 : i32 to vector<16xi32>
        %lt3A_389 = arith.cmpi slt, %sub3A_386, %lt3A_388 : vector<16xi32>
        %ge3A_390 = arith.constant 8192 : i32
        %ge3A_391 = vector.broadcast %ge3A_390 : i32 to vector<16xi32>
        %ge3A_392 = arith.cmpi sge, %sub3A_386, %ge3A_391 : vector<16xi32>
        %or3A_393 = arith.ori %lt3A_389, %ge3A_392 : vector<16xi1>
        %jit3A_394 = arith.constant 8192 : i32
        %broadcast_in_dim3A_395 = vector.broadcast %jit3A_394 : i32 to vector<16xi32>
        %select_n3A_396 = arith.select %or3A_393, %broadcast_in_dim3A_395, %sub3A_386 : vector<16xi1>, vector<16xi32>
        %swap3A_397 = arith.constant 80 : index
        %swap3A_398 = tpu.vector_load %arg10[%swap3A_397] {strides = array<i32>} : memref<128xi32, #tpu.memory_space<vmem>>, vector<16xi32>,
        %swap3A_399 = vector.shape_cast %swap3A_398 : vector<16xi32> to vector<16xi32>
        %swap3A_400 = vector.shape_cast %select_n3A_396 : vector<16xi32> to vector<16xi32>
        tpu.vector_store %arg10[%swap3A_397], %swap3A_400 {strides = array<i32>} : memref<128xi32, #tpu.memory_space<vmem>>, vector<16xi32>,
        %get3A_401 = arith.constant 96 : index
        %get3A_402 = tpu.vector_load %arg10[%get3A_401] {strides = array<i32>} : memref<128xi32, #tpu.memory_space<vmem>>, vector<16xi32>,
        %get3A_403 = vector.shape_cast %get3A_402 : vector<16xi32> to vector<16xi32>
        %sub3A_404 = arith.constant 8192 : i32
        %sub3A_405 = vector.broadcast %sub3A_404 : i32 to vector<16xi32>
        %sub3A_406 = arith.subi %get3A_403, %sub3A_405 : vector<16xi32>
        %lt3A_407 = arith.constant 0 : i32
        %lt3A_408 = vector.broadcast %lt3A_407 : i32 to vector<16xi32>
        %lt3A_409 = arith.cmpi slt, %sub3A_406, %lt3A_408 : vector<16xi32>
        %ge3A_410 = arith.constant 8192 : i32
        %ge3A_411 = vector.broadcast %ge3A_410 : i32 to vector<16xi32>
        %ge3A_412 = arith.cmpi sge, %sub3A_406, %ge3A_411 : vector<16xi32>
        %or3A_413 = arith.ori %lt3A_409, %ge3A_412 : vector<16xi1>
        %jit3A_414 = arith.constant 8192 : i32
        %broadcast_in_dim3A_415 = vector.broadcast %jit3A_414 : i32 to vector<16xi32>
        %select_n3A_416 = arith.select %or3A_413, %broadcast_in_dim3A_415, %sub3A_406 : vector<16xi1>, vector<16xi32>
        %swap3A_417 = arith.constant 96 : index
        %swap3A_418 = tpu.vector_load %arg10[%swap3A_417] {strides = array<i32>} : memref<128xi32, #tpu.memory_space<vmem>>, vector<16xi32>,
        %swap3A_419 = vector.shape_cast %swap3A_418 : vector<16xi32> to vector<16xi32>
        %swap3A_420 = vector.shape_cast %select_n3A_416 : vector<16xi32> to vector<16xi32>
        tpu.vector_store %arg10[%swap3A_417], %swap3A_420 {strides = array<i32>} : memref<128xi32, #tpu.memory_space<vmem>>, vector<16xi32>,
        %get3A_421 = arith.constant 112 : index
        %get3A_422 = tpu.vector_load %arg10[%get3A_421] {strides = array<i32>} : memref<128xi32, #tpu.memory_space<vmem>>, vector<16xi32>,
        %get3A_423 = vector.shape_cast %get3A_422 : vector<16xi32> to vector<16xi32>
        %sub3A_424 = arith.constant 8192 : i32
        %sub3A_425 = vector.broadcast %sub3A_424 : i32 to vector<16xi32>
        %sub3A_426 = arith.subi %get3A_423, %sub3A_425 : vector<16xi32>
        %lt3A_427 = arith.constant 0 : i32
        %lt3A_428 = vector.broadcast %lt3A_427 : i32 to vector<16xi32>
        %lt3A_429 = arith.cmpi slt, %sub3A_426, %lt3A_428 : vector<16xi32>
        %ge3A_430 = arith.constant 8192 : i32
        %ge3A_431 = vector.broadcast %ge3A_430 : i32 to vector<16xi32>
        %ge3A_432 = arith.cmpi sge, %sub3A_426, %ge3A_431 : vector<16xi32>
        %or3A_433 = arith.ori %lt3A_429, %ge3A_432 : vector<16xi1>
        %jit3A_434 = arith.constant 8192 : i32
        %broadcast_in_dim3A_435 = vector.broadcast %jit3A_434 : i32 to vector<16xi32>
        %select_n3A_436 = arith.select %or3A_433, %broadcast_in_dim3A_435, %sub3A_426 : vector<16xi1>, vector<16xi32>
        %swap3A_437 = arith.constant 112 : index
        %swap3A_438 = tpu.vector_load %arg10[%swap3A_437] {strides = array<i32>} : memref<128xi32, #tpu.memory_space<vmem>>, vector<16xi32>,
        %swap3A_439 = vector.shape_cast %swap3A_438 : vector<16xi32> to vector<16xi32>
        %swap3A_440 = vector.shape_cast %select_n3A_436 : vector<16xi32> to vector<16xi32>
        tpu.vector_store %arg10[%swap3A_437], %swap3A_440 {strides = array<i32>} : memref<128xi32, #tpu.memory_space<vmem>>, vector<16xi32>,
        "tpu.region"() ({
          %run_scoped3A = tpu.sem_alloc : memref<!tpu.dma_semaphore, #tpu.memory_space<semaphore_mem>>
          %dma_start3A = arith.constant 0 : i32
          %dma_start3A_441 = arith.constant 0 : i32
          %dma_start3A_442 = tpu.memref_slice %arg6[%dma_start3A, %dma_start3A_441] : memref<8320x128xf32, #tpu.memory_space<vmem_shared>> -> memref<8320x128xf32, #tpu.memory_space<vmem_shared>>
          tpu.enqueue_indirect_dma source(%arg9 : memref<128x128xf32, #tpu.memory_space<vmem>>) target(%dma_start3A_442 : memref<8320x128xf32, #tpu.memory_space<vmem_shared>>) offsets(%arg10 : memref<128xi32, #tpu.memory_space<vmem>>) semaphore(%run_scoped3A : memref<!tpu.dma_semaphore, #tpu.memory_space<semaphore_mem>>) {add = true}
          %dma_wait3A_443 = arith.constant 0 : i32
          %dma_wait3A_444 = arith.constant 0 : i32
          %dma_wait3A_445 = tpu.memref_slice %arg6[%dma_wait3A_443, %dma_wait3A_444] : memref<8320x128xf32, #tpu.memory_space<vmem_shared>> -> memref<8320x128xf32, #tpu.memory_space<vmem_shared>>
          tpu.wait_indirect_dma semaphore(%run_scoped3A : memref<!tpu.dma_semaphore, #tpu.memory_space<semaphore_mem>>) src(%arg9 : memref<128x128xf32, #tpu.memory_space<vmem>>) dst(%dma_wait3A_445 : memref<8320x128xf32, #tpu.memory_space<vmem_shared>>)
          tpu.yield
        }) : () -> ()
      } else {
      }
    }
    %scan3A_198 = arith.constant 49 : i32
    %eq3A_199 = arith.constant 10 : i32
    %eq3A_200 = arith.cmpi eq, %arg1, %eq3A_199 : i32
    %convert_element_type3A_201 = arith.extui %eq3A_200 : i1 to i32
    %cond3A_202 = arith.constant 0 : i32
    %cond3A_203 = arith.cmpi ne, %convert_element_type3A_201, %cond3A_202 : i32
    scf.if %cond3A_203 {
      %mul3A_232 = arith.constant 200000 : i32
      %mul3A_233 = arith.muli %add3A_115, %mul3A_232 : i32
      %add3A_234 = arith.constant 199936 : i32
      %add3A_235 = arith.addi %mul3A_233, %add3A_234 : i32
      "tpu.region"() ({
        %run_scoped3A = tpu.sem_alloc : memref<!tpu.dma_semaphore, #tpu.memory_space<semaphore_mem>>
        %dma_start3A = tpu.memref_slice %arg3[%add3A_235] : memref<800000xi32, #tpu.memory_space<hbm>> -> memref<64xi32, #tpu.memory_space<hbm>>
        %dma_start3A_308 = tpu.memref_slice %arg3[%add3A_235] : memref<800000xi32, #tpu.memory_space<hbm>> -> memref<64xi32, #tpu.memory_space<hbm>>
        tpu.enqueue_dma source(%dma_start3A_308 : memref<64xi32, #tpu.memory_space<hbm>>) target(%arg12 : memref<64xi32, #tpu.memory_space<vmem>>) target_semaphore(%run_scoped3A : memref<!tpu.dma_semaphore, #tpu.memory_space<semaphore_mem>>)
        %dma_wait3A = tpu.memref_slice %arg3[%add3A_235] : memref<800000xi32, #tpu.memory_space<hbm>> -> memref<64xi32, #tpu.memory_space<hbm>>
        %dma_wait3A_309 = tpu.memref_slice %arg3[%add3A_235] : memref<800000xi32, #tpu.memory_space<hbm>> -> memref<64xi32, #tpu.memory_space<hbm>>
        tpu.wait_dma2 semaphore(%run_scoped3A : memref<!tpu.dma_semaphore, #tpu.memory_space<semaphore_mem>>) src(%dma_wait3A_309 : memref<64xi32, #tpu.memory_space<hbm>>) dst(%arg12 : memref<64xi32, #tpu.memory_space<vmem>>)
        tpu.yield
      }) : () -> ()
      "tpu.region"() ({
        %run_scoped3A = tpu.sem_alloc : memref<!tpu.dma_semaphore, #tpu.memory_space<semaphore_mem>>
        %dma_start3A = arith.constant 0 : i32
        %dma_start3A_308 = tpu.memref_slice %arg2[%add3A_235, %dma_start3A] : memref<800000x128xf32, #tpu.memory_space<hbm>> -> memref<64x128xf32, #tpu.memory_space<hbm>>
        %dma_start3A_309 = arith.constant 0 : i32
        %dma_start3A_310 = tpu.memref_slice %arg2[%add3A_235, %dma_start3A_309] : memref<800000x128xf32, #tpu.memory_space<hbm>> -> memref<64x128xf32, #tpu.memory_space<hbm>>
        tpu.enqueue_dma source(%dma_start3A_310 : memref<64x128xf32, #tpu.memory_space<hbm>>) target(%arg11 : memref<64x128xf32, #tpu.memory_space<vmem>>) target_semaphore(%run_scoped3A : memref<!tpu.dma_semaphore, #tpu.memory_space<semaphore_mem>>)
        %dma_wait3A = arith.constant 0 : i32
        %dma_wait3A_311 = tpu.memref_slice %arg2[%add3A_235, %dma_wait3A] : memref<800000x128xf32, #tpu.memory_space<hbm>> -> memref<64x128xf32, #tpu.memory_space<hbm>>
        %dma_wait3A_312 = arith.constant 0 : i32
        %dma_wait3A_313 = tpu.memref_slice %arg2[%add3A_235, %dma_wait3A_312] : memref<800000x128xf32, #tpu.memory_space<hbm>> -> memref<64x128xf32, #tpu.memory_space<hbm>>
        tpu.wait_dma2 semaphore(%run_scoped3A : memref<!tpu.dma_semaphore, #tpu.memory_space<semaphore_mem>>) src(%dma_wait3A_313 : memref<64x128xf32, #tpu.memory_space<hbm>>) dst(%arg11 : memref<64x128xf32, #tpu.memory_space<vmem>>)
        tpu.yield
      }) : () -> ()
      %get3A = arith.constant 0 : index
      %get3A_236 = tpu.vector_load %arg12[%get3A] {strides = array<i32>} : memref<64xi32, #tpu.memory_space<vmem>>, vector<16xi32>,
      %get3A_237 = vector.shape_cast %get3A_236 : vector<16xi32> to vector<16xi32>
      %sub3A = arith.constant 8192 : i32
      %sub3A_238 = vector.broadcast %sub3A : i32 to vector<16xi32>
      %sub3A_239 = arith.subi %get3A_237, %sub3A_238 : vector<16xi32>
      %lt3A_240 = arith.constant 0 : i32
      %lt3A_241 = vector.broadcast %lt3A_240 : i32 to vector<16xi32>
      %lt3A_242 = arith.cmpi slt, %sub3A_239, %lt3A_241 : vector<16xi32>
      %ge3A = arith.constant 8192 : i32
      %ge3A_243 = vector.broadcast %ge3A : i32 to vector<16xi32>
      %ge3A_244 = arith.cmpi sge, %sub3A_239, %ge3A_243 : vector<16xi32>
      %or3A = arith.ori %lt3A_242, %ge3A_244 : vector<16xi1>
      %jit3A = arith.constant 8192 : i32
      %broadcast_in_dim3A = vector.broadcast %jit3A : i32 to vector<16xi32>
      %select_n3A = arith.select %or3A, %broadcast_in_dim3A, %sub3A_239 : vector<16xi1>, vector<16xi32>
      %swap3A = arith.constant 0 : index
      %swap3A_245 = tpu.vector_load %arg12[%swap3A] {strides = array<i32>} : memref<64xi32, #tpu.memory_space<vmem>>, vector<16xi32>,
      %swap3A_246 = vector.shape_cast %swap3A_245 : vector<16xi32> to vector<16xi32>
      %swap3A_247 = vector.shape_cast %select_n3A : vector<16xi32> to vector<16xi32>
      tpu.vector_store %arg12[%swap3A], %swap3A_247 {strides = array<i32>} : memref<64xi32, #tpu.memory_space<vmem>>, vector<16xi32>,
      %get3A_248 = arith.constant 16 : index
      %get3A_249 = tpu.vector_load %arg12[%get3A_248] {strides = array<i32>} : memref<64xi32, #tpu.memory_space<vmem>>, vector<16xi32>,
      %get3A_250 = vector.shape_cast %get3A_249 : vector<16xi32> to vector<16xi32>
      %sub3A_251 = arith.constant 8192 : i32
      %sub3A_252 = vector.broadcast %sub3A_251 : i32 to vector<16xi32>
      %sub3A_253 = arith.subi %get3A_250, %sub3A_252 : vector<16xi32>
      %lt3A_254 = arith.constant 0 : i32
      %lt3A_255 = vector.broadcast %lt3A_254 : i32 to vector<16xi32>
      %lt3A_256 = arith.cmpi slt, %sub3A_253, %lt3A_255 : vector<16xi32>
      %ge3A_257 = arith.constant 8192 : i32
      %ge3A_258 = vector.broadcast %ge3A_257 : i32 to vector<16xi32>
      %ge3A_259 = arith.cmpi sge, %sub3A_253, %ge3A_258 : vector<16xi32>
      %or3A_260 = arith.ori %lt3A_256, %ge3A_259 : vector<16xi1>
      %jit3A_261 = arith.constant 8192 : i32
      %broadcast_in_dim3A_262 = vector.broadcast %jit3A_261 : i32 to vector<16xi32>
      %select_n3A_263 = arith.select %or3A_260, %broadcast_in_dim3A_262, %sub3A_253 : vector<16xi1>, vector<16xi32>
      %swap3A_264 = arith.constant 16 : index
      %swap3A_265 = tpu.vector_load %arg12[%swap3A_264] {strides = array<i32>} : memref<64xi32, #tpu.memory_space<vmem>>, vector<16xi32>,
      %swap3A_266 = vector.shape_cast %swap3A_265 : vector<16xi32> to vector<16xi32>
      %swap3A_267 = vector.shape_cast %select_n3A_263 : vector<16xi32> to vector<16xi32>
      tpu.vector_store %arg12[%swap3A_264], %swap3A_267 {strides = array<i32>} : memref<64xi32, #tpu.memory_space<vmem>>, vector<16xi32>,
      %get3A_268 = arith.constant 32 : index
      %get3A_269 = tpu.vector_load %arg12[%get3A_268] {strides = array<i32>} : memref<64xi32, #tpu.memory_space<vmem>>, vector<16xi32>,
      %get3A_270 = vector.shape_cast %get3A_269 : vector<16xi32> to vector<16xi32>
      %sub3A_271 = arith.constant 8192 : i32
      %sub3A_272 = vector.broadcast %sub3A_271 : i32 to vector<16xi32>
      %sub3A_273 = arith.subi %get3A_270, %sub3A_272 : vector<16xi32>
      %lt3A_274 = arith.constant 0 : i32
      %lt3A_275 = vector.broadcast %lt3A_274 : i32 to vector<16xi32>
      %lt3A_276 = arith.cmpi slt, %sub3A_273, %lt3A_275 : vector<16xi32>
      %ge3A_277 = arith.constant 8192 : i32
      %ge3A_278 = vector.broadcast %ge3A_277 : i32 to vector<16xi32>
      %ge3A_279 = arith.cmpi sge, %sub3A_273, %ge3A_278 : vector<16xi32>
      %or3A_280 = arith.ori %lt3A_276, %ge3A_279 : vector<16xi1>
      %jit3A_281 = arith.constant 8192 : i32
      %broadcast_in_dim3A_282 = vector.broadcast %jit3A_281 : i32 to vector<16xi32>
      %select_n3A_283 = arith.select %or3A_280, %broadcast_in_dim3A_282, %sub3A_273 : vector<16xi1>, vector<16xi32>
      %swap3A_284 = arith.constant 32 : index
      %swap3A_285 = tpu.vector_load %arg12[%swap3A_284] {strides = array<i32>} : memref<64xi32, #tpu.memory_space<vmem>>, vector<16xi32>,
      %swap3A_286 = vector.shape_cast %swap3A_285 : vector<16xi32> to vector<16xi32>
      %swap3A_287 = vector.shape_cast %select_n3A_283 : vector<16xi32> to vector<16xi32>
      tpu.vector_store %arg12[%swap3A_284], %swap3A_287 {strides = array<i32>} : memref<64xi32, #tpu.memory_space<vmem>>, vector<16xi32>,
      %get3A_288 = arith.constant 48 : index
      %get3A_289 = tpu.vector_load %arg12[%get3A_288] {strides = array<i32>} : memref<64xi32, #tpu.memory_space<vmem>>, vector<16xi32>,
      %get3A_290 = vector.shape_cast %get3A_289 : vector<16xi32> to vector<16xi32>
      %sub3A_291 = arith.constant 8192 : i32
      %sub3A_292 = vector.broadcast %sub3A_291 : i32 to vector<16xi32>
      %sub3A_293 = arith.subi %get3A_290, %sub3A_292 : vector<16xi32>
      %lt3A_294 = arith.constant 0 : i32
      %lt3A_295 = vector.broadcast %lt3A_294 : i32 to vector<16xi32>
      %lt3A_296 = arith.cmpi slt, %sub3A_293, %lt3A_295 : vector<16xi32>
      %ge3A_297 = arith.constant 8192 : i32
      %ge3A_298 = vector.broadcast %ge3A_297 : i32 to vector<16xi32>
      %ge3A_299 = arith.cmpi sge, %sub3A_293, %ge3A_298 : vector<16xi32>
      %or3A_300 = arith.ori %lt3A_296, %ge3A_299 : vector<16xi1>
      %jit3A_301 = arith.constant 8192 : i32
      %broadcast_in_dim3A_302 = vector.broadcast %jit3A_301 : i32 to vector<16xi32>
      %select_n3A_303 = arith.select %or3A_300, %broadcast_in_dim3A_302, %sub3A_293 : vector<16xi1>, vector<16xi32>
      %swap3A_304 = arith.constant 48 : index
      %swap3A_305 = tpu.vector_load %arg12[%swap3A_304] {strides = array<i32>} : memref<64xi32, #tpu.memory_space<vmem>>, vector<16xi32>,
      %swap3A_306 = vector.shape_cast %swap3A_305 : vector<16xi32> to vector<16xi32>
      %swap3A_307 = vector.shape_cast %select_n3A_303 : vector<16xi32> to vector<16xi32>
      tpu.vector_store %arg12[%swap3A_304], %swap3A_307 {strides = array<i32>} : memref<64xi32, #tpu.memory_space<vmem>>, vector<16xi32>,
      "tpu.region"() ({
        %run_scoped3A = tpu.sem_alloc : memref<!tpu.dma_semaphore, #tpu.memory_space<semaphore_mem>>
        %dma_start3A = arith.constant 0 : i32
        %dma_start3A_308 = arith.constant 0 : i32
        %dma_start3A_309 = tpu.memref_slice %arg6[%dma_start3A, %dma_start3A_308] : memref<8320x128xf32, #tpu.memory_space<vmem_shared>> -> memref<8320x128xf32, #tpu.memory_space<vmem_shared>>
        tpu.enqueue_indirect_dma source(%arg11 : memref<64x128xf32, #tpu.memory_space<vmem>>) target(%dma_start3A_309 : memref<8320x128xf32, #tpu.memory_space<vmem_shared>>) offsets(%arg12 : memref<64xi32, #tpu.memory_space<vmem>>) semaphore(%run_scoped3A : memref<!tpu.dma_semaphore, #tpu.memory_space<semaphore_mem>>) {add = true}
        %dma_wait3A = arith.constant 0 : i32
        %dma_wait3A_310 = arith.constant 0 : i32
        %dma_wait3A_311 = tpu.memref_slice %arg6[%dma_wait3A, %dma_wait3A_310] : memref<8320x128xf32, #tpu.memory_space<vmem_shared>> -> memref<8320x128xf32, #tpu.memory_space<vmem_shared>>
        tpu.wait_indirect_dma semaphore(%run_scoped3A : memref<!tpu.dma_semaphore, #tpu.memory_space<semaphore_mem>>) src(%arg11 : memref<64x128xf32, #tpu.memory_space<vmem>>) dst(%dma_wait3A_311 : memref<8320x128xf32, #tpu.memory_space<vmem_shared>>)
        tpu.yield
      }) : () -> ()
    } else {
    }
    %barrier3A_204 = arith.constant 0 : index
    tpu.barrier barrier_id(%barrier3A_204)
    %mul3A_205 = arith.constant 512 : i32
    %mul3A_206 = arith.muli %arg1, %mul3A_205 : i32
    %add3A_207 = arith.constant 0 : i32
    %add3A_208 = arith.addi %mul3A_206, %add3A_207 : i32
    "tpu.region"() ({
      %run_scoped3A = tpu.sem_alloc : memref<!tpu.dma_semaphore, #tpu.memory_space<semaphore_mem>>
      %dma_start3A = arith.constant 0 : i32
      %dma_start3A_232 = tpu.memref_slice %arg6[%add3A_208, %dma_start3A] : memref<8320x128xf32, #tpu.memory_space<vmem_shared>> -> memref<128x128xf32, #tpu.memory_space<vmem_shared>>
      %dma_start3A_233 = arith.constant 0 : i32
      %dma_start3A_234 = tpu.memref_slice %arg6[%add3A_208, %dma_start3A_233] : memref<8320x128xf32, #tpu.memory_space<vmem_shared>> -> memref<128x128xf32, #tpu.memory_space<vmem_shared>>
      tpu.enqueue_dma source(%dma_start3A_234 : memref<128x128xf32, #tpu.memory_space<vmem_shared>>) target(%arg7 : memref<128x128xf32, #tpu.memory_space<vmem>>) target_semaphore(%run_scoped3A : memref<!tpu.dma_semaphore, #tpu.memory_space<semaphore_mem>>)
      %dma_wait3A = arith.constant 0 : i32
      %dma_wait3A_235 = tpu.memref_slice %arg6[%add3A_208, %dma_wait3A] : memref<8320x128xf32, #tpu.memory_space<vmem_shared>> -> memref<128x128xf32, #tpu.memory_space<vmem_shared>>
      %dma_wait3A_236 = arith.constant 0 : i32
      %dma_wait3A_237 = tpu.memref_slice %arg6[%add3A_208, %dma_wait3A_236] : memref<8320x128xf32, #tpu.memory_space<vmem_shared>> -> memref<128x128xf32, #tpu.memory_space<vmem_shared>>
      tpu.wait_dma2 semaphore(%run_scoped3A : memref<!tpu.dma_semaphore, #tpu.memory_space<semaphore_mem>>) src(%dma_wait3A_237 : memref<128x128xf32, #tpu.memory_space<vmem_shared>>) dst(%arg7 : memref<128x128xf32, #tpu.memory_space<vmem>>)
      tpu.yield
    }) : () -> ()
    %add3A_209 = arith.constant 8192 : i32
    %add3A_210 = arith.addi %add3A_209, %mul3A_206 : i32
    %add3A_211 = arith.constant 0 : i32
    %add3A_212 = arith.addi %add3A_210, %add3A_211 : i32
    "tpu.region"() ({
      %run_scoped3A = tpu.sem_alloc : memref<!tpu.dma_semaphore, #tpu.memory_space<semaphore_mem>>
      %dma_start3A = arith.constant 0 : i32
      %dma_start3A_232 = tpu.memref_slice %arg5[%add3A_115, %add3A_212, %dma_start3A] : memref<4x16384x128xf32, #tpu.memory_space<hbm>> -> memref<1x128x128xf32, #tpu.memory_space<hbm>>
      %dma_start3A_233 = tpu.memref_squeeze %dma_start3A_232 : memref<1x128x128xf32, #tpu.memory_space<hbm>> -> memref<128x128xf32, #tpu.memory_space<hbm>>
      %dma_start3A_234 = arith.constant 0 : i32
      %dma_start3A_235 = tpu.memref_slice %arg5[%add3A_115, %add3A_212, %dma_start3A_234] : memref<4x16384x128xf32, #tpu.memory_space<hbm>> -> memref<1x128x128xf32, #tpu.memory_space<hbm>>
      %dma_start3A_236 = tpu.memref_squeeze %dma_start3A_235 : memref<1x128x128xf32, #tpu.memory_space<hbm>> -> memref<128x128xf32, #tpu.memory_space<hbm>>
      tpu.enqueue_dma source(%arg7 : memref<128x128xf32, #tpu.memory_space<vmem>>) target(%dma_start3A_236 : memref<128x128xf32, #tpu.memory_space<hbm>>) target_semaphore(%run_scoped3A : memref<!tpu.dma_semaphore, #tpu.memory_space<semaphore_mem>>)
      %dma_wait3A = arith.constant 0 : i32
      %dma_wait3A_237 = tpu.memref_slice %arg5[%add3A_115, %add3A_212, %dma_wait3A] : memref<4x16384x128xf32, #tpu.memory_space<hbm>> -> memref<1x128x128xf32, #tpu.memory_space<hbm>>
      %dma_wait3A_238 = tpu.memref_squeeze %dma_wait3A_237 : memref<1x128x128xf32, #tpu.memory_space<hbm>> -> memref<128x128xf32, #tpu.memory_space<hbm>>
      %dma_wait3A_239 = arith.constant 0 : i32
      %dma_wait3A_240 = tpu.memref_slice %arg5[%add3A_115, %add3A_212, %dma_wait3A_239] : memref<4x16384x128xf32, #tpu.memory_space<hbm>> -> memref<1x128x128xf32, #tpu.memory_space<hbm>>
      %dma_wait3A_241 = tpu.memref_squeeze %dma_wait3A_240 : memref<1x128x128xf32, #tpu.memory_space<hbm>> -> memref<128x128xf32, #tpu.memory_space<hbm>>
      tpu.wait_dma2 semaphore(%run_scoped3A : memref<!tpu.dma_semaphore, #tpu.memory_space<semaphore_mem>>) src(%arg7 : memref<128x128xf32, #tpu.memory_space<vmem>>) dst(%dma_wait3A_241 : memref<128x128xf32, #tpu.memory_space<hbm>>)
      tpu.yield
    }) : () -> ()
    %add3A_213 = arith.constant 128 : i32
    %add3A_214 = arith.addi %mul3A_206, %add3A_213 : i32
    "tpu.region"() ({
      %run_scoped3A = tpu.sem_alloc : memref<!tpu.dma_semaphore, #tpu.memory_space<semaphore_mem>>
      %dma_start3A = arith.constant 0 : i32
      %dma_start3A_232 = tpu.memref_slice %arg6[%add3A_214, %dma_start3A] : memref<8320x128xf32, #tpu.memory_space<vmem_shared>> -> memref<128x128xf32, #tpu.memory_space<vmem_shared>>
      %dma_start3A_233 = arith.constant 0 : i32
      %dma_start3A_234 = tpu.memref_slice %arg6[%add3A_214, %dma_start3A_233] : memref<8320x128xf32, #tpu.memory_space<vmem_shared>> -> memref<128x128xf32, #tpu.memory_space<vmem_shared>>
      tpu.enqueue_dma source(%dma_start3A_234 : memref<128x128xf32, #tpu.memory_space<vmem_shared>>) target(%arg7 : memref<128x128xf32, #tpu.memory_space<vmem>>) target_semaphore(%run_scoped3A : memref<!tpu.dma_semaphore, #tpu.memory_space<semaphore_mem>>)
      %dma_wait3A = arith.constant 0 : i32
      %dma_wait3A_235 = tpu.memref_slice %arg6[%add3A_214, %dma_wait3A] : memref<8320x128xf32, #tpu.memory_space<vmem_shared>> -> memref<128x128xf32, #tpu.memory_space<vmem_shared>>
      %dma_wait3A_236 = arith.constant 0 : i32
      %dma_wait3A_237 = tpu.memref_slice %arg6[%add3A_214, %dma_wait3A_236] : memref<8320x128xf32, #tpu.memory_space<vmem_shared>> -> memref<128x128xf32, #tpu.memory_space<vmem_shared>>
      tpu.wait_dma2 semaphore(%run_scoped3A : memref<!tpu.dma_semaphore, #tpu.memory_space<semaphore_mem>>) src(%dma_wait3A_237 : memref<128x128xf32, #tpu.memory_space<vmem_shared>>) dst(%arg7 : memref<128x128xf32, #tpu.memory_space<vmem>>)
      tpu.yield
    }) : () -> ()
    %add3A_215 = arith.constant 8192 : i32
    %add3A_216 = arith.addi %add3A_215, %mul3A_206 : i32
    %add3A_217 = arith.constant 128 : i32
    %add3A_218 = arith.addi %add3A_216, %add3A_217 : i32
    "tpu.region"() ({
      %run_scoped3A = tpu.sem_alloc : memref<!tpu.dma_semaphore, #tpu.memory_space<semaphore_mem>>
      %dma_start3A = arith.constant 0 : i32
      %dma_start3A_232 = tpu.memref_slice %arg5[%add3A_115, %add3A_218, %dma_start3A] : memref<4x16384x128xf32, #tpu.memory_space<hbm>> -> memref<1x128x128xf32, #tpu.memory_space<hbm>>
      %dma_start3A_233 = tpu.memref_squeeze %dma_start3A_232 : memref<1x128x128xf32, #tpu.memory_space<hbm>> -> memref<128x128xf32, #tpu.memory_space<hbm>>
      %dma_start3A_234 = arith.constant 0 : i32
      %dma_start3A_235 = tpu.memref_slice %arg5[%add3A_115, %add3A_218, %dma_start3A_234] : memref<4x16384x128xf32, #tpu.memory_space<hbm>> -> memref<1x128x128xf32, #tpu.memory_space<hbm>>
      %dma_start3A_236 = tpu.memref_squeeze %dma_start3A_235 : memref<1x128x128xf32, #tpu.memory_space<hbm>> -> memref<128x128xf32, #tpu.memory_space<hbm>>
      tpu.enqueue_dma source(%arg7 : memref<128x128xf32, #tpu.memory_space<vmem>>) target(%dma_start3A_236 : memref<128x128xf32, #tpu.memory_space<hbm>>) target_semaphore(%run_scoped3A : memref<!tpu.dma_semaphore, #tpu.memory_space<semaphore_mem>>)
      %dma_wait3A = arith.constant 0 : i32
      %dma_wait3A_237 = tpu.memref_slice %arg5[%add3A_115, %add3A_218, %dma_wait3A] : memref<4x16384x128xf32, #tpu.memory_space<hbm>> -> memref<1x128x128xf32, #tpu.memory_space<hbm>>
      %dma_wait3A_238 = tpu.memref_squeeze %dma_wait3A_237 : memref<1x128x128xf32, #tpu.memory_space<hbm>> -> memref<128x128xf32, #tpu.memory_space<hbm>>
      %dma_wait3A_239 = arith.constant 0 : i32
      %dma_wait3A_240 = tpu.memref_slice %arg5[%add3A_115, %add3A_218, %dma_wait3A_239] : memref<4x16384x128xf32, #tpu.memory_space<hbm>> -> memref<1x128x128xf32, #tpu.memory_space<hbm>>
      %dma_wait3A_241 = tpu.memref_squeeze %dma_wait3A_240 : memref<1x128x128xf32, #tpu.memory_space<hbm>> -> memref<128x128xf32, #tpu.memory_space<hbm>>
      tpu.wait_dma2 semaphore(%run_scoped3A : memref<!tpu.dma_semaphore, #tpu.memory_space<semaphore_mem>>) src(%arg7 : memref<128x128xf32, #tpu.memory_space<vmem>>) dst(%dma_wait3A_241 : memref<128x128xf32, #tpu.memory_space<hbm>>)
      tpu.yield
    }) : () -> ()
    %add3A_219 = arith.constant 256 : i32
    %add3A_220 = arith.addi %mul3A_206, %add3A_219 : i32
    "tpu.region"() ({
      %run_scoped3A = tpu.sem_alloc : memref<!tpu.dma_semaphore, #tpu.memory_space<semaphore_mem>>
      %dma_start3A = arith.constant 0 : i32
      %dma_start3A_232 = tpu.memref_slice %arg6[%add3A_220, %dma_start3A] : memref<8320x128xf32, #tpu.memory_space<vmem_shared>> -> memref<128x128xf32, #tpu.memory_space<vmem_shared>>
      %dma_start3A_233 = arith.constant 0 : i32
      %dma_start3A_234 = tpu.memref_slice %arg6[%add3A_220, %dma_start3A_233] : memref<8320x128xf32, #tpu.memory_space<vmem_shared>> -> memref<128x128xf32, #tpu.memory_space<vmem_shared>>
      tpu.enqueue_dma source(%dma_start3A_234 : memref<128x128xf32, #tpu.memory_space<vmem_shared>>) target(%arg7 : memref<128x128xf32, #tpu.memory_space<vmem>>) target_semaphore(%run_scoped3A : memref<!tpu.dma_semaphore, #tpu.memory_space<semaphore_mem>>)
      %dma_wait3A = arith.constant 0 : i32
      %dma_wait3A_235 = tpu.memref_slice %arg6[%add3A_220, %dma_wait3A] : memref<8320x128xf32, #tpu.memory_space<vmem_shared>> -> memref<128x128xf32, #tpu.memory_space<vmem_shared>>
      %dma_wait3A_236 = arith.constant 0 : i32
      %dma_wait3A_237 = tpu.memref_slice %arg6[%add3A_220, %dma_wait3A_236] : memref<8320x128xf32, #tpu.memory_space<vmem_shared>> -> memref<128x128xf32, #tpu.memory_space<vmem_shared>>
      tpu.wait_dma2 semaphore(%run_scoped3A : memref<!tpu.dma_semaphore, #tpu.memory_space<semaphore_mem>>) src(%dma_wait3A_237 : memref<128x128xf32, #tpu.memory_space<vmem_shared>>) dst(%arg7 : memref<128x128xf32, #tpu.memory_space<vmem>>)
      tpu.yield
    }) : () -> ()
    %add3A_221 = arith.constant 8192 : i32
    %add3A_222 = arith.addi %add3A_221, %mul3A_206 : i32
    %add3A_223 = arith.constant 256 : i32
    %add3A_224 = arith.addi %add3A_222, %add3A_223 : i32
    "tpu.region"() ({
      %run_scoped3A = tpu.sem_alloc : memref<!tpu.dma_semaphore, #tpu.memory_space<semaphore_mem>>
      %dma_start3A = arith.constant 0 : i32
      %dma_start3A_232 = tpu.memref_slice %arg5[%add3A_115, %add3A_224, %dma_start3A] : memref<4x16384x128xf32, #tpu.memory_space<hbm>> -> memref<1x128x128xf32, #tpu.memory_space<hbm>>
      %dma_start3A_233 = tpu.memref_squeeze %dma_start3A_232 : memref<1x128x128xf32, #tpu.memory_space<hbm>> -> memref<128x128xf32, #tpu.memory_space<hbm>>
      %dma_start3A_234 = arith.constant 0 : i32
      %dma_start3A_235 = tpu.memref_slice %arg5[%add3A_115, %add3A_224, %dma_start3A_234] : memref<4x16384x128xf32, #tpu.memory_space<hbm>> -> memref<1x128x128xf32, #tpu.memory_space<hbm>>
      %dma_start3A_236 = tpu.memref_squeeze %dma_start3A_235 : memref<1x128x128xf32, #tpu.memory_space<hbm>> -> memref<128x128xf32, #tpu.memory_space<hbm>>
      tpu.enqueue_dma source(%arg7 : memref<128x128xf32, #tpu.memory_space<vmem>>) target(%dma_start3A_236 : memref<128x128xf32, #tpu.memory_space<hbm>>) target_semaphore(%run_scoped3A : memref<!tpu.dma_semaphore, #tpu.memory_space<semaphore_mem>>)
      %dma_wait3A = arith.constant 0 : i32
      %dma_wait3A_237 = tpu.memref_slice %arg5[%add3A_115, %add3A_224, %dma_wait3A] : memref<4x16384x128xf32, #tpu.memory_space<hbm>> -> memref<1x128x128xf32, #tpu.memory_space<hbm>>
      %dma_wait3A_238 = tpu.memref_squeeze %dma_wait3A_237 : memref<1x128x128xf32, #tpu.memory_space<hbm>> -> memref<128x128xf32, #tpu.memory_space<hbm>>
      %dma_wait3A_239 = arith.constant 0 : i32
      %dma_wait3A_240 = tpu.memref_slice %arg5[%add3A_115, %add3A_224, %dma_wait3A_239] : memref<4x16384x128xf32, #tpu.memory_space<hbm>> -> memref<1x128x128xf32, #tpu.memory_space<hbm>>
      %dma_wait3A_241 = tpu.memref_squeeze %dma_wait3A_240 : memref<1x128x128xf32, #tpu.memory_space<hbm>> -> memref<128x128xf32, #tpu.memory_space<hbm>>
      tpu.wait_dma2 semaphore(%run_scoped3A : memref<!tpu.dma_semaphore, #tpu.memory_space<semaphore_mem>>) src(%arg7 : memref<128x128xf32, #tpu.memory_space<vmem>>) dst(%dma_wait3A_241 : memref<128x128xf32, #tpu.memory_space<hbm>>)
      tpu.yield
    }) : () -> ()
    %add3A_225 = arith.constant 384 : i32
    %add3A_226 = arith.addi %mul3A_206, %add3A_225 : i32
    "tpu.region"() ({
      %run_scoped3A = tpu.sem_alloc : memref<!tpu.dma_semaphore, #tpu.memory_space<semaphore_mem>>
      %dma_start3A = arith.constant 0 : i32
      %dma_start3A_232 = tpu.memref_slice %arg6[%add3A_226, %dma_start3A] : memref<8320x128xf32, #tpu.memory_space<vmem_shared>> -> memref<128x128xf32, #tpu.memory_space<vmem_shared>>
      %dma_start3A_233 = arith.constant 0 : i32
      %dma_start3A_234 = tpu.memref_slice %arg6[%add3A_226, %dma_start3A_233] : memref<8320x128xf32, #tpu.memory_space<vmem_shared>> -> memref<128x128xf32, #tpu.memory_space<vmem_shared>>
      tpu.enqueue_dma source(%dma_start3A_234 : memref<128x128xf32, #tpu.memory_space<vmem_shared>>) target(%arg7 : memref<128x128xf32, #tpu.memory_space<vmem>>) target_semaphore(%run_scoped3A : memref<!tpu.dma_semaphore, #tpu.memory_space<semaphore_mem>>)
      %dma_wait3A = arith.constant 0 : i32
      %dma_wait3A_235 = tpu.memref_slice %arg6[%add3A_226, %dma_wait3A] : memref<8320x128xf32, #tpu.memory_space<vmem_shared>> -> memref<128x128xf32, #tpu.memory_space<vmem_shared>>
      %dma_wait3A_236 = arith.constant 0 : i32
      %dma_wait3A_237 = tpu.memref_slice %arg6[%add3A_226, %dma_wait3A_236] : memref<8320x128xf32, #tpu.memory_space<vmem_shared>> -> memref<128x128xf32, #tpu.memory_space<vmem_shared>>
      tpu.wait_dma2 semaphore(%run_scoped3A : memref<!tpu.dma_semaphore, #tpu.memory_space<semaphore_mem>>) src(%dma_wait3A_237 : memref<128x128xf32, #tpu.memory_space<vmem_shared>>) dst(%arg7 : memref<128x128xf32, #tpu.memory_space<vmem>>)
      tpu.yield
    }) : () -> ()
    %add3A_227 = arith.constant 8192 : i32
    %add3A_228 = arith.addi %add3A_227, %mul3A_206 : i32
    %add3A_229 = arith.constant 384 : i32
    %add3A_230 = arith.addi %add3A_228, %add3A_229 : i32
    "tpu.region"() ({
      %run_scoped3A = tpu.sem_alloc : memref<!tpu.dma_semaphore, #tpu.memory_space<semaphore_mem>>
      %dma_start3A = arith.constant 0 : i32
      %dma_start3A_232 = tpu.memref_slice %arg5[%add3A_115, %add3A_230, %dma_start3A] : memref<4x16384x128xf32, #tpu.memory_space<hbm>> -> memref<1x128x128xf32, #tpu.memory_space<hbm>>
      %dma_start3A_233 = tpu.memref_squeeze %dma_start3A_232 : memref<1x128x128xf32, #tpu.memory_space<hbm>> -> memref<128x128xf32, #tpu.memory_space<hbm>>
      %dma_start3A_234 = arith.constant 0 : i32
      %dma_start3A_235 = tpu.memref_slice %arg5[%add3A_115, %add3A_230, %dma_start3A_234] : memref<4x16384x128xf32, #tpu.memory_space<hbm>> -> memref<1x128x128xf32, #tpu.memory_space<hbm>>
      %dma_start3A_236 = tpu.memref_squeeze %dma_start3A_235 : memref<1x128x128xf32, #tpu.memory_space<hbm>> -> memref<128x128xf32, #tpu.memory_space<hbm>>
      tpu.enqueue_dma source(%arg7 : memref<128x128xf32, #tpu.memory_space<vmem>>) target(%dma_start3A_236 : memref<128x128xf32, #tpu.memory_space<hbm>>) target_semaphore(%run_scoped3A : memref<!tpu.dma_semaphore, #tpu.memory_space<semaphore_mem>>)
      %dma_wait3A = arith.constant 0 : i32
      %dma_wait3A_237 = tpu.memref_slice %arg5[%add3A_115, %add3A_230, %dma_wait3A] : memref<4x16384x128xf32, #tpu.memory_space<hbm>> -> memref<1x128x128xf32, #tpu.memory_space<hbm>>
      %dma_wait3A_238 = tpu.memref_squeeze %dma_wait3A_237 : memref<1x128x128xf32, #tpu.memory_space<hbm>> -> memref<128x128xf32, #tpu.memory_space<hbm>>
      %dma_wait3A_239 = arith.constant 0 : i32
      %dma_wait3A_240 = tpu.memref_slice %arg5[%add3A_115, %add3A_230, %dma_wait3A_239] : memref<4x16384x128xf32, #tpu.memory_space<hbm>> -> memref<1x128x128xf32, #tpu.memory_space<hbm>>
      %dma_wait3A_241 = tpu.memref_squeeze %dma_wait3A_240 : memref<1x128x128xf32, #tpu.memory_space<hbm>> -> memref<128x128xf32, #tpu.memory_space<hbm>>
      tpu.wait_dma2 semaphore(%run_scoped3A : memref<!tpu.dma_semaphore, #tpu.memory_space<semaphore_mem>>) src(%arg7 : memref<128x128xf32, #tpu.memory_space<vmem>>) dst(%dma_wait3A_241 : memref<128x128xf32, #tpu.memory_space<hbm>>)
      tpu.yield
    }) : () -> ()
    %barrier3A_231 = arith.constant 0 : index
    tpu.barrier barrier_id(%barrier3A_231)
    return
  }
}

module attributes {stable_mosaic.version = 14 : i64} {
  func.func @_tail1_body(%arg0: i32, %arg1: i32, %arg2: memref<1x2048x128xf32, #tpu.memory_space<vmem>>, %arg3: memref<80x128xf32, #tpu.memory_space<vmem>>, %arg4: memref<1x128xf32, #tpu.memory_space<vmem>>, %arg5: memref<8x128xf32, #tpu.memory_space<vmem>>) attributes {dimension_semantics = [#tpu.dimension_semantics<arbitrary>, #tpu.dimension_semantics<arbitrary>], iteration_bounds = array<i64: 4, 8>, scalar_prefetch = 0 : i64, scratch_operands = 0 : i64, tpu.core_type = #tpu.core_type<tc>, window_params = [{transform_indices = @transform_0, window_bounds = array<i64: 1, 2048, 128>}, {pipeline_mode = #tpu.pipeline_mode<synchronous>, transform_indices = @transform_1, window_bounds = array<i64: 80, 128>}, {pipeline_mode = #tpu.pipeline_mode<synchronous>, transform_indices = @transform_2, window_bounds = array<i64: 1, 128>}, {pipeline_mode = #tpu.pipeline_mode<synchronous>, transform_indices = @transform_3, window_bounds = array<i64: 8, 128>}]} {
    %eq3A = arith.constant 0 : i32
    %eq3A_0 = arith.cmpi eq, %arg0, %eq3A : i32
    %eq3A_1 = arith.constant 0 : i32
    %eq3A_2 = arith.cmpi eq, %arg1, %eq3A_1 : i32
    %and3A = arith.andi %eq3A_0, %eq3A_2 : i1
    %convert_element_type3A = arith.extui %and3A : i1 to i32
    %cond3A = arith.constant 0 : i32
    %cond3A_3 = arith.cmpi ne, %convert_element_type3A, %cond3A : i32
    scf.if %cond3A_3 {
      %broadcast_in_dim3A_40 = arith.constant 0.000000e+00 : f32
      %broadcast_in_dim3A_41 = vector.broadcast %broadcast_in_dim3A_40 : f32 to vector<8x128xf32>
      %swap3A_42 = arith.constant 0 : index
      %swap3A_43 = arith.constant 0 : index
      %swap3A_44 = vector.load %arg5[%swap3A_42, %swap3A_43] : memref<8x128xf32, #tpu.memory_space<vmem>>, vector<8x128xf32>
      tpu.vector_store %arg5[%swap3A_42, %swap3A_43], %broadcast_in_dim3A_41 {strides = array<i32>} : memref<8x128xf32, #tpu.memory_space<vmem>>, vector<8x128xf32>,
    } else {
    }
    %get3A = arith.constant 0 : index
    %get3A_4 = arith.constant 0 : index
    %get3A_5 = arith.constant 0 : index
    %get3A_6 = vector.load %arg2[%get3A, %get3A_4, %get3A_5] : memref<1x2048x128xf32, #tpu.memory_space<vmem>>, vector<1x2048x128xf32>
    %get3A_7 = vector.shape_cast %get3A_6 : vector<1x2048x128xf32> to vector<2048x128xf32>
    %slice3A = vector.extract_strided_slice %get3A_7 {offsets = [0, 0], sizes = [2048, 80], strides = [1, 1]} : vector<2048x128xf32> to vector<2048x80xf32>
    %slice3A_8 = vector.extract_strided_slice %get3A_7 {offsets = [0, 80], sizes = [2048, 1], strides = [1, 1]} : vector<2048x128xf32> to vector<2048x1xf32>
    %max3A = arith.constant 1.000000e+00 : f32
    %max3A_9 = vector.broadcast %max3A : f32 to vector<2048x1xf32>
    %max3A_10 = arith.maximumf %slice3A_8, %max3A_9 : vector<2048x1xf32>
    %div3A = arith.constant 1.000000e+00 : f32
    %div3A_11 = vector.broadcast %div3A : f32 to vector<2048x1xf32>
    %div3A_12 = arith.divf %div3A_11, %max3A_10 : vector<2048x1xf32>
    %mul3A = vector.broadcast %div3A_12 : vector<2048x1xf32> to vector<2048x80xf32>
    %mul3A_13 = arith.mulf %slice3A, %mul3A : vector<2048x80xf32>
    %get3A_14 = arith.constant 0 : index
    %get3A_15 = arith.constant 0 : index
    %get3A_16 = vector.load %arg3[%get3A_14, %get3A_15] : memref<80x128xf32, #tpu.memory_space<vmem>>, vector<80x128xf32>
    %dot_general3A = arith.constant dense<0.000000e+00> : vector<2048x128xf32>
    %dot_general3A_17 = tpu.matmul %mul3A_13, %get3A_16, %dot_general3A {dimension_numbers = #tpu.dot_dimension_numbers<[1], [0], [0], [1], [0, 0, 1, 1], [], []>, transpose_lhs_hint = false} : vector<2048x80xf32>, vector<80x128xf32>, vector<2048x128xf32> -> vector<2048x128xf32>
    %get3A_18 = arith.constant 0 : index
    %get3A_19 = arith.constant 0 : index
    %get3A_20 = vector.load %arg4[%get3A_18, %get3A_19] : memref<1x128xf32, #tpu.memory_space<vmem>>, vector<1x128xf32>
    %add3A = vector.broadcast %get3A_20 : vector<1x128xf32> to vector<2048x128xf32>
    %add3A_21 = arith.addf %dot_general3A_17, %add3A : vector<2048x128xf32>
    %get3A_22 = arith.constant 0 : index
    %get3A_23 = arith.constant 0 : index
    %get3A_24 = vector.load %arg5[%get3A_22, %get3A_23] : memref<8x128xf32, #tpu.memory_space<vmem>>, vector<1x128xf32>
    %reduce_sum3A = arith.constant dense<0.000000e+00> : vector<128xf32>
    %reduce_sum3A_25 = vector.multi_reduction <add>, %add3A_21, %reduce_sum3A [0] : vector<2048x128xf32> to vector<128xf32>
    %broadcast_in_dim3A = vector.shape_cast %reduce_sum3A_25 : vector<128xf32> to vector<1x128xf32>
    %add3A_26 = arith.addf %get3A_24, %broadcast_in_dim3A : vector<1x128xf32>
    %swap3A = arith.constant 0 : index
    %swap3A_27 = arith.constant 0 : index
    %swap3A_28 = vector.load %arg5[%swap3A, %swap3A_27] : memref<8x128xf32, #tpu.memory_space<vmem>>, vector<1x128xf32>
    tpu.vector_store %arg5[%swap3A, %swap3A_27], %add3A_26 {strides = array<i32>} : memref<8x128xf32, #tpu.memory_space<vmem>>, vector<1x128xf32>,
    %get3A_29 = arith.constant 1 : index
    %get3A_30 = arith.constant 0 : index
    %get3A_31 = vector.load %arg5[%get3A_29, %get3A_30] : memref<8x128xf32, #tpu.memory_space<vmem>>, vector<1x128xf32>
    %mul3A_32 = arith.mulf %add3A_21, %add3A_21 : vector<2048x128xf32>
    %reduce_sum3A_33 = arith.constant dense<0.000000e+00> : vector<128xf32>
    %reduce_sum3A_34 = vector.multi_reduction <add>, %mul3A_32, %reduce_sum3A_33 [0] : vector<2048x128xf32> to vector<128xf32>
    %broadcast_in_dim3A_35 = vector.shape_cast %reduce_sum3A_34 : vector<128xf32> to vector<1x128xf32>
    %add3A_36 = arith.addf %get3A_31, %broadcast_in_dim3A_35 : vector<1x128xf32>
    %swap3A_37 = arith.constant 1 : index
    %swap3A_38 = arith.constant 0 : index
    %swap3A_39 = vector.load %arg5[%swap3A_37, %swap3A_38] : memref<8x128xf32, #tpu.memory_space<vmem>>, vector<1x128xf32>
    tpu.vector_store %arg5[%swap3A_37, %swap3A_38], %add3A_36 {strides = array<i32>} : memref<8x128xf32, #tpu.memory_space<vmem>>, vector<1x128xf32>,
    return
  }
  func.func @transform_0(%arg0: i32, %arg1: i32) -> (i32, i32, i32) {
    %c0_i32 = arith.constant 0 : i32
    %c0_i32_0 = arith.constant 0 : i32
    return %arg0, %arg1, %c0_i32 : i32, i32, i32
  }
  func.func @transform_1(%arg0: i32, %arg1: i32) -> (i32, i32) {
    %c0_i32 = arith.constant 0 : i32
    %c0_i32_0 = arith.constant 0 : i32
    %c0_i32_1 = arith.constant 0 : i32
    return %c0_i32, %c0_i32_0 : i32, i32
  }
  func.func @transform_2(%arg0: i32, %arg1: i32) -> (i32, i32) {
    %c0_i32 = arith.constant 0 : i32
    %c0_i32_0 = arith.constant 0 : i32
    %c0_i32_1 = arith.constant 0 : i32
    return %c0_i32, %c0_i32_0 : i32, i32
  }
  func.func @transform_3(%arg0: i32, %arg1: i32) -> (i32, i32) {
    %c0_i32 = arith.constant 0 : i32
    %c0_i32_0 = arith.constant 0 : i32
    %c0_i32_1 = arith.constant 0 : i32
    return %c0_i32, %c0_i32_0 : i32, i32
  }
}

module attributes {stable_mosaic.version = 14 : i64} {
  func.func @_mlp_body(%arg0: i32, %arg1: i32, %arg2: memref<1x2000x4xf32, #tpu.memory_space<vmem>>, %arg3: memref<4x80xf32, #tpu.memory_space<vmem>>, %arg4: memref<1x80xf32, #tpu.memory_space<vmem>>, %arg5: memref<80x80xf32, #tpu.memory_space<vmem>>, %arg6: memref<1x80xf32, #tpu.memory_space<vmem>>, %arg7: memref<2000x128xf32, #tpu.memory_space<vmem>>, %arg8: memref<1x1x2000xi32, #tpu.memory_space<vmem>>) attributes {dimension_semantics = [#tpu.dimension_semantics<arbitrary>, #tpu.dimension_semantics<arbitrary>], iteration_bounds = array<i64: 4, 100>, scalar_prefetch = 0 : i64, scratch_operands = 0 : i64, tpu.core_type = #tpu.core_type<tc>, window_params = [{transform_indices = @transform_0, window_bounds = array<i64: 1, 2000, 4>}, {pipeline_mode = #tpu.pipeline_mode<synchronous>, transform_indices = @transform_1, window_bounds = array<i64: 4, 80>}, {pipeline_mode = #tpu.pipeline_mode<synchronous>, transform_indices = @transform_2, window_bounds = array<i64: 1, 80>}, {pipeline_mode = #tpu.pipeline_mode<synchronous>, transform_indices = @transform_3, window_bounds = array<i64: 80, 80>}, {pipeline_mode = #tpu.pipeline_mode<synchronous>, transform_indices = @transform_4, window_bounds = array<i64: 1, 80>}, {transform_indices = @transform_5, window_bounds = array<i64: 2000, 128>}, {transform_indices = @transform_6, window_bounds = array<i64: 1, 1, 2000>}]} {
    %get3A = arith.constant 0 : index
    %get3A_0 = arith.constant 0 : index
    %get3A_1 = arith.constant 0 : index
    %get3A_2 = vector.load %arg2[%get3A, %get3A_0, %get3A_1] : memref<1x2000x4xf32, #tpu.memory_space<vmem>>, vector<1x2000x4xf32>
    %get3A_3 = vector.shape_cast %get3A_2 : vector<1x2000x4xf32> to vector<2000x4xf32>
    %get3A_4 = arith.constant 0 : index
    %get3A_5 = arith.constant 0 : index
    %get3A_6 = vector.load %arg3[%get3A_4, %get3A_5] : memref<4x80xf32, #tpu.memory_space<vmem>>, vector<4x80xf32>
    %dot_general3A = arith.constant dense<0.000000e+00> : vector<2000x80xf32>
    %dot_general3A_7 = tpu.matmul %get3A_3, %get3A_6, %dot_general3A {dimension_numbers = #tpu.dot_dimension_numbers<[1], [0], [0], [1], [0, 0, 1, 1], [], []>, transpose_lhs_hint = false} : vector<2000x4xf32>, vector<4x80xf32>, vector<2000x80xf32> -> vector<2000x80xf32>
    %get3A_8 = arith.constant 0 : index
    %get3A_9 = arith.constant 0 : index
    %get3A_10 = vector.load %arg4[%get3A_8, %get3A_9] : memref<1x80xf32, #tpu.memory_space<vmem>>, vector<1x80xf32>
    %add3A = vector.broadcast %get3A_10 : vector<1x80xf32> to vector<2000x80xf32>
    %add3A_11 = arith.addf %dot_general3A_7, %add3A : vector<2000x80xf32>
    %max3A = arith.constant 0.000000e+00 : f32
    %max3A_12 = vector.broadcast %max3A : f32 to vector<2000x80xf32>
    %max3A_13 = arith.maximumf %add3A_11, %max3A_12 : vector<2000x80xf32>
    %get3A_14 = arith.constant 0 : index
    %get3A_15 = arith.constant 0 : index
    %get3A_16 = vector.load %arg5[%get3A_14, %get3A_15] : memref<80x80xf32, #tpu.memory_space<vmem>>, vector<80x80xf32>
    %dot_general3A_17 = arith.constant dense<0.000000e+00> : vector<2000x80xf32>
    %dot_general3A_18 = tpu.matmul %max3A_13, %get3A_16, %dot_general3A_17 {dimension_numbers = #tpu.dot_dimension_numbers<[1], [0], [0], [1], [0, 0, 1, 1], [], []>, transpose_lhs_hint = false} : vector<2000x80xf32>, vector<80x80xf32>, vector<2000x80xf32> -> vector<2000x80xf32>
    %get3A_19 = arith.constant 0 : index
    %get3A_20 = arith.constant 0 : index
    %get3A_21 = vector.load %arg6[%get3A_19, %get3A_20] : memref<1x80xf32, #tpu.memory_space<vmem>>, vector<1x80xf32>
    %add3A_22 = vector.broadcast %get3A_21 : vector<1x80xf32> to vector<2000x80xf32>
    %add3A_23 = arith.addf %dot_general3A_18, %add3A_22 : vector<2000x80xf32>
    %max3A_24 = arith.constant 0.000000e+00 : f32
    %max3A_25 = vector.broadcast %max3A_24 : f32 to vector<2000x80xf32>
    %max3A_26 = arith.maximumf %add3A_23, %max3A_25 : vector<2000x80xf32>
    %broadcast_in_dim3A = arith.constant 1.000000e+00 : f32
    %broadcast_in_dim3A_27 = vector.broadcast %broadcast_in_dim3A : f32 to vector<2000x1xf32>
    %broadcast_in_dim3A_28 = arith.constant 0.000000e+00 : f32
    %broadcast_in_dim3A_29 = vector.broadcast %broadcast_in_dim3A_28 : f32 to vector<2000x47xf32>
    %concatenate3A = tpu.concatenate %max3A_26, %broadcast_in_dim3A_27, %broadcast_in_dim3A_29 in 1 : vector<2000x80xf32>, vector<2000x1xf32>, vector<2000x47xf32> -> vector<2000x128xf32>
    %swap3A = arith.constant 0 : index
    %swap3A_30 = arith.constant 0 : index
    %swap3A_31 = vector.load %arg7[%swap3A, %swap3A_30] : memref<2000x128xf32, #tpu.memory_space<vmem>>, vector<2000x128xf32>
    tpu.vector_store %arg7[%swap3A, %swap3A_30], %concatenate3A {strides = array<i32>} : memref<2000x128xf32, #tpu.memory_space<vmem>>, vector<2000x128xf32>,
    %transpose3A = tpu.transpose %get3A_3, [1, 0] : vector<2000x4xf32> -> vector<4x2000xf32>
    %slice3A = vector.extract_strided_slice %transpose3A {offsets = [0, 0], sizes = [1, 2000], strides = [1, 1]} : vector<4x2000xf32> to vector<1x2000xf32>
    %slice3A_32 = vector.extract_strided_slice %transpose3A {offsets = [1, 0], sizes = [1, 2000], strides = [1, 1]} : vector<4x2000xf32> to vector<1x2000xf32>
    %sub3A = arith.constant -5.000000e+01 : f32
    %sub3A_33 = vector.broadcast %sub3A : f32 to vector<1x2000xf32>
    %sub3A_34 = arith.subf %slice3A, %sub3A_33 : vector<1x2000xf32>
    %div3A = arith.constant 7.812500e-01 : f32
    %div3A_35 = vector.broadcast %div3A : f32 to vector<1x2000xf32>
    %div3A_36 = arith.divf %sub3A_34, %div3A_35 : vector<1x2000xf32>
    %floor3A = math.floor %div3A_36 : vector<1x2000xf32>
    %convert_element_type3A = arith.fptosi %floor3A : vector<1x2000xf32> to vector<1x2000xi32>
    %sub3A_37 = arith.constant -5.000000e+01 : f32
    %sub3A_38 = vector.broadcast %sub3A_37 : f32 to vector<1x2000xf32>
    %sub3A_39 = arith.subf %slice3A_32, %sub3A_38 : vector<1x2000xf32>
    %div3A_40 = arith.constant 7.812500e-01 : f32
    %div3A_41 = vector.broadcast %div3A_40 : f32 to vector<1x2000xf32>
    %div3A_42 = arith.divf %sub3A_39, %div3A_41 : vector<1x2000xf32>
    %floor3A_43 = math.floor %div3A_42 : vector<1x2000xf32>
    %convert_element_type3A_44 = arith.fptosi %floor3A_43 : vector<1x2000xf32> to vector<1x2000xi32>
    %ge3A = arith.constant 0 : i32
    %ge3A_45 = vector.broadcast %ge3A : i32 to vector<1x2000xi32>
    %ge3A_46 = arith.cmpi sge, %convert_element_type3A, %ge3A_45 : vector<1x2000xi32>
    %lt3A = arith.constant 128 : i32
    %lt3A_47 = vector.broadcast %lt3A : i32 to vector<1x2000xi32>
    %lt3A_48 = arith.cmpi slt, %convert_element_type3A, %lt3A_47 : vector<1x2000xi32>
    %and3A = arith.andi %ge3A_46, %lt3A_48 : vector<1x2000xi1>
    %ge3A_49 = arith.constant 0 : i32
    %ge3A_50 = vector.broadcast %ge3A_49 : i32 to vector<1x2000xi32>
    %ge3A_51 = arith.cmpi sge, %convert_element_type3A_44, %ge3A_50 : vector<1x2000xi32>
    %and3A_52 = arith.andi %and3A, %ge3A_51 : vector<1x2000xi1>
    %lt3A_53 = arith.constant 128 : i32
    %lt3A_54 = vector.broadcast %lt3A_53 : i32 to vector<1x2000xi32>
    %lt3A_55 = arith.cmpi slt, %convert_element_type3A_44, %lt3A_54 : vector<1x2000xi32>
    %and3A_56 = arith.andi %and3A_52, %lt3A_55 : vector<1x2000xi1>
    %mul3A = arith.constant 128 : i32
    %mul3A_57 = vector.broadcast %mul3A : i32 to vector<1x2000xi32>
    %mul3A_58 = arith.muli %convert_element_type3A_44, %mul3A_57 : vector<1x2000xi32>
    %add3A_59 = arith.addi %mul3A_58, %convert_element_type3A : vector<1x2000xi32>
    %jit3A = arith.constant 0 : i32
    %jit3A_60 = arith.constant 16383 : i32
    %max3A_61 = vector.broadcast %jit3A : i32 to vector<1x2000xi32>
    %max3A_62 = arith.maxsi %max3A_61, %add3A_59 : vector<1x2000xi32>
    %min3A = vector.broadcast %jit3A_60 : i32 to vector<1x2000xi32>
    %min3A_63 = arith.minsi %min3A, %max3A_62 : vector<1x2000xi32>
    %jit3A_64 = arith.constant 16384 : i32
    %broadcast_in_dim3A_65 = vector.broadcast %jit3A_64 : i32 to vector<1x2000xi32>
    %select_n3A = arith.select %and3A_56, %min3A_63, %broadcast_in_dim3A_65 : vector<1x2000xi1>, vector<1x2000xi32>
    %swap3A_66 = arith.constant 0 : index
    %swap3A_67 = arith.constant 0 : index
    %swap3A_68 = arith.constant 0 : index
    %swap3A_69 = vector.load %arg8[%swap3A_66, %swap3A_67, %swap3A_68] : memref<1x1x2000xi32, #tpu.memory_space<vmem>>, vector<1x1x2000xi32>
    %swap3A_70 = vector.shape_cast %swap3A_69 : vector<1x1x2000xi32> to vector<1x2000xi32>
    %swap3A_71 = vector.shape_cast %select_n3A : vector<1x2000xi32> to vector<1x1x2000xi32>
    tpu.vector_store %arg8[%swap3A_66, %swap3A_67, %swap3A_68], %swap3A_71 {strides = array<i32>} : memref<1x1x2000xi32, #tpu.memory_space<vmem>>, vector<1x1x2000xi32>,
    return
  }
  func.func @transform_0(%arg0: i32, %arg1: i32) -> (i32, i32, i32) {
    %c0_i32 = arith.constant 0 : i32
    %c0_i32_0 = arith.constant 0 : i32
    return %arg0, %arg1, %c0_i32 : i32, i32, i32
  }
  func.func @transform_1(%arg0: i32, %arg1: i32) -> (i32, i32) {
    %c0_i32 = arith.constant 0 : i32
    %c0_i32_0 = arith.constant 0 : i32
    %c0_i32_1 = arith.constant 0 : i32
    return %c0_i32, %c0_i32_0 : i32, i32
  }
  func.func @transform_2(%arg0: i32, %arg1: i32) -> (i32, i32) {
    %c0_i32 = arith.constant 0 : i32
    %c0_i32_0 = arith.constant 0 : i32
    %c0_i32_1 = arith.constant 0 : i32
    return %c0_i32, %c0_i32_0 : i32, i32
  }
  func.func @transform_3(%arg0: i32, %arg1: i32) -> (i32, i32) {
    %c0_i32 = arith.constant 0 : i32
    %c0_i32_0 = arith.constant 0 : i32
    %c0_i32_1 = arith.constant 0 : i32
    return %c0_i32, %c0_i32_0 : i32, i32
  }
  func.func @transform_4(%arg0: i32, %arg1: i32) -> (i32, i32) {
    %c0_i32 = arith.constant 0 : i32
    %c0_i32_0 = arith.constant 0 : i32
    %c0_i32_1 = arith.constant 0 : i32
    return %c0_i32, %c0_i32_0 : i32, i32
  }
  func.func @transform_5(%arg0: i32, %arg1: i32) -> (i32, i32) {
    %mul3A = arith.constant 100 : i32
    %mul3A_0 = arith.muli %arg0, %mul3A : i32
    %add3A = arith.addi %mul3A_0, %arg1 : i32
    %c0_i32 = arith.constant 0 : i32
    %c0_i32_1 = arith.constant 0 : i32
    return %add3A, %c0_i32 : i32, i32
  }
  func.func @transform_6(%arg0: i32, %arg1: i32) -> (i32, i32, i32) {
    %mul3A = arith.constant 100 : i32
    %mul3A_0 = arith.muli %arg0, %mul3A : i32
    %add3A = arith.addi %mul3A_0, %arg1 : i32
    %c0_i32 = arith.constant 0 : i32
    %c0_i32_1 = arith.constant 0 : i32
    %c0_i32_2 = arith.constant 0 : i32
    return %add3A, %c0_i32, %c0_i32_1 : i32, i32, i32
  }
}

module attributes {stable_mosaic.version = 14 : i64} {
  func.func @_tail2_body(%arg0: i32, %arg1: i32, %arg2: memref<1x2048x128xf32, #tpu.memory_space<vmem>>, %arg3: memref<80x128xf32, #tpu.memory_space<vmem>>, %arg4: memref<1x128xf32, #tpu.memory_space<vmem>>, %arg5: memref<8x128xf32, #tpu.memory_space<vmem>>, %arg6: memref<1x128xf32, #tpu.memory_space<vmem>>, %arg7: memref<1x128xf32, #tpu.memory_space<vmem>>, %arg8: memref<1x128x2048xf32, #tpu.memory_space<vmem>>) attributes {dimension_semantics = [#tpu.dimension_semantics<arbitrary>, #tpu.dimension_semantics<arbitrary>], iteration_bounds = array<i64: 4, 8>, scalar_prefetch = 0 : i64, scratch_operands = 0 : i64, tpu.core_type = #tpu.core_type<tc>, window_params = [{transform_indices = @transform_0, window_bounds = array<i64: 1, 2048, 128>}, {pipeline_mode = #tpu.pipeline_mode<synchronous>, transform_indices = @transform_1, window_bounds = array<i64: 80, 128>}, {pipeline_mode = #tpu.pipeline_mode<synchronous>, transform_indices = @transform_2, window_bounds = array<i64: 1, 128>}, {pipeline_mode = #tpu.pipeline_mode<synchronous>, transform_indices = @transform_3, window_bounds = array<i64: 8, 128>}, {pipeline_mode = #tpu.pipeline_mode<synchronous>, transform_indices = @transform_4, window_bounds = array<i64: 1, 128>}, {pipeline_mode = #tpu.pipeline_mode<synchronous>, transform_indices = @transform_5, window_bounds = array<i64: 1, 128>}, {transform_indices = @transform_6, window_bounds = array<i64: 1, 128, 2048>}]} {
    %get3A = arith.constant 0 : index
    %get3A_0 = arith.constant 0 : index
    %get3A_1 = arith.constant 0 : index
    %get3A_2 = vector.load %arg2[%get3A, %get3A_0, %get3A_1] : memref<1x2048x128xf32, #tpu.memory_space<vmem>>, vector<1x2048x128xf32>
    %get3A_3 = vector.shape_cast %get3A_2 : vector<1x2048x128xf32> to vector<2048x128xf32>
    %slice3A = vector.extract_strided_slice %get3A_3 {offsets = [0, 0], sizes = [2048, 80], strides = [1, 1]} : vector<2048x128xf32> to vector<2048x80xf32>
    %slice3A_4 = vector.extract_strided_slice %get3A_3 {offsets = [0, 80], sizes = [2048, 1], strides = [1, 1]} : vector<2048x128xf32> to vector<2048x1xf32>
    %max3A = arith.constant 1.000000e+00 : f32
    %max3A_5 = vector.broadcast %max3A : f32 to vector<2048x1xf32>
    %max3A_6 = arith.maximumf %slice3A_4, %max3A_5 : vector<2048x1xf32>
    %div3A = arith.constant 1.000000e+00 : f32
    %div3A_7 = vector.broadcast %div3A : f32 to vector<2048x1xf32>
    %div3A_8 = arith.divf %div3A_7, %max3A_6 : vector<2048x1xf32>
    %mul3A = vector.broadcast %div3A_8 : vector<2048x1xf32> to vector<2048x80xf32>
    %mul3A_9 = arith.mulf %slice3A, %mul3A : vector<2048x80xf32>
    %get3A_10 = arith.constant 0 : index
    %get3A_11 = arith.constant 0 : index
    %get3A_12 = vector.load %arg3[%get3A_10, %get3A_11] : memref<80x128xf32, #tpu.memory_space<vmem>>, vector<80x128xf32>
    %dot_general3A = arith.constant dense<0.000000e+00> : vector<2048x128xf32>
    %dot_general3A_13 = tpu.matmul %mul3A_9, %get3A_12, %dot_general3A {dimension_numbers = #tpu.dot_dimension_numbers<[1], [0], [0], [1], [0, 0, 1, 1], [], []>, transpose_lhs_hint = false} : vector<2048x80xf32>, vector<80x128xf32>, vector<2048x128xf32> -> vector<2048x128xf32>
    %get3A_14 = arith.constant 0 : index
    %get3A_15 = arith.constant 0 : index
    %get3A_16 = vector.load %arg4[%get3A_14, %get3A_15] : memref<1x128xf32, #tpu.memory_space<vmem>>, vector<1x128xf32>
    %add3A = vector.broadcast %get3A_16 : vector<1x128xf32> to vector<2048x128xf32>
    %add3A_17 = arith.addf %dot_general3A_13, %add3A : vector<2048x128xf32>
    %get3A_18 = arith.constant 0 : index
    %get3A_19 = arith.constant 0 : index
    %get3A_20 = vector.load %arg5[%get3A_18, %get3A_19] : memref<8x128xf32, #tpu.memory_space<vmem>>, vector<1x128xf32>
    %div3A_21 = arith.constant 6.553600e+04 : f32
    %div3A_22 = vector.broadcast %div3A_21 : f32 to vector<1x128xf32>
    %div3A_23 = arith.divf %get3A_20, %div3A_22 : vector<1x128xf32>
    %get3A_24 = arith.constant 1 : index
    %get3A_25 = arith.constant 0 : index
    %get3A_26 = vector.load %arg5[%get3A_24, %get3A_25] : memref<8x128xf32, #tpu.memory_space<vmem>>, vector<1x128xf32>
    %div3A_27 = arith.constant 6.553600e+04 : f32
    %div3A_28 = vector.broadcast %div3A_27 : f32 to vector<1x128xf32>
    %div3A_29 = arith.divf %get3A_26, %div3A_28 : vector<1x128xf32>
    %mul3A_30 = arith.mulf %div3A_23, %div3A_23 : vector<1x128xf32>
    %sub3A = arith.subf %div3A_29, %mul3A_30 : vector<1x128xf32>
    %get3A_31 = arith.constant 0 : index
    %get3A_32 = arith.constant 0 : index
    %get3A_33 = vector.load %arg6[%get3A_31, %get3A_32] : memref<1x128xf32, #tpu.memory_space<vmem>>, vector<1x128xf32>
    %add3A_34 = arith.constant 9.99999974E-6 : f32
    %add3A_35 = vector.broadcast %add3A_34 : f32 to vector<1x128xf32>
    %add3A_36 = arith.addf %sub3A, %add3A_35 : vector<1x128xf32>
    %rsqrt3A = math.rsqrt %add3A_36 : vector<1x128xf32>
    %mul3A_37 = arith.mulf %get3A_33, %rsqrt3A : vector<1x128xf32>
    %get3A_38 = arith.constant 0 : index
    %get3A_39 = arith.constant 0 : index
    %get3A_40 = vector.load %arg7[%get3A_38, %get3A_39] : memref<1x128xf32, #tpu.memory_space<vmem>>, vector<1x128xf32>
    %mul3A_41 = arith.mulf %div3A_23, %mul3A_37 : vector<1x128xf32>
    %sub3A_42 = arith.subf %get3A_40, %mul3A_41 : vector<1x128xf32>
    %mul3A_43 = vector.broadcast %mul3A_37 : vector<1x128xf32> to vector<2048x128xf32>
    %mul3A_44 = arith.mulf %add3A_17, %mul3A_43 : vector<2048x128xf32>
    %add3A_45 = vector.broadcast %sub3A_42 : vector<1x128xf32> to vector<2048x128xf32>
    %add3A_46 = arith.addf %mul3A_44, %add3A_45 : vector<2048x128xf32>
    %max3A_47 = arith.constant 0.000000e+00 : f32
    %max3A_48 = vector.broadcast %max3A_47 : f32 to vector<2048x128xf32>
    %max3A_49 = arith.maximumf %add3A_46, %max3A_48 : vector<2048x128xf32>
    %transpose3A = tpu.transpose %max3A_49, [1, 0] : vector<2048x128xf32> -> vector<128x2048xf32>
    %swap3A = arith.constant 0 : index
    %swap3A_50 = arith.constant 0 : index
    %swap3A_51 = arith.constant 0 : index
    %swap3A_52 = vector.load %arg8[%swap3A, %swap3A_50, %swap3A_51] : memref<1x128x2048xf32, #tpu.memory_space<vmem>>, vector<1x128x2048xf32>
    %swap3A_53 = vector.shape_cast %swap3A_52 : vector<1x128x2048xf32> to vector<128x2048xf32>
    %swap3A_54 = vector.shape_cast %transpose3A : vector<128x2048xf32> to vector<1x128x2048xf32>
    tpu.vector_store %arg8[%swap3A, %swap3A_50, %swap3A_51], %swap3A_54 {strides = array<i32>} : memref<1x128x2048xf32, #tpu.memory_space<vmem>>, vector<1x128x2048xf32>,
    return
  }
  func.func @transform_0(%arg0: i32, %arg1: i32) -> (i32, i32, i32) {
    %c0_i32 = arith.constant 0 : i32
    %c0_i32_0 = arith.constant 0 : i32
    return %arg0, %arg1, %c0_i32 : i32, i32, i32
  }
  func.func @transform_1(%arg0: i32, %arg1: i32) -> (i32, i32) {
    %c0_i32 = arith.constant 0 : i32
    %c0_i32_0 = arith.constant 0 : i32
    %c0_i32_1 = arith.constant 0 : i32
    return %c0_i32, %c0_i32_0 : i32, i32
  }
  func.func @transform_2(%arg0: i32, %arg1: i32) -> (i32, i32) {
    %c0_i32 = arith.constant 0 : i32
    %c0_i32_0 = arith.constant 0 : i32
    %c0_i32_1 = arith.constant 0 : i32
    return %c0_i32, %c0_i32_0 : i32, i32
  }
  func.func @transform_3(%arg0: i32, %arg1: i32) -> (i32, i32) {
    %c0_i32 = arith.constant 0 : i32
    %c0_i32_0 = arith.constant 0 : i32
    %c0_i32_1 = arith.constant 0 : i32
    return %c0_i32, %c0_i32_0 : i32, i32
  }
  func.func @transform_4(%arg0: i32, %arg1: i32) -> (i32, i32) {
    %c0_i32 = arith.constant 0 : i32
    %c0_i32_0 = arith.constant 0 : i32
    %c0_i32_1 = arith.constant 0 : i32
    return %c0_i32, %c0_i32_0 : i32, i32
  }
  func.func @transform_5(%arg0: i32, %arg1: i32) -> (i32, i32) {
    %c0_i32 = arith.constant 0 : i32
    %c0_i32_0 = arith.constant 0 : i32
    %c0_i32_1 = arith.constant 0 : i32
    return %c0_i32, %c0_i32_0 : i32, i32
  }
  func.func @transform_6(%arg0: i32, %arg1: i32) -> (i32, i32, i32) {
    %c0_i32 = arith.constant 0 : i32
    %c0_i32_0 = arith.constant 0 : i32
    return %arg0, %c0_i32, %arg1 : i32, i32, i32
  }
}

</mosaic_0001>

<sc_bundles>
// kernel: kernel.6.cloned.1.call-start
scs
__scs_entry_jumppad:
0x0: {  	(pc) =	sbr.rel $0x88, $3  }
0x1: {  	(tag) =	ssettag $0x0;
	lr =	simm.s32 $0x1  }
0x2: {  	[smem:$0x3F98] =	sst lr;
	_ =	strace $0xD0000000  }
0x3: {  	_ = 	snop  }
0x4: {  	_ = 	snop  }
0x5: {  	_ = 	snop  }
0x6: {  	_ = 	snop  }
0x7: {  	_ = 	snop  }
__scs_overlays_trampoline_lowered:
0x8: {  	[smem:$0x3FA7] =	sst s0  }
0x9: {  	[smem:$0x3FA8] =	sst s1  }
0xa: {  	[smem:$0x3FA9] =	sst s2  }
0xb: {  	[smem:$0x3FAA] =	sst s3  }
0xc: {  	[smem:$0x3FAB] =	sst s4  }
0xd: {  	[smem:$0x3FAC] =	sst s5  }
0xe: {  	[smem:$0x3FAD] =	sst s6  }
0xf: {  	[smem:$0x3FAE] =	sst s7  }
0x10: {  	[smem:$0x3FAF] =	sst s8  }
0x11: {  	[smem:$0x3FB0] =	sst s9;
	s0 =	simm.s32 @!p0 $0x0  }
0x12: {  	s1 =	sld [smem:$0x3F96];
	s0 =	simm.s32 @p0 $0x1  }
0x13: {  	[smem:$0x3FB1] =	sst s0;
	s0 =	simm.s32 @!p1 $0x0  }
0x14: {  	s2 =	sld [smem:$0x3F95];
	s0 =	simm.s32 @p1 $0x1  }
0x15: {  	[smem:$0x3FB2] =	sst s0;
	s0 =	simm.s32 @!p2 $0x0  }
0x16: {  	s3 =	sld [smem:$0x3FDB];
	s0 =	simm.s32 @p2 $0x1  }
0x17: {  	s4 =	simm.s32 $0x1BF5;
	[smem:$0x3FB4] =	sst s0  }
0x18: {  	s0 =	sld [smem:$0x3F97];
	_ =	swait.ge [sflag:s4], $0x0  }
0x19: {  	s7 =	sld [smem:$0x3F98]  }
0x1a: {  	s8 =	sadd.s32 $0xFFFFE003, lr  }
0x1b: {  	s9 =	sadd.s32 $0xFFFFFEF7, lr;
	s5 =	simm.s32 $0xFFFFFFFF;
	p2 =	slt.u32 s8, $0xFFFFF086  }
0x1c: {  	p1 =	slt.u32 s9, $0xF7A;
	s5 =	simm.s32 @!p2 $0x0  }
0x1d: {  	s5 =	simm.s32 @p1 $0x1;
	p0 =	seq.s32 s7, s2  }
0x1e: {  	s7 =	smul.u32 @!p0 $0xF7A, s2;
	p2 =	seq.s32 @!p0 s5, $0x0  }
0x1f: {  	s9 =	smul.u32 $0xF7A, s1;
	s8 =	simm.s32 @!p0 $0x1BF5;
	p2 =	por !p2, p0  }
0x20: {  	[sflag:s8] =	ssyncset.s32 @!p0 $0xFFFFF086;
	s6 =	sadd.s32 @!p0 s3, s7;
	s7 =	simm.s32 @!p0 $0x108  }
0x21: {  	s3 =	sadd.s32 s3, s9;
	s6 =	sadd.s32 @!p0 $0x88, s6;
	s7 =	simm.s32 @p2 $0x1082  }
0x22: {  	[simem:s7], [sflag:s8] =	dma.local @!p0 [hbm:s6], $0xF7A  }
0x23: {  	s9 =	sor.u32 $0xD0000000, s2;
	s6 =	simm.s32 $0x108;
	_ =	swait.ge @!p0 [sflag:s8], $0x0  }
0x24: {  	s3 =	sadd.s32 $0x88, s3;
	s6 =	simm.s32 @!p1 $0x1082;
	[sflag:s4] =	ssyncset.s32 $0xFFFFF086  }
0x25: {  	[simem:s6], [sflag:s4] =	dma.local [hbm:s3], $0xF7A  }
0x26: {  	[smem:$0x3F98] =	sst s1;
	(tag) =	ssettag s2;
	_ =	strace s9  }
0x27: {  	s1 =	sld [smem:$0x3FA8]  }
0x28: {  	s2 =	sld [smem:$0x3FA9]  }
0x29: {  	s4 =	sld [smem:$0x3FAB]  }
0x2a: {  	p0 =	seq.s32 s5, $0x0;
	s5 =	sld [smem:$0x3FAC]  }
0x2b: {  	s6 =	sld [smem:$0x3FAD]  }
0x2c: {  	s7 =	sld [smem:$0x3FAE]  }
0x2d: {  	s3 =	simm.s32 $0x108;
	s8 =	sld [smem:$0x3FAF]  }
0x2e: {  	s3 =	simm.s32 @!p0 $0x1082;
	s9 =	sld [smem:$0x3FB0]  }
0x2f: {  	lr =	sadd.s32 s0, s3;
	s0 =	sld [smem:$0x3FA7]  }
0x30: {  	s3 =	sld [smem:$0x3FAA]  }
0x31: {  	[smem:$0x3FB3] =	sst s10  }
0x32: {  	s10 =	sld [smem:$0x3FB1];
	_ =	sdelay $0x3  }
0x33: {  	p0 =	seq.s32 s10, $0x1;
	s10 =	sld [smem:$0x3FB3];
	_ =	sdelay $0x3  }
0x34: {  	[smem:$0x3FB3] =	sst s10  }
0x35: {  	s10 =	sld [smem:$0x3FB2];
	_ =	sdelay $0x3  }
0x36: {  	p1 =	seq.s32 s10, $0x1;
	s10 =	sld [smem:$0x3FB3];
	_ =	sdelay $0x3  }
0x37: {  	[smem:$0x3FB3] =	sst s10  }
0x38: {  	s10 =	sld [smem:$0x3FB4]  }
0x39: {  	_ = 	snop;
	(pc) =	sbr.ind lr, $3  }
0x3a: {  	_ = 	snop  }
0x3b: {  	_ = 	snop  }
0x3c: {  	p2 =	seq.s32 s10, $0x1;
	s10 =	sld [smem:$0x3FB3]  }
0x3d: {  	_ =	shalt  }
0x3e: {  	_ =	shalt  }
0x3f: {  	_ =	shalt  }
0x40: {  	_ =	shalt  }
0x41: {  	_ =	shalt  }
0x42: {  	_ =	shalt  }
0x43: {  	_ =	shalt  }
0x44: {  	_ =	shalt  }
0x45: {  	_ =	shalt  }
0x46: {  	_ =	shalt  }
0x47: {  	_ =	shalt  }
0x48: {  	_ =	shalt  }
0x49: {  	_ =	shalt  }
0x4a: {  	_ =	shalt  }
0x4b: {  	_ =	shalt  }
0x4c: {  	_ =	shalt  }
0x4d: {  	_ =	shalt  }
0x4e: {  	_ =	shalt  }
0x4f: {  	_ =	shalt  }
0x50: {  	_ =	shalt  }
0x51: {  	_ =	shalt  }
0x52: {  	_ =	shalt  }
0x53: {  	_ =	shalt  }
0x54: {  	_ =	shalt  }
0x55: {  	_ =	shalt  }
0x56: {  	_ =	shalt  }
0x57: {  	_ =	shalt  }
0x58: {  	_ =	shalt  }
0x59: {  	_ =	shalt  }
0x5a: {  	_ =	shalt  }
0x5b: {  	_ =	shalt  }
0x5c: {  	_ =	shalt  }
0x5d: {  	_ =	shalt  }
0x5e: {  	_ =	shalt  }
0x5f: {  	_ =	shalt  }
0x60: {  	_ =	shalt  }
0x61: {  	_ =	shalt  }
0x62: {  	_ =	shalt  }
0x63: {  	_ =	shalt  }
0x64: {  	_ =	shalt  }
0x65: {  	_ =	shalt  }
0x66: {  	_ =	shalt  }
0x67: {  	_ =	shalt  }
0x68: {  	_ =	shalt  }
0x69: {  	_ =	shalt  }
0x6a: {  	_ =	shalt  }
0x6b: {  	_ =	shalt  }
0x6c: {  	_ =	shalt  }
0x6d: {  	_ =	shalt  }
0x6e: {  	_ =	shalt  }
0x6f: {  	_ =	shalt  }
0x70: {  	_ =	shalt  }
0x71: {  	_ =	shalt  }
0x72: {  	_ =	shalt  }
0x73: {  	_ =	shalt  }
0x74: {  	_ =	shalt  }
0x75: {  	_ =	shalt  }
0x76: {  	_ =	shalt  }
0x77: {  	_ =	shalt  }
0x78: {  	_ =	shalt  }
0x79: {  	_ =	shalt  }
0x7a: {  	_ =	shalt  }
0x7b: {  	_ =	shalt  }
0x7c: {  	_ =	shalt  }
0x7d: {  	_ =	shalt  }
0x7e: {  	_ =	shalt  }
0x7f: {  	_ =	shalt  }
0x80: {  	_ =	shalt  }
0x81: {  	_ =	shalt  }
0x82: {  	_ =	shalt  }
0x83: {  	_ =	shalt  }
0x84: {  	_ =	shalt  }
0x85: {  	_ =	shalt  }
0x86: {  	_ =	shalt  }
0x87: {  	_ =	shalt  }
.Lfunc_end0:
.L_simem_size_0:
called_computation.1_lowered:
.L_overlay_start_0:
0x88: {  	s2 =	sld [smem:$0x3FD9]  }
0x89: {  	s3 =	sld [smem:$0x3FFE];
	_ =	sdelay $0x1  }
0x8a: {  	s1 =	srdreg.scid  }
0x8b: {  	s0 =	sand.u32 $0x1, s1  }
0x8c: {  	s17 =	sshll.u32 s0, $0xA;
	s2 =	sadd.s32 s3, s2  }
0x8d: {  	s2 =	sadd.s32 s2, s17  }
0x8e: {  	[smem:$0x3FBF] =	sst s2  }
0x8f: {  	_ = 	snop  }
0x90: {  	s2 =	sld [smem:$0x3FD0];
	(tm) =	ssettm $0x1  }
0x91: {  	s18 =	sld [smem:$0x3FFB];
	_ =	sdelay $0x3  }
0x92: {  	_ =	strace s18  }
0x93: {  	s3 =	sld [smem:$0x3FFC];
	_ =	sdelay $0x3  }
0x94: {  	_ =	strace s3  }
0x95: {  	s3 =	sld [smem:$0x3FFD];
	_ =	sdelay $0x3  }
0x96: {  	_ =	strace s3  }
0x97: {  	_ =	strace $0x8FFFFFFF  }
0x98: {  	s19 =	sld [smem:$0x3FDB];
	_ =	sdelay $0x1  }
0x99: {  	s4 =	simm.s32 $_scs_section_size  }
0x9a: {  	s5 =	simm.s32 $_size__tile_overlayer_lowered;
	s6 =	simm.s32 $_tile_overlayer_lowered  }
0x9b: {  	s22 =	simm.s32 $0x1BFF;
	s21 =	sshll.u32 s6, $0x1;
	s3 =	sadd.s32 s4, s19  }
0x9c: {  	s7 =	simm.s32 $0x0;
	s20 =	sshll.u32 s5, $0x1;
	s5 =	sadd.s32 s21, s3  }
0x9d: {  	[timem:s7], [sflag:s22] =	dma.local [hbm:s5], s20  }
0x9e: {  	_ =	swait.ge [sflag:s22], s20  }
0x9f: {  	s4 =	ssub.s32 $0x0, s20;
	[sflag:s22] =	ssyncset.done $0x0  }
0xa0: {  	[sflag:s22] =	ssyncadd.s32 s4;
	_ =	sdelay $0x1  }
0xa1: {  	s23 =	simm.s32 $0x1B8B  }
0xa2: {  	_ =	swait.ge [sflag:s23], $0x1  }
0xa3: {  	[sflag:s23] =	ssyncset.done $0x0  }
0xa4: {  	s25 =	simm.s32 $0x1B8E;
	s24 =	sld [smem:$0x3FFE];
	[sflag:s23] =	ssyncadd.s32 $0xFFFFFFFF  }
0xa5: {  	s26 =	simm.s32 $execute0_lowered;
	[smem:$0x3FD2] =	sst s25  }
0xa6: {  	s5 =	sshll.u32 s26, $0x1;
	_ =	strace $0x80000046;
	[dreg:$0x1] =	wrdreg $0xFFFFFFFF  }
0xa7: {  	s28 =	simm.s32 $_size_execute0_lowered;
	s3 =	sadd.s32 s3, s5;
	[dreg:$0x0] =	wrdreg $0x0  }
0xa8: {  	s5 =	sshll.u32 s28, $0x1;
	[dreg:$0x2] =	wrdreg s3  }
0xa9: {  	[dreg:$0x3] =	wrdreg s5  }
0xaa: {  	[dreg:$0x4] =	wrdreg $0xC0  }
0xab: {  	_ =	task [dreg:s7], $0x5FFFF  }
0xac: {  	[dreg:$0x1] =	wrdreg $0xFFFFFFFF  }
0xad: {  	[dreg:$0x0] =	wrdreg $0x60  }
0xae: {  	[dreg:$0x2] =	wrdreg s24  }
0xaf: {  	[dreg:$0x3] =	wrdreg s2  }
0xb0: {  	[dreg:$0x4] =	wrdreg $0x0  }
0xb1: {  	[dreg:$0x5] =	wrdreg $0x9  }
0xb2: {  	_ =	task.clear_ibuf [dreg:s7], $0x6FFFF;
	_ =	strace $0x90000046  }
0xb3: {  	s29 =	simm.s32 $0x9;
	_ =	strace $0x80000048  }
0xb4: {  	_ =	swait.ge [sflag:s29], $0x1  }
0xb5: {  	[sflag:s29] =	ssyncadd.s32 $0xFFFFFFFF  }
0xb6: {  	_ =	strace $0x90000048  }
0xb7: {  	_ =	sfence  }
0xb8: {  	s30 =	sld [smem:$0x0];
	_ =	sdelay $0x2  }
0xb9: {  	s31 =	sshll.u32 s1, $0xD;
	s1 =	sshrl.u32 s1, $0x2  }
0xba: {  	s3 =	sand.u32 $0x4000, s31;
	s1 =	sadd.s32 s1, s30  }
0xbb: {  	s0 =	sor.u32 s3, s0;
	s1 =	sshll.u32 s1, $0x11  }
0xbc: {  	s0 =	sor.u32 s1, s0  }
0xbd: {  	s0 =	sadd.s32 $0x8F2B, s0  }
0xbe: {  	[sflag:s0] =	ssyncadd.remote.s32 $0x1  }
0xbf: {  	_ =	sfence.sel $0xFFFF  }
0xc0: {  	[dreg:$0x0] =	wrdreg $0xFFFFFFFF;
	(pc) =	sbr.abs _section_cstart, $3  }
0xc1: {  	[dreg:$0x1] =	wrdreg $0xFFFFFFFF  }
0xc2: {  	_ =	task.clear_ibuf [dreg:s7], $0x2FFFF;
	_ =	strace $0x9FFFFFFF  }
0xc3: {  	(tm) =	ssettm $0x7FFFFFFF  }
tec
execute0_lowered:
.L_overlay_start_1:
0x0: {  	(tag) =	ssettag $0x1  }
0x1: {  	s0 =	srdreg.scid  }
0x2: {  	s6 =	sand.u32 $0x1, s0;
	s0 =	stileid.u32  }
0x3: {  	s8 =	rddreg [dreg:$0x1];
	s1 =	ssub.s32 $0x2, s6;
	s2 =	sshll.u32 s0, $0x10  }
0x4: {  	s9 =	sshll.u32 s6, $0x16;
	s7 =	smul.u32 $0x61A80, s6;
	s15 =	sshllo.u32 s6, $0x1  }
0x5: {  	s6 =	smul.u32 $0x61A800, s6;
	p0 =	sne.s32 s0, $0xA;
	s3 =	sshrl.u32 s1, $0x1  }
0x6: {  	s25 =	sor.u32 s2, s9;
	s4 =	sor.u32 $0x8000, s2;
	s29 =	sor.u32 $0x100000, s2  }
0x7: {  	s12 =	sor.u32 $0x104000, s2;
	s14 =	sor.u32 $0x108000, s2;
	s21 =	sor.u32 $0x10C000, s2  }
0x8: {  	s22 =	sshll.u32 s15, $0x15;
	s1 =	ssub.s32 s1, s3;
	s5 =	sshrl.u32 s25, $0x3  }
0x9: {  	s3 =	sor.u32 $0x4000, s2;
	s10 =	sor.u32 s9, s4;
	s18 =	sor.u32 s9, s29  }
0xa: {  	s13 =	sor.u32 s9, s12;
	s20 =	sor.u32 s9, s14;
	s16 =	sor.u32 s2, s22  }
0xb: {  	s12 =	sor.u32 s12, s22;
	s14 =	sor.u32 s14, s22;
	s5 =	sadd.s32 s8, s5  }
0xc: {  	s26 =	sor.u32 s9, s3;
	s10 =	sshrl.u32 s10, $0x3;
	s13 =	sshrl.u32 s13, $0x3  }
0xd: {  	s17 =	sor.u32 s3, s22;
	s23 =	sshrl.u32 s16, $0x3;
	s16 =	smul.u32 $0x30D40, s15  }
0xe: {  	s1 =	smax.u32 s1, $0x1;
	[dreg:$0x4] =	wrdreg s5;
	s11 =	sshrl.u32 s26, $0x3  }
0xf: {  	s5 =	sor.u32 $0xC000, s2;
	s10 =	sadd.s32 s8, s10;
	s19 =	sadd.s32 s8, s13  }
0x10: {  	s24 =	sshrl.u32 s17, $0x3;
	s26 =	sor.u32 s4, s22;
	s17 =	rddreg [dreg:$0x0]  }
0x11: {  	s13 =	sor.u32 s21, s22;
	s11 =	sadd.s32 s8, s11;
	[dreg:$0x6] =	wrdreg s10  }
0x12: {  	s28 =	sor.u32 s9, s5;
	[dreg:$0x9] =	wrdreg s19;
	s9 =	sor.u32 s9, s21  }
0x13: {  	s25 =	sadd.s32 s8, s24;
	s13 =	sshrl.u32 s13, $0x3;
	s24 =	sshll.u32 s0, $0xB  }
0x14: {  	s30 =	sadd.s32 $0x19E00, s17;
	[dreg:$0x5] =	wrdreg s11;
	s10 =	sshrl.u32 s28, $0x3  }
0x15: {  	s9 =	sshrl.u32 s9, $0x3;
	[dreg:$0xd] =	wrdreg s25;
	s11 =	sor.u32 s29, s22  }
0x16: {  	s10 =	sadd.s32 s8, s10;
	s9 =	sadd.s32 s8, s9;
	s29 =	sshrl.u32 s11, $0x3  }
0x17: {  	s11 =	sshrl.u32 s12, $0x3;
	s12 =	sshrl.u32 s14, $0x3;
	[dreg:$0x7] =	wrdreg s10  }
0x18: {  	s14 =	sshll.u32 s0, $0x7;
	s10 =	sshrl.u32 s18, $0x3;
	[dreg:$0xb] =	wrdreg s9  }
0x19: {  	s9 =	sadd.s32 s8, s23;
	s18 =	sadd.s32 $0xC36600, s17;
	s10 =	sadd.s32 s8, s10  }
0x1a: {  	[dreg:$0xc] =	wrdreg s9;
	s9 =	sshrl.u32 s26, $0x3;
	s6 =	sadd.s32 s6, s18  }
0x1b: {  	[dreg:$0x8] =	wrdreg s10;
	s10 =	sshrl.u32 s20, $0x3;
	s9 =	sadd.s32 s8, s9  }
0x1c: {  	s20 =	simm.s32 $0x0;
	s10 =	sadd.s32 s8, s10;
	[dreg:$0xe] =	wrdreg s9  }
0x1d: {  	s6 =	sadd.s32 s24, s6;
	[dreg:$0xa] =	wrdreg s10;
	s10 =	sor.u32 s5, s22  }
0x1e: {  	[smem:$0x7FF] =	sst s20;
	s28 =	sshrl.u32 s10, $0x3;
	s10 =	sadd.s32 s8, s29  }
0x1f: {  	s24 =	sadd.s32 $0x1600, s17;
	s9 =	sadd.s32 s8, s28;
	[dreg:$0x10] =	wrdreg s10  }
0x20: {  	[dreg:$0xf] =	wrdreg s9;
	s9 =	sadd.s32 s8, s11;
	s11 =	sadd.s32 s14, s7  }
0x21: {  	s7 =	sadd.s32 $0x30D00, s7;
	[dreg:$0x11] =	wrdreg s9;
	s9 =	sadd.s32 s8, s12  }
0x22: {  	s8 =	sadd.s32 s8, s13;
	s21 =	sshll.u32 s7, $0x4;
	[dreg:$0x12] =	wrdreg s9  }
0x23: {  	[dreg:$0x13] =	wrdreg s8;
	s8 =	sadd.s32 s14, s16;
	s9 =	sadd.s32 $0x30D00, s16  }
0x24: {  	s7 =	sshrl.u32 s7, $0x3;
	s22 =	sshll.u32 s8, $0x4;
	s23 =	sshll.u32 s9, $0x4  }
0x25: {  	s14 =	sadd.s32 s18, s22;
	s25 =	sadd.s32 s18, s23;
	s23 =	rddreg [dreg:$0x2]  }
0x26: {  	s26 =	smul.u32 $0x41000, s0;
	s7 =	sadd.s32 s24, s7;
	[dreg:$0x16] =	wrdreg s14  }
0x27: {  	s2 =	sadd.s32 s2, s23;
	_ =	strace $0x80000047;
	[dreg:$0x19] =	wrdreg s7  }
0x28: {  	s28 =	sshrl.u32 s26, $0x2;
	s3 =	sadd.s32 s3, s23;
	[dreg:$0x1a] =	wrdreg s2  }
0x29: {  	s19 =	sshll.u32 s11, $0x4;
	s4 =	sadd.s32 s4, s23;
	[dreg:$0x1b] =	wrdreg s3  }
0x2a: {  	s29 =	sshrl.u32 s11, $0x3;
	s10 =	sadd.s32 $0x800, s11;
	[dreg:$0x1c] =	wrdreg s4  }
0x2b: {  	s15 =	sadd.s32 $0x1000, s11;
	s31 =	sadd.s32 s18, s19;
	[smem:$0x7F7] =	sst s1  }
0x2c: {  	s13 =	sadd.s32 s18, s21;
	s12 =	sadd.s32 s24, s29;
	[smem:$0x7F8] =	sst s15  }
0x2d: {  	s16 =	sadd.s32 $0x31540, s11;
	s8 =	sshrl.u32 s8, $0x3;
	[dreg:$0x14] =	wrdreg s31  }
0x2e: {  	s18 =	sadd.s32 $0x31D40, s11;
	s26 =	sadd.s32 s28, s23;
	[dreg:$0x15] =	wrdreg s13  }
0x2f: {  	s14 =	sshrl.u32 s9, $0x3;
	s7 =	sadd.s32 s5, s23;
	[dreg:$0x17] =	wrdreg s25  }
0x30: {  	s2 =	sadd.s32 s24, s8;
	s3 =	sshrl.u32 s10, $0x3;
	[dreg:$0x18] =	wrdreg s12  }
0x31: {  	s1 =	sshrl.u32 s16, $0x3;
	s8 =	sadd.s32 $0x315400, s6;
	[dreg:$0x1d] =	wrdreg s7  }
0x32: {  	s21 =	sadd.s32 $0x4000, s26;
	s22 =	sadd.s32 $0x8000, s26;
	[dreg:$0x1e] =	wrdreg s2  }
0x33: {  	s28 =	sadd.s32 $0xC000, s26;
	s29 =	sadd.s32 $0x10000, s26;
	[smem:$0x7FA] =	sst s21  }
0x34: {  	s15 =	simm.s32 $0x10400;
	s16 =	simm.s32 $0x3;
	[smem:$0x7FB] =	sst s22  }
0x35: {  	s4 =	simm.s32 $0x14400;
	s2 =	sadd.s32 s24, s14;
	[smem:$0x7FC] =	sst s28  }
0x36: {  	s17 =	sadd.s32 s3, s24;
	s7 =	sadd.s32 $0x8000, s6;
	[smem:$0x7FD] =	sst s29  }
0x37: {  	s9 =	sadd.s32 s1, s24;
	[dreg:$0x1f] =	wrdreg s2;
	s2 =	sshrl.u32 s18, $0x3  }
0x38: {  	s21 =	simm.s32 $0x4;
	s22 =	simm.s32 $0x0;
	s19 =	sadd.s32 s2, s24  }
0x39: {  	s18 =	simm.s32 $0x1;
	[smem:$0x7F9] =	sst s19;
	s19 =	simm.s32 $0x80  }
.LBB2_1:
0x3a: {  	[tilespmem:s15], [sflag:$0x3] =	stream.linear.gather [hbm4b:s30+s20], $0x4000, $0x38;
	[tilespmem:$0x1A580] =	vst v63  }
0x3b: {  	_ =	swait.ge [sflag:s16], $0x4000  }
0x3c: {  	[sflag:s16] =	ssyncset.done $0x0  }
0x3d: {  	[sflag:s16] =	ssyncadd.s32 $0xFFFFC000  }
0x3e: {  	[spmem:s26] =	stream.linear.scatter [tilespmem:s15], [sflag:$0x3], $0x4000, $0x38;
	[tilespmem:$0x1A580] =	vst v63  }
0x3f: {  	_ =	swait.ge [sflag:s16], $0x4000  }
0x40: {  	s1 =	sld [smem:$0x7FA]  }
0x41: {  	[sflag:s16] =	ssyncset.done $0x0  }
0x42: {  	[sflag:s16] =	ssyncadd.s32 $0xFFFFC000  }
0x43: {  	[spmem:s1] =	stream.linear.scatter [tilespmem:s15], [sflag:$0x3], $0x4000, $0x38;
	[tilespmem:$0x1A580] =	vst v63  }
0x44: {  	_ =	swait.ge [sflag:s16], $0x4000  }
0x45: {  	s11 =	sld [smem:$0x7FB]  }
0x46: {  	[sflag:s16] =	ssyncset.done $0x0  }
0x47: {  	[sflag:s16] =	ssyncadd.s32 $0xFFFFC000  }
0x48: {  	[spmem:s11] =	stream.linear.scatter [tilespmem:s15], [sflag:$0x3], $0x4000, $0x38;
	[tilespmem:$0x1A580] =	vst v63  }
0x49: {  	_ =	swait.ge [sflag:s16], $0x4000  }
0x4a: {  	s25 =	sld [smem:$0x7FC]  }
0x4b: {  	[sflag:s16] =	ssyncset.done $0x0  }
0x4c: {  	[sflag:s16] =	ssyncadd.s32 $0xFFFFC000  }
0x4d: {  	[spmem:s25] =	stream.linear.scatter [tilespmem:s15], [sflag:$0x3], $0x4000, $0x38;
	[tilespmem:$0x1A580] =	vst v63  }
0x4e: {  	_ =	swait.ge [sflag:s16], $0x4000  }
0x4f: {  	s29 =	sld [smem:$0x7FD]  }
0x50: {  	[sflag:s16] =	ssyncset.done $0x0  }
0x51: {  	[sflag:s16] =	ssyncadd.s32 $0xFFFFC000  }
0x52: {  	[spmem:s29] =	stream.linear.scatter [tilespmem:s15], [sflag:$0x3], $0x400, $0x38;
	[tilespmem:$0x1A580] =	vst v63  }
0x53: {  	_ =	swait.ge [sflag:s16], $0x400  }
0x54: {  	[sflag:s16] =	ssyncset.done $0x0  }
0x55: {  	s14 =	smov.u32 s30;
	s30 =	sadd.s32 $0x0, s0;
	[sflag:s16] =	ssyncadd.s32 $0xFFFFFC00  }
0x56: {  	s2 =	sadd.s32 $0x10, s30;
	[bflag:$0x0] =	sbarrier.arrive $0xFFFF  }
0x57: {  	[tilespmem:s4], [sflag:$0x1] =	stream.linear.gather [hbm4b:s12+s20], $0x80, $0x38;
	[tilespmem:$0x1A580] =	vst v63  }
0x58: {  	p1 =	sgt.u32 s2, $0x619  }
0x59: {  	[tilespmem:s15], [sflag:$0x1] =	stream.linear.gather [hbm4b:s31+s20], $0x4000, $0x38;
	[tilespmem:$0x1A580] =	vst v63  }
0x5a: {  	s5 =	simm.s32 @!p1 $0x0;
	s2 =	simm.s32 @!p1 $0x18480  }
0x5b: {  	[tilespmem:s2], [sflag:$0x2] =	stream.linear.gather @!p1 [hbm4b:s17+s5], $0x80, $0x38;
	[tilespmem:$0x1A580] =	vst v63  }
0x5c: {  	s3 =	simm.s32 @!p1 $0x14480;
	p1 =	por p1, p1  }
0x5d: {  	[tilespmem:s3], [sflag:$0x2] =	stream.linear.gather @!p1 [hbm4b:s7+s5], $0x4000, $0x38;
	[tilespmem:$0x1A580] =	vst v63  }
0x5e: {  	_ =	swait.ge [sflag:s18], $0x80  }
0x5f: {  	[sflag:s18] =	ssyncset.done $0x0  }
0x60: {  	[sflag:s18] =	ssyncadd.s32 $0xFFFFFF80  }
0x61: {  	_ =	swait.ge [sflag:s18], $0x4000  }
0x62: {  	[sflag:s18] =	ssyncset.done $0x0  }
0x63: {  	[sflag:s18] =	ssyncadd.s32 $0xFFFFC000  }
0x64: {  	v0 =	vld [tilespmem:$0x14440]  }
0x65: {  	v1 =	vld [tilespmem:$0x14450]  }
0x66: {  	v2 =	vld [tilespmem:$0x14430];
	_ =	sdelay $0x1  }
0x67: {  	v4 =	vld [tilespmem:$0x14420]  }
0x68: {  	v3 =	vld [tilespmem:$0x14470]  }
0x69: {  	v5 =	vld [tilespmem:$0x14400];
	v0 =	vmin.u32 v0, $0x2000  }
0x6a: {  	v2 =	vmin.u32 v2, $0x2000;
	[tilespmem:$0x14440] =	vst v0;
	v0 =	vmin.u32 v1, $0x2000;
	v1 =	vld [tilespmem:$0x14460]  }
0x6b: {  	v6 =	vld [tilespmem:$0x14410];
	[tilespmem:$0x14430] =	vst v2  }
0x6c: {  	s1 =	sadd.s32 $0x20, s30;
	v2 =	vmin.u32 v4, $0x2000;
	[tilespmem:$0x14450] =	vst v0  }
0x6d: {  	p3 =	sgt.u32 s1, $0x619;
	s1 =	sld [smem:$0x7F8];
	v0 =	vmin.u32 v3, $0x2000;
	[tilespmem:$0x14420] =	vst v2  }
0x6e: {  	[tilespmem:$0x14470] =	vst v0;
	v0 =	vmin.u32 v5, $0x2000  }
0x6f: {  	s25 =	smov.u32 s17;
	s20 =	smov.u32 s7;
	s5 =	simm.s32 $0x20;
	[tilespmem:$0x14400] =	vst v0;
	v1 =	vmin.u32 v1, $0x2000  }
0x70: {  	s28 =	sshrl.u32 @!p3 s1, $0x3;
	s10 =	sadd.s32 $0x1000, s1;
	s1 =	smov.u32 s7;
	v0 =	vmin.u32 v6, $0x2000;
	[tilespmem:$0x14460] =	vst v1  }
.LBB2_2:
0x71: {  	s20 =	sadd.s32 $0x10000, s20  }
0x72: {  	[tilespmem:$0x14410] =	vst v0;
	s25 =	sadd.s32 $0x200, s25;
	s6 =	smov.u32 s5;
	s5 =	sadd.s32 $0x20, s5  }
0x73: {  	[spmem:s23] =	stream.indirect.scatter.add.f32 [tilespmem:s15], [sflag:$0x4], $0x80, s4, s19, $0xb8;
	[tilespmem:$0x1A580] =	vst v63  }
0x74: {  	p2 =	sne.s32 s5, $0x620;
	_ =	swait.ge [sflag:s21], $0x4000  }
0x75: {  	s29 =	simm.s32 @!p3 $0x14400;
	[sflag:s21] =	ssyncset.done $0x0  }
0x76: {  	s28 =	sadd.s32 @!p3 s24, s28;
	s30 =	simm.s32 @!p3 $0x0;
	[sflag:s21] =	ssyncadd.s32 $0xFFFFC000  }
0x77: {  	[tilespmem:s29], [sflag:$0x1] =	stream.linear.gather @!p3 [hbm4b:s28+s30], $0x80, $0x38;
	[tilespmem:$0x1A580] =	vst v63  }
0x78: {  	s1 =	sadd.s32 @!p3 $0x8000, s1;
	s28 =	simm.s32 @!p3 $0x10400;
	s29 =	simm.s32 @!p1 $0x2  }
0x79: {  	[tilespmem:s28], [sflag:$0x1] =	stream.linear.gather @!p3 [hbm4b:s1+s30], $0x4000, $0x38;
	[tilespmem:$0x1A580] =	vst v63  }
0x7a: {  	s1 =	smov.u32 s20;
	_ =	swait.ge @!p1 [sflag:s29], $0x80  }
0x7b: {  	[sflag:s29] =	ssyncset.done @!p1 $0x0  }
0x7c: {  	[sflag:s29] =	ssyncadd.s32 @!p1 $0xFFFFFF80  }
0x7d: {  	_ =	swait.ge @!p1 [sflag:s29], $0x4000  }
0x7e: {  	[sflag:s29] =	ssyncset.done @!p1 $0x0  }
0x7f: {  	[sflag:s29] =	ssyncadd.s32 @!p1 $0xFFFFC000  }
0x80: {  	v0 =	vld @!p1 [tilespmem:$0x184B0]  }
0x81: {  	v1 =	vld @!p1 [tilespmem:$0x18480]  }
0x82: {  	v2 =	vld @!p1 [tilespmem:$0x18490]  }
0x83: {  	v3 =	vld @!p1 [tilespmem:$0x184C0]  }
0x84: {  	v4 =	vld @!p1 [tilespmem:$0x184D0]  }
0x85: {  	v0 =	vmin.u32 @!p1 v0, $0x2000;
	v5 =	vld @!p1 [tilespmem:$0x184E0]  }
0x86: {  	v1 =	vmin.u32 @!p1 v1, $0x2000;
	[tilespmem:$0x184B0] =	vst @!p1 v0;
	v0 =	vld @!p1 [tilespmem:$0x184F0]  }
0x87: {  	[tilespmem:$0x18480] =	vst @!p1 v1;
	v1 =	vmin.u32 @!p1 v2, $0x2000;
	v2 =	vld @!p1 [tilespmem:$0x184A0]  }
0x88: {  	[tilespmem:$0x18490] =	vst @!p1 v1;
	v1 =	vmin.u32 @!p1 v3, $0x2000  }
0x89: {  	[tilespmem:$0x184C0] =	vst @!p1 v1;
	v1 =	vmin.u32 @!p1 v4, $0x2000  }
0x8a: {  	[tilespmem:$0x184D0] =	vst @!p1 v1;
	v1 =	vmin.u32 @!p1 v5, $0x2000  }
0x8b: {  	[tilespmem:$0x184E0] =	vst @!p1 v1;
	v0 =	vmin.u32 @!p1 v0, $0x2000  }
0x8c: {  	v1 =	vmin.u32 @!p1 v2, $0x2000;
	[tilespmem:$0x184F0] =	vst @!p1 v0  }
0x8d: {  	s6 =	sadd.s32 s6, s0;
	s28 =	simm.s32 @!p1 $0x80;
	s29 =	simm.s32 @!p1 $0x3;
	[tilespmem:$0x184A0] =	vst @!p1 v1  }
0x8e: {  	[spmem:s23] =	stream.indirect.scatter.add.f32 @!p1 [tilespmem:s3], [sflag:$0x3], $0x80, s2, s28, $0xb8;
	[tilespmem:$0x1A580] =	vst v63  }
0x8f: {  	s2 =	sadd.s32 $0x10, s6;
	s3 =	sadd.s32 $0x20, s6;
	_ =	swait.ge @!p1 [sflag:s29], $0x4000  }
0x90: {  	p4 =	sgt.u32 s2, $0x619;
	p3 =	sgt.u32 s3, $0x619;
	[sflag:s29] =	ssyncset.done @!p1 $0x0  }
0x91: {  	s6 =	simm.s32 @!p4 $0x0;
	s2 =	simm.s32 @!p4 $0x18480;
	[sflag:s29] =	ssyncadd.s32 @!p1 $0xFFFFC000  }
0x92: {  	[tilespmem:s2], [sflag:$0x2] =	stream.linear.gather @!p4 [hbm4b:s25+s6], $0x80, $0x38;
	[tilespmem:$0x1A580] =	vst v63  }
0x93: {  	s3 =	simm.s32 @!p4 $0x14480;
	s28 =	sshrl.u32 @!p3 s10, $0x3;
	p1 =	por p4, p4  }
0x94: {  	[tilespmem:s3], [sflag:$0x2] =	stream.linear.gather @!p1 [hbm4b:s20+s6], $0x4000, $0x38;
	[tilespmem:$0x1A580] =	vst v63  }
0x95: {  	_ =	swait.ge [sflag:s18], $0x80  }
0x96: {  	[sflag:s18] =	ssyncset.done $0x0  }
0x97: {  	[sflag:s18] =	ssyncadd.s32 $0xFFFFFF80  }
0x98: {  	_ =	swait.ge [sflag:s18], $0x4000  }
0x99: {  	[sflag:s18] =	ssyncset.done $0x0  }
0x9a: {  	[sflag:s18] =	ssyncadd.s32 $0xFFFFC000  }
0x9b: {  	v0 =	vld [tilespmem:$0x14440]  }
0x9c: {  	v1 =	vld [tilespmem:$0x14450]  }
0x9d: {  	v2 =	vld [tilespmem:$0x14430]  }
0x9e: {  	v3 =	vld [tilespmem:$0x14470]  }
0x9f: {  	v4 =	vld [tilespmem:$0x14420]  }
0xa0: {  	v5 =	vld [tilespmem:$0x14400];
	v0 =	vmin.u32 v0, $0x2000  }
0xa1: {  	[tilespmem:$0x14440] =	vst v0;
	v0 =	vmin.u32 v1, $0x2000;
	v1 =	vld [tilespmem:$0x14460]  }
0xa2: {  	v6 =	vld [tilespmem:$0x14410];
	v2 =	vmin.u32 v2, $0x2000;
	[tilespmem:$0x14450] =	vst v0  }
.Ltmp0:
0xa3: {  	[tilespmem:$0x14430] =	vst v2;
	v0 =	vmin.u32 v3, $0x2000;
	(pc) =	sbr.rel @p2 .LBB2_2-.Ltmp0, $4  }
0xa4: {  	v2 =	vmin.u32 v4, $0x2000;
	[tilespmem:$0x14470] =	vst v0  }
0xa5: {  	v0 =	vmin.u32 v5, $0x2000;
	[tilespmem:$0x14420] =	vst v2  }
0xa6: {  	[tilespmem:$0x14400] =	vst v0;
	v1 =	vmin.u32 v1, $0x2000  }
0xa7: {  	s10 =	sadd.s32 $0x1000, s10;
	v0 =	vmin.u32 v6, $0x2000;
	[tilespmem:$0x14460] =	vst v1  }
0xa8: {  	[tilespmem:$0x14410] =	vst v0  }
0xa9: {  	[spmem:s23] =	stream.indirect.scatter.add.f32 [tilespmem:s15], [sflag:$0x4], $0x80, s4, s19, $0xb8;
	[tilespmem:$0x1A580] =	vst v63  }
0xaa: {  	_ =	swait.ge [sflag:s21], $0x4000  }
0xab: {  	s5 =	simm.s32 @!p3 $0x14400;
	[sflag:s21] =	ssyncset.done $0x0  }
0xac: {  	s6 =	sadd.s32 @!p3 s24, s28;
	s10 =	simm.s32 @!p3 $0x0;
	[sflag:s21] =	ssyncadd.s32 $0xFFFFC000  }
0xad: {  	[tilespmem:s5], [sflag:$0x1] =	stream.linear.gather @!p3 [hbm4b:s6+s10], $0x80, $0x38;
	[tilespmem:$0x1A580] =	vst v63  }
0xae: {  	s1 =	sadd.s32 @!p3 $0x8000, s1;
	s5 =	simm.s32 @!p3 $0x10400;
	s6 =	simm.s32 @!p1 $0x2  }
0xaf: {  	[tilespmem:s5], [sflag:$0x1] =	stream.linear.gather @!p3 [hbm4b:s1+s10], $0x4000, $0x38;
	[tilespmem:$0x1A580] =	vst v63  }
0xb0: {  	_ =	swait.ge @!p1 [sflag:s6], $0x80  }
0xb1: {  	[sflag:s6] =	ssyncset.done @!p1 $0x0  }
0xb2: {  	[sflag:s6] =	ssyncadd.s32 @!p1 $0xFFFFFF80  }
0xb3: {  	_ =	swait.ge @!p1 [sflag:s6], $0x4000  }
0xb4: {  	[sflag:s6] =	ssyncset.done @!p1 $0x0  }
0xb5: {  	[sflag:s6] =	ssyncadd.s32 @!p1 $0xFFFFC000  }
0xb6: {  	v0 =	vld @!p1 [tilespmem:$0x184B0]  }
0xb7: {  	v1 =	vld @!p1 [tilespmem:$0x18480]  }
0xb8: {  	v2 =	vld @!p1 [tilespmem:$0x18490]  }
0xb9: {  	v3 =	vld @!p1 [tilespmem:$0x184C0]  }
0xba: {  	v4 =	vld @!p1 [tilespmem:$0x184D0]  }
0xbb: {  	v5 =	vld @!p1 [tilespmem:$0x184E0];
	v0 =	vmin.u32 @!p1 v0, $0x2000  }
0xbc: {  	v1 =	vmin.u32 @!p1 v1, $0x2000;
	[tilespmem:$0x184B0] =	vst @!p1 v0;
	v0 =	vld @!p1 [tilespmem:$0x184F0]  }
0xbd: {  	[tilespmem:$0x18480] =	vst @!p1 v1;
	v1 =	vmin.u32 @!p1 v2, $0x2000;
	v2 =	vld @!p1 [tilespmem:$0x184A0]  }
0xbe: {  	[tilespmem:$0x18490] =	vst @!p1 v1;
	v1 =	vmin.u32 @!p1 v3, $0x2000  }
0xbf: {  	[tilespmem:$0x184C0] =	vst @!p1 v1;
	v1 =	vmin.u32 @!p1 v4, $0x2000  }
0xc0: {  	[tilespmem:$0x184D0] =	vst @!p1 v1;
	v1 =	vmin.u32 @!p1 v5, $0x2000  }
0xc1: {  	[tilespmem:$0x184E0] =	vst @!p1 v1;
	v0 =	vmin.u32 @!p1 v0, $0x2000  }
0xc2: {  	v1 =	vmin.u32 @!p1 v2, $0x2000;
	[tilespmem:$0x184F0] =	vst @!p1 v0  }
0xc3: {  	s1 =	simm.s32 @!p1 $0x80;
	s5 =	simm.s32 @!p1 $0x3;
	[tilespmem:$0x184A0] =	vst @!p1 v1  }
0xc4: {  	[spmem:s23] =	stream.indirect.scatter.add.f32 @!p1 [tilespmem:s3], [sflag:$0x3], $0x80, s2, s1, $0xb8;
	[tilespmem:$0x1A580] =	vst v63  }
0xc5: {  	_ =	swait.ge @!p1 [sflag:s5], $0x4000  }
0xc6: {  	s1 =	simm.s32 @!p0 $0x0;
	[sflag:s5] =	ssyncset.done @!p1 $0x0  }
0xc7: {  	s2 =	simm.s32 @!p0 $0x1A500;
	s3 =	rddreg [dreg:$0x19];
	[sflag:s5] =	ssyncadd.s32 @!p1 $0xFFFFC000  }
0xc8: {  	[tilespmem:s2], [sflag:$0x3] =	stream.linear.gather @!p0 [hbm4b:s3+s1], $0x40, $0x38;
	[tilespmem:$0x1A580] =	vst v63  }
0xc9: {  	s3 =	simm.s32 @!p0 $0x3  }
0xca: {  	_ =	swait.ge @!p0 [sflag:s3], $0x40  }
0xcb: {  	[sflag:s3] =	ssyncset.done @!p0 $0x0  }
0xcc: {  	s5 =	simm.s32 @!p0 $0x18500;
	[sflag:s3] =	ssyncadd.s32 @!p0 $0xFFFFFFC0  }
0xcd: {  	[tilespmem:s5], [sflag:$0x3] =	stream.linear.gather @!p0 [hbm4b:s13+s1], $0x2000, $0x38;
	[tilespmem:$0x1A580] =	vst v63  }
0xce: {  	_ =	swait.ge @!p0 [sflag:s3], $0x2000  }
0xcf: {  	[sflag:s3] =	ssyncset.done @!p0 $0x0  }
0xd0: {  	[sflag:s3] =	ssyncadd.s32 @!p0 $0xFFFFE000  }
0xd1: {  	v0 =	vld @!p0 [tilespmem:$0x1A500]  }
0xd2: {  	v1 =	vld @!p0 [tilespmem:$0x1A510]  }
0xd3: {  	v2 =	vld @!p0 [tilespmem:$0x1A520]  }
0xd4: {  	v3 =	vld @!p0 [tilespmem:$0x1A530];
	_ =	sdelay $0x1  }
0xd5: {  	v0 =	vmin.u32 @!p0 v0, $0x2000  }
0xd6: {  	[tilespmem:$0x1A500] =	vst @!p0 v0;
	v0 =	vmin.u32 @!p0 v1, $0x2000  }
0xd7: {  	[tilespmem:$0x1A510] =	vst @!p0 v0;
	v0 =	vmin.u32 @!p0 v2, $0x2000  }
0xd8: {  	[tilespmem:$0x1A520] =	vst @!p0 v0;
	v0 =	vmin.u32 @!p0 v3, $0x2000  }
0xd9: {  	s1 =	simm.s32 @!p0 $0x40;
	[tilespmem:$0x1A530] =	vst @!p0 v0  }
0xda: {  	[spmem:s23] =	stream.indirect.scatter.add.f32 @!p0 [tilespmem:s5], [sflag:$0x3], $0x80, s2, s1, $0xb8;
	[tilespmem:$0x1A580] =	vst v63  }
0xdb: {  	_ =	swait.ge @!p0 [sflag:s3], $0x2000  }
0xdc: {  	[sflag:s3] =	ssyncset.done @!p0 $0x0  }
0xdd: {  	[sflag:s3] =	ssyncadd.s32 @!p0 $0xFFFFE000  }
0xde: {  	[bflag:$0x0] =	sbarrier.arrive $0xFFFF  }
0xdf: {  	s6 =	rddreg [dreg:$0x1a]  }
0xe0: {  	[tilespmem:s15], [sflag:$0x3] =	stream.linear.gather [spmem:s6], $0x4000, $0x38;
	[tilespmem:$0x1A580] =	vst v63  }
0xe1: {  	_ =	swait.ge [sflag:s16], $0x4000  }
0xe2: {  	[sflag:s16] =	ssyncset.done $0x0  }
0xe3: {  	s1 =	simm.s32 $0x0;
	s10 =	rddreg [dreg:$0x4];
	[sflag:s16] =	ssyncadd.s32 $0xFFFFC000  }
0xe4: {  	[hbm4b:s10+s1] =	stream.linear.scatter [tilespmem:s15], [sflag:$0x3], $0x4000, $0x38;
	[tilespmem:$0x1A580] =	vst v63  }
0xe5: {  	_ =	swait.ge [sflag:s16], $0x4000  }
0xe6: {  	[sflag:s16] =	ssyncset.done $0x0  }
0xe7: {  	s11 =	rddreg [dreg:$0x1b];
	[sflag:s16] =	ssyncadd.s32 $0xFFFFC000  }
0xe8: {  	[tilespmem:s15], [sflag:$0x3] =	stream.linear.gather [spmem:s11], $0x4000, $0x38;
	[tilespmem:$0x1A580] =	vst v63  }
0xe9: {  	_ =	swait.ge [sflag:s16], $0x4000  }
0xea: {  	[sflag:s16] =	ssyncset.done $0x0  }
0xeb: {  	s20 =	rddreg [dreg:$0x5];
	[sflag:s16] =	ssyncadd.s32 $0xFFFFC000  }
0xec: {  	[hbm4b:s20+s1] =	stream.linear.scatter [tilespmem:s15], [sflag:$0x3], $0x4000, $0x38;
	[tilespmem:$0x1A580] =	vst v63  }
0xed: {  	_ =	swait.ge [sflag:s16], $0x4000  }
0xee: {  	[sflag:s16] =	ssyncset.done $0x0  }
0xef: {  	s25 =	rddreg [dreg:$0x1c];
	[sflag:s16] =	ssyncadd.s32 $0xFFFFC000  }
0xf0: {  	[tilespmem:s15], [sflag:$0x3] =	stream.linear.gather [spmem:s25], $0x4000, $0x38;
	[tilespmem:$0x1A580] =	vst v63  }
0xf1: {  	_ =	swait.ge [sflag:s16], $0x4000  }
0xf2: {  	[sflag:s16] =	ssyncset.done $0x0  }
0xf3: {  	s30 =	rddreg [dreg:$0x6];
	[sflag:s16] =	ssyncadd.s32 $0xFFFFC000  }
0xf4: {  	[hbm4b:s30+s1] =	stream.linear.scatter [tilespmem:s15], [sflag:$0x3], $0x4000, $0x38;
	[tilespmem:$0x1A580] =	vst v63  }
0xf5: {  	_ =	swait.ge [sflag:s16], $0x4000  }
0xf6: {  	[sflag:s16] =	ssyncset.done $0x0  }
0xf7: {  	s3 =	rddreg [dreg:$0x1d];
	[sflag:s16] =	ssyncadd.s32 $0xFFFFC000  }
0xf8: {  	[tilespmem:s15], [sflag:$0x3] =	stream.linear.gather [spmem:s3], $0x4000, $0x38;
	[tilespmem:$0x1A580] =	vst v63  }
0xf9: {  	_ =	swait.ge [sflag:s16], $0x4000  }
0xfa: {  	[sflag:s16] =	ssyncset.done $0x0  }
0xfb: {  	s5 =	rddreg [dreg:$0x7];
	[sflag:s16] =	ssyncadd.s32 $0xFFFFC000  }
0xfc: {  	[hbm4b:s5+s1] =	stream.linear.scatter [tilespmem:s15], [sflag:$0x3], $0x4000, $0x38;
	[tilespmem:$0x1A580] =	vst v63  }
0xfd: {  	_ =	swait.ge [sflag:s16], $0x4000  }
0xfe: {  	[sflag:s16] =	ssyncset.done $0x0  }
0xff: {  	[sflag:s16] =	ssyncadd.s32 $0xFFFFC000  }
0x100: {  	[bflag:$0x0] =	sbarrier.arrive $0xFFFF  }
0x101: {  	[tilespmem:s15], [sflag:$0x3] =	stream.linear.gather [hbm4b:s14+s1], $0x4000, $0x38;
	[tilespmem:$0x1A580] =	vst v63  }
0x102: {  	_ =	swait.ge [sflag:s16], $0x4000  }
0x103: {  	[sflag:s16] =	ssyncset.done $0x0  }
0x104: {  	[sflag:s16] =	ssyncadd.s32 $0xFFFFC000  }
0x105: {  	[spmem:s26] =	stream.linear.scatter [tilespmem:s15], [sflag:$0x3], $0x4000, $0x38;
	[tilespmem:$0x1A580] =	vst v63  }
0x106: {  	_ =	swait.ge [sflag:s16], $0x4000  }
0x107: {  	s6 =	sld [smem:$0x7FA]  }
0x108: {  	[sflag:s16] =	ssyncset.done $0x0  }
0x109: {  	[sflag:s16] =	ssyncadd.s32 $0xFFFFC000  }
0x10a: {  	[spmem:s6] =	stream.linear.scatter [tilespmem:s15], [sflag:$0x3], $0x4000, $0x38;
	[tilespmem:$0x1A580] =	vst v63  }
0x10b: {  	_ =	swait.ge [sflag:s16], $0x4000  }
0x10c: {  	s10 =	sld [smem:$0x7FB]  }
0x10d: {  	[sflag:s16] =	ssyncset.done $0x0  }
0x10e: {  	[sflag:s16] =	ssyncadd.s32 $0xFFFFC000  }
0x10f: {  	[spmem:s10] =	stream.linear.scatter [tilespmem:s15], [sflag:$0x3], $0x4000, $0x38;
	[tilespmem:$0x1A580] =	vst v63  }
0x110: {  	_ =	swait.ge [sflag:s16], $0x4000  }
0x111: {  	s20 =	sld [smem:$0x7FC]  }
0x112: {  	[sflag:s16] =	ssyncset.done $0x0  }
0x113: {  	[sflag:s16] =	ssyncadd.s32 $0xFFFFC000  }
0x114: {  	[spmem:s20] =	stream.linear.scatter [tilespmem:s15], [sflag:$0x3], $0x4000, $0x38;
	[tilespmem:$0x1A580] =	vst v63  }
0x115: {  	_ =	swait.ge [sflag:s16], $0x4000  }
0x116: {  	s25 =	sld [smem:$0x7FD]  }
0x117: {  	[sflag:s16] =	ssyncset.done $0x0  }
0x118: {  	[sflag:s16] =	ssyncadd.s32 $0xFFFFC000  }
0x119: {  	[spmem:s25] =	stream.linear.scatter [tilespmem:s15], [sflag:$0x3], $0x400, $0x38;
	[tilespmem:$0x1A580] =	vst v63  }
0x11a: {  	_ =	swait.ge [sflag:s16], $0x400  }
0x11b: {  	[sflag:s16] =	ssyncset.done $0x0  }
0x11c: {  	[sflag:s16] =	ssyncadd.s32 $0xFFFFFC00  }
0x11d: {  	[bflag:$0x0] =	sbarrier.arrive $0xFFFF  }
0x11e: {  	[tilespmem:s4], [sflag:$0x1] =	stream.linear.gather [hbm4b:s12+s1], $0x80, $0x38;
	[tilespmem:$0x1A580] =	vst v63  }
0x11f: {  	s30 =	sadd.s32 $0x0, s0  }
0x120: {  	[tilespmem:s15], [sflag:$0x1] =	stream.linear.gather [hbm4b:s31+s1], $0x4000, $0x38;
	[tilespmem:$0x1A580] =	vst v63  }
0x121: {  	s31 =	sadd.s32 $0x10, s30  }
0x122: {  	p1 =	sgt.u32 s31, $0x619  }
0x123: {  	s2 =	simm.s32 @!p1 $0x0;
	s28 =	simm.s32 @!p1 $0x18480  }
0x124: {  	[tilespmem:s28], [sflag:$0x2] =	stream.linear.gather @!p1 [hbm4b:s17+s2], $0x80, $0x38;
	[tilespmem:$0x1A580] =	vst v63  }
0x125: {  	s29 =	simm.s32 @!p1 $0x14480;
	p1 =	por p1, p1  }
0x126: {  	[tilespmem:s29], [sflag:$0x2] =	stream.linear.gather @!p1 [hbm4b:s7+s2], $0x4000, $0x38;
	[tilespmem:$0x1A580] =	vst v63  }
0x127: {  	_ =	swait.ge [sflag:s18], $0x80  }
0x128: {  	[sflag:s18] =	ssyncset.done $0x0  }
0x129: {  	[sflag:s18] =	ssyncadd.s32 $0xFFFFFF80  }
0x12a: {  	_ =	swait.ge [sflag:s18], $0x4000  }
0x12b: {  	[sflag:s18] =	ssyncset.done $0x0  }
0x12c: {  	[sflag:s18] =	ssyncadd.s32 $0xFFFFC000  }
0x12d: {  	v0 =	vld [tilespmem:$0x14470]  }
0x12e: {  	v1 =	vld [tilespmem:$0x14460]  }
0x12f: {  	v3 =	vld [tilespmem:$0x14400]  }
0x130: {  	v59 =	vld [tilespmem:$0x14420]  }
0x131: {  	v2 =	vld [tilespmem:$0x14410];
	_ =	sdelay $0x1  }
0x132: {  	v6 =	vld [tilespmem:$0x14440];
	v60 =	vadd.s32 $0xFFFFC000, v0  }
0x133: {  	v7 =	vadd.s32 $0xFFFFE000, v1;
	v1 =	vadd.s32 $0xFFFFC000, v1;
	v0 =	vadd.s32 $0xFFFFE000, v0  }
0x134: {  	v9 =	vld [tilespmem:$0x14430];
	v62 =	vadd.s32 $0xFFFFE000, v3;
	v4 =	vadd.s32 $0xFFFFC000, v59;
	v3 =	vadd.s32 $0xFFFFC000, v3  }
0x135: {  	v8 =	vld [tilespmem:$0x14450];
	vm0 =	vlt.u32 v1, $0xFFFFE000;
	vm1 =	vlt.u32 v60, $0xFFFFE000;
	v1 =	vadd.s32 $0xFFFFC000, v2  }
0x136: {  	v2 =	vadd.s32 $0xFFFFE000, v2;
	vm11 =	vlt.u32 v4, $0xFFFFE000;
	v61 =	vsel vm0, $0x2000, v7  }
0x137: {  	vm12 =	vlt.u32 v3, $0xFFFFE000;
	v3 =	vadd.s32 $0xFFFFC000, v6;
	v0 =	vsel vm1, $0x2000, v0;
	[tilespmem:$0x14460] =	vst v61  }
0x138: {  	vm10 =	vlt.u32 v1, $0xFFFFE000;
	v1 =	vadd.s32 $0xFFFFE000, v59;
	v63 =	vsel vm12, $0x2000, v62;
	[tilespmem:$0x14470] =	vst v0  }
0x139: {  	vm13 =	vlt.u32 v3, $0xFFFFE000;
	v3 =	vadd.s32 $0xFFFFC000, v9;
	v1 =	vsel vm11, $0x2000, v1;
	[tilespmem:$0x14400] =	vst v63  }
0x13a: {  	v0 =	vsel vm10, $0x2000, v2;
	v2 =	vadd.s32 $0xFFFFE000, v6;
	[tilespmem:$0x14420] =	vst v1;
	v1 =	vadd.s32 $0xFFFFC000, v8  }
0x13b: {  	[tilespmem:$0x14410] =	vst v0;
	v0 =	vadd.s32 $0xFFFFE000, v8;
	v2 =	vsel vm13, $0x2000, v2;
	vm14 =	vlt.u32 v1, $0xFFFFE000  }
0x13c: {  	vm15 =	vlt.u32 v3, $0xFFFFE000;
	v1 =	vadd.s32 $0xFFFFE000, v9;
	[tilespmem:$0x14440] =	vst v2;
	v0 =	vsel vm14, $0x2000, v0  }
0x13d: {  	v1 =	vsel vm15, $0x2000, v1;
	[tilespmem:$0x14450] =	vst v0  }
0x13e: {  	[tilespmem:$0x14430] =	vst v1  }
0x13f: {  	[spmem:s23] =	stream.indirect.scatter.add.f32 [tilespmem:s15], [sflag:$0x4], $0x80, s4, s19, $0xb8;
	[tilespmem:$0x1A580] =	vst v63  }
0x140: {  	_ =	swait.ge [sflag:s21], $0x4000  }
0x141: {  	s6 =	sld [smem:$0x7F8]  }
0x142: {  	s1 =	sadd.s32 $0x20, s30  }
0x143: {  	p2 =	sgt.u32 s1, $0x619  }
0x144: {  	s3 =	simm.s32 @!p2 $0x0;
	[sflag:s21] =	ssyncset.done $0x0;
	s1 =	sshrl.u32 @!p2 s6, $0x3  }
0x145: {  	s2 =	simm.s32 @!p2 $0x14400;
	[sflag:s21] =	ssyncadd.s32 $0xFFFFC000;
	s1 =	sadd.s32 @!p2 s24, s1  }
0x146: {  	[tilespmem:s2], [sflag:$0x1] =	stream.linear.gather @!p2 [hbm4b:s1+s3], $0x80, $0x38;
	[tilespmem:$0x1A580] =	vst v63  }
0x147: {  	s5 =	simm.s32 @!p1 $0x2;
	s1 =	sadd.s32 @!p2 $0x8000, s7;
	s2 =	simm.s32 @!p2 $0x10400  }
0x148: {  	[tilespmem:s2], [sflag:$0x1] =	stream.linear.gather @!p2 [hbm4b:s1+s3], $0x4000, $0x38;
	[tilespmem:$0x1A580] =	vst v63  }
0x149: {  	_ =	swait.ge @!p1 [sflag:s5], $0x80  }
0x14a: {  	[sflag:s5] =	ssyncset.done @!p1 $0x0  }
0x14b: {  	[sflag:s5] =	ssyncadd.s32 @!p1 $0xFFFFFF80  }
0x14c: {  	_ =	swait.ge @!p1 [sflag:s5], $0x4000  }
0x14d: {  	[sflag:s5] =	ssyncset.done @!p1 $0x0  }
0x14e: {  	[sflag:s5] =	ssyncadd.s32 @!p1 $0xFFFFC000  }
0x14f: {  	s11 =	smov.u32 s14;
	s10 =	smov.u32 s7;
	v1 =	vld @!p1 [tilespmem:$0x18480]  }
0x150: {  	s2 =	simm.s32 $0x20;
	s3 =	sadd.s32 $0x1000, s6;
	s5 =	smov.u32 s17;
	v0 =	vld @!p1 [tilespmem:$0x18490]  }
.LBB2_4:
0x151: {  	s10 =	sadd.s32 $0x10000, s10  }
0x152: {  	v2 =	vld @!p1 [tilespmem:$0x184A0];
	s5 =	sadd.s32 $0x200, s5;
	s1 =	smov.u32 s2;
	s2 =	sadd.s32 $0x20, s2  }
0x153: {  	p2 =	sne.s32 s2, $0x620;
	v3 =	vld @!p1 [tilespmem:$0x184B0]  }
0x154: {  	v4 =	vld @!p1 [tilespmem:$0x184C0]  }
0x155: {  	v5 =	vadd.s32 @!p1 $0xFFFFE000, v1;
	v1 =	vadd.s32 @!p1 $0xFFFFC000, v1;
	v6 =	vld @!p1 [tilespmem:$0x184D0]  }
0x156: {  	vm0 =	vlt.u32 @!p1 v1, $0xFFFFE000;
	v1 =	vadd.s32 @!p1 $0xFFFFE000, v0;
	v0 =	vadd.s32 @!p1 $0xFFFFC000, v0;
	v7 =	vld @!p1 [tilespmem:$0x184E0]  }
0x157: {  	vm1 =	vlt.u32 @!p1 v0, $0xFFFFE000;
	v0 =	vadd.s32 @!p1 $0xFFFFE000, v2;
	v2 =	vadd.s32 @!p1 $0xFFFFC000, v2;
	v8 =	vld @!p1 [tilespmem:$0x184F0]  }
0x158: {  	vm2 =	vlt.u32 @!p1 v2, $0xFFFFE000;
	v2 =	vadd.s32 @!p1 $0xFFFFE000, v3;
	v3 =	vadd.s32 @!p1 $0xFFFFC000, v3  }
0x159: {  	v0 =	vsel @!p1 vm2, $0x2000, v0;
	vm2 =	vlt.u32 @!p1 v3, $0xFFFFE000;
	v3 =	vadd.s32 @!p1 $0xFFFFE000, v4  }
0x15a: {  	[tilespmem:$0x184A0] =	vst @!p1 v0;
	v0 =	vsel @!p1 vm2, $0x2000, v2;
	v2 =	vadd.s32 @!p1 $0xFFFFC000, v4;
	v4 =	vadd.s32 @!p1 $0xFFFFC000, v6  }
0x15b: {  	[tilespmem:$0x184B0] =	vst @!p1 v0;
	v0 =	vadd.s32 @!p1 $0xFFFFE000, v6;
	v6 =	vadd.s32 @!p1 $0xFFFFE000, v7;
	v7 =	vadd.s32 @!p1 $0xFFFFC000, v7  }
0x15c: {  	vm2 =	vlt.u32 @!p1 v4, $0xFFFFE000;
	vm3 =	vlt.u32 @!p1 v7, $0xFFFFE000;
	v4 =	vadd.s32 @!p1 $0xFFFFC000, v8  }
0x15d: {  	v7 =	vadd.s32 @!p1 $0xFFFFE000, v8;
	v6 =	vsel @!p1 vm3, $0x2000, v6;
	vm3 =	vlt.u32 @!p1 v4, $0xFFFFE000  }
0x15e: {  	vm4 =	vlt.u32 @!p1 v2, $0xFFFFE000;
	v0 =	vsel @!p1 vm2, $0x2000, v0;
	[tilespmem:$0x184E0] =	vst @!p1 v6;
	v2 =	vsel @!p1 vm3, $0x2000, v7  }
0x15f: {  	v1 =	vsel @!p1 vm1, $0x2000, v1;
	v3 =	vsel @!p1 vm4, $0x2000, v3;
	v4 =	vsel @!p1 vm0, $0x2000, v5;
	[tilespmem:$0x184F0] =	vst @!p1 v2  }
0x160: {  	[tilespmem:$0x18490] =	vst @!p1 v1  }
0x161: {  	[tilespmem:$0x184C0] =	vst @!p1 v3  }
0x162: {  	s6 =	simm.s32 @!p1 $0x80;
	[tilespmem:$0x18480] =	vst @!p1 v4  }
0x163: {  	s20 =	simm.s32 @!p1 $0x3;
	s1 =	sadd.s32 s1, s0;
	[tilespmem:$0x184D0] =	vst @!p1 v0  }
0x164: {  	[spmem:s23] =	stream.indirect.scatter.add.f32 @!p1 [tilespmem:s29], [sflag:$0x3], $0x80, s28, s6, $0xb8;
	[tilespmem:$0x1A580] =	vst v63  }
0x165: {  	s6 =	sadd.s32 $0x10, s1;
	_ =	swait.ge @!p1 [sflag:s20], $0x4000  }
0x166: {  	p3 =	sgt.u32 s6, $0x619;
	[sflag:s20] =	ssyncset.done @!p1 $0x0  }
0x167: {  	s6 =	simm.s32 @!p3 $0x0;
	s28 =	simm.s32 @!p3 $0x18480;
	[sflag:s20] =	ssyncadd.s32 @!p1 $0xFFFFC000  }
0x168: {  	[tilespmem:s28], [sflag:$0x2] =	stream.linear.gather @!p3 [hbm4b:s5+s6], $0x80, $0x38;
	[tilespmem:$0x1A580] =	vst v63  }
0x169: {  	s29 =	simm.s32 @!p3 $0x14480;
	p1 =	por p3, p3  }
0x16a: {  	[tilespmem:s29], [sflag:$0x2] =	stream.linear.gather @!p1 [hbm4b:s10+s6], $0x4000, $0x38;
	[tilespmem:$0x1A580] =	vst v63  }
0x16b: {  	_ =	swait.ge [sflag:s18], $0x80  }
0x16c: {  	[sflag:s18] =	ssyncset.done $0x0  }
0x16d: {  	[sflag:s18] =	ssyncadd.s32 $0xFFFFFF80  }
0x16e: {  	_ =	swait.ge [sflag:s18], $0x4000  }
0x16f: {  	[sflag:s18] =	ssyncset.done $0x0  }
0x170: {  	[sflag:s18] =	ssyncadd.s32 $0xFFFFC000  }
0x171: {  	v0 =	vld [tilespmem:$0x14470]  }
0x172: {  	v1 =	vld [tilespmem:$0x14460]  }
0x173: {  	v2 =	vld [tilespmem:$0x14420]  }
0x174: {  	v3 =	vld [tilespmem:$0x14410]  }
0x175: {  	v4 =	vld [tilespmem:$0x14400]  }
0x176: {  	v5 =	vld [tilespmem:$0x14430];
	v6 =	vadd.s32 $0xFFFFC000, v0  }
0x177: {  	v0 =	vadd.s32 $0xFFFFE000, v0;
	v7 =	vld [tilespmem:$0x14440];
	v8 =	vadd.s32 $0xFFFFE000, v1;
	v1 =	vadd.s32 $0xFFFFC000, v1  }
0x178: {  	vm1 =	vlt.u32 v6, $0xFFFFE000;
	v9 =	vld [tilespmem:$0x14450];
	vm0 =	vlt.u32 v1, $0xFFFFE000  }
0x179: {  	v0 =	vsel vm1, $0x2000, v0;
	v1 =	vadd.s32 $0xFFFFC000, v3;
	v6 =	vsel vm0, $0x2000, v8  }
0x17a: {  	v8 =	vadd.s32 $0xFFFFE000, v4;
	vm0 =	vlt.u32 v1, $0xFFFFE000;
	v1 =	vadd.s32 $0xFFFFE000, v2;
	[tilespmem:$0x14460] =	vst v6  }
0x17b: {  	v3 =	vadd.s32 $0xFFFFE000, v3;
	v4 =	vadd.s32 $0xFFFFC000, v4;
	v2 =	vadd.s32 $0xFFFFC000, v2;
	[tilespmem:$0x14470] =	vst v0  }
0x17c: {  	v0 =	vsel vm0, $0x2000, v3;
	vm0 =	vlt.u32 v2, $0xFFFFE000;
	v2 =	vadd.s32 $0xFFFFE000, v5  }
0x17d: {  	vm1 =	vlt.u32 v4, $0xFFFFE000;
	[tilespmem:$0x14410] =	vst v0;
	v0 =	vsel vm0, $0x2000, v1;
	v1 =	vadd.s32 $0xFFFFE000, v9  }
0x17e: {  	v3 =	vadd.s32 $0xFFFFC000, v7;
	v4 =	vadd.s32 $0xFFFFC000, v9;
	[tilespmem:$0x14420] =	vst v0;
	v0 =	vadd.s32 $0xFFFFE000, v7  }
0x17f: {  	v5 =	vadd.s32 $0xFFFFC000, v5;
	v6 =	vsel vm1, $0x2000, v8;
	vm0 =	vlt.u32 v3, $0xFFFFE000  }
0x180: {  	vm1 =	vlt.u32 v5, $0xFFFFE000;
	v0 =	vsel vm0, $0x2000, v0;
	vm0 =	vlt.u32 v4, $0xFFFFE000;
	[tilespmem:$0x14400] =	vst v6  }
0x181: {  	v2 =	vsel vm1, $0x2000, v2;
	[tilespmem:$0x14440] =	vst v0;
	v0 =	vsel vm0, $0x2000, v1  }
0x182: {  	[tilespmem:$0x14450] =	vst v0  }
0x183: {  	s1 =	sadd.s32 $0x20, s1;
	[tilespmem:$0x14430] =	vst v2  }
0x184: {  	[spmem:s23] =	stream.indirect.scatter.add.f32 [tilespmem:s15], [sflag:$0x4], $0x80, s4, s19, $0xb8;
	[tilespmem:$0x1A580] =	vst v63  }
0x185: {  	p3 =	sgt.u32 s1, $0x619;
	_ =	swait.ge [sflag:s21], $0x4000  }
0x186: {  	s1 =	sshrl.u32 @!p3 s3, $0x3;
	s6 =	simm.s32 @!p3 $0x14400;
	[sflag:s21] =	ssyncset.done $0x0  }
0x187: {  	s20 =	simm.s32 @!p3 $0x0;
	s1 =	sadd.s32 @!p3 s24, s1;
	[sflag:s21] =	ssyncadd.s32 $0xFFFFC000  }
0x188: {  	[tilespmem:s6], [sflag:$0x1] =	stream.linear.gather @!p3 [hbm4b:s1+s20], $0x80, $0x38;
	[tilespmem:$0x1A580] =	vst v63  }
0x189: {  	s25 =	simm.s32 @!p1 $0x2;
	s1 =	sadd.s32 @!p3 $0x8000, s10;
	s6 =	simm.s32 @!p3 $0x10400  }
0x18a: {  	[tilespmem:s6], [sflag:$0x1] =	stream.linear.gather @!p3 [hbm4b:s1+s20], $0x4000, $0x38;
	[tilespmem:$0x1A580] =	vst v63  }
0x18b: {  	_ =	swait.ge @!p1 [sflag:s25], $0x80  }
0x18c: {  	[sflag:s25] =	ssyncset.done @!p1 $0x0  }
0x18d: {  	[sflag:s25] =	ssyncadd.s32 @!p1 $0xFFFFFF80  }
.Ltmp1:
0x18e: {  	_ =	swait.ge @!p1 [sflag:s25], $0x4000;
	(pc) =	sbr.rel @p2 .LBB2_4-.Ltmp1, $4  }
0x18f: {  	[sflag:s25] =	ssyncset.done @!p1 $0x0  }
0x190: {  	[sflag:s25] =	ssyncadd.s32 @!p1 $0xFFFFC000  }
0x191: {  	v1 =	vld @!p1 [tilespmem:$0x18480]  }
0x192: {  	s3 =	sadd.s32 $0x1000, s3;
	v0 =	vld @!p1 [tilespmem:$0x18490]  }
0x193: {  	v2 =	vld @!p1 [tilespmem:$0x184A0]  }
0x194: {  	v3 =	vld @!p1 [tilespmem:$0x184B0];
	_ =	sdelay $0x1  }
0x195: {  	v4 =	vld @!p1 [tilespmem:$0x184E0]  }
0x196: {  	v6 =	vld @!p1 [tilespmem:$0x184F0];
	v5 =	vadd.s32 @!p1 $0xFFFFE000, v1  }
0x197: {  	v1 =	vadd.s32 @!p1 $0xFFFFC000, v1;
	v7 =	vadd.s32 @!p1 $0xFFFFE000, v0;
	v0 =	vadd.s32 @!p1 $0xFFFFC000, v0  }
0x198: {  	v8 =	vld @!p1 [tilespmem:$0x184C0];
	v9 =	vadd.s32 @!p1 $0xFFFFE000, v2;
	v2 =	vadd.s32 @!p1 $0xFFFFC000, v2;
	v10 =	vadd.s32 @!p1 $0xFFFFC000, v3  }
0x199: {  	vm0 =	vlt.u32 @!p1 v2, $0xFFFFE000;
	v2 =	vadd.s32 @!p1 $0xFFFFE000, v3;
	vm1 =	vlt.u32 @!p1 v10, $0xFFFFE000  }
0x19a: {  	v3 =	vld @!p1 [tilespmem:$0x184D0];
	v10 =	vadd.s32 @!p1 $0xFFFFC000, v4;
	v4 =	vadd.s32 @!p1 $0xFFFFE000, v4;
	v9 =	vsel @!p1 vm0, $0x2000, v9  }
0x19b: {  	v2 =	vsel @!p1 vm1, $0x2000, v2;
	vm0 =	vlt.u32 @!p1 v10, $0xFFFFE000;
	[tilespmem:$0x184A0] =	vst @!p1 v9;
	v9 =	vadd.s32 @!p1 $0xFFFFC000, v6  }
0x19c: {  	[tilespmem:$0x184B0] =	vst @!p1 v2;
	v2 =	vsel @!p1 vm0, $0x2000, v4;
	v4 =	vadd.s32 @!p1 $0xFFFFE000, v6;
	vm0 =	vlt.u32 @!p1 v9, $0xFFFFE000  }
0x19d: {  	vm1 =	vlt.u32 @!p1 v0, $0xFFFFE000;
	v0 =	vadd.s32 @!p1 $0xFFFFC000, v8;
	[tilespmem:$0x184E0] =	vst @!p1 v2;
	v2 =	vsel @!p1 vm0, $0x2000, v4  }
0x19e: {  	v4 =	vadd.s32 @!p1 $0xFFFFE000, v8;
	vm0 =	vlt.u32 @!p1 v0, $0xFFFFE000;
	v0 =	vsel @!p1 vm1, $0x2000, v7;
	[tilespmem:$0x184F0] =	vst @!p1 v2  }
0x19f: {  	vm1 =	vlt.u32 @!p1 v1, $0xFFFFE000;
	v1 =	vadd.s32 @!p1 $0xFFFFC000, v3;
	v2 =	vsel @!p1 vm0, $0x2000, v4;
	[tilespmem:$0x18490] =	vst @!p1 v0  }
0x1a0: {  	v0 =	vadd.s32 @!p1 $0xFFFFE000, v3;
	vm0 =	vlt.u32 @!p1 v1, $0xFFFFE000;
	v1 =	vsel @!p1 vm1, $0x2000, v5;
	[tilespmem:$0x184C0] =	vst @!p1 v2  }
0x1a1: {  	v0 =	vsel @!p1 vm0, $0x2000, v0;
	[tilespmem:$0x18480] =	vst @!p1 v1  }
0x1a2: {  	s1 =	simm.s32 @!p1 $0x80;
	s2 =	simm.s32 @!p1 $0x3;
	[tilespmem:$0x184D0] =	vst @!p1 v0  }
0x1a3: {  	[spmem:s23] =	stream.indirect.scatter.add.f32 @!p1 [tilespmem:s29], [sflag:$0x3], $0x80, s28, s1, $0xb8;
	[tilespmem:$0x1A580] =	vst v63  }
0x1a4: {  	_ =	swait.ge @!p1 [sflag:s2], $0x4000  }
0x1a5: {  	s1 =	simm.s32 @!p0 $0x0;
	[sflag:s2] =	ssyncset.done @!p1 $0x0  }
0x1a6: {  	s3 =	rddreg [dreg:$0x19];
	[sflag:s2] =	ssyncadd.s32 @!p1 $0xFFFFC000;
	s2 =	simm.s32 @!p0 $0x1A500  }
0x1a7: {  	[tilespmem:s2], [sflag:$0x3] =	stream.linear.gather @!p0 [hbm4b:s3+s1], $0x40, $0x38;
	[tilespmem:$0x1A580] =	vst v63  }
0x1a8: {  	s3 =	simm.s32 @!p0 $0x3  }
0x1a9: {  	_ =	swait.ge @!p0 [sflag:s3], $0x40  }
0x1aa: {  	[sflag:s3] =	ssyncset.done @!p0 $0x0  }
0x1ab: {  	s5 =	simm.s32 @!p0 $0x18500;
	[sflag:s3] =	ssyncadd.s32 @!p0 $0xFFFFFFC0  }
0x1ac: {  	[tilespmem:s5], [sflag:$0x3] =	stream.linear.gather @!p0 [hbm4b:s13+s1], $0x2000, $0x38;
	[tilespmem:$0x1A580] =	vst v63  }
0x1ad: {  	_ =	swait.ge @!p0 [sflag:s3], $0x2000  }
0x1ae: {  	[sflag:s3] =	ssyncset.done @!p0 $0x0  }
0x1af: {  	[sflag:s3] =	ssyncadd.s32 @!p0 $0xFFFFE000  }
0x1b0: {  	v0 =	vld @!p0 [tilespmem:$0x1A500]  }
0x1b1: {  	v1 =	vld @!p0 [tilespmem:$0x1A510];
	_ =	sdelay $0x1  }
0x1b2: {  	v2 =	vld @!p0 [tilespmem:$0x1A520]  }
0x1b3: {  	v3 =	vld @!p0 [tilespmem:$0x1A530];
	_ =	sdelay $0x1  }
0x1b4: {  	v4 =	vadd.s32 @!p0 $0xFFFFE000, v0;
	v0 =	vadd.s32 @!p0 $0xFFFFC000, v0;
	v5 =	vadd.s32 @!p0 $0xFFFFC000, v1  }
0x1b5: {  	vm0 =	vlt.u32 @!p0 v0, $0xFFFFE000;
	v0 =	vadd.s32 @!p0 $0xFFFFE000, v1;
	vm1 =	vlt.u32 @!p0 v5, $0xFFFFE000  }
0x1b6: {  	v1 =	vsel @!p0 vm0, $0x2000, v4;
	v0 =	vsel @!p0 vm1, $0x2000, v0;
	v4 =	vadd.s32 @!p0 $0xFFFFC000, v2  }
0x1b7: {  	[tilespmem:$0x1A500] =	vst @!p0 v1;
	v1 =	vadd.s32 @!p0 $0xFFFFE000, v2;
	vm0 =	vlt.u32 @!p0 v4, $0xFFFFE000;
	v2 =	vadd.s32 @!p0 $0xFFFFC000, v3  }
0x1b8: {  	[tilespmem:$0x1A510] =	vst @!p0 v0;
	v0 =	vsel @!p0 vm0, $0x2000, v1;
	v1 =	vadd.s32 @!p0 $0xFFFFE000, v3;
	vm0 =	vlt.u32 @!p0 v2, $0xFFFFE000  }
0x1b9: {  	[tilespmem:$0x1A520] =	vst @!p0 v0;
	v0 =	vsel @!p0 vm0, $0x2000, v1  }
0x1ba: {  	s1 =	simm.s32 @!p0 $0x40;
	[tilespmem:$0x1A530] =	vst @!p0 v0  }
0x1bb: {  	[spmem:s23] =	stream.indirect.scatter.add.f32 @!p0 [tilespmem:s5], [sflag:$0x3], $0x80, s2, s1, $0xb8;
	[tilespmem:$0x1A580] =	vst v63  }
0x1bc: {  	_ =	swait.ge @!p0 [sflag:s3], $0x2000  }
0x1bd: {  	[sflag:s3] =	ssyncset.done @!p0 $0x0  }
0x1be: {  	[sflag:s3] =	ssyncadd.s32 @!p0 $0xFFFFE000  }
0x1bf: {  	[bflag:$0x0] =	sbarrier.arrive $0xFFFF  }
0x1c0: {  	s5 =	rddreg [dreg:$0x1a]  }
0x1c1: {  	[tilespmem:s15], [sflag:$0x3] =	stream.linear.gather [spmem:s5], $0x4000, $0x38;
	[tilespmem:$0x1A580] =	vst v63  }
0x1c2: {  	_ =	swait.ge [sflag:s16], $0x4000  }
0x1c3: {  	[sflag:s16] =	ssyncset.done $0x0  }
0x1c4: {  	s1 =	simm.s32 $0x0;
	s6 =	rddreg [dreg:$0x8];
	[sflag:s16] =	ssyncadd.s32 $0xFFFFC000  }
0x1c5: {  	[hbm4b:s6+s1] =	stream.linear.scatter [tilespmem:s15], [sflag:$0x3], $0x4000, $0x38;
	[tilespmem:$0x1A580] =	vst v63  }
0x1c6: {  	_ =	swait.ge [sflag:s16], $0x4000  }
0x1c7: {  	[sflag:s16] =	ssyncset.done $0x0  }
0x1c8: {  	s10 =	rddreg [dreg:$0x1b];
	[sflag:s16] =	ssyncadd.s32 $0xFFFFC000  }
0x1c9: {  	[tilespmem:s15], [sflag:$0x3] =	stream.linear.gather [spmem:s10], $0x4000, $0x38;
	[tilespmem:$0x1A580] =	vst v63  }
0x1ca: {  	_ =	swait.ge [sflag:s16], $0x4000  }
0x1cb: {  	[sflag:s16] =	ssyncset.done $0x0  }
0x1cc: {  	s12 =	rddreg [dreg:$0x9];
	[sflag:s16] =	ssyncadd.s32 $0xFFFFC000  }
0x1cd: {  	[hbm4b:s12+s1] =	stream.linear.scatter [tilespmem:s15], [sflag:$0x3], $0x4000, $0x38;
	[tilespmem:$0x1A580] =	vst v63  }
0x1ce: {  	_ =	swait.ge [sflag:s16], $0x4000  }
0x1cf: {  	[sflag:s16] =	ssyncset.done $0x0  }
0x1d0: {  	s13 =	rddreg [dreg:$0x1c];
	[sflag:s16] =	ssyncadd.s32 $0xFFFFC000  }
0x1d1: {  	[tilespmem:s15], [sflag:$0x3] =	stream.linear.gather [spmem:s13], $0x4000, $0x38;
	[tilespmem:$0x1A580] =	vst v63  }
0x1d2: {  	_ =	swait.ge [sflag:s16], $0x4000  }
0x1d3: {  	[sflag:s16] =	ssyncset.done $0x0  }
0x1d4: {  	s20 =	rddreg [dreg:$0xa];
	[sflag:s16] =	ssyncadd.s32 $0xFFFFC000  }
0x1d5: {  	[hbm4b:s20+s1] =	stream.linear.scatter [tilespmem:s15], [sflag:$0x3], $0x4000, $0x38;
	[tilespmem:$0x1A580] =	vst v63  }
0x1d6: {  	_ =	swait.ge [sflag:s16], $0x4000  }
0x1d7: {  	[sflag:s16] =	ssyncset.done $0x0  }
0x1d8: {  	s25 =	rddreg [dreg:$0x1d];
	[sflag:s16] =	ssyncadd.s32 $0xFFFFC000  }
0x1d9: {  	[tilespmem:s15], [sflag:$0x3] =	stream.linear.gather [spmem:s25], $0x4000, $0x38;
	[tilespmem:$0x1A580] =	vst v63  }
0x1da: {  	_ =	swait.ge [sflag:s16], $0x4000  }
0x1db: {  	[sflag:s16] =	ssyncset.done $0x0  }
0x1dc: {  	s3 =	rddreg [dreg:$0xb];
	[sflag:s16] =	ssyncadd.s32 $0xFFFFC000  }
0x1dd: {  	[hbm4b:s3+s1] =	stream.linear.scatter [tilespmem:s15], [sflag:$0x3], $0x4000, $0x38;
	[tilespmem:$0x1A580] =	vst v63  }
0x1de: {  	_ =	swait.ge [sflag:s16], $0x4000  }
0x1df: {  	[sflag:s16] =	ssyncset.done $0x0  }
0x1e0: {  	[sflag:s16] =	ssyncadd.s32 $0xFFFFC000  }
0x1e1: {  	[bflag:$0x0] =	sbarrier.arrive $0xFFFF  }
0x1e2: {  	[tilespmem:s15], [sflag:$0x3] =	stream.linear.gather [hbm4b:s11+s1], $0x4000, $0x38;
	[tilespmem:$0x1A580] =	vst v63  }
0x1e3: {  	_ =	swait.ge [sflag:s16], $0x4000  }
0x1e4: {  	[sflag:s16] =	ssyncset.done $0x0  }
0x1e5: {  	[sflag:s16] =	ssyncadd.s32 $0xFFFFC000  }
0x1e6: {  	[spmem:s26] =	stream.linear.scatter [tilespmem:s15], [sflag:$0x3], $0x4000, $0x38;
	[tilespmem:$0x1A580] =	vst v63  }
0x1e7: {  	_ =	swait.ge [sflag:s16], $0x4000  }
0x1e8: {  	s5 =	sld [smem:$0x7FA]  }
0x1e9: {  	[sflag:s16] =	ssyncset.done $0x0  }
0x1ea: {  	[sflag:s16] =	ssyncadd.s32 $0xFFFFC000  }
0x1eb: {  	[spmem:s5] =	stream.linear.scatter [tilespmem:s15], [sflag:$0x3], $0x4000, $0x38;
	[tilespmem:$0x1A580] =	vst v63  }
0x1ec: {  	_ =	swait.ge [sflag:s16], $0x4000  }
0x1ed: {  	s6 =	sld [smem:$0x7FB]  }
0x1ee: {  	[sflag:s16] =	ssyncset.done $0x0  }
0x1ef: {  	[sflag:s16] =	ssyncadd.s32 $0xFFFFC000  }
0x1f0: {  	[spmem:s6] =	stream.linear.scatter [tilespmem:s15], [sflag:$0x3], $0x4000, $0x38;
	[tilespmem:$0x1A580] =	vst v63  }
0x1f1: {  	_ =	swait.ge [sflag:s16], $0x4000  }
0x1f2: {  	s10 =	sld [smem:$0x7FC]  }
0x1f3: {  	[sflag:s16] =	ssyncset.done $0x0  }
0x1f4: {  	[sflag:s16] =	ssyncadd.s32 $0xFFFFC000  }
0x1f5: {  	[spmem:s10] =	stream.linear.scatter [tilespmem:s15], [sflag:$0x3], $0x4000, $0x38;
	[tilespmem:$0x1A580] =	vst v63  }
0x1f6: {  	_ =	swait.ge [sflag:s16], $0x4000  }
0x1f7: {  	s11 =	sld [smem:$0x7FD]  }
0x1f8: {  	[sflag:s16] =	ssyncset.done $0x0  }
0x1f9: {  	[sflag:s16] =	ssyncadd.s32 $0xFFFFC000  }
0x1fa: {  	[spmem:s11] =	stream.linear.scatter [tilespmem:s15], [sflag:$0x3], $0x400, $0x38;
	[tilespmem:$0x1A580] =	vst v63  }
0x1fb: {  	_ =	swait.ge [sflag:s16], $0x400  }
0x1fc: {  	[sflag:s16] =	ssyncset.done $0x0  }
0x1fd: {  	[sflag:s16] =	ssyncadd.s32 $0xFFFFFC00  }
0x1fe: {  	s20 =	sadd.s32 $0x0, s0;
	[bflag:$0x0] =	sbarrier.arrive $0xFFFF  }
0x1ff: {  	s25 =	sadd.s32 $0x10, s20;
	s12 =	rddreg [dreg:$0x1e]  }
0x200: {  	[tilespmem:s4], [sflag:$0x1] =	stream.linear.gather [hbm4b:s12+s1], $0x80, $0x38;
	[tilespmem:$0x1A580] =	vst v63  }
0x201: {  	p1 =	sgt.u32 s25, $0x619;
	s13 =	rddreg [dreg:$0x16]  }
0x202: {  	[tilespmem:s15], [sflag:$0x1] =	stream.linear.gather [hbm4b:s13+s1], $0x4000, $0x38;
	[tilespmem:$0x1A580] =	vst v63  }
0x203: {  	s2 =	simm.s32 @!p1 $0x18480;
	s5 =	simm.s32 @!p1 $0x0  }
0x204: {  	[tilespmem:s2], [sflag:$0x2] =	stream.linear.gather @!p1 [hbm4b:s9+s5], $0x80, $0x38;
	[tilespmem:$0x1A580] =	vst v63  }
0x205: {  	s3 =	simm.s32 @!p1 $0x14480;
	p1 =	por p1, p1  }
0x206: {  	[tilespmem:s3], [sflag:$0x2] =	stream.linear.gather @!p1 [hbm4b:s8+s5], $0x4000, $0x38;
	[tilespmem:$0x1A580] =	vst v63  }
0x207: {  	_ =	swait.ge [sflag:s18], $0x80  }
0x208: {  	[sflag:s18] =	ssyncset.done $0x0  }
0x209: {  	[sflag:s18] =	ssyncadd.s32 $0xFFFFFF80  }
0x20a: {  	_ =	swait.ge [sflag:s18], $0x4000  }
0x20b: {  	[sflag:s18] =	ssyncset.done $0x0  }
0x20c: {  	[sflag:s18] =	ssyncadd.s32 $0xFFFFC000  }
0x20d: {  	v52 =	vld [tilespmem:$0x14470]  }
0x20e: {  	v53 =	vld [tilespmem:$0x14430]  }
0x20f: {  	v54 =	vld [tilespmem:$0x14420]  }
0x210: {  	v55 =	vld [tilespmem:$0x14400]  }
0x211: {  	v56 =	vld [tilespmem:$0x14440]  }
0x212: {  	v57 =	vld [tilespmem:$0x14450];
	v0 =	vmin.u32 v52, $0x2000  }
0x213: {  	v58 =	vld [tilespmem:$0x14410];
	v1 =	vmin.u32 v53, $0x2000;
	[tilespmem:$0x14470] =	vst v0  }
0x214: {  	v59 =	vld [tilespmem:$0x14460];
	v2 =	vmin.u32 v54, $0x2000;
	[tilespmem:$0x14430] =	vst v1  }
0x215: {  	v60 =	vmin.u32 v55, $0x2000;
	[tilespmem:$0x14420] =	vst v2  }
0x216: {  	v61 =	vmin.u32 v56, $0x2000;
	[tilespmem:$0x14400] =	vst v60  }
0x217: {  	v62 =	vmin.u32 v57, $0x2000;
	[tilespmem:$0x14440] =	vst v61  }
0x218: {  	v63 =	vmin.u32 v58, $0x2000;
	[tilespmem:$0x14450] =	vst v62  }
0x219: {  	v0 =	vmin.u32 v59, $0x2000;
	[tilespmem:$0x14410] =	vst v63  }
0x21a: {  	[tilespmem:$0x14460] =	vst v0  }
0x21b: {  	[spmem:s23] =	stream.indirect.scatter.add.f32 [tilespmem:s15], [sflag:$0x4], $0x80, s4, s19, $0xb8;
	[tilespmem:$0x1A580] =	vst v63  }
0x21c: {  	_ =	swait.ge [sflag:s21], $0x4000  }
0x21d: {  	s1 =	sadd.s32 $0x20, s20;
	s10 =	sld [smem:$0x7F9]  }
0x21e: {  	p2 =	sgt.u32 s1, $0x619;
	[sflag:s21] =	ssyncset.done $0x0  }
0x21f: {  	s1 =	simm.s32 @!p2 $0x0;
	s5 =	simm.s32 @!p2 $0x14400;
	[sflag:s21] =	ssyncadd.s32 $0xFFFFC000  }
0x220: {  	[tilespmem:s5], [sflag:$0x1] =	stream.linear.gather @!p2 [hbm4b:s10+s1], $0x80, $0x38;
	[tilespmem:$0x1A580] =	vst v63  }
0x221: {  	s6 =	simm.s32 @!p2 $0x10400;
	s28 =	simm.s32 @!p1 $0x2;
	s5 =	sadd.s32 @!p2 $0x8000, s8  }
0x222: {  	[tilespmem:s6], [sflag:$0x1] =	stream.linear.gather @!p2 [hbm4b:s5+s1], $0x4000, $0x38;
	[tilespmem:$0x1A580] =	vst v63  }
0x223: {  	_ =	swait.ge @!p1 [sflag:s28], $0x80  }
0x224: {  	s29 =	sadd.s32 $0x10000, s8;
	[sflag:s28] =	ssyncset.done @!p1 $0x0  }
0x225: {  	s30 =	smov.u32 s29;
	s25 =	simm.s32 $0x20;
	[sflag:s28] =	ssyncadd.s32 @!p1 $0xFFFFFF80  }
0x226: {  	s20 =	simm.s32 $0x40;
	s10 =	sadd.s32 $0x200, s10;
	_ =	swait.ge @!p1 [sflag:s28], $0x4000  }
0x227: {  	s5 =	sadd.s32 $0x200, s9;
	s1 =	sadd.s32 $0x200, s10;
	[sflag:s28] =	ssyncset.done @!p1 $0x0  }
0x228: {  	s31 =	smov.u32 s5;
	[sflag:s28] =	ssyncadd.s32 @!p1 $0xFFFFC000;
	s28 =	smov.u32 s10  }
.LBB2_6:
0x229: {  	s29 =	sadd.s32 $0x10000, s29  }
0x22a: {  	s5 =	sadd.s32 $0x200, s5;
	v0 =	vld @!p1 [tilespmem:$0x184F0];
	s11 =	smov.u32 s20;
	s20 =	sadd.s32 $0x20, s20  }
0x22b: {  	p2 =	sne.s32 s20, $0x620;
	v1 =	vld @!p1 [tilespmem:$0x184E0]  }
0x22c: {  	v2 =	vld @!p1 [tilespmem:$0x184D0]  }
0x22d: {  	v3 =	vld @!p1 [tilespmem:$0x184C0]  }
0x22e: {  	v4 =	vld @!p1 [tilespmem:$0x184B0]  }
0x22f: {  	v5 =	vld @!p1 [tilespmem:$0x184A0];
	v0 =	vmin.u32 @!p1 v0, $0x2000  }
0x230: {  	v6 =	vld @!p1 [tilespmem:$0x18490];
	v1 =	vmin.u32 @!p1 v1, $0x2000;
	[tilespmem:$0x184F0] =	vst @!p1 v0  }
0x231: {  	v0 =	vld @!p1 [tilespmem:$0x18480];
	v2 =	vmin.u32 @!p1 v2, $0x2000;
	[tilespmem:$0x184E0] =	vst @!p1 v1  }
0x232: {  	v1 =	vmin.u32 @!p1 v3, $0x2000;
	[tilespmem:$0x184D0] =	vst @!p1 v2  }
0x233: {  	v2 =	vmin.u32 @!p1 v4, $0x2000;
	[tilespmem:$0x184C0] =	vst @!p1 v1  }
0x234: {  	v1 =	vmin.u32 @!p1 v5, $0x2000;
	[tilespmem:$0x184B0] =	vst @!p1 v2  }
0x235: {  	v2 =	vmin.u32 @!p1 v6, $0x2000;
	[tilespmem:$0x184A0] =	vst @!p1 v1  }
0x236: {  	v0 =	vmin.u32 @!p1 v0, $0x2000;
	[tilespmem:$0x18490] =	vst @!p1 v2  }
0x237: {  	s6 =	sadd.s32 s25, s0;
	s25 =	simm.s32 @!p1 $0x80;
	s12 =	simm.s32 @!p1 $0x3;
	[tilespmem:$0x18480] =	vst @!p1 v0  }
0x238: {  	[spmem:s23] =	stream.indirect.scatter.add.f32 @!p1 [tilespmem:s3], [sflag:$0x3], $0x80, s2, s25, $0xb8;
	[tilespmem:$0x1A580] =	vst v63  }
0x239: {  	s2 =	sadd.s32 $0x10, s6;
	s6 =	sadd.s32 $0x20, s6;
	_ =	swait.ge @!p1 [sflag:s12], $0x4000  }
0x23a: {  	s25 =	smov.u32 s11;
	p3 =	sgt.u32 s2, $0x619;
	[sflag:s12] =	ssyncset.done @!p1 $0x0  }
0x23b: {  	s11 =	simm.s32 @!p3 $0x0;
	s2 =	simm.s32 @!p3 $0x18480;
	[sflag:s12] =	ssyncadd.s32 @!p1 $0xFFFFC000  }
0x23c: {  	[tilespmem:s2], [sflag:$0x2] =	stream.linear.gather @!p3 [hbm4b:s31+s11], $0x80, $0x38;
	[tilespmem:$0x1A580] =	vst v63  }
0x23d: {  	s3 =	simm.s32 @!p3 $0x14480;
	p1 =	por p3, p3;
	s31 =	smov.u32 s5  }
0x23e: {  	[tilespmem:s3], [sflag:$0x2] =	stream.linear.gather @!p1 [hbm4b:s30+s11], $0x4000, $0x38;
	[tilespmem:$0x1A580] =	vst v63  }
0x23f: {  	_ =	swait.ge [sflag:s18], $0x80  }
0x240: {  	[sflag:s18] =	ssyncset.done $0x0  }
0x241: {  	[sflag:s18] =	ssyncadd.s32 $0xFFFFFF80  }
0x242: {  	_ =	swait.ge [sflag:s18], $0x4000  }
0x243: {  	[sflag:s18] =	ssyncset.done $0x0  }
0x244: {  	[sflag:s18] =	ssyncadd.s32 $0xFFFFC000  }
0x245: {  	v0 =	vld [tilespmem:$0x14450]  }
0x246: {  	v1 =	vld [tilespmem:$0x14470]  }
0x247: {  	v2 =	vld [tilespmem:$0x14430]  }
0x248: {  	v3 =	vld [tilespmem:$0x14420]  }
0x249: {  	v4 =	vld [tilespmem:$0x14400]  }
0x24a: {  	v5 =	vld [tilespmem:$0x14440]  }
0x24b: {  	v6 =	vld [tilespmem:$0x14460];
	v1 =	vmin.u32 v1, $0x2000  }
0x24c: {  	v7 =	vld [tilespmem:$0x14410];
	v2 =	vmin.u32 v2, $0x2000;
	[tilespmem:$0x14470] =	vst v1  }
0x24d: {  	v1 =	vmin.u32 v3, $0x2000;
	[tilespmem:$0x14430] =	vst v2  }
0x24e: {  	v0 =	vmin.u32 v0, $0x2000;
	v2 =	vmin.u32 v4, $0x2000;
	[tilespmem:$0x14420] =	vst v1  }
0x24f: {  	[tilespmem:$0x14400] =	vst v2;
	v1 =	vmin.u32 v5, $0x2000  }
0x250: {  	[tilespmem:$0x14440] =	vst v1;
	v1 =	vmin.u32 v6, $0x2000  }
0x251: {  	v2 =	vmin.u32 v7, $0x2000;
	[tilespmem:$0x14450] =	vst v0  }
0x252: {  	[tilespmem:$0x14410] =	vst v2  }
0x253: {  	[tilespmem:$0x14460] =	vst v1  }
0x254: {  	[spmem:s23] =	stream.indirect.scatter.add.f32 [tilespmem:s15], [sflag:$0x4], $0x80, s4, s19, $0xb8;
	[tilespmem:$0x1A580] =	vst v63  }
0x255: {  	_ =	swait.ge [sflag:s21], $0x4000  }
0x256: {  	p3 =	sgt.u32 s6, $0x619;
	[sflag:s21] =	ssyncset.done $0x0  }
0x257: {  	s6 =	simm.s32 @!p3 $0x0;
	s11 =	simm.s32 @!p3 $0x14400;
	[sflag:s21] =	ssyncadd.s32 $0xFFFFC000  }
0x258: {  	[tilespmem:s11], [sflag:$0x1] =	stream.linear.gather @!p3 [hbm4b:s28+s6], $0x80, $0x38;
	[tilespmem:$0x1A580] =	vst v63  }
0x259: {  	s13 =	simm.s32 @!p1 $0x2;
	s12 =	simm.s32 @!p3 $0x10400;
	s11 =	sadd.s32 @!p3 $0x8000, s30  }
0x25a: {  	[tilespmem:s12], [sflag:$0x1] =	stream.linear.gather @!p3 [hbm4b:s11+s6], $0x4000, $0x38;
	[tilespmem:$0x1A580] =	vst v63  }
0x25b: {  	s30 =	smov.u32 s29;
	s28 =	smov.u32 s1;
	_ =	swait.ge @!p1 [sflag:s13], $0x80  }
.Ltmp2:
0x25c: {  	[sflag:s13] =	ssyncset.done @!p1 $0x0;
	(pc) =	sbr.rel @p2 .LBB2_6-.Ltmp2, $4  }
0x25d: {  	[sflag:s13] =	ssyncadd.s32 @!p1 $0xFFFFFF80  }
0x25e: {  	_ =	swait.ge @!p1 [sflag:s13], $0x4000  }
0x25f: {  	[sflag:s13] =	ssyncset.done @!p1 $0x0  }
0x260: {  	s1 =	sadd.s32 $0x200, s1;
	[sflag:s13] =	ssyncadd.s32 @!p1 $0xFFFFC000  }
0x261: {  	v0 =	vld @!p1 [tilespmem:$0x184F0]  }
0x262: {  	v1 =	vld @!p1 [tilespmem:$0x184E0]  }
0x263: {  	v2 =	vld @!p1 [tilespmem:$0x184D0]  }
0x264: {  	v3 =	vld @!p1 [tilespmem:$0x184C0]  }
0x265: {  	v4 =	vld @!p1 [tilespmem:$0x184B0]  }
0x266: {  	v5 =	vld @!p1 [tilespmem:$0x184A0];
	v0 =	vmin.u32 @!p1 v0, $0x2000  }
0x267: {  	v6 =	vld @!p1 [tilespmem:$0x18490];
	v1 =	vmin.u32 @!p1 v1, $0x2000;
	[tilespmem:$0x184F0] =	vst @!p1 v0  }
0x268: {  	v2 =	vmin.u32 @!p1 v2, $0x2000;
	v0 =	vld @!p1 [tilespmem:$0x18480];
	[tilespmem:$0x184E0] =	vst @!p1 v1  }
0x269: {  	v1 =	vmin.u32 @!p1 v3, $0x2000;
	[tilespmem:$0x184D0] =	vst @!p1 v2  }
0x26a: {  	v2 =	vmin.u32 @!p1 v4, $0x2000;
	[tilespmem:$0x184C0] =	vst @!p1 v1  }
0x26b: {  	v1 =	vmin.u32 @!p1 v5, $0x2000;
	[tilespmem:$0x184B0] =	vst @!p1 v2  }
0x26c: {  	v2 =	vmin.u32 @!p1 v6, $0x2000;
	[tilespmem:$0x184A0] =	vst @!p1 v1  }
0x26d: {  	[tilespmem:$0x18490] =	vst @!p1 v2;
	v0 =	vmin.u32 @!p1 v0, $0x2000  }
0x26e: {  	s1 =	simm.s32 @!p1 $0x80;
	[tilespmem:$0x18480] =	vst @!p1 v0  }
0x26f: {  	[spmem:s23] =	stream.indirect.scatter.add.f32 @!p1 [tilespmem:s3], [sflag:$0x3], $0x80, s2, s1, $0xb8;
	[tilespmem:$0x1A580] =	vst v63  }
0x270: {  	s20 =	sadd.s32 s25, s0;
	s1 =	simm.s32 @!p1 $0x3  }
0x271: {  	s25 =	sadd.s32 $0x10, s20;
	_ =	swait.ge @!p1 [sflag:s1], $0x4000  }
0x272: {  	p2 =	sgt.u32 s25, $0x619;
	[sflag:s1] =	ssyncset.done @!p1 $0x0  }
0x273: {  	s5 =	simm.s32 @!p2 $0x0;
	[sflag:s1] =	ssyncadd.s32 @!p1 $0xFFFFC000;
	s1 =	simm.s32 @!p2 $0x18480  }
0x274: {  	[tilespmem:s1], [sflag:$0x2] =	stream.linear.gather @!p2 [hbm4b:s31+s5], $0x80, $0x38;
	[tilespmem:$0x1A580] =	vst v63  }
0x275: {  	s2 =	simm.s32 @!p2 $0x14480;
	p1 =	por p2, p2  }
0x276: {  	[tilespmem:s2], [sflag:$0x2] =	stream.linear.gather @!p1 [hbm4b:s30+s5], $0x4000, $0x38;
	[tilespmem:$0x1A580] =	vst v63  }
0x277: {  	_ =	swait.ge [sflag:s18], $0x80  }
0x278: {  	[sflag:s18] =	ssyncset.done $0x0  }
0x279: {  	[sflag:s18] =	ssyncadd.s32 $0xFFFFFF80  }
0x27a: {  	_ =	swait.ge [sflag:s18], $0x4000  }
0x27b: {  	[sflag:s18] =	ssyncset.done $0x0  }
0x27c: {  	[sflag:s18] =	ssyncadd.s32 $0xFFFFC000  }
0x27d: {  	v0 =	vld [tilespmem:$0x14470]  }
0x27e: {  	v1 =	vld [tilespmem:$0x14430]  }
0x27f: {  	v2 =	vld [tilespmem:$0x14420]  }
0x280: {  	v3 =	vld [tilespmem:$0x14400]  }
0x281: {  	v56 =	vld [tilespmem:$0x14450]  }
0x282: {  	v55 =	vld [tilespmem:$0x14440];
	v0 =	vmin.u32 v0, $0x2000  }
0x283: {  	v57 =	vld [tilespmem:$0x14410];
	v1 =	vmin.u32 v1, $0x2000;
	[tilespmem:$0x14470] =	vst v0  }
0x284: {  	v2 =	vmin.u32 v2, $0x2000;
	v0 =	vld [tilespmem:$0x14460];
	[tilespmem:$0x14430] =	vst v1  }
0x285: {  	v1 =	vmin.u32 v3, $0x2000;
	[tilespmem:$0x14420] =	vst v2  }
0x286: {  	v2 =	vmin.u32 v56, $0x2000;
	[tilespmem:$0x14400] =	vst v1  }
0x287: {  	v1 =	vmin.u32 v55, $0x2000;
	[tilespmem:$0x14450] =	vst v2  }
0x288: {  	[tilespmem:$0x14440] =	vst v1;
	v1 =	vmin.u32 v57, $0x2000  }
0x289: {  	[tilespmem:$0x14410] =	vst v1;
	v0 =	vmin.u32 v0, $0x2000  }
0x28a: {  	[tilespmem:$0x14460] =	vst v0  }
0x28b: {  	[spmem:s23] =	stream.indirect.scatter.add.f32 [tilespmem:s15], [sflag:$0x4], $0x80, s4, s19, $0xb8;
	[tilespmem:$0x1A580] =	vst v63  }
0x28c: {  	s3 =	sadd.s32 $0x20, s20;
	_ =	swait.ge [sflag:s21], $0x4000  }
0x28d: {  	p2 =	sgt.u32 s3, $0x619;
	[sflag:s21] =	ssyncset.done $0x0  }
0x28e: {  	s3 =	simm.s32 @!p2 $0x0;
	s5 =	simm.s32 @!p2 $0x14400;
	[sflag:s21] =	ssyncadd.s32 $0xFFFFC000  }
0x28f: {  	[tilespmem:s5], [sflag:$0x1] =	stream.linear.gather @!p2 [hbm4b:s28+s3], $0x80, $0x38;
	[tilespmem:$0x1A580] =	vst v63  }
0x290: {  	s6 =	simm.s32 @!p2 $0x10400;
	s5 =	sadd.s32 @!p2 $0x8000, s30  }
0x291: {  	[tilespmem:s6], [sflag:$0x1] =	stream.linear.gather @!p2 [hbm4b:s5+s3], $0x4000, $0x38;
	[tilespmem:$0x1A580] =	vst v63  }
0x292: {  	s3 =	simm.s32 @!p1 $0x2  }
0x293: {  	_ =	swait.ge @!p1 [sflag:s3], $0x80  }
0x294: {  	[sflag:s3] =	ssyncset.done @!p1 $0x0  }
0x295: {  	[sflag:s3] =	ssyncadd.s32 @!p1 $0xFFFFFF80  }
0x296: {  	_ =	swait.ge @!p1 [sflag:s3], $0x4000  }
0x297: {  	[sflag:s3] =	ssyncset.done @!p1 $0x0  }
0x298: {  	[sflag:s3] =	ssyncadd.s32 @!p1 $0xFFFFC000  }
0x299: {  	v0 =	vld @!p1 [tilespmem:$0x184F0]  }
0x29a: {  	v1 =	vld @!p1 [tilespmem:$0x184E0]  }
0x29b: {  	v2 =	vld @!p1 [tilespmem:$0x184D0]  }
0x29c: {  	v3 =	vld @!p1 [tilespmem:$0x184C0]  }
0x29d: {  	v4 =	vld @!p1 [tilespmem:$0x184B0]  }
0x29e: {  	v5 =	vld @!p1 [tilespmem:$0x184A0];
	v0 =	vmin.u32 @!p1 v0, $0x2000  }
0x29f: {  	v6 =	vld @!p1 [tilespmem:$0x18490];
	v1 =	vmin.u32 @!p1 v1, $0x2000;
	[tilespmem:$0x184F0] =	vst @!p1 v0  }
0x2a0: {  	v2 =	vmin.u32 @!p1 v2, $0x2000;
	v0 =	vld @!p1 [tilespmem:$0x18480];
	[tilespmem:$0x184E0] =	vst @!p1 v1  }
0x2a1: {  	v1 =	vmin.u32 @!p1 v3, $0x2000;
	[tilespmem:$0x184D0] =	vst @!p1 v2  }
0x2a2: {  	v2 =	vmin.u32 @!p1 v4, $0x2000;
	[tilespmem:$0x184C0] =	vst @!p1 v1  }
0x2a3: {  	v1 =	vmin.u32 @!p1 v5, $0x2000;
	[tilespmem:$0x184B0] =	vst @!p1 v2  }
0x2a4: {  	v2 =	vmin.u32 @!p1 v6, $0x2000;
	[tilespmem:$0x184A0] =	vst @!p1 v1  }
0x2a5: {  	[tilespmem:$0x18490] =	vst @!p1 v2;
	v0 =	vmin.u32 @!p1 v0, $0x2000  }
0x2a6: {  	s5 =	simm.s32 @!p1 $0x3;
	s3 =	simm.s32 @!p1 $0x80;
	[tilespmem:$0x18480] =	vst @!p1 v0  }
0x2a7: {  	[spmem:s23] =	stream.indirect.scatter.add.f32 @!p1 [tilespmem:s2], [sflag:$0x3], $0x80, s1, s3, $0xb8;
	[tilespmem:$0x1A580] =	vst v63  }
0x2a8: {  	_ =	swait.ge @!p1 [sflag:s5], $0x4000  }
0x2a9: {  	s1 =	simm.s32 @!p0 $0x0;
	[sflag:s5] =	ssyncset.done @!p1 $0x0  }
0x2aa: {  	s2 =	simm.s32 @!p0 $0x1A500;
	s3 =	rddreg [dreg:$0x1f];
	[sflag:s5] =	ssyncadd.s32 @!p1 $0xFFFFC000  }
0x2ab: {  	[tilespmem:s2], [sflag:$0x3] =	stream.linear.gather @!p0 [hbm4b:s3+s1], $0x40, $0x38;
	[tilespmem:$0x1A580] =	vst v63  }
0x2ac: {  	s3 =	simm.s32 @!p0 $0x3  }
0x2ad: {  	_ =	swait.ge @!p0 [sflag:s3], $0x40  }
0x2ae: {  	[sflag:s3] =	ssyncset.done @!p0 $0x0  }
0x2af: {  	s5 =	simm.s32 @!p0 $0x18500;
	s25 =	rddreg [dreg:$0x17];
	[sflag:s3] =	ssyncadd.s32 @!p0 $0xFFFFFFC0  }
0x2b0: {  	[tilespmem:s5], [sflag:$0x3] =	stream.linear.gather @!p0 [hbm4b:s25+s1], $0x2000, $0x38;
	[tilespmem:$0x1A580] =	vst v63  }
0x2b1: {  	_ =	swait.ge @!p0 [sflag:s3], $0x2000  }
0x2b2: {  	[sflag:s3] =	ssyncset.done @!p0 $0x0  }
0x2b3: {  	[sflag:s3] =	ssyncadd.s32 @!p0 $0xFFFFE000  }
0x2b4: {  	v0 =	vld @!p0 [tilespmem:$0x1A500]  }
0x2b5: {  	v1 =	vld @!p0 [tilespmem:$0x1A510]  }
0x2b6: {  	v2 =	vld @!p0 [tilespmem:$0x1A520]  }
0x2b7: {  	v3 =	vld @!p0 [tilespmem:$0x1A530];
	_ =	sdelay $0x1  }
0x2b8: {  	v0 =	vmin.u32 @!p0 v0, $0x2000  }
0x2b9: {  	[tilespmem:$0x1A500] =	vst @!p0 v0;
	v0 =	vmin.u32 @!p0 v1, $0x2000  }
0x2ba: {  	[tilespmem:$0x1A510] =	vst @!p0 v0;
	v0 =	vmin.u32 @!p0 v2, $0x2000  }
0x2bb: {  	[tilespmem:$0x1A520] =	vst @!p0 v0;
	v0 =	vmin.u32 @!p0 v3, $0x2000  }
0x2bc: {  	s1 =	simm.s32 @!p0 $0x40;
	[tilespmem:$0x1A530] =	vst @!p0 v0  }
0x2bd: {  	[spmem:s23] =	stream.indirect.scatter.add.f32 @!p0 [tilespmem:s5], [sflag:$0x3], $0x80, s2, s1, $0xb8;
	[tilespmem:$0x1A580] =	vst v63  }
0x2be: {  	_ =	swait.ge @!p0 [sflag:s3], $0x2000  }
0x2bf: {  	[sflag:s3] =	ssyncset.done @!p0 $0x0  }
0x2c0: {  	[sflag:s3] =	ssyncadd.s32 @!p0 $0xFFFFE000  }
0x2c1: {  	[bflag:$0x0] =	sbarrier.arrive $0xFFFF  }
0x2c2: {  	s5 =	rddreg [dreg:$0x1a]  }
0x2c3: {  	[tilespmem:s15], [sflag:$0x3] =	stream.linear.gather [spmem:s5], $0x4000, $0x38;
	[tilespmem:$0x1A580] =	vst v63  }
0x2c4: {  	_ =	swait.ge [sflag:s16], $0x4000  }
0x2c5: {  	[sflag:s16] =	ssyncset.done $0x0  }
0x2c6: {  	s1 =	simm.s32 $0x0;
	s6 =	rddreg [dreg:$0xc];
	[sflag:s16] =	ssyncadd.s32 $0xFFFFC000  }
0x2c7: {  	[hbm4b:s6+s1] =	stream.linear.scatter [tilespmem:s15], [sflag:$0x3], $0x4000, $0x38;
	[tilespmem:$0x1A580] =	vst v63  }
0x2c8: {  	_ =	swait.ge [sflag:s16], $0x4000  }
0x2c9: {  	[sflag:s16] =	ssyncset.done $0x0  }
0x2ca: {  	s11 =	rddreg [dreg:$0x1b];
	[sflag:s16] =	ssyncadd.s32 $0xFFFFC000  }
0x2cb: {  	[tilespmem:s15], [sflag:$0x3] =	stream.linear.gather [spmem:s11], $0x4000, $0x38;
	[tilespmem:$0x1A580] =	vst v63  }
0x2cc: {  	_ =	swait.ge [sflag:s16], $0x4000  }
0x2cd: {  	[sflag:s16] =	ssyncset.done $0x0  }
0x2ce: {  	s12 =	rddreg [dreg:$0xd];
	[sflag:s16] =	ssyncadd.s32 $0xFFFFC000  }
0x2cf: {  	[hbm4b:s12+s1] =	stream.linear.scatter [tilespmem:s15], [sflag:$0x3], $0x4000, $0x38;
	[tilespmem:$0x1A580] =	vst v63  }
0x2d0: {  	_ =	swait.ge [sflag:s16], $0x4000  }
0x2d1: {  	[sflag:s16] =	ssyncset.done $0x0  }
0x2d2: {  	s13 =	rddreg [dreg:$0x1c];
	[sflag:s16] =	ssyncadd.s32 $0xFFFFC000  }
0x2d3: {  	[tilespmem:s15], [sflag:$0x3] =	stream.linear.gather [spmem:s13], $0x4000, $0x38;
	[tilespmem:$0x1A580] =	vst v63  }
0x2d4: {  	_ =	swait.ge [sflag:s16], $0x4000  }
0x2d5: {  	[sflag:s16] =	ssyncset.done $0x0  }
0x2d6: {  	s20 =	rddreg [dreg:$0xe];
	[sflag:s16] =	ssyncadd.s32 $0xFFFFC000  }
0x2d7: {  	[hbm4b:s20+s1] =	stream.linear.scatter [tilespmem:s15], [sflag:$0x3], $0x4000, $0x38;
	[tilespmem:$0x1A580] =	vst v63  }
0x2d8: {  	_ =	swait.ge [sflag:s16], $0x4000  }
0x2d9: {  	[sflag:s16] =	ssyncset.done $0x0  }
0x2da: {  	s31 =	rddreg [dreg:$0x1d];
	[sflag:s16] =	ssyncadd.s32 $0xFFFFC000  }
0x2db: {  	[tilespmem:s15], [sflag:$0x3] =	stream.linear.gather [spmem:s31], $0x4000, $0x38;
	[tilespmem:$0x1A580] =	vst v63  }
0x2dc: {  	_ =	swait.ge [sflag:s16], $0x4000  }
0x2dd: {  	[sflag:s16] =	ssyncset.done $0x0  }
0x2de: {  	s3 =	rddreg [dreg:$0xf];
	[sflag:s16] =	ssyncadd.s32 $0xFFFFC000  }
0x2df: {  	[hbm4b:s3+s1] =	stream.linear.scatter [tilespmem:s15], [sflag:$0x3], $0x4000, $0x38;
	[tilespmem:$0x1A580] =	vst v63  }
0x2e0: {  	_ =	swait.ge [sflag:s16], $0x4000  }
0x2e1: {  	[sflag:s16] =	ssyncset.done $0x0  }
0x2e2: {  	[sflag:s16] =	ssyncadd.s32 $0xFFFFC000  }
0x2e3: {  	[bflag:$0x0] =	sbarrier.arrive $0xFFFF  }
0x2e4: {  	[tilespmem:s15], [sflag:$0x3] =	stream.linear.gather [hbm4b:s14+s1], $0x4000, $0x38;
	[tilespmem:$0x1A580] =	vst v63  }
0x2e5: {  	_ =	swait.ge [sflag:s16], $0x4000  }
0x2e6: {  	[sflag:s16] =	ssyncset.done $0x0  }
0x2e7: {  	[sflag:s16] =	ssyncadd.s32 $0xFFFFC000  }
0x2e8: {  	[spmem:s26] =	stream.linear.scatter [tilespmem:s15], [sflag:$0x3], $0x4000, $0x38;
	[tilespmem:$0x1A580] =	vst v63  }
0x2e9: {  	_ =	swait.ge [sflag:s16], $0x4000  }
0x2ea: {  	s5 =	sld [smem:$0x7FA]  }
0x2eb: {  	[sflag:s16] =	ssyncset.done $0x0  }
0x2ec: {  	[sflag:s16] =	ssyncadd.s32 $0xFFFFC000  }
0x2ed: {  	[spmem:s5] =	stream.linear.scatter [tilespmem:s15], [sflag:$0x3], $0x4000, $0x38;
	[tilespmem:$0x1A580] =	vst v63  }
0x2ee: {  	_ =	swait.ge [sflag:s16], $0x4000  }
0x2ef: {  	s6 =	sld [smem:$0x7FB]  }
0x2f0: {  	[sflag:s16] =	ssyncset.done $0x0  }
0x2f1: {  	[sflag:s16] =	ssyncadd.s32 $0xFFFFC000  }
0x2f2: {  	[spmem:s6] =	stream.linear.scatter [tilespmem:s15], [sflag:$0x3], $0x4000, $0x38;
	[tilespmem:$0x1A580] =	vst v63  }
0x2f3: {  	_ =	swait.ge [sflag:s16], $0x4000  }
0x2f4: {  	s11 =	sld [smem:$0x7FC]  }
0x2f5: {  	[sflag:s16] =	ssyncset.done $0x0  }
0x2f6: {  	[sflag:s16] =	ssyncadd.s32 $0xFFFFC000  }
0x2f7: {  	[spmem:s11] =	stream.linear.scatter [tilespmem:s15], [sflag:$0x3], $0x4000, $0x38;
	[tilespmem:$0x1A580] =	vst v63  }
0x2f8: {  	_ =	swait.ge [sflag:s16], $0x4000  }
0x2f9: {  	s12 =	sld [smem:$0x7FD]  }
0x2fa: {  	[sflag:s16] =	ssyncset.done $0x0  }
0x2fb: {  	[sflag:s16] =	ssyncadd.s32 $0xFFFFC000  }
0x2fc: {  	[spmem:s12] =	stream.linear.scatter [tilespmem:s15], [sflag:$0x3], $0x400, $0x38;
	[tilespmem:$0x1A580] =	vst v63  }
0x2fd: {  	_ =	swait.ge [sflag:s16], $0x400  }
0x2fe: {  	[sflag:s16] =	ssyncset.done $0x0  }
0x2ff: {  	[sflag:s16] =	ssyncadd.s32 $0xFFFFFC00  }
0x300: {  	s20 =	sadd.s32 $0x0, s0;
	[bflag:$0x0] =	sbarrier.arrive $0xFFFF  }
0x301: {  	s31 =	sadd.s32 $0x10, s20;
	s13 =	rddreg [dreg:$0x1e]  }
0x302: {  	[tilespmem:s4], [sflag:$0x1] =	stream.linear.gather [hbm4b:s13+s1], $0x80, $0x38;
	[tilespmem:$0x1A580] =	vst v63  }
0x303: {  	s30 =	smov.u32 s14;
	p1 =	sgt.u32 s31, $0x619;
	s14 =	rddreg [dreg:$0x16]  }
0x304: {  	[tilespmem:s15], [sflag:$0x1] =	stream.linear.gather [hbm4b:s14+s1], $0x4000, $0x38;
	[tilespmem:$0x1A580] =	vst v63  }
0x305: {  	s29 =	simm.s32 @!p1 $0x18480;
	s3 =	simm.s32 @!p1 $0x0  }
0x306: {  	[tilespmem:s29], [sflag:$0x2] =	stream.linear.gather @!p1 [hbm4b:s9+s3], $0x80, $0x38;
	[tilespmem:$0x1A580] =	vst v63  }
0x307: {  	s2 =	simm.s32 @!p1 $0x14480;
	p1 =	por p1, p1  }
0x308: {  	[tilespmem:s2], [sflag:$0x2] =	stream.linear.gather @!p1 [hbm4b:s8+s3], $0x4000, $0x38;
	[tilespmem:$0x1A580] =	vst v63  }
0x309: {  	_ =	swait.ge [sflag:s18], $0x80  }
0x30a: {  	[sflag:s18] =	ssyncset.done $0x0  }
0x30b: {  	[sflag:s18] =	ssyncadd.s32 $0xFFFFFF80  }
0x30c: {  	_ =	swait.ge [sflag:s18], $0x4000  }
0x30d: {  	[sflag:s18] =	ssyncset.done $0x0  }
0x30e: {  	[sflag:s18] =	ssyncadd.s32 $0xFFFFC000  }
0x30f: {  	v0 =	vld [tilespmem:$0x14470]  }
0x310: {  	v1 =	vld [tilespmem:$0x14460]  }
0x311: {  	v3 =	vld [tilespmem:$0x14420]  }
0x312: {  	v7 =	vld [tilespmem:$0x14440]  }
0x313: {  	v2 =	vld [tilespmem:$0x14410];
	_ =	sdelay $0x1  }
0x314: {  	v59 =	vld [tilespmem:$0x14430];
	v60 =	vadd.s32 $0xFFFFC000, v0;
	v8 =	vadd.s32 $0xFFFFE000, v1  }
0x315: {  	v58 =	vld [tilespmem:$0x14400];
	v1 =	vadd.s32 $0xFFFFC000, v1;
	v0 =	vadd.s32 $0xFFFFE000, v0;
	v62 =	vadd.s32 $0xFFFFE000, v3  }
0x316: {  	v9 =	vld [tilespmem:$0x14450];
	v63 =	vadd.s32 $0xFFFFC000, v7;
	vm0 =	vlt.u32 v1, $0xFFFFE000;
	vm1 =	vlt.u32 v60, $0xFFFFE000  }
0x317: {  	v1 =	vadd.s32 $0xFFFFE000, v2;
	v2 =	vadd.s32 $0xFFFFC000, v2;
	vm13 =	vlt.u32 v63, $0xFFFFE000  }
0x318: {  	v61 =	vsel vm0, $0x2000, v8;
	vm10 =	vlt.u32 v2, $0xFFFFE000;
	v2 =	vadd.s32 $0xFFFFC000, v3  }
0x319: {  	v0 =	vsel vm1, $0x2000, v0;
	v3 =	vadd.s32 $0xFFFFE000, v59;
	[tilespmem:$0x14460] =	vst v61;
	vm11 =	vlt.u32 v2, $0xFFFFE000  }
0x31a: {  	v2 =	vadd.s32 $0xFFFFC000, v59;
	[tilespmem:$0x14470] =	vst v0;
	v0 =	vsel vm10, $0x2000, v1;
	v1 =	vsel vm11, $0x2000, v62  }
0x31b: {  	vm12 =	vlt.u32 v2, $0xFFFFE000;
	[tilespmem:$0x14410] =	vst v0;
	v0 =	vadd.s32 $0xFFFFC000, v9;
	v2 =	vadd.s32 $0xFFFFC000, v58  }
0x31c: {  	[tilespmem:$0x14420] =	vst v1;
	v1 =	vadd.s32 $0xFFFFE000, v7;
	v3 =	vsel vm12, $0x2000, v3;
	vm14 =	vlt.u32 v0, $0xFFFFE000  }
0x31d: {  	v0 =	vadd.s32 $0xFFFFE000, v58;
	vm15 =	vlt.u32 v2, $0xFFFFE000;
	[tilespmem:$0x14430] =	vst v3;
	v1 =	vsel vm13, $0x2000, v1  }
0x31e: {  	v3 =	vadd.s32 $0xFFFFE000, v9;
	v0 =	vsel vm15, $0x2000, v0;
	[tilespmem:$0x14440] =	vst v1  }
0x31f: {  	v1 =	vsel vm14, $0x2000, v3;
	[tilespmem:$0x14400] =	vst v0  }
0x320: {  	[tilespmem:$0x14450] =	vst v1  }
0x321: {  	[spmem:s23] =	stream.indirect.scatter.add.f32 [tilespmem:s15], [sflag:$0x4], $0x80, s4, s19, $0xb8;
	[tilespmem:$0x1A580] =	vst v63  }
0x322: {  	_ =	swait.ge [sflag:s21], $0x4000  }
0x323: {  	s1 =	sadd.s32 $0x20, s20;
	s5 =	sld [smem:$0x7F9]  }
0x324: {  	p2 =	sgt.u32 s1, $0x619;
	[sflag:s21] =	ssyncset.done $0x0  }
0x325: {  	s1 =	simm.s32 @!p2 $0x0;
	s3 =	simm.s32 @!p2 $0x14400;
	[sflag:s21] =	ssyncadd.s32 $0xFFFFC000  }
0x326: {  	[tilespmem:s3], [sflag:$0x1] =	stream.linear.gather @!p2 [hbm4b:s5+s1], $0x80, $0x38;
	[tilespmem:$0x1A580] =	vst v63  }
0x327: {  	s3 =	sadd.s32 @!p2 $0x8000, s8;
	s5 =	simm.s32 @!p2 $0x10400  }
0x328: {  	[tilespmem:s5], [sflag:$0x1] =	stream.linear.gather @!p2 [hbm4b:s3+s1], $0x4000, $0x38;
	[tilespmem:$0x1A580] =	vst v63  }
0x329: {  	s1 =	simm.s32 @!p1 $0x2  }
0x32a: {  	_ =	swait.ge @!p1 [sflag:s1], $0x80  }
0x32b: {  	[sflag:s1] =	ssyncset.done @!p1 $0x0  }
0x32c: {  	[sflag:s1] =	ssyncadd.s32 @!p1 $0xFFFFFF80  }
0x32d: {  	_ =	swait.ge @!p1 [sflag:s1], $0x4000  }
0x32e: {  	[sflag:s1] =	ssyncset.done @!p1 $0x0  }
0x32f: {  	[sflag:s1] =	ssyncadd.s32 @!p1 $0xFFFFC000  }
0x330: {  	s28 =	smov.u32 s9;
	s3 =	simm.s32 $0x20;
	s5 =	smov.u32 s8;
	v0 =	vld @!p1 [tilespmem:$0x184E0]  }
.LBB2_8:
0x331: {  	s5 =	sadd.s32 $0x10000, s5  }
0x332: {  	v1 =	vld @!p1 [tilespmem:$0x18490];
	s28 =	sadd.s32 $0x200, s28;
	s1 =	smov.u32 s3;
	s3 =	sadd.s32 $0x20, s3  }
0x333: {  	p2 =	sne.s32 s3, $0x620;
	v2 =	vld @!p1 [tilespmem:$0x184A0]  }
0x334: {  	v3 =	vld @!p1 [tilespmem:$0x184B0]  }
0x335: {  	v4 =	vld @!p1 [tilespmem:$0x18480]  }
0x336: {  	v5 =	vld @!p1 [tilespmem:$0x184D0];
	v6 =	vadd.s32 @!p1 $0xFFFFE000, v0;
	v0 =	vadd.s32 @!p1 $0xFFFFC000, v0  }
0x337: {  	v7 =	vadd.s32 @!p1 $0xFFFFE000, v1;
	v1 =	vadd.s32 @!p1 $0xFFFFC000, v1;
	v8 =	vld @!p1 [tilespmem:$0x184C0];
	vm0 =	vlt.u32 @!p1 v0, $0xFFFFE000  }
0x338: {  	vm1 =	vlt.u32 @!p1 v1, $0xFFFFE000;
	v0 =	vadd.s32 @!p1 $0xFFFFE000, v2;
	v1 =	vadd.s32 @!p1 $0xFFFFC000, v2;
	v2 =	vld @!p1 [tilespmem:$0x184F0]  }
0x339: {  	vm2 =	vlt.u32 @!p1 v1, $0xFFFFE000;
	v1 =	vadd.s32 @!p1 $0xFFFFE000, v3;
	v3 =	vadd.s32 @!p1 $0xFFFFC000, v3  }
0x33a: {  	v9 =	vadd.s32 @!p1 $0xFFFFE000, v4;
	v0 =	vsel @!p1 vm2, $0x2000, v0;
	vm2 =	vlt.u32 @!p1 v3, $0xFFFFE000  }
0x33b: {  	v3 =	vadd.s32 @!p1 $0xFFFFC000, v4;
	v4 =	vsel @!p1 vm1, $0x2000, v7;
	[tilespmem:$0x184A0] =	vst @!p1 v0;
	v0 =	vsel @!p1 vm2, $0x2000, v1  }
0x33c: {  	vm1 =	vlt.u32 @!p1 v3, $0xFFFFE000;
	v3 =	vadd.s32 @!p1 $0xFFFFE000, v5;
	[tilespmem:$0x18490] =	vst @!p1 v4;
	v1 =	vadd.s32 @!p1 $0xFFFFC000, v8  }
0x33d: {  	v4 =	vsel @!p1 vm1, $0x2000, v9;
	[tilespmem:$0x184B0] =	vst @!p1 v0;
	vm1 =	vlt.u32 @!p1 v1, $0xFFFFE000;
	v0 =	vadd.s32 @!p1 $0xFFFFC000, v5  }
0x33e: {  	v1 =	vadd.s32 @!p1 $0xFFFFE000, v8;
	[tilespmem:$0x18480] =	vst @!p1 v4;
	vm2 =	vlt.u32 @!p1 v0, $0xFFFFE000;
	v0 =	vadd.s32 @!p1 $0xFFFFC000, v2  }
0x33f: {  	v1 =	vsel @!p1 vm1, $0x2000, v1;
	v3 =	vsel @!p1 vm2, $0x2000, v3;
	vm1 =	vlt.u32 @!p1 v0, $0xFFFFE000  }
0x340: {  	v0 =	vsel @!p1 vm0, $0x2000, v6;
	[tilespmem:$0x184C0] =	vst @!p1 v1;
	v1 =	vadd.s32 @!p1 $0xFFFFE000, v2  }
0x341: {  	[tilespmem:$0x184E0] =	vst @!p1 v0;
	v0 =	vsel @!p1 vm1, $0x2000, v1  }
0x342: {  	s6 =	simm.s32 @!p1 $0x80;
	[tilespmem:$0x184F0] =	vst @!p1 v0  }
0x343: {  	s11 =	simm.s32 @!p1 $0x3;
	s1 =	sadd.s32 s1, s0;
	[tilespmem:$0x184D0] =	vst @!p1 v3  }
0x344: {  	[spmem:s23] =	stream.indirect.scatter.add.f32 @!p1 [tilespmem:s2], [sflag:$0x3], $0x80, s29, s6, $0xb8;
	[tilespmem:$0x1A580] =	vst v63  }
0x345: {  	s2 =	sadd.s32 $0x10, s1;
	_ =	swait.ge @!p1 [sflag:s11], $0x4000  }
0x346: {  	p3 =	sgt.u32 s2, $0x619;
	[sflag:s11] =	ssyncset.done @!p1 $0x0  }
0x347: {  	s6 =	simm.s32 @!p3 $0x0;
	s29 =	simm.s32 @!p3 $0x18480;
	[sflag:s11] =	ssyncadd.s32 @!p1 $0xFFFFC000  }
0x348: {  	[tilespmem:s29], [sflag:$0x2] =	stream.linear.gather @!p3 [hbm4b:s28+s6], $0x80, $0x38;
	[tilespmem:$0x1A580] =	vst v63  }
0x349: {  	s2 =	simm.s32 @!p3 $0x14480;
	p1 =	por p3, p3  }
0x34a: {  	[tilespmem:s2], [sflag:$0x2] =	stream.linear.gather @!p1 [hbm4b:s5+s6], $0x4000, $0x38;
	[tilespmem:$0x1A580] =	vst v63  }
0x34b: {  	_ =	swait.ge [sflag:s18], $0x80  }
0x34c: {  	[sflag:s18] =	ssyncset.done $0x0  }
0x34d: {  	[sflag:s18] =	ssyncadd.s32 $0xFFFFFF80  }
0x34e: {  	_ =	swait.ge [sflag:s18], $0x4000  }
0x34f: {  	[sflag:s18] =	ssyncset.done $0x0  }
0x350: {  	[sflag:s18] =	ssyncadd.s32 $0xFFFFC000  }
0x351: {  	v0 =	vld [tilespmem:$0x14470]  }
0x352: {  	v1 =	vld [tilespmem:$0x14460]  }
0x353: {  	v2 =	vld [tilespmem:$0x14420]  }
0x354: {  	v3 =	vld [tilespmem:$0x14410]  }
0x355: {  	v4 =	vld [tilespmem:$0x14400]  }
0x356: {  	v5 =	vld [tilespmem:$0x14430];
	v6 =	vadd.s32 $0xFFFFC000, v0  }
0x357: {  	v0 =	vadd.s32 $0xFFFFE000, v0;
	v7 =	vld [tilespmem:$0x14440];
	v8 =	vadd.s32 $0xFFFFE000, v1;
	v1 =	vadd.s32 $0xFFFFC000, v1  }
0x358: {  	vm1 =	vlt.u32 v6, $0xFFFFE000;
	v9 =	vld [tilespmem:$0x14450];
	vm0 =	vlt.u32 v1, $0xFFFFE000  }
0x359: {  	v0 =	vsel vm1, $0x2000, v0;
	v1 =	vadd.s32 $0xFFFFE000, v3;
	v6 =	vsel vm0, $0x2000, v8  }
0x35a: {  	v10 =	vadd.s32 $0xFFFFE000, v2;
	v3 =	vadd.s32 $0xFFFFC000, v3;
	v8 =	vadd.s32 $0xFFFFE000, v4;
	[tilespmem:$0x14460] =	vst v6  }
0x35b: {  	v2 =	vadd.s32 $0xFFFFC000, v2;
	vm0 =	vlt.u32 v3, $0xFFFFE000;
	v3 =	vadd.s32 $0xFFFFE000, v5;
	[tilespmem:$0x14470] =	vst v0  }
0x35c: {  	v0 =	vsel vm0, $0x2000, v1;
	vm0 =	vlt.u32 v2, $0xFFFFE000;
	v1 =	vadd.s32 $0xFFFFC000, v5  }
0x35d: {  	[tilespmem:$0x14410] =	vst v0;
	v0 =	vsel vm0, $0x2000, v10;
	vm0 =	vlt.u32 v1, $0xFFFFE000;
	v1 =	vadd.s32 $0xFFFFC000, v9  }
0x35e: {  	v2 =	vadd.s32 $0xFFFFC000, v4;
	v4 =	vadd.s32 $0xFFFFC000, v7;
	[tilespmem:$0x14420] =	vst v0;
	v0 =	vadd.s32 $0xFFFFE000, v7  }
0x35f: {  	vm1 =	vlt.u32 v2, $0xFFFFE000;
	v2 =	vsel vm0, $0x2000, v3;
	vm0 =	vlt.u32 v4, $0xFFFFE000  }
0x360: {  	v0 =	vsel vm0, $0x2000, v0;
	vm0 =	vlt.u32 v1, $0xFFFFE000;
	[tilespmem:$0x14430] =	vst v2;
	v2 =	vadd.s32 $0xFFFFE000, v9  }
0x361: {  	v1 =	vsel vm1, $0x2000, v8;
	[tilespmem:$0x14440] =	vst v0;
	v0 =	vsel vm0, $0x2000, v2  }
0x362: {  	[tilespmem:$0x14450] =	vst v0;
	_ =	sdelay $0x1  }
0x363: {  	[tilespmem:$0x14400] =	vst v1  }
0x364: {  	[spmem:s23] =	stream.indirect.scatter.add.f32 [tilespmem:s15], [sflag:$0x4], $0x80, s4, s19, $0xb8;
	[tilespmem:$0x1A580] =	vst v63  }
0x365: {  	s1 =	sadd.s32 $0x20, s1;
	_ =	swait.ge [sflag:s21], $0x4000  }
0x366: {  	p3 =	sgt.u32 s1, $0x619;
	[sflag:s21] =	ssyncset.done $0x0  }
0x367: {  	s1 =	simm.s32 @!p3 $0x0;
	s6 =	simm.s32 @!p3 $0x14400;
	[sflag:s21] =	ssyncadd.s32 $0xFFFFC000  }
0x368: {  	[tilespmem:s6], [sflag:$0x1] =	stream.linear.gather @!p3 [hbm4b:s10+s1], $0x80, $0x38;
	[tilespmem:$0x1A580] =	vst v63  }
0x369: {  	s12 =	simm.s32 @!p1 $0x2;
	s11 =	simm.s32 @!p3 $0x10400;
	s6 =	sadd.s32 @!p3 $0x8000, s5  }
0x36a: {  	[tilespmem:s11], [sflag:$0x1] =	stream.linear.gather @!p3 [hbm4b:s6+s1], $0x4000, $0x38;
	[tilespmem:$0x1A580] =	vst v63  }
0x36b: {  	_ =	swait.ge @!p1 [sflag:s12], $0x80  }
0x36c: {  	[sflag:s12] =	ssyncset.done @!p1 $0x0  }
.Ltmp3:
0x36d: {  	[sflag:s12] =	ssyncadd.s32 @!p1 $0xFFFFFF80;
	(pc) =	sbr.rel @p2 .LBB2_8-.Ltmp3, $4  }
0x36e: {  	_ =	swait.ge @!p1 [sflag:s12], $0x4000  }
0x36f: {  	[sflag:s12] =	ssyncset.done @!p1 $0x0  }
0x370: {  	[sflag:s12] =	ssyncadd.s32 @!p1 $0xFFFFC000  }
0x371: {  	s10 =	sadd.s32 $0x200, s10;
	v0 =	vld @!p1 [tilespmem:$0x184E0]  }
0x372: {  	v1 =	vld @!p1 [tilespmem:$0x18490]  }
0x373: {  	v2 =	vld @!p1 [tilespmem:$0x184A0]  }
0x374: {  	v4 =	vld @!p1 [tilespmem:$0x18480];
	_ =	sdelay $0x1  }
0x375: {  	v3 =	vld @!p1 [tilespmem:$0x184B0]  }
0x376: {  	v5 =	vadd.s32 @!p1 $0xFFFFE000, v0  }
0x377: {  	v7 =	vld @!p1 [tilespmem:$0x184C0];
	v0 =	vadd.s32 @!p1 $0xFFFFC000, v0;
	v6 =	vadd.s32 @!p1 $0xFFFFE000, v1;
	v1 =	vadd.s32 @!p1 $0xFFFFC000, v1  }
0x378: {  	v8 =	vld @!p1 [tilespmem:$0x184D0];
	vm0 =	vlt.u32 @!p1 v0, $0xFFFFE000;
	v0 =	vadd.s32 @!p1 $0xFFFFC000, v2;
	v9 =	vadd.s32 @!p1 $0xFFFFE000, v4  }
0x379: {  	vm1 =	vlt.u32 @!p1 v1, $0xFFFFE000;
	v1 =	vadd.s32 @!p1 $0xFFFFE000, v2;
	v2 =	vld @!p1 [tilespmem:$0x184F0];
	vm2 =	vlt.u32 @!p1 v0, $0xFFFFE000  }
0x37a: {  	v0 =	vadd.s32 @!p1 $0xFFFFE000, v3;
	v3 =	vadd.s32 @!p1 $0xFFFFC000, v3;
	v1 =	vsel @!p1 vm2, $0x2000, v1  }
0x37b: {  	vm2 =	vlt.u32 @!p1 v3, $0xFFFFE000;
	v3 =	vadd.s32 @!p1 $0xFFFFC000, v4;
	v4 =	vsel @!p1 vm1, $0x2000, v6;
	[tilespmem:$0x184A0] =	vst @!p1 v1  }
0x37c: {  	v0 =	vsel @!p1 vm2, $0x2000, v0;
	vm1 =	vlt.u32 @!p1 v3, $0xFFFFE000;
	[tilespmem:$0x18490] =	vst @!p1 v4;
	v1 =	vadd.s32 @!p1 $0xFFFFC000, v7  }
0x37d: {  	v3 =	vsel @!p1 vm1, $0x2000, v9;
	[tilespmem:$0x184B0] =	vst @!p1 v0;
	vm1 =	vlt.u32 @!p1 v1, $0xFFFFE000;
	v0 =	vadd.s32 @!p1 $0xFFFFE000, v7  }
0x37e: {  	v1 =	vadd.s32 @!p1 $0xFFFFC000, v8;
	[tilespmem:$0x18480] =	vst @!p1 v3;
	v0 =	vsel @!p1 vm1, $0x2000, v0;
	v3 =	vadd.s32 @!p1 $0xFFFFC000, v2  }
0x37f: {  	[tilespmem:$0x184C0] =	vst @!p1 v0;
	v0 =	vsel @!p1 vm0, $0x2000, v5;
	v2 =	vadd.s32 @!p1 $0xFFFFE000, v2;
	vm1 =	vlt.u32 @!p1 v3, $0xFFFFE000  }
0x380: {  	vm0 =	vlt.u32 @!p1 v1, $0xFFFFE000;
	v3 =	vadd.s32 @!p1 $0xFFFFE000, v8;
	[tilespmem:$0x184E0] =	vst @!p1 v0;
	v0 =	vsel @!p1 vm1, $0x2000, v2  }
0x381: {  	v1 =	vsel @!p1 vm0, $0x2000, v3;
	[tilespmem:$0x184F0] =	vst @!p1 v0  }
0x382: {  	s1 =	simm.s32 @!p1 $0x80;
	s3 =	simm.s32 @!p1 $0x3;
	[tilespmem:$0x184D0] =	vst @!p1 v1  }
0x383: {  	[spmem:s23] =	stream.indirect.scatter.add.f32 @!p1 [tilespmem:s2], [sflag:$0x3], $0x80, s29, s1, $0xb8;
	[tilespmem:$0x1A580] =	vst v63  }
0x384: {  	_ =	swait.ge @!p1 [sflag:s3], $0x4000  }
0x385: {  	s1 =	simm.s32 @!p0 $0x0;
	[sflag:s3] =	ssyncset.done @!p1 $0x0  }
0x386: {  	s2 =	simm.s32 @!p0 $0x1A500;
	[sflag:s3] =	ssyncadd.s32 @!p1 $0xFFFFC000;
	s3 =	rddreg [dreg:$0x1f]  }
0x387: {  	[tilespmem:s2], [sflag:$0x3] =	stream.linear.gather @!p0 [hbm4b:s3+s1], $0x40, $0x38;
	[tilespmem:$0x1A580] =	vst v63  }
0x388: {  	s3 =	simm.s32 @!p0 $0x3  }
0x389: {  	_ =	swait.ge @!p0 [sflag:s3], $0x40  }
0x38a: {  	[sflag:s3] =	ssyncset.done @!p0 $0x0  }
0x38b: {  	s5 =	simm.s32 @!p0 $0x18500;
	[sflag:s3] =	ssyncadd.s32 @!p0 $0xFFFFFFC0  }
0x38c: {  	[tilespmem:s5], [sflag:$0x3] =	stream.linear.gather @!p0 [hbm4b:s25+s1], $0x2000, $0x38;
	[tilespmem:$0x1A580] =	vst v63  }
0x38d: {  	_ =	swait.ge @!p0 [sflag:s3], $0x2000  }
0x38e: {  	[sflag:s3] =	ssyncset.done @!p0 $0x0  }
0x38f: {  	[sflag:s3] =	ssyncadd.s32 @!p0 $0xFFFFE000  }
0x390: {  	v0 =	vld @!p0 [tilespmem:$0x1A500]  }
0x391: {  	v1 =	vld @!p0 [tilespmem:$0x1A510];
	_ =	sdelay $0x1  }
0x392: {  	v2 =	vld @!p0 [tilespmem:$0x1A520]  }
0x393: {  	v3 =	vld @!p0 [tilespmem:$0x1A530];
	_ =	sdelay $0x1  }
0x394: {  	v4 =	vadd.s32 @!p0 $0xFFFFE000, v0;
	v0 =	vadd.s32 @!p0 $0xFFFFC000, v0;
	v5 =	vadd.s32 @!p0 $0xFFFFC000, v1  }
0x395: {  	vm0 =	vlt.u32 @!p0 v0, $0xFFFFE000;
	v0 =	vadd.s32 @!p0 $0xFFFFE000, v1;
	vm1 =	vlt.u32 @!p0 v5, $0xFFFFE000  }
0x396: {  	v1 =	vsel @!p0 vm0, $0x2000, v4;
	v0 =	vsel @!p0 vm1, $0x2000, v0;
	v4 =	vadd.s32 @!p0 $0xFFFFC000, v2  }
0x397: {  	[tilespmem:$0x1A500] =	vst @!p0 v1;
	v1 =	vadd.s32 @!p0 $0xFFFFE000, v2;
	vm0 =	vlt.u32 @!p0 v4, $0xFFFFE000;
	v2 =	vadd.s32 @!p0 $0xFFFFC000, v3  }
0x398: {  	[tilespmem:$0x1A510] =	vst @!p0 v0;
	v0 =	vsel @!p0 vm0, $0x2000, v1;
	v1 =	vadd.s32 @!p0 $0xFFFFE000, v3;
	vm0 =	vlt.u32 @!p0 v2, $0xFFFFE000  }
0x399: {  	[tilespmem:$0x1A520] =	vst @!p0 v0;
	v0 =	vsel @!p0 vm0, $0x2000, v1  }
0x39a: {  	s1 =	simm.s32 @!p0 $0x40;
	[tilespmem:$0x1A530] =	vst @!p0 v0  }
0x39b: {  	[spmem:s23] =	stream.indirect.scatter.add.f32 @!p0 [tilespmem:s5], [sflag:$0x3], $0x80, s2, s1, $0xb8;
	[tilespmem:$0x1A580] =	vst v63  }
0x39c: {  	_ =	swait.ge @!p0 [sflag:s3], $0x2000  }
0x39d: {  	[sflag:s3] =	ssyncset.done @!p0 $0x0  }
0x39e: {  	[sflag:s3] =	ssyncadd.s32 @!p0 $0xFFFFE000  }
0x39f: {  	[bflag:$0x0] =	sbarrier.arrive $0xFFFF  }
0x3a0: {  	s6 =	rddreg [dreg:$0x1a]  }
0x3a1: {  	[tilespmem:s15], [sflag:$0x3] =	stream.linear.gather [spmem:s6], $0x4000, $0x38;
	[tilespmem:$0x1A580] =	vst v63  }
0x3a2: {  	_ =	swait.ge [sflag:s16], $0x4000  }
0x3a3: {  	[sflag:s16] =	ssyncset.done $0x0  }
0x3a4: {  	s20 =	simm.s32 $0x0;
	s10 =	rddreg [dreg:$0x10];
	[sflag:s16] =	ssyncadd.s32 $0xFFFFC000  }
0x3a5: {  	[hbm4b:s10+s20] =	stream.linear.scatter [tilespmem:s15], [sflag:$0x3], $0x4000, $0x38;
	[tilespmem:$0x1A580] =	vst v63  }
0x3a6: {  	_ =	swait.ge [sflag:s16], $0x4000  }
0x3a7: {  	[sflag:s16] =	ssyncset.done $0x0  }
0x3a8: {  	s11 =	rddreg [dreg:$0x1b];
	[sflag:s16] =	ssyncadd.s32 $0xFFFFC000  }
0x3a9: {  	[tilespmem:s15], [sflag:$0x3] =	stream.linear.gather [spmem:s11], $0x4000, $0x38;
	[tilespmem:$0x1A580] =	vst v63  }
0x3aa: {  	_ =	swait.ge [sflag:s16], $0x4000  }
0x3ab: {  	[sflag:s16] =	ssyncset.done $0x0  }
0x3ac: {  	s12 =	rddreg [dreg:$0x11];
	[sflag:s16] =	ssyncadd.s32 $0xFFFFC000  }
0x3ad: {  	[hbm4b:s12+s20] =	stream.linear.scatter [tilespmem:s15], [sflag:$0x3], $0x4000, $0x38;
	[tilespmem:$0x1A580] =	vst v63  }
0x3ae: {  	_ =	swait.ge [sflag:s16], $0x4000  }
0x3af: {  	[sflag:s16] =	ssyncset.done $0x0  }
0x3b0: {  	s13 =	rddreg [dreg:$0x1c];
	[sflag:s16] =	ssyncadd.s32 $0xFFFFC000  }
0x3b1: {  	[tilespmem:s15], [sflag:$0x3] =	stream.linear.gather [spmem:s13], $0x4000, $0x38;
	[tilespmem:$0x1A580] =	vst v63  }
0x3b2: {  	_ =	swait.ge [sflag:s16], $0x4000  }
0x3b3: {  	[sflag:s16] =	ssyncset.done $0x0  }
0x3b4: {  	s14 =	rddreg [dreg:$0x12];
	[sflag:s16] =	ssyncadd.s32 $0xFFFFC000  }
0x3b5: {  	[hbm4b:s14+s20] =	stream.linear.scatter [tilespmem:s15], [sflag:$0x3], $0x4000, $0x38;
	[tilespmem:$0x1A580] =	vst v63  }
0x3b6: {  	_ =	swait.ge [sflag:s16], $0x4000  }
0x3b7: {  	[sflag:s16] =	ssyncset.done $0x0  }
0x3b8: {  	s25 =	rddreg [dreg:$0x1d];
	[sflag:s16] =	ssyncadd.s32 $0xFFFFC000  }
0x3b9: {  	[tilespmem:s15], [sflag:$0x3] =	stream.linear.gather [spmem:s25], $0x4000, $0x38;
	[tilespmem:$0x1A580] =	vst v63  }
0x3ba: {  	_ =	swait.ge [sflag:s16], $0x4000  }
0x3bb: {  	[sflag:s16] =	ssyncset.done $0x0  }
0x3bc: {  	s28 =	rddreg [dreg:$0x13];
	[sflag:s16] =	ssyncadd.s32 $0xFFFFC000  }
0x3bd: {  	[hbm4b:s28+s20] =	stream.linear.scatter [tilespmem:s15], [sflag:$0x3], $0x4000, $0x38;
	[tilespmem:$0x1A580] =	vst v63  }
0x3be: {  	_ =	swait.ge [sflag:s16], $0x4000  }
0x3bf: {  	s29 =	sld [smem:$0x7F7];
	_ =	sdelay $0x1  }
0x3c0: {  	s22 =	sadd.s32 $0x1, s22  }
0x3c1: {  	[sflag:s16] =	ssyncset.done $0x0;
	p1 =	sne.s32 s22, s29  }
.Ltmp4:
0x3c2: {  	[sflag:s16] =	ssyncadd.s32 $0xFFFFC000;
	(pc) =	sbr.rel @p1 .LBB2_1-.Ltmp4, $4  }
0x3c3: {  	[bflag:$0x0] =	sbarrier.arrive $0xFFFF  }
0x3c4: {  	s31 =	rddreg [dreg:$0x14]  }
0x3c5: {  	s13 =	rddreg [dreg:$0x15]  }
0x3c6: {  	s12 =	rddreg [dreg:$0x18]  }
0x3c7: {  	_ =	sfence.sel $0x180000  }
0x3c8: {  	[bflag:$0x0] =	sbarrier.arrive $0xFFFF  }
0x3c9: {  	_ =	strace $0x90000047  }
0x3ca: {  	[bflag:$0x2] =	sbarrier.arrive $0xFFFF  }
0x3cb: {  	p0 =	sne.s32 s0, $0x0;
	s0 =	rddreg [dreg:$0x3]  }
0x3cc: {  	s0 =	sadd.s32 @!p0 $0x100000, s0  }
0x3cd: {  	[sflag:s0] =	ssyncadd.tile.s32 @!p0 $0x1;
	_ =	shalt  }
.Lfunc_end2:
_tile_overlayer_lowered:
.L_overlay_start_2:
0x3ce: {  	(tag) =	ssettag $0x2  }
0x3cf: {  	s0 =	rddreg [dreg:$0x0];
	s2 =	stileid.u32  }
0x3d0: {  	s1 =	rddreg [dreg:$0x1];
	p0 =	sne.s32 s2, $0x0  }
0x3d1: {  	s3 =	rddreg [dreg:$0x2];
	[bflag:$0x3] =	sbarrier.arrive $0xFFFF;
	s2 =	simm.s32 @!p0 $0x1C03  }
0x3d2: {  	[timem:s3], [sflag:s2] =	dma.local @!p0 [hbm:s0], s1  }
0x3d3: {  	s0 =	simm.s32 @!p0 $0x3  }
0x3d4: {  	_ =	swait.ge @!p0 [sflag:s0], s1  }
0x3d5: {  	s1 =	ssub.s32 @!p0 $0x0, s1;
	[sflag:s0] =	ssyncset.done @!p0 $0x0  }
0x3d6: {  	[sflag:s0] =	ssyncadd.s32 @!p0 s1  }
0x3d7: {  	[bflag:$0x3] =	sbarrier.arrive $0xFFFF  }
0x3d8: {  	_ =	shalt  }

// kernel: sparse-core-data-format-call.cloned.1.call-start
scs
called_computation_lowered:
.L_overlay_start_0:
0x0: {  	s2 =	sld [smem:$0x3FD9]  }
0x1: {  	s3 =	sld [smem:$0x3FFE];
	_ =	sdelay $0x1  }
0x2: {  	s1 =	srdreg.scid  }
0x3: {  	s0 =	sand.u32 $0x1, s1  }
0x4: {  	s18 =	sshll.u32 s0, $0xA;
	s2 =	sadd.s32 s3, s2  }
0x5: {  	s2 =	sadd.s32 s2, s18  }
0x6: {  	[smem:$0x3FBF] =	sst s2  }
0x7: {  	_ = 	snop  }
0x8: {  	s2 =	sld [smem:$0x3FD0];
	(tm) =	ssettm $0x1  }
0x9: {  	s19 =	sld [smem:$0x3FFB];
	_ =	sdelay $0x3  }
0xa: {  	_ =	strace s19  }
0xb: {  	s3 =	sld [smem:$0x3FFC];
	_ =	sdelay $0x3  }
0xc: {  	_ =	strace s3  }
0xd: {  	s3 =	sld [smem:$0x3FFD];
	_ =	sdelay $0x3  }
0xe: {  	_ =	strace s3  }
0xf: {  	_ =	strace $0x8FFFFFFF  }
0x10: {  	s20 =	sld [smem:$0x3FDB];
	_ =	sdelay $0x1  }
0x11: {  	s4 =	simm.s32 $_scs_section_size  }
0x12: {  	s5 =	simm.s32 $_size__tile_overlayer_lowered;
	s6 =	simm.s32 $_tile_overlayer_lowered  }
0x13: {  	s23 =	simm.s32 $0x1BFF;
	s22 =	sshll.u32 s6, $0x1;
	s3 =	sadd.s32 s4, s20  }
0x14: {  	s7 =	simm.s32 $0x0;
	s21 =	sshll.u32 s5, $0x1;
	s5 =	sadd.s32 s22, s3  }
0x15: {  	[timem:s7], [sflag:s23] =	dma.local [hbm:s5], s21  }
0x16: {  	_ =	swait.ge [sflag:s23], s21  }
0x17: {  	s4 =	ssub.s32 $0x0, s21;
	[sflag:s23] =	ssyncset.done $0x0  }
0x18: {  	[sflag:s23] =	ssyncadd.s32 s4;
	_ =	sdelay $0x1  }
0x19: {  	s24 =	simm.s32 $0x1B8B  }
0x1a: {  	_ =	swait.ge [sflag:s24], $0x1  }
0x1b: {  	[sflag:s24] =	ssyncset.done $0x0  }
0x1c: {  	s26 =	simm.s32 $0x1B8E;
	s25 =	sld [smem:$0x3FFE];
	[sflag:s24] =	ssyncadd.s32 $0xFFFFFFFF  }
0x1d: {  	s27 =	simm.s32 $execute0_lowered;
	[smem:$0x3FD2] =	sst s26  }
0x1e: {  	s5 =	sshll.u32 s27, $0x1;
	_ =	strace $0x80000049;
	[dreg:$0x1] =	wrdreg $0xFFFFFFFF  }
0x1f: {  	s28 =	simm.s32 $_size_execute0_lowered;
	s3 =	sadd.s32 s3, s5;
	[dreg:$0x0] =	wrdreg $0x0  }
0x20: {  	s5 =	sshll.u32 s28, $0x1;
	[dreg:$0x2] =	wrdreg s3  }
0x21: {  	[dreg:$0x3] =	wrdreg s5  }
0x22: {  	[dreg:$0x4] =	wrdreg $0xC0  }
0x23: {  	_ =	task [dreg:s7], $0x5FFFF  }
0x24: {  	[dreg:$0x1] =	wrdreg $0xFFFFFFFF  }
0x25: {  	[dreg:$0x0] =	wrdreg $0x60  }
0x26: {  	[dreg:$0x2] =	wrdreg s25  }
0x27: {  	[dreg:$0x3] =	wrdreg s2  }
0x28: {  	[dreg:$0x4] =	wrdreg $0x9  }
0x29: {  	_ =	task.clear_ibuf [dreg:s7], $0x5FFFF;
	_ =	strace $0x90000049  }
0x2a: {  	s29 =	simm.s32 $0x9;
	_ =	strace $0x8000004B  }
0x2b: {  	_ =	swait.ge [sflag:s29], $0x1  }
0x2c: {  	[sflag:s29] =	ssyncadd.s32 $0xFFFFFFFF  }
0x2d: {  	_ =	strace $0x9000004B  }
0x2e: {  	_ =	sfence  }
0x2f: {  	s30 =	sld [smem:$0x0];
	_ =	sdelay $0x2  }
0x30: {  	s31 =	sshll.u32 s1, $0xD;
	s1 =	sshrl.u32 s1, $0x2  }
0x31: {  	s3 =	sand.u32 $0x4000, s31;
	s1 =	sadd.s32 s1, s30  }
0x32: {  	s0 =	sor.u32 s3, s0;
	s1 =	sshll.u32 s1, $0x11  }
0x33: {  	s0 =	sor.u32 s1, s0  }
0x34: {  	s0 =	sadd.s32 $0x8F2B, s0  }
0x35: {  	[sflag:s0] =	ssyncadd.remote.s32 $0x1  }
0x36: {  	_ =	sfence.sel $0xFFFF  }
0x37: {  	[dreg:$0x0] =	wrdreg $0xFFFFFFFF;
	(pc) =	sbr.abs _section_cstart, $3  }
0x38: {  	[dreg:$0x1] =	wrdreg $0xFFFFFFFF  }
0x39: {  	_ =	task.clear_ibuf [dreg:s7], $0x2FFFF;
	_ =	strace $0x9FFFFFFF  }
0x3a: {  	(tm) =	ssettm $0x7FFFFFFF  }
0x3b: {  	_ =	shalt  }
tec
execute0_lowered:
.L_overlay_start_1:
0x0: {  	(tag) =	ssettag $0x1  }
0x1: {  	s1 =	rddreg [dreg:$0x0]  }
0x2: {  	s2 =	rddreg [dreg:$0x1]  }
0x3: {  	s0 =	rddreg [dreg:$0x2];
	_ =	strace $0x8000004A;
	s4 =	srdreg.scid  }
0x4: {  	s6 =	simm.s32 $0x2;
	s11 =	simm.s32 $0x0;
	p0 =	por $0x0, $0x0  }
.Ltmp0:
0x5: {  	s7 =	simm.s32 $0x4000;
	s12 =	simm.s32 $0x0;
	(pc) =	sbr.rel .LBB1_1-.Ltmp0, $4  }
0x6: {  	s9 =	simm.s32 $0x0;
	s3 =	sadd.s32 $0x1600, s1;
	s5 =	sshll.u32 s4, $0x4  }
0x7: {  	s1 =	stileid.u32;
	s4 =	simm.s32 $0x1;
	s5 =	sand.u32 $0x10, s5  }
0x8: {  	s8 =	simm.s32 $0x0;
	[sflag:s4] =	ssyncpa.u1 $0x0;
	s5 =	sor.u32 s1, s5  }
0x9: {  	[sflag:s6] =	ssyncpa.u1 $0x0;
	s6 =	simm.s32 $0x800;
	s10 =	smov.u32 s5  }
.LBB1_7:
0xa: {  	s13 =	sadd.s32 $0x10, s9  }
0xb: {  	s11 =	sadd.s32 $0x20, s10;
	s15 =	smov.u32 s10;
	p2 =	sgt.s32 s13, $0x7F  }
0xc: {  	p1 =	slt.u32 s8, $0x2;
	s15 =	smov.u32 @p2 s11  }
0xd: {  	s8 =	sadd.s32 $0x1, s8;
	s13 =	simm.s32 @p2 $0x0;
	p2 =	sgt.s32 s15, $0x3F  }
0xe: {  	s15 =	smov.u32 @p2 s5;
	p2 =	sne.s32 s8, $0x12  }
.Ltmp1:
0xf: {  	_ = 	snop;
	(pc) =	sbr.rel @!p2 .LBB1_8-.Ltmp1, $4  }
0x10: {  	s14 =	simm.s32 @!p1 $0x2  }
0x11: {  	s12 =	smov.u32 s10;
	_ =	swait.ge @!p1 [sflag:s14], $0x4000  }
0x12: {  	p0 =	por !p0, !p0;
	s11 =	smov.u32 s9;
	[sflag:s14] =	ssyncset.done @!p1 $0x0  }
0x13: {  	s9 =	smov.u32 s13;
	[sflag:s14] =	ssyncadd.s32 @!p1 $0xFFFFC000;
	s10 =	smov.u32 s15  }
.LBB1_1:
0x14: {  	p1 =	sgt.u32 s8, $0xF  }
0x15: {  	s13 =	sxor.u32 @!p1 $0xFFFFFFFF, s8;
	s14 =	sshll.u32 @!p1 s10, $0xE  }
0x16: {  	s15 =	sshll.u32 @!p1 s9, $0x7;
	s13 =	sshll.u32 @!p1 s13, $0xE;
	s14 =	sadd.s32 @!p1 s3, s14  }
0x17: {  	s13 =	sand.u32 @!p1 $0x4000, s13;
	s14 =	sadd.s32 @!p1 s15, s14;
	s15 =	simm.s32 @!p1 $0x0  }
0x18: {  	[tilespmem:s13], [sflag:$0x1] =	stream.linear.gather @!p1 [hbm4b:s14+s15], $0x4000, $0x38;
	[tilespmem:$0x10000] =	vst v63  }
0x19: {  	p1 =	seq.s32 s8, $0x0  }
0x1a: {  	p2 =	seq.s32 @!p1 s8, $0x11  }
0x1b: {  	p1 =	por p1, p2  }
.Ltmp2:
0x1c: {  	_ = 	snop;
	(pc) =	sbr.rel @p1 .LBB1_7-.Ltmp2, $1  }
0x1d: {  	_ =	sdelay $0x3  }
0x1e: {  	s13 =	simm.s32 $0x1;
	_ =	swait.ge [sflag:s4], $0x4000;
	s16 =	sshll.u32 s8, $0xE  }
0x1f: {  	s13 =	simm.s32 @!p0 $0x0;
	[sflag:s4] =	ssyncset.done $0x0;
	s31 =	sand.u32 $0x4000, s16  }
0x20: {  	s16 =	simm.s32 $0x0;
	s14 =	sshll.u32 s13, $0xE;
	[sflag:s4] =	ssyncadd.s32 $0xFFFFC000  }
0x21: {  	s13 =	sor.u32 $0x8040, s14;
	s15 =	sor.u32 $0x40, s14;
	s14 =	sor.u32 $0x8000, s31  }
.LBB1_3:
0x22: {  	v0 =	vmov s15;
	_ =	sdelay $0x3  }
0x23: {  	s18 =	simm.s32 $0x0  }
0x24: {  	v6 =	vld.idx.msk [tilespmem:v0+s18+$0x30 ss:$0x1], $0xffff  }
0x25: {  	v7 =	vld.idx.msk [tilespmem:v0+s18+$0xFFFFFFC0 ss:$0x1], $0xffff  }
0x26: {  	v5 =	vld.idx.msk [tilespmem:v0+s18+$0xFFFFFFD0 ss:$0x1], $0xffff  }
0x27: {  	v4 =	vld.idx.msk [tilespmem:v0+s18+$0xFFFFFFE0 ss:$0x1], $0xffff  }
0x28: {  	v3 =	vld.idx.msk [tilespmem:v0+s18+$0xFFFFFFF0 ss:$0x1], $0xffff  }
0x29: {  	v1 =	vld.idx.msk [tilespmem:v0+s18+$0x0 ss:$0x1], $0xffff  }
0x2a: {  	v2 =	vld.idx.msk [tilespmem:v0+s18+$0x10 ss:$0x1], $0xffff;
	[tilespmem:s13+$0x30] =	vst v6  }
0x2b: {  	s17 =	simm.s32 $0x80;
	s19 =	simm.s32 $0x400;
	[tilespmem:s13+$0xFFFFFFC0] =	vst v7;
	v6 =	vld.idx.msk [tilespmem:v0+s18+$0x20 ss:$0x1], $0xffff;
	s18 =	smov.u32 s13  }
.LBB1_4:
0x2c: {  	p1 =	sne.s32 s19, $0xE00;
	v7 =	vld.idx.msk [tilespmem:v0+s17+$0x30 ss:$0x1], $0xffff;
	[tilespmem:s18+$0xFFFFFFD0] =	vst v5  }
0x2d: {  	v8 =	vld.idx.msk [tilespmem:v0+s17+$0xFFFFFFC0 ss:$0x1], $0xffff;
	[tilespmem:s18+$0xFFFFFFE0] =	vst v4  }
0x2e: {  	v5 =	vld.idx.msk [tilespmem:v0+s17+$0xFFFFFFD0 ss:$0x1], $0xffff;
	[tilespmem:s18+$0xFFFFFFF0] =	vst v3  }
.Ltmp3:
0x2f: {  	v4 =	vld.idx.msk [tilespmem:v0+s17+$0xFFFFFFE0 ss:$0x1], $0xffff;
	[tilespmem:s18+$0x0] =	vst v1;
	(pc) =	sbr.rel @p1 .LBB1_4-.Ltmp3, $4  }
0x30: {  	v3 =	vld.idx.msk [tilespmem:v0+s17+$0xFFFFFFF0 ss:$0x1], $0xffff;
	[tilespmem:s18+$0x10] =	vst v2  }
0x31: {  	v1 =	vld.idx.msk [tilespmem:v0+s17+$0x0 ss:$0x1], $0xffff;
	[tilespmem:s18+$0x20] =	vst v6;
	s18 =	sadd.s32 $0x800, s18  }
0x32: {  	v2 =	vld.idx.msk [tilespmem:v0+s17+$0x10 ss:$0x1], $0xffff;
	[tilespmem:s18+$0x30] =	vst v7  }
0x33: {  	[tilespmem:s18+$0xFFFFFFC0] =	vst v8;
	v6 =	vld.idx.msk [tilespmem:v0+s17+$0x20 ss:$0x1], $0xffff;
	s17 =	sshra.s32 s19, $0x2;
	s19 =	sadd.s32 $0x200, s19  }
0x34: {  	_ =	sdelay $0x2  }
0x35: {  	[tilespmem:s18+$0xFFFFFFD0] =	vst v5  }
0x36: {  	v56 =	vld.idx.msk [tilespmem:v0+s17+$0x30 ss:$0x1], $0xffff;
	[tilespmem:s18+$0xFFFFFFE0] =	vst v4  }
0x37: {  	v57 =	vld.idx.msk [tilespmem:v0+s17+$0xFFFFFFC0 ss:$0x1], $0xffff;
	[tilespmem:s18+$0xFFFFFFF0] =	vst v3  }
0x38: {  	v58 =	vld.idx.msk [tilespmem:v0+s17+$0xFFFFFFD0 ss:$0x1], $0xffff;
	[tilespmem:s18+$0x0] =	vst v1  }
0x39: {  	v59 =	vld.idx.msk [tilespmem:v0+s17+$0xFFFFFFE0 ss:$0x1], $0xffff;
	[tilespmem:s18+$0x10] =	vst v2  }
0x3a: {  	v60 =	vld.idx.msk [tilespmem:v0+s17+$0xFFFFFFF0 ss:$0x1], $0xffff;
	s31 =	sadd.s32 $0x800, s18;
	[tilespmem:s18+$0x20] =	vst v6  }
0x3b: {  	v61 =	vld.idx.msk [tilespmem:v0+s17+$0x0 ss:$0x1], $0xffff;
	[tilespmem:s31+$0x30] =	vst v56  }
0x3c: {  	v62 =	vld.idx.msk [tilespmem:v0+s17+$0x10 ss:$0x1], $0xffff;
	s16 =	sadd.s32 $0x1, s16;
	[tilespmem:s31+$0xFFFFFFC0] =	vst v57  }
0x3d: {  	v63 =	vld.idx.msk [tilespmem:v0+s17+$0x20 ss:$0x1], $0xffff;
	p1 =	sne.s32 s16, $0x10;
	[tilespmem:s31+$0xFFFFFFD0] =	vst v58  }
.Ltmp4:
0x3e: {  	[tilespmem:s31+$0xFFFFFFE0] =	vst v59;
	(pc) =	sbr.rel @p1 .LBB1_3-.Ltmp4, $4  }
0x3f: {  	[tilespmem:s31+$0xFFFFFFF0] =	vst v60  }
0x40: {  	[tilespmem:s31+$0x0] =	vst v61  }
0x41: {  	[tilespmem:s31+$0x10] =	vst v62  }
0x42: {  	s13 =	sadd.s32 $0x80, s13;
	s15 =	sadd.s32 $0x400, s15;
	[tilespmem:s31+$0x20] =	vst v63  }
.Ltmp5:
0x43: {  	(pc) =	sbr.rel .LBB1_7-.Ltmp5, $4  }
0x44: {  	s12 =	sshll.u32 s12, $0xE;
	s11 =	sshll.u32 s11, $0x4  }
0x45: {  	s11 =	sand.u32 $0x7F0, s11;
	s12 =	sadd.s32 s2, s12  }
0x46: {  	s11 =	sadd.s32 s11, s12  }
0x47: {  	[hbm4b:s11+s6] =	stream.strided.scatter [tilespmem:s14], [sflag:$0x2], $0x4000, s7, s6, $0x38;
	[tilespmem:$0x10000] =	vst v63  }
.LBB1_8:
0x48: {  	_ =	sfence.sel $0x180000  }
0x49: {  	s2 =	simm.s32 $0x1;
	[bflag:$0x0] =	sbarrier.arrive $0xFFFF  }
0x4a: {  	s31 =	simm.s32 $0x2;
	[sflag:s2] =	ssyncpa.u1 $0x1  }
0x4b: {  	[sflag:s31] =	ssyncpa.u1 $0x1  }
0x4c: {  	p0 =	sne.s32 s1, $0x0;
	_ =	strace $0x9000004A  }
0x4d: {  	s0 =	sadd.s32 @!p0 $0x100000, s0;
	[bflag:$0x2] =	sbarrier.arrive $0xFFFF  }
0x4e: {  	[sflag:s0] =	ssyncadd.tile.s32 @!p0 $0x1;
	_ =	shalt  }
.Lfunc_end1:
_tile_overlayer_lowered:
.L_overlay_start_2:
0x4f: {  	(tag) =	ssettag $0x2  }
0x50: {  	s0 =	rddreg [dreg:$0x0];
	s2 =	stileid.u32  }
0x51: {  	s1 =	rddreg [dreg:$0x1];
	p0 =	sne.s32 s2, $0x0  }
0x52: {  	s3 =	rddreg [dreg:$0x2];
	[bflag:$0x3] =	sbarrier.arrive $0xFFFF;
	s2 =	simm.s32 @!p0 $0x1C01  }
0x53: {  	[timem:s3], [sflag:s2] =	dma.local @!p0 [hbm:s0], s1  }
0x54: {  	s0 =	simm.s32 @!p0 $0x1  }
0x55: {  	_ =	swait.ge @!p0 [sflag:s0], s1  }
0x56: {  	s1 =	ssub.s32 @!p0 $0x0, s1;
	[sflag:s0] =	ssyncset.done @!p0 $0x0  }
0x57: {  	[sflag:s0] =	ssyncadd.s32 @!p0 s1  }
0x58: {  	[bflag:$0x3] =	sbarrier.arrive $0xFFFF  }
0x59: {  	_ =	shalt  }

</sc_bundles>
